<compile_context>
chip_gen: v7x
topology: tpu7x:2x2x1
jax: 0.10.2.dev20260603
libtpu: 0.0.44.dev20260713+nightly
codegen_flags: <defaults>
</compile_context>

<pallas_src>
import functools
import jax
import jax.numpy as jnp
from jax import lax
from jax.experimental import pallas as pl
from jax.experimental.pallas import tpu as pltpu
from jax.experimental.pallas import tpu_sc as plsc

NC = 2
NS = 16
LANES = 16
NW = NC * NS



def _dense_body(h_ref, w_ref, alr_ref, feat_ref, score_ref):
    feat = jnp.dot(h_ref[...], w_ref[...], preferred_element_type=jnp.float32)
    feat_ref[...] = feat
    score_ref[...] = jnp.dot(feat, alr_ref[...],
                             preferred_element_type=jnp.float32)


def _tc_dense(h, W, alr, bn):
    n, din = h.shape
    k = W.shape[1]
    sc = alr.shape[1]
    grid = (n // bn,)
    return pl.pallas_call(
        _dense_body,
        grid=grid,
        in_specs=[
            pl.BlockSpec((bn, din), lambda i: (i, 0)),
            pl.BlockSpec((din, k), lambda i: (0, 0)),
            pl.BlockSpec((k, sc), lambda i: (0, 0)),
        ],
        out_specs=[
            pl.BlockSpec((bn, k), lambda i: (i, 0)),
            pl.BlockSpec((bn, sc), lambda i: (i, 0)),
        ],
        out_shape=[
            jax.ShapeDtypeStruct((n, k), jnp.float32),
            jax.ShapeDtypeStruct((n, sc), jnp.float32),
        ],
    )(h, W, alr)


def _combine_body(p0_ref, p1_ref, res_ref, out_ref, *, act):
    v = p0_ref[...] + p1_ref[...]
    if res_ref is not None:
        v = v + res_ref[...]
    if act:
        out_ref[...] = jnp.where(v > 0, v,
                                 jnp.exp(jnp.minimum(v, 0.0)) - 1.0)
    else:
        out_ref[...] = v


def _tc_combine(p0, p1, res, act, bn):
    n, k = p0.shape
    grid = (n // bn,)
    if res is None:
        body = functools.partial(
            lambda a, b, o, act: _combine_body(a, b, None, o, act=act),
            act=act)
        in_specs = [pl.BlockSpec((bn, k), lambda i: (i, 0))] * 2
        args = (p0, p1)
    else:
        body = functools.partial(_combine_body, act=act)
        in_specs = [pl.BlockSpec((bn, k), lambda i: (i, 0))] * 3
        args = (p0, p1, res)
    return pl.pallas_call(
        body,
        grid=grid,
        in_specs=in_specs,
        out_specs=pl.BlockSpec((bn, k), lambda i: (i, 0)),
        out_shape=jax.ShapeDtypeStruct((n, k), jnp.float32),
    )(*args)



def _sc_softmax_kernel(nedges, nnodes, heads, chunk):
    e_per_w = nedges // NW
    nchunks = e_per_w // chunk
    ngrp = chunk // LANES

    mesh = plsc.VectorSubcoreMesh(core_axis_name="c", subcore_axis_name="s")

    @functools.partial(
        pl.kernel,
        mesh=mesh,
        compiler_params=pltpu.CompilerParams(
            needs_layout_passes=False, use_tc_tiling_on_sc=False),
        out_type=[
            jax.ShapeDtypeStruct((nedges, 8), jnp.float32),
            jax.ShapeDtypeStruct((NC, nnodes, 8), jnp.float32),
        ],
        scratch_types=[
            pltpu.VMEM((nnodes * heads,), jnp.float32),
            pltpu.VMEM((nnodes * heads,), jnp.float32),
            pltpu.VMEM((chunk,), jnp.int32),
            pltpu.VMEM((chunk,), jnp.int32),
            pltpu.VMEM((chunk, 8), jnp.float32),
            pltpu.VMEM_SHARED((nnodes, 8), jnp.float32),
        ],
    )
    def kern(el_hbm, er_hbm, src_hbm, dst_hbm, zeros_hbm,
             ex_hbm, den_hbm, el_v, er_v, src_v, dst_v, ex_v, den_sh):
        cid = lax.axis_index("c")
        sid = lax.axis_index("s")
        wid = sid * NC + cid
        base0 = wid * e_per_w

        pltpu.sync_copy(el_hbm, el_v)
        pltpu.sync_copy(er_hbm, er_v)

        @pl.when(sid == 0)
        def _():
            pltpu.sync_copy(zeros_hbm, den_sh)

        lane = lax.iota(jnp.int32, LANES)
        zero16 = jnp.zeros((LANES,), jnp.float32)

        @pl.loop(0, ngrp)
        def _(g):
            rows = g * LANES + lane
            for h in range(heads, 8):
                hv = jnp.full((LANES,), h, jnp.int32)
                plsc.store_scatter(ex_v, [rows, hv], zero16)

        plsc.subcore_barrier()

        @pl.loop(0, nchunks)
        def _(i):
            base = base0 + i * chunk
            pltpu.sync_copy(src_hbm.at[pl.ds(base, chunk)], src_v)
            pltpu.sync_copy(dst_hbm.at[pl.ds(base, chunk)], dst_v)

            @pl.loop(0, ngrp)
            def _(g):
                srcv = src_v[pl.ds(g * LANES, LANES)]
                dstv = dst_v[pl.ds(g * LANES, LANES)]
                rows = g * LANES + lane
                srcb = srcv * heads
                dstb = dstv * heads
                for h in range(heads):
                    hv = jnp.full((LANES,), h, jnp.int32)
                    elv = plsc.load_gather(el_v, [srcb + h])
                    erv = plsc.load_gather(er_v, [dstb + h])
                    v = elv + erv
                    v = jnp.maximum(v, 0.2 * v)
                    plsc.store_scatter(ex_v, [rows, hv], jnp.exp(v))

            pltpu.sync_copy(ex_v, den_sh.at[dst_v], add=True)
            pltpu.sync_copy(ex_v, ex_hbm.at[pl.ds(base, chunk)])

        plsc.subcore_barrier()

        @pl.when(sid == 0)
        def _():
            pltpu.sync_copy(den_sh, den_hbm.at[cid])

    return kern



def _sc_aggregate_kernel(nedges, nnodes, heads, dim, chunk):
    e_per_w = nedges // NW
    nchunks = e_per_w // chunk
    ngrp = chunk // LANES
    k = heads * dim
    nvpr = k // LANES

    mesh = plsc.VectorSubcoreMesh(core_axis_name="c", subcore_axis_name="s")

    @functools.partial(
        pl.kernel,
        mesh=mesh,
        compiler_params=pltpu.CompilerParams(
            needs_layout_passes=False, use_tc_tiling_on_sc=False),
        out_type=[
            jax.ShapeDtypeStruct((nedges, 8), jnp.float32),
            jax.ShapeDtypeStruct((NC, nnodes, k), jnp.float32),
        ],
        scratch_types=[
            pltpu.VMEM((chunk,), jnp.int32),
            pltpu.VMEM((chunk,), jnp.int32),
            pltpu.VMEM((chunk, 8), jnp.float32),
            pltpu.VMEM((chunk, 8), jnp.float32),
            pltpu.VMEM((chunk, 8), jnp.float32),
            pltpu.VMEM((chunk, k), jnp.float32),
            pltpu.VMEM_SHARED((nnodes, k), jnp.float32),
            pltpu.SemaphoreType.DMA,
            pltpu.SemaphoreType.DMA,
            pltpu.SemaphoreType.DMA,
        ],
    )
    def kern(ex_hbm, den0_hbm, den1_hbm, src_hbm, dst_hbm, feat_hbm,
             zeros_hbm, a_hbm, out_hbm, src_v, dst_v, a_v, d0_v, d1_v,
             rows_v, out_sh, sem1, sem2, sem3):
        cid = lax.axis_index("c")
        sid = lax.axis_index("s")
        wid = sid * NC + cid
        base0 = wid * e_per_w

        @pl.when(sid == 0)
        def _():
            pltpu.sync_copy(zeros_hbm, out_sh)
        plsc.subcore_barrier()

        lane = lax.iota(jnp.int32, LANES)

        @pl.loop(0, nchunks)
        def _(i):
            base = base0 + i * chunk
            pltpu.sync_copy(src_hbm.at[pl.ds(base, chunk)], src_v)
            pltpu.sync_copy(dst_hbm.at[pl.ds(base, chunk)], dst_v)
            cpr = pltpu.async_copy(feat_hbm.at[src_v], rows_v, sem3)
            cp1 = pltpu.async_copy(den0_hbm.at[dst_v], d0_v, sem1)
            cp2 = pltpu.async_copy(den1_hbm.at[dst_v], d1_v, sem2)
            pltpu.sync_copy(ex_hbm.at[pl.ds(base, chunk)], a_v)
            cp1.wait()
            cp2.wait()

            @pl.loop(0, ngrp)
            def _(g):
                rows = g * LANES + lane
                for h in range(heads):
                    hv = jnp.full((LANES,), h, jnp.int32)
                    d0v = plsc.load_gather(d0_v, [rows, hv])
                    d1v = plsc.load_gather(d1_v, [rows, hv])
                    exv = plsc.load_gather(a_v, [rows, hv])
                    plsc.store_scatter(
                        a_v, [rows, hv], exv / (d0v + d1v + 1e-9))

            pltpu.sync_copy(a_v, a_hbm.at[pl.ds(base, chunk)])
            cpr.wait()

            jper_h = dim // LANES
            @pl.loop(0, chunk, step=8)
            def _(e0):
                for de in range(8):
                    e = e0 + de
                    ev = jnp.full((LANES,), e, jnp.int32)
                    for h in range(heads):
                        mult = plsc.load_gather(
                            a_v, [ev, jnp.full((LANES,), h, jnp.int32)])
                        for jj in range(jper_h):
                            c = (h * jper_h + jj) * LANES
                            rows_v[e, pl.ds(c, LANES)] = (
                                rows_v[e, pl.ds(c, LANES)] * mult)

            pltpu.sync_copy(rows_v, out_sh.at[dst_v], add=True)

        plsc.subcore_barrier()

        @pl.when(sid == 0)
        def _():
            pltpu.sync_copy(out_sh, out_hbm.at[cid])

    return kern



def _make_alr(al, ar, dim):
    h = al.shape[0]
    k = h * dim
    eye = jnp.eye(h, dtype=al.dtype)
    albd = (al[:, :, None] * eye[:, None, :]).reshape(k, h)
    arbd = (ar[:, :, None] * eye[:, None, :]).reshape(k, h)
    return jnp.concatenate([albd, arbd], axis=1)



def kernel(x, edge_index, W0, al0, ar0, W1, al1, ar1, W2, al2, ar2, res_W2):
    n = x.shape[0]
    nedges = edge_index.shape[1]
    src = edge_index[0]
    dst = edge_index[1]

    bn = 400
    chunk = 80

    def gat_edge_phase(feat, score, heads, dim):
        el = score[:, :heads].reshape(-1)
        er = score[:, heads:2 * heads].reshape(-1)
        zer_8 = jnp.zeros((n, 8), jnp.float32)
        k = heads * dim
        zer_k = jnp.zeros((n, k), jnp.float32)
        ex, den = _sc_softmax_kernel(nedges, n, heads, chunk)(
            el, er, src, dst, zer_8)
        a8, outp = _sc_aggregate_kernel(nedges, n, heads, dim, chunk)(
            ex, den[0], den[1], src, dst, feat, zer_k)
        return a8[:, :heads], outp[0], outp[1]

    alr0 = _make_alr(al0, ar0, 32)
    feat0, score0 = _tc_dense(x, W0, alr0, bn)
    a0, p00, p01 = gat_edge_phase(feat0, score0, 4, 32)
    h0 = _tc_combine(p00, p01, None, True, bn)

    alr1 = _make_alr(al1, ar1, 32)
    feat1, score1 = _tc_dense(h0, W1, alr1, bn)
    a1, p10, p11 = gat_edge_phase(feat1, score1, 4, 32)
    h1 = _tc_combine(p10, p11, h0, True, bn)

    alr2 = _make_alr(al2, ar2, 16)
    wcat = jnp.concatenate([W2, res_W2], axis=1)
    alr2p = jnp.concatenate(
        [alr2, jnp.zeros((16, 2), jnp.float32)], axis=0)
    feat2c, score2 = _tc_dense(h1, wcat, alr2p, bn)
    feat2 = feat2c[:, :16]
    r2 = feat2c[:, 16:]
    a2, p20, p21 = gat_edge_phase(feat2, score2, 1, 16)
    logits = _tc_combine(p20, p21, r2, False, bn)

    a0 = a0.reshape(nedges, 4)
    a1 = a1.reshape(nedges, 4)
    a2 = a2.reshape(nedges, 1)
    return (logits, a0, a1, a2)

# --- scband reference (transcript-rebuilt; emitter-appended) ---
"""Pipeline reference for scband-sparse-gat-84928683311559 (READ-ONLY COPY).

The authoritative reference and input builder live on the scoring server;
editing this copy changes nothing except your own understanding.
"""

import jax, jax.numpy as jnp
import numpy as np

N = 10000
E = 320000
IN_DIM = 128
HID = 32
HEADS = [4, 4, 1]
NCLS = 16


def setup_inputs(seed: int = 0) -> dict:
    key = jax.random.key(seed)
    ks = jax.random.split(key, 16)
    s = 0.05
    x = jax.random.normal(ks[0], (N, IN_DIM), dtype=jnp.float32)
    edge_index = jax.random.randint(ks[1], (2, E), 0, N, dtype=jnp.int32)
    W0 = jax.random.normal(ks[2], (IN_DIM, HEADS[0] * HID), dtype=jnp.float32) * s
    al0 = jax.random.normal(ks[3], (HEADS[0], HID), dtype=jnp.float32) * s
    ar0 = jax.random.normal(ks[4], (HEADS[0], HID), dtype=jnp.float32) * s
    W1 = jax.random.normal(ks[5], (HEADS[0] * HID, HEADS[1] * HID), dtype=jnp.float32) * s
    al1 = jax.random.normal(ks[6], (HEADS[1], HID), dtype=jnp.float32) * s
    ar1 = jax.random.normal(ks[7], (HEADS[1], HID), dtype=jnp.float32) * s
    W2 = jax.random.normal(ks[8], (HEADS[1] * HID, HEADS[2] * NCLS), dtype=jnp.float32) * s
    al2 = jax.random.normal(ks[9], (HEADS[2], NCLS), dtype=jnp.float32) * s
    ar2 = jax.random.normal(ks[10], (HEADS[2], NCLS), dtype=jnp.float32) * s
    res_W2 = jax.random.normal(ks[11], (HEADS[1] * HID, HEADS[2] * NCLS), dtype=jnp.float32) * s
    return {"x": x, "edge_index": edge_index, "W0": W0, "al0": al0, "ar0": ar0,
            "W1": W1, "al1": al1, "ar1": ar1, "W2": W2, "al2": al2, "ar2": ar2,
            "res_W2": res_W2}


def _gat_layer(h, src, dst, W, al, ar, res, act):
    Hh, D = al.shape
    n = h.shape[0]
    feat = (h @ W).reshape(n, Hh, D)
    el = jnp.sum(feat * al[None, :, :], axis=-1)
    er = jnp.sum(feat * ar[None, :, :], axis=-1)
    e = jax.nn.leaky_relu(el[src] + er[dst], negative_slope=0.2)
    m = jax.ops.segment_max(e, dst, num_segments=n)
    m = jnp.where(jnp.isfinite(m), m, 0.0)
    m = jax.lax.stop_gradient(m)
    ex = jnp.exp(e - m[dst])
    den = jax.ops.segment_sum(ex, dst, num_segments=n)
    a = ex / (den[dst] + 1e-9)
    out = jax.ops.segment_sum(feat[src] * a[:, :, None], dst, num_segments=n)
    if res is not None:
        if isinstance(res, str):
            out = out + h.reshape(n, Hh, D)
        else:
            out = out + (h @ res).reshape(n, Hh, D)
    if act:
        out = jax.nn.elu(out)
    return out, a


def reference(x, edge_index, W0, al0, ar0, W1, al1, ar1, W2, al2, ar2, res_W2):
    src = edge_index[0]
    dst = edge_index[1]
    h0, a0 = _gat_layer(x, src, dst, W0, al0, ar0, None, True)
    h0 = h0.reshape(N, -1)
    h1, a1 = _gat_layer(h0, src, dst, W1, al1, ar1, 'identity', True)
    h1 = h1.reshape(N, -1)
    h2, a2 = _gat_layer(h1, src, dst, W2, al2, ar2, res_W2, False)
    logits = h2.mean(axis=1)
    return (logits, a0, a1, a2)

if __name__ == "__main__":
    import jax
    _d = setup_inputs()
    print(jax.jit(kernel)(*tuple(_d.values())))

</pallas_src>

<mosaic_0001>
#map = affine_map<(d0, d1) -> (0, 0)>
#map1 = affine_map<(d0, d1) -> (0)>
#map2 = affine_map<(d0, d1) -> (0, 0, 0)>
module attributes {stable_mosaic.version = 14 : i64} {
  func.func @kern(%arg0: i32, %arg1: i32, %arg2: memref<320000x8xf32, #tpu.memory_space<hbm>>, %arg3: memref<10000x8xf32, #tpu.memory_space<hbm>>, %arg4: memref<10000x8xf32, #tpu.memory_space<hbm>>, %arg5: memref<320000xi32, #tpu.memory_space<hbm>>, %arg6: memref<320000xi32, #tpu.memory_space<hbm>>, %arg7: memref<10000x128xf32, #tpu.memory_space<hbm>>, %arg8: memref<10000x128xf32, #tpu.memory_space<hbm>>, %arg9: memref<320000x8xf32, #tpu.memory_space<hbm>>, %arg10: memref<2x10000x128xf32, #tpu.memory_space<hbm>>, %arg11: memref<80xi32, #tpu.memory_space<vmem>>, %arg12: memref<80xi32, #tpu.memory_space<vmem>>, %arg13: memref<80x8xf32, #tpu.memory_space<vmem>>, %arg14: memref<80x8xf32, #tpu.memory_space<vmem>>, %arg15: memref<80x8xf32, #tpu.memory_space<vmem>>, %arg16: memref<80x128xf32, #tpu.memory_space<vmem>>, %arg17: memref<10000x128xf32, #tpu.memory_space<vmem_shared>>, %arg18: memref<!tpu.dma_semaphore, #tpu.memory_space<semaphore_mem>>, %arg19: memref<!tpu.dma_semaphore, #tpu.memory_space<semaphore_mem>>, %arg20: memref<!tpu.dma_semaphore, #tpu.memory_space<semaphore_mem>>) attributes {dimension_semantics = [#tpu.dimension_semantics<core_parallel>, #tpu.dimension_semantics<subcore_parallel>], iteration_bounds = array<i64: 2, 16>, scalar_prefetch = 0 : i64, scratch_operands = 10 : i64, tpu.core_type = #tpu.core_type<sc_vector_subcore>, window_params = [{transform_indices = #map}, {transform_indices = #map}, {transform_indices = #map}, {transform_indices = #map1}, {transform_indices = #map1}, {transform_indices = #map}, {transform_indices = #map}, {transform_indices = #map}, {transform_indices = #map2}]} {
    %mul3A = arith.constant 2 : i32
    %mul3A_0 = arith.muli %arg1, %mul3A : i32
    %add3A = arith.addi %mul3A_0, %arg0 : i32
    %mul3A_1 = arith.constant 10000 : i32
    %mul3A_2 = arith.muli %add3A, %mul3A_1 : i32
    %eq3A = arith.constant 0 : i32
    %eq3A_3 = arith.cmpi eq, %arg1, %eq3A : i32
    %convert_element_type3A = arith.extui %eq3A_3 : i1 to i32
    %cond3A = arith.constant 0 : i32
    %cond3A_4 = arith.cmpi ne, %convert_element_type3A, %cond3A : i32
    scf.if %cond3A_4 {
      "tpu.region"() ({
        %run_scoped3A = tpu.sem_alloc : memref<!tpu.dma_semaphore, #tpu.memory_space<semaphore_mem>>
        tpu.enqueue_dma source(%arg8 : memref<10000x128xf32, #tpu.memory_space<hbm>>) target(%arg17 : memref<10000x128xf32, #tpu.memory_space<vmem_shared>>) target_semaphore(%run_scoped3A : memref<!tpu.dma_semaphore, #tpu.memory_space<semaphore_mem>>)
        tpu.wait_dma2 semaphore(%run_scoped3A : memref<!tpu.dma_semaphore, #tpu.memory_space<semaphore_mem>>) src(%arg8 : memref<10000x128xf32, #tpu.memory_space<hbm>>) dst(%arg17 : memref<10000x128xf32, #tpu.memory_space<vmem_shared>>)
        tpu.yield
      }) : () -> ()
    } else {
    }
    %barrier3A = arith.constant 0 : index
    tpu.barrier barrier_id(%barrier3A)
    %iota3A = tpu.iota {dimensions = array<i32: 0>} : vector<16xi32>
    %scan3A = arith.constant 0 : i32
    %scan3A_5 = arith.constant 125 : i32
    %scan3A_6 = arith.addi %scan3A, %scan3A_5 : i32
    %scan3A_7 = arith.constant 1 : i32
    scf.for %scan3A_15 = %scan3A to %scan3A_6 step %scan3A_7  : i32 {
      %mul3A_16 = arith.constant 1 : i32
      %mul3A_17 = arith.muli %scan3A_15, %mul3A_16 : i32
      %add3A_18 = arith.constant 0 : i32
      %add3A_19 = arith.addi %add3A_18, %mul3A_17 : i32
      %mul3A_20 = arith.constant 80 : i32
      %mul3A_21 = arith.muli %add3A_19, %mul3A_20 : i32
      %add3A_22 = arith.addi %mul3A_2, %mul3A_21 : i32
      "tpu.region"() ({
        %run_scoped3A = tpu.sem_alloc : memref<!tpu.dma_semaphore, #tpu.memory_space<semaphore_mem>>
        %dma_start3A_49 = tpu.memref_slice %arg5[%add3A_22] : memref<320000xi32, #tpu.memory_space<hbm>> -> memref<80xi32, #tpu.memory_space<hbm>>
        %dma_start3A_50 = tpu.memref_slice %arg5[%add3A_22] : memref<320000xi32, #tpu.memory_space<hbm>> -> memref<80xi32, #tpu.memory_space<hbm>>
        tpu.enqueue_dma source(%dma_start3A_50 : memref<80xi32, #tpu.memory_space<hbm>>) target(%arg11 : memref<80xi32, #tpu.memory_space<vmem>>) target_semaphore(%run_scoped3A : memref<!tpu.dma_semaphore, #tpu.memory_space<semaphore_mem>>)
        %dma_wait3A_51 = tpu.memref_slice %arg5[%add3A_22] : memref<320000xi32, #tpu.memory_space<hbm>> -> memref<80xi32, #tpu.memory_space<hbm>>
        %dma_wait3A_52 = tpu.memref_slice %arg5[%add3A_22] : memref<320000xi32, #tpu.memory_space<hbm>> -> memref<80xi32, #tpu.memory_space<hbm>>
        tpu.wait_dma2 semaphore(%run_scoped3A : memref<!tpu.dma_semaphore, #tpu.memory_space<semaphore_mem>>) src(%dma_wait3A_52 : memref<80xi32, #tpu.memory_space<hbm>>) dst(%arg11 : memref<80xi32, #tpu.memory_space<vmem>>)
        tpu.yield
      }) : () -> ()
      "tpu.region"() ({
        %run_scoped3A = tpu.sem_alloc : memref<!tpu.dma_semaphore, #tpu.memory_space<semaphore_mem>>
        %dma_start3A_49 = tpu.memref_slice %arg6[%add3A_22] : memref<320000xi32, #tpu.memory_space<hbm>> -> memref<80xi32, #tpu.memory_space<hbm>>
        %dma_start3A_50 = tpu.memref_slice %arg6[%add3A_22] : memref<320000xi32, #tpu.memory_space<hbm>> -> memref<80xi32, #tpu.memory_space<hbm>>
        tpu.enqueue_dma source(%dma_start3A_50 : memref<80xi32, #tpu.memory_space<hbm>>) target(%arg12 : memref<80xi32, #tpu.memory_space<vmem>>) target_semaphore(%run_scoped3A : memref<!tpu.dma_semaphore, #tpu.memory_space<semaphore_mem>>)
        %dma_wait3A_51 = tpu.memref_slice %arg6[%add3A_22] : memref<320000xi32, #tpu.memory_space<hbm>> -> memref<80xi32, #tpu.memory_space<hbm>>
        %dma_wait3A_52 = tpu.memref_slice %arg6[%add3A_22] : memref<320000xi32, #tpu.memory_space<hbm>> -> memref<80xi32, #tpu.memory_space<hbm>>
        tpu.wait_dma2 semaphore(%run_scoped3A : memref<!tpu.dma_semaphore, #tpu.memory_space<semaphore_mem>>) src(%dma_wait3A_52 : memref<80xi32, #tpu.memory_space<hbm>>) dst(%arg12 : memref<80xi32, #tpu.memory_space<vmem>>)
        tpu.yield
      }) : () -> ()
      %dma_start3A = arith.constant 0 : i32
      %dma_start3A_23 = arith.constant 0 : i32
      %dma_start3A_24 = tpu.memref_slice %arg7[%dma_start3A, %dma_start3A_23] : memref<10000x128xf32, #tpu.memory_space<hbm>> -> memref<10000x128xf32, #tpu.memory_space<hbm>>
      tpu.enqueue_indirect_dma source(%dma_start3A_24 : memref<10000x128xf32, #tpu.memory_space<hbm>>) target(%arg16 : memref<80x128xf32, #tpu.memory_space<vmem>>) offsets(%arg11 : memref<80xi32, #tpu.memory_space<vmem>>) semaphore(%arg20 : memref<!tpu.dma_semaphore, #tpu.memory_space<semaphore_mem>>)
      %dma_start3A_25 = arith.constant 0 : i32
      %dma_start3A_26 = arith.constant 0 : i32
      %dma_start3A_27 = tpu.memref_slice %arg3[%dma_start3A_25, %dma_start3A_26] : memref<10000x8xf32, #tpu.memory_space<hbm>> -> memref<10000x8xf32, #tpu.memory_space<hbm>>
      tpu.enqueue_indirect_dma source(%dma_start3A_27 : memref<10000x8xf32, #tpu.memory_space<hbm>>) target(%arg14 : memref<80x8xf32, #tpu.memory_space<vmem>>) offsets(%arg12 : memref<80xi32, #tpu.memory_space<vmem>>) semaphore(%arg18 : memref<!tpu.dma_semaphore, #tpu.memory_space<semaphore_mem>>)
      %dma_start3A_28 = arith.constant 0 : i32
      %dma_start3A_29 = arith.constant 0 : i32
      %dma_start3A_30 = tpu.memref_slice %arg4[%dma_start3A_28, %dma_start3A_29] : memref<10000x8xf32, #tpu.memory_space<hbm>> -> memref<10000x8xf32, #tpu.memory_space<hbm>>
      tpu.enqueue_indirect_dma source(%dma_start3A_30 : memref<10000x8xf32, #tpu.memory_space<hbm>>) target(%arg15 : memref<80x8xf32, #tpu.memory_space<vmem>>) offsets(%arg12 : memref<80xi32, #tpu.memory_space<vmem>>) semaphore(%arg19 : memref<!tpu.dma_semaphore, #tpu.memory_space<semaphore_mem>>)
      "tpu.region"() ({
        %run_scoped3A = tpu.sem_alloc : memref<!tpu.dma_semaphore, #tpu.memory_space<semaphore_mem>>
        %dma_start3A_49 = arith.constant 0 : i32
        %dma_start3A_50 = tpu.memref_slice %arg2[%add3A_22, %dma_start3A_49] : memref<320000x8xf32, #tpu.memory_space<hbm>> -> memref<80x8xf32, #tpu.memory_space<hbm>>
        %dma_start3A_51 = arith.constant 0 : i32
        %dma_start3A_52 = tpu.memref_slice %arg2[%add3A_22, %dma_start3A_51] : memref<320000x8xf32, #tpu.memory_space<hbm>> -> memref<80x8xf32, #tpu.memory_space<hbm>>
        tpu.enqueue_dma source(%dma_start3A_52 : memref<80x8xf32, #tpu.memory_space<hbm>>) target(%arg13 : memref<80x8xf32, #tpu.memory_space<vmem>>) target_semaphore(%run_scoped3A : memref<!tpu.dma_semaphore, #tpu.memory_space<semaphore_mem>>)
        %dma_wait3A_53 = arith.constant 0 : i32
        %dma_wait3A_54 = tpu.memref_slice %arg2[%add3A_22, %dma_wait3A_53] : memref<320000x8xf32, #tpu.memory_space<hbm>> -> memref<80x8xf32, #tpu.memory_space<hbm>>
        %dma_wait3A_55 = arith.constant 0 : i32
        %dma_wait3A_56 = tpu.memref_slice %arg2[%add3A_22, %dma_wait3A_55] : memref<320000x8xf32, #tpu.memory_space<hbm>> -> memref<80x8xf32, #tpu.memory_space<hbm>>
        tpu.wait_dma2 semaphore(%run_scoped3A : memref<!tpu.dma_semaphore, #tpu.memory_space<semaphore_mem>>) src(%dma_wait3A_56 : memref<80x8xf32, #tpu.memory_space<hbm>>) dst(%arg13 : memref<80x8xf32, #tpu.memory_space<vmem>>)
        tpu.yield
      }) : () -> ()
      %dma_wait3A = arith.constant 0 : i32
      %dma_wait3A_31 = arith.constant 0 : i32
      %dma_wait3A_32 = tpu.memref_slice %arg3[%dma_wait3A, %dma_wait3A_31] : memref<10000x8xf32, #tpu.memory_space<hbm>> -> memref<10000x8xf32, #tpu.memory_space<hbm>>
      tpu.wait_indirect_dma semaphore(%arg18 : memref<!tpu.dma_semaphore, #tpu.memory_space<semaphore_mem>>) src(%dma_wait3A_32 : memref<10000x8xf32, #tpu.memory_space<hbm>>) dst(%arg14 : memref<80x8xf32, #tpu.memory_space<vmem>>)
      %dma_wait3A_33 = arith.constant 0 : i32
      %dma_wait3A_34 = arith.constant 0 : i32
      %dma_wait3A_35 = tpu.memref_slice %arg4[%dma_wait3A_33, %dma_wait3A_34] : memref<10000x8xf32, #tpu.memory_space<hbm>> -> memref<10000x8xf32, #tpu.memory_space<hbm>>
      tpu.wait_indirect_dma semaphore(%arg19 : memref<!tpu.dma_semaphore, #tpu.memory_space<semaphore_mem>>) src(%dma_wait3A_35 : memref<10000x8xf32, #tpu.memory_space<hbm>>) dst(%arg15 : memref<80x8xf32, #tpu.memory_space<vmem>>)
      %scan3A_36 = arith.constant 0 : i32
      %scan3A_37 = arith.constant 5 : i32
      %scan3A_38 = arith.addi %scan3A_36, %scan3A_37 : i32
      %scan3A_39 = arith.constant 1 : i32
      scf.for %scan3A_49 = %scan3A_36 to %scan3A_38 step %scan3A_39  : i32 {
        %mul3A_50 = arith.constant 1 : i32
        %mul3A_51 = arith.muli %scan3A_49, %mul3A_50 : i32
        %add3A_52 = arith.constant 0 : i32
        %add3A_53 = arith.addi %add3A_52, %mul3A_51 : i32
        %mul3A_54 = arith.constant 16 : i32
        %mul3A_55 = arith.muli %add3A_53, %mul3A_54 : i32
        %add3A_56 = vector.broadcast %mul3A_55 : i32 to vector<16xi32>
        %add3A_57 = arith.addi %add3A_56, %iota3A : vector<16xi32>
        %broadcast_in_dim3A = arith.constant 0 : i32
        %broadcast_in_dim3A_58 = vector.broadcast %broadcast_in_dim3A : i32 to vector<16xi32>
        %gather3A = tpu.vector_load_idx %arg14[%add3A_57, %broadcast_in_dim3A_58] : memref<80x8xf32, #tpu.memory_space<vmem>>[vector<16xi32>, vector<16xi32>], vector<16xf32>,
        %gather3A_59 = tpu.vector_load_idx %arg15[%add3A_57, %broadcast_in_dim3A_58] : memref<80x8xf32, #tpu.memory_space<vmem>>[vector<16xi32>, vector<16xi32>], vector<16xf32>,
        %gather3A_60 = tpu.vector_load_idx %arg13[%add3A_57, %broadcast_in_dim3A_58] : memref<80x8xf32, #tpu.memory_space<vmem>>[vector<16xi32>, vector<16xi32>], vector<16xf32>,
        %add3A_61 = arith.addf %gather3A, %gather3A_59 : vector<16xf32>
        %add3A_62 = arith.constant 9.99999971E-10 : f32
        %add3A_63 = vector.broadcast %add3A_62 : f32 to vector<16xf32>
        %add3A_64 = arith.addf %add3A_61, %add3A_63 : vector<16xf32>
        %div3A = arith.divf %gather3A_60, %add3A_64 : vector<16xf32>
        tpu.vector_store_idx %arg13[%add3A_57, %broadcast_in_dim3A_58], %div3A : memref<80x8xf32, #tpu.memory_space<vmem>>[vector<16xi32>, vector<16xi32>], vector<16xf32>,
        %broadcast_in_dim3A_65 = arith.constant 1 : i32
        %broadcast_in_dim3A_66 = vector.broadcast %broadcast_in_dim3A_65 : i32 to vector<16xi32>
        %gather3A_67 = tpu.vector_load_idx %arg14[%add3A_57, %broadcast_in_dim3A_66] : memref<80x8xf32, #tpu.memory_space<vmem>>[vector<16xi32>, vector<16xi32>], vector<16xf32>,
        %gather3A_68 = tpu.vector_load_idx %arg15[%add3A_57, %broadcast_in_dim3A_66] : memref<80x8xf32, #tpu.memory_space<vmem>>[vector<16xi32>, vector<16xi32>], vector<16xf32>,
        %gather3A_69 = tpu.vector_load_idx %arg13[%add3A_57, %broadcast_in_dim3A_66] : memref<80x8xf32, #tpu.memory_space<vmem>>[vector<16xi32>, vector<16xi32>], vector<16xf32>,
        %add3A_70 = arith.addf %gather3A_67, %gather3A_68 : vector<16xf32>
        %add3A_71 = arith.constant 9.99999971E-10 : f32
        %add3A_72 = vector.broadcast %add3A_71 : f32 to vector<16xf32>
        %add3A_73 = arith.addf %add3A_70, %add3A_72 : vector<16xf32>
        %div3A_74 = arith.divf %gather3A_69, %add3A_73 : vector<16xf32>
        tpu.vector_store_idx %arg13[%add3A_57, %broadcast_in_dim3A_66], %div3A_74 : memref<80x8xf32, #tpu.memory_space<vmem>>[vector<16xi32>, vector<16xi32>], vector<16xf32>,
        %broadcast_in_dim3A_75 = arith.constant 2 : i32
        %broadcast_in_dim3A_76 = vector.broadcast %broadcast_in_dim3A_75 : i32 to vector<16xi32>
        %gather3A_77 = tpu.vector_load_idx %arg14[%add3A_57, %broadcast_in_dim3A_76] : memref<80x8xf32, #tpu.memory_space<vmem>>[vector<16xi32>, vector<16xi32>], vector<16xf32>,
        %gather3A_78 = tpu.vector_load_idx %arg15[%add3A_57, %broadcast_in_dim3A_76] : memref<80x8xf32, #tpu.memory_space<vmem>>[vector<16xi32>, vector<16xi32>], vector<16xf32>,
        %gather3A_79 = tpu.vector_load_idx %arg13[%add3A_57, %broadcast_in_dim3A_76] : memref<80x8xf32, #tpu.memory_space<vmem>>[vector<16xi32>, vector<16xi32>], vector<16xf32>,
        %add3A_80 = arith.addf %gather3A_77, %gather3A_78 : vector<16xf32>
        %add3A_81 = arith.constant 9.99999971E-10 : f32
        %add3A_82 = vector.broadcast %add3A_81 : f32 to vector<16xf32>
        %add3A_83 = arith.addf %add3A_80, %add3A_82 : vector<16xf32>
        %div3A_84 = arith.divf %gather3A_79, %add3A_83 : vector<16xf32>
        tpu.vector_store_idx %arg13[%add3A_57, %broadcast_in_dim3A_76], %div3A_84 : memref<80x8xf32, #tpu.memory_space<vmem>>[vector<16xi32>, vector<16xi32>], vector<16xf32>,
        %broadcast_in_dim3A_85 = arith.constant 3 : i32
        %broadcast_in_dim3A_86 = vector.broadcast %broadcast_in_dim3A_85 : i32 to vector<16xi32>
        %gather3A_87 = tpu.vector_load_idx %arg14[%add3A_57, %broadcast_in_dim3A_86] : memref<80x8xf32, #tpu.memory_space<vmem>>[vector<16xi32>, vector<16xi32>], vector<16xf32>,
        %gather3A_88 = tpu.vector_load_idx %arg15[%add3A_57, %broadcast_in_dim3A_86] : memref<80x8xf32, #tpu.memory_space<vmem>>[vector<16xi32>, vector<16xi32>], vector<16xf32>,
        %gather3A_89 = tpu.vector_load_idx %arg13[%add3A_57, %broadcast_in_dim3A_86] : memref<80x8xf32, #tpu.memory_space<vmem>>[vector<16xi32>, vector<16xi32>], vector<16xf32>,
        %add3A_90 = arith.addf %gather3A_87, %gather3A_88 : vector<16xf32>
        %add3A_91 = arith.constant 9.99999971E-10 : f32
        %add3A_92 = vector.broadcast %add3A_91 : f32 to vector<16xf32>
        %add3A_93 = arith.addf %add3A_90, %add3A_92 : vector<16xf32>
        %div3A_94 = arith.divf %gather3A_89, %add3A_93 : vector<16xf32>
        tpu.vector_store_idx %arg13[%add3A_57, %broadcast_in_dim3A_86], %div3A_94 : memref<80x8xf32, #tpu.memory_space<vmem>>[vector<16xi32>, vector<16xi32>], vector<16xf32>,
      }
      %scan3A_40 = arith.constant 5 : i32
      "tpu.region"() ({
        %run_scoped3A = tpu.sem_alloc : memref<!tpu.dma_semaphore, #tpu.memory_space<semaphore_mem>>
        %dma_start3A_49 = arith.constant 0 : i32
        %dma_start3A_50 = tpu.memref_slice %arg9[%add3A_22, %dma_start3A_49] : memref<320000x8xf32, #tpu.memory_space<hbm>> -> memref<80x8xf32, #tpu.memory_space<hbm>>
        %dma_start3A_51 = arith.constant 0 : i32
        %dma_start3A_52 = tpu.memref_slice %arg9[%add3A_22, %dma_start3A_51] : memref<320000x8xf32, #tpu.memory_space<hbm>> -> memref<80x8xf32, #tpu.memory_space<hbm>>
        tpu.enqueue_dma source(%arg13 : memref<80x8xf32, #tpu.memory_space<vmem>>) target(%dma_start3A_52 : memref<80x8xf32, #tpu.memory_space<hbm>>) target_semaphore(%run_scoped3A : memref<!tpu.dma_semaphore, #tpu.memory_space<semaphore_mem>>)
        %dma_wait3A_53 = arith.constant 0 : i32
        %dma_wait3A_54 = tpu.memref_slice %arg9[%add3A_22, %dma_wait3A_53] : memref<320000x8xf32, #tpu.memory_space<hbm>> -> memref<80x8xf32, #tpu.memory_space<hbm>>
        %dma_wait3A_55 = arith.constant 0 : i32
        %dma_wait3A_56 = tpu.memref_slice %arg9[%add3A_22, %dma_wait3A_55] : memref<320000x8xf32, #tpu.memory_space<hbm>> -> memref<80x8xf32, #tpu.memory_space<hbm>>
        tpu.wait_dma2 semaphore(%run_scoped3A : memref<!tpu.dma_semaphore, #tpu.memory_space<semaphore_mem>>) src(%arg13 : memref<80x8xf32, #tpu.memory_space<vmem>>) dst(%dma_wait3A_56 : memref<80x8xf32, #tpu.memory_space<hbm>>)
        tpu.yield
      }) : () -> ()
      %dma_wait3A_41 = arith.constant 0 : i32
      %dma_wait3A_42 = arith.constant 0 : i32
      %dma_wait3A_43 = tpu.memref_slice %arg7[%dma_wait3A_41, %dma_wait3A_42] : memref<10000x128xf32, #tpu.memory_space<hbm>> -> memref<10000x128xf32, #tpu.memory_space<hbm>>
      tpu.wait_indirect_dma semaphore(%arg20 : memref<!tpu.dma_semaphore, #tpu.memory_space<semaphore_mem>>) src(%dma_wait3A_43 : memref<10000x128xf32, #tpu.memory_space<hbm>>) dst(%arg16 : memref<80x128xf32, #tpu.memory_space<vmem>>)
      %scan3A_44 = arith.constant 0 : i32
      %scan3A_45 = arith.constant 10 : i32
      %scan3A_46 = arith.addi %scan3A_44, %scan3A_45 : i32
      %scan3A_47 = arith.constant 1 : i32
      scf.for %scan3A_49 = %scan3A_44 to %scan3A_46 step %scan3A_47  : i32 {
        %mul3A_50 = arith.constant 8 : i32
        %mul3A_51 = arith.muli %scan3A_49, %mul3A_50 : i32
        %add3A_52 = arith.constant 0 : i32
        %add3A_53 = arith.addi %add3A_52, %mul3A_51 : i32
        %add3A_54 = arith.constant 0 : i32
        %add3A_55 = arith.addi %add3A_53, %add3A_54 : i32
        %broadcast_in_dim3A = vector.broadcast %add3A_55 : i32 to vector<16xi32>
        %broadcast_in_dim3A_56 = arith.constant 0 : i32
        %broadcast_in_dim3A_57 = vector.broadcast %broadcast_in_dim3A_56 : i32 to vector<16xi32>
        %gather3A = tpu.vector_load_idx %arg13[%broadcast_in_dim3A, %broadcast_in_dim3A_57] : memref<80x8xf32, #tpu.memory_space<vmem>>[vector<16xi32>, vector<16xi32>], vector<16xf32>,
        %get3A = arith.index_cast %add3A_55 : i32 to index
        %get3A_58 = arith.constant 0 : index
        %get3A_59 = tpu.vector_load %arg16[%get3A, %get3A_58] {strides = array<i32>} : memref<80x128xf32, #tpu.memory_space<vmem>>, vector<16xf32>,
        %mul3A_60 = arith.mulf %get3A_59, %gather3A : vector<16xf32>
        %swap3A = arith.index_cast %add3A_55 : i32 to index
        %swap3A_61 = arith.constant 0 : index
        %swap3A_62 = tpu.vector_load %arg16[%swap3A, %swap3A_61] {strides = array<i32>} : memref<80x128xf32, #tpu.memory_space<vmem>>, vector<16xf32>,
        tpu.vector_store %arg16[%swap3A, %swap3A_61], %mul3A_60 {strides = array<i32>} : memref<80x128xf32, #tpu.memory_space<vmem>>, vector<16xf32>,
        %get3A_63 = arith.index_cast %add3A_55 : i32 to index
        %get3A_64 = arith.constant 16 : index
        %get3A_65 = tpu.vector_load %arg16[%get3A_63, %get3A_64] {strides = array<i32>} : memref<80x128xf32, #tpu.memory_space<vmem>>, vector<16xf32>,
        %mul3A_66 = arith.mulf %get3A_65, %gather3A : vector<16xf32>
        %swap3A_67 = arith.index_cast %add3A_55 : i32 to index
        %swap3A_68 = arith.constant 16 : index
        %swap3A_69 = tpu.vector_load %arg16[%swap3A_67, %swap3A_68] {strides = array<i32>} : memref<80x128xf32, #tpu.memory_space<vmem>>, vector<16xf32>,
        tpu.vector_store %arg16[%swap3A_67, %swap3A_68], %mul3A_66 {strides = array<i32>} : memref<80x128xf32, #tpu.memory_space<vmem>>, vector<16xf32>,
        %broadcast_in_dim3A_70 = arith.constant 1 : i32
        %broadcast_in_dim3A_71 = vector.broadcast %broadcast_in_dim3A_70 : i32 to vector<16xi32>
        %gather3A_72 = tpu.vector_load_idx %arg13[%broadcast_in_dim3A, %broadcast_in_dim3A_71] : memref<80x8xf32, #tpu.memory_space<vmem>>[vector<16xi32>, vector<16xi32>], vector<16xf32>,
        %get3A_73 = arith.index_cast %add3A_55 : i32 to index
        %get3A_74 = arith.constant 32 : index
        %get3A_75 = tpu.vector_load %arg16[%get3A_73, %get3A_74] {strides = array<i32>} : memref<80x128xf32, #tpu.memory_space<vmem>>, vector<16xf32>,
        %mul3A_76 = arith.mulf %get3A_75, %gather3A_72 : vector<16xf32>
        %swap3A_77 = arith.index_cast %add3A_55 : i32 to index
        %swap3A_78 = arith.constant 32 : index
        %swap3A_79 = tpu.vector_load %arg16[%swap3A_77, %swap3A_78] {strides = array<i32>} : memref<80x128xf32, #tpu.memory_space<vmem>>, vector<16xf32>,
        tpu.vector_store %arg16[%swap3A_77, %swap3A_78], %mul3A_76 {strides = array<i32>} : memref<80x128xf32, #tpu.memory_space<vmem>>, vector<16xf32>,
        %get3A_80 = arith.index_cast %add3A_55 : i32 to index
        %get3A_81 = arith.constant 48 : index
        %get3A_82 = tpu.vector_load %arg16[%get3A_80, %get3A_81] {strides = array<i32>} : memref<80x128xf32, #tpu.memory_space<vmem>>, vector<16xf32>,
        %mul3A_83 = arith.mulf %get3A_82, %gather3A_72 : vector<16xf32>
        %swap3A_84 = arith.index_cast %add3A_55 : i32 to index
        %swap3A_85 = arith.constant 48 : index
        %swap3A_86 = tpu.vector_load %arg16[%swap3A_84, %swap3A_85] {strides = array<i32>} : memref<80x128xf32, #tpu.memory_space<vmem>>, vector<16xf32>,
        tpu.vector_store %arg16[%swap3A_84, %swap3A_85], %mul3A_83 {strides = array<i32>} : memref<80x128xf32, #tpu.memory_space<vmem>>, vector<16xf32>,
        %broadcast_in_dim3A_87 = arith.constant 2 : i32
        %broadcast_in_dim3A_88 = vector.broadcast %broadcast_in_dim3A_87 : i32 to vector<16xi32>
        %gather3A_89 = tpu.vector_load_idx %arg13[%broadcast_in_dim3A, %broadcast_in_dim3A_88] : memref<80x8xf32, #tpu.memory_space<vmem>>[vector<16xi32>, vector<16xi32>], vector<16xf32>,
        %get3A_90 = arith.index_cast %add3A_55 : i32 to index
        %get3A_91 = arith.constant 64 : index
        %get3A_92 = tpu.vector_load %arg16[%get3A_90, %get3A_91] {strides = array<i32>} : memref<80x128xf32, #tpu.memory_space<vmem>>, vector<16xf32>,
        %mul3A_93 = arith.mulf %get3A_92, %gather3A_89 : vector<16xf32>
        %swap3A_94 = arith.index_cast %add3A_55 : i32 to index
        %swap3A_95 = arith.constant 64 : index
        %swap3A_96 = tpu.vector_load %arg16[%swap3A_94, %swap3A_95] {strides = array<i32>} : memref<80x128xf32, #tpu.memory_space<vmem>>, vector<16xf32>,
        tpu.vector_store %arg16[%swap3A_94, %swap3A_95], %mul3A_93 {strides = array<i32>} : memref<80x128xf32, #tpu.memory_space<vmem>>, vector<16xf32>,
        %get3A_97 = arith.index_cast %add3A_55 : i32 to index
        %get3A_98 = arith.constant 80 : index
        %get3A_99 = tpu.vector_load %arg16[%get3A_97, %get3A_98] {strides = array<i32>} : memref<80x128xf32, #tpu.memory_space<vmem>>, vector<16xf32>,
        %mul3A_100 = arith.mulf %get3A_99, %gather3A_89 : vector<16xf32>
        %swap3A_101 = arith.index_cast %add3A_55 : i32 to index
        %swap3A_102 = arith.constant 80 : index
        %swap3A_103 = tpu.vector_load %arg16[%swap3A_101, %swap3A_102] {strides = array<i32>} : memref<80x128xf32, #tpu.memory_space<vmem>>, vector<16xf32>,
        tpu.vector_store %arg16[%swap3A_101, %swap3A_102], %mul3A_100 {strides = array<i32>} : memref<80x128xf32, #tpu.memory_space<vmem>>, vector<16xf32>,
        %broadcast_in_dim3A_104 = arith.constant 3 : i32
        %broadcast_in_dim3A_105 = vector.broadcast %broadcast_in_dim3A_104 : i32 to vector<16xi32>
        %gather3A_106 = tpu.vector_load_idx %arg13[%broadcast_in_dim3A, %broadcast_in_dim3A_105] : memref<80x8xf32, #tpu.memory_space<vmem>>[vector<16xi32>, vector<16xi32>], vector<16xf32>,
        %get3A_107 = arith.index_cast %add3A_55 : i32 to index
        %get3A_108 = arith.constant 96 : index
        %get3A_109 = tpu.vector_load %arg16[%get3A_107, %get3A_108] {strides = array<i32>} : memref<80x128xf32, #tpu.memory_space<vmem>>, vector<16xf32>,
        %mul3A_110 = arith.mulf %get3A_109, %gather3A_106 : vector<16xf32>
        %swap3A_111 = arith.index_cast %add3A_55 : i32 to index
        %swap3A_112 = arith.constant 96 : index
        %swap3A_113 = tpu.vector_load %arg16[%swap3A_111, %swap3A_112] {strides = array<i32>} : memref<80x128xf32, #tpu.memory_space<vmem>>, vector<16xf32>,
        tpu.vector_store %arg16[%swap3A_111, %swap3A_112], %mul3A_110 {strides = array<i32>} : memref<80x128xf32, #tpu.memory_space<vmem>>, vector<16xf32>,
        %get3A_114 = arith.index_cast %add3A_55 : i32 to index
        %get3A_115 = arith.constant 112 : index
        %get3A_116 = tpu.vector_load %arg16[%get3A_114, %get3A_115] {strides = array<i32>} : memref<80x128xf32, #tpu.memory_space<vmem>>, vector<16xf32>,
        %mul3A_117 = arith.mulf %get3A_116, %gather3A_106 : vector<16xf32>
        %swap3A_118 = arith.index_cast %add3A_55 : i32 to index
        %swap3A_119 = arith.constant 112 : index
        %swap3A_120 = tpu.vector_load %arg16[%swap3A_118, %swap3A_119] {strides = array<i32>} : memref<80x128xf32, #tpu.memory_space<vmem>>, vector<16xf32>,
        tpu.vector_store %arg16[%swap3A_118, %swap3A_119], %mul3A_117 {strides = array<i32>} : memref<80x128xf32, #tpu.memory_space<vmem>>, vector<16xf32>,
        %add3A_121 = arith.constant 1 : i32
        %add3A_122 = arith.addi %add3A_53, %add3A_121 : i32
        %broadcast_in_dim3A_123 = vector.broadcast %add3A_122 : i32 to vector<16xi32>
        %broadcast_in_dim3A_124 = arith.constant 0 : i32
        %broadcast_in_dim3A_125 = vector.broadcast %broadcast_in_dim3A_124 : i32 to vector<16xi32>
        %gather3A_126 = tpu.vector_load_idx %arg13[%broadcast_in_dim3A_123, %broadcast_in_dim3A_125] : memref<80x8xf32, #tpu.memory_space<vmem>>[vector<16xi32>, vector<16xi32>], vector<16xf32>,
        %get3A_127 = arith.index_cast %add3A_122 : i32 to index
        %get3A_128 = arith.constant 0 : index
        %get3A_129 = tpu.vector_load %arg16[%get3A_127, %get3A_128] {strides = array<i32>} : memref<80x128xf32, #tpu.memory_space<vmem>>, vector<16xf32>,
        %mul3A_130 = arith.mulf %get3A_129, %gather3A_126 : vector<16xf32>
        %swap3A_131 = arith.index_cast %add3A_122 : i32 to index
        %swap3A_132 = arith.constant 0 : index
        %swap3A_133 = tpu.vector_load %arg16[%swap3A_131, %swap3A_132] {strides = array<i32>} : memref<80x128xf32, #tpu.memory_space<vmem>>, vector<16xf32>,
        tpu.vector_store %arg16[%swap3A_131, %swap3A_132], %mul3A_130 {strides = array<i32>} : memref<80x128xf32, #tpu.memory_space<vmem>>, vector<16xf32>,
        %get3A_134 = arith.index_cast %add3A_122 : i32 to index
        %get3A_135 = arith.constant 16 : index
        %get3A_136 = tpu.vector_load %arg16[%get3A_134, %get3A_135] {strides = array<i32>} : memref<80x128xf32, #tpu.memory_space<vmem>>, vector<16xf32>,
        %mul3A_137 = arith.mulf %get3A_136, %gather3A_126 : vector<16xf32>
        %swap3A_138 = arith.index_cast %add3A_122 : i32 to index
        %swap3A_139 = arith.constant 16 : index
        %swap3A_140 = tpu.vector_load %arg16[%swap3A_138, %swap3A_139] {strides = array<i32>} : memref<80x128xf32, #tpu.memory_space<vmem>>, vector<16xf32>,
        tpu.vector_store %arg16[%swap3A_138, %swap3A_139], %mul3A_137 {strides = array<i32>} : memref<80x128xf32, #tpu.memory_space<vmem>>, vector<16xf32>,
        %broadcast_in_dim3A_141 = arith.constant 1 : i32
        %broadcast_in_dim3A_142 = vector.broadcast %broadcast_in_dim3A_141 : i32 to vector<16xi32>
        %gather3A_143 = tpu.vector_load_idx %arg13[%broadcast_in_dim3A_123, %broadcast_in_dim3A_142] : memref<80x8xf32, #tpu.memory_space<vmem>>[vector<16xi32>, vector<16xi32>], vector<16xf32>,
        %get3A_144 = arith.index_cast %add3A_122 : i32 to index
        %get3A_145 = arith.constant 32 : index
        %get3A_146 = tpu.vector_load %arg16[%get3A_144, %get3A_145] {strides = array<i32>} : memref<80x128xf32, #tpu.memory_space<vmem>>, vector<16xf32>,
        %mul3A_147 = arith.mulf %get3A_146, %gather3A_143 : vector<16xf32>
        %swap3A_148 = arith.index_cast %add3A_122 : i32 to index
        %swap3A_149 = arith.constant 32 : index
        %swap3A_150 = tpu.vector_load %arg16[%swap3A_148, %swap3A_149] {strides = array<i32>} : memref<80x128xf32, #tpu.memory_space<vmem>>, vector<16xf32>,
        tpu.vector_store %arg16[%swap3A_148, %swap3A_149], %mul3A_147 {strides = array<i32>} : memref<80x128xf32, #tpu.memory_space<vmem>>, vector<16xf32>,
        %get3A_151 = arith.index_cast %add3A_122 : i32 to index
        %get3A_152 = arith.constant 48 : index
        %get3A_153 = tpu.vector_load %arg16[%get3A_151, %get3A_152] {strides = array<i32>} : memref<80x128xf32, #tpu.memory_space<vmem>>, vector<16xf32>,
        %mul3A_154 = arith.mulf %get3A_153, %gather3A_143 : vector<16xf32>
        %swap3A_155 = arith.index_cast %add3A_122 : i32 to index
        %swap3A_156 = arith.constant 48 : index
        %swap3A_157 = tpu.vector_load %arg16[%swap3A_155, %swap3A_156] {strides = array<i32>} : memref<80x128xf32, #tpu.memory_space<vmem>>, vector<16xf32>,
        tpu.vector_store %arg16[%swap3A_155, %swap3A_156], %mul3A_154 {strides = array<i32>} : memref<80x128xf32, #tpu.memory_space<vmem>>, vector<16xf32>,
        %broadcast_in_dim3A_158 = arith.constant 2 : i32
        %broadcast_in_dim3A_159 = vector.broadcast %broadcast_in_dim3A_158 : i32 to vector<16xi32>
        %gather3A_160 = tpu.vector_load_idx %arg13[%broadcast_in_dim3A_123, %broadcast_in_dim3A_159] : memref<80x8xf32, #tpu.memory_space<vmem>>[vector<16xi32>, vector<16xi32>], vector<16xf32>,
        %get3A_161 = arith.index_cast %add3A_122 : i32 to index
        %get3A_162 = arith.constant 64 : index
        %get3A_163 = tpu.vector_load %arg16[%get3A_161, %get3A_162] {strides = array<i32>} : memref<80x128xf32, #tpu.memory_space<vmem>>, vector<16xf32>,
        %mul3A_164 = arith.mulf %get3A_163, %gather3A_160 : vector<16xf32>
        %swap3A_165 = arith.index_cast %add3A_122 : i32 to index
        %swap3A_166 = arith.constant 64 : index
        %swap3A_167 = tpu.vector_load %arg16[%swap3A_165, %swap3A_166] {strides = array<i32>} : memref<80x128xf32, #tpu.memory_space<vmem>>, vector<16xf32>,
        tpu.vector_store %arg16[%swap3A_165, %swap3A_166], %mul3A_164 {strides = array<i32>} : memref<80x128xf32, #tpu.memory_space<vmem>>, vector<16xf32>,
        %get3A_168 = arith.index_cast %add3A_122 : i32 to index
        %get3A_169 = arith.constant 80 : index
        %get3A_170 = tpu.vector_load %arg16[%get3A_168, %get3A_169] {strides = array<i32>} : memref<80x128xf32, #tpu.memory_space<vmem>>, vector<16xf32>,
        %mul3A_171 = arith.mulf %get3A_170, %gather3A_160 : vector<16xf32>
        %swap3A_172 = arith.index_cast %add3A_122 : i32 to index
        %swap3A_173 = arith.constant 80 : index
        %swap3A_174 = tpu.vector_load %arg16[%swap3A_172, %swap3A_173] {strides = array<i32>} : memref<80x128xf32, #tpu.memory_space<vmem>>, vector<16xf32>,
        tpu.vector_store %arg16[%swap3A_172, %swap3A_173], %mul3A_171 {strides = array<i32>} : memref<80x128xf32, #tpu.memory_space<vmem>>, vector<16xf32>,
        %broadcast_in_dim3A_175 = arith.constant 3 : i32
        %broadcast_in_dim3A_176 = vector.broadcast %broadcast_in_dim3A_175 : i32 to vector<16xi32>
        %gather3A_177 = tpu.vector_load_idx %arg13[%broadcast_in_dim3A_123, %broadcast_in_dim3A_176] : memref<80x8xf32, #tpu.memory_space<vmem>>[vector<16xi32>, vector<16xi32>], vector<16xf32>,
        %get3A_178 = arith.index_cast %add3A_122 : i32 to index
        %get3A_179 = arith.constant 96 : index
        %get3A_180 = tpu.vector_load %arg16[%get3A_178, %get3A_179] {strides = array<i32>} : memref<80x128xf32, #tpu.memory_space<vmem>>, vector<16xf32>,
        %mul3A_181 = arith.mulf %get3A_180, %gather3A_177 : vector<16xf32>
        %swap3A_182 = arith.index_cast %add3A_122 : i32 to index
        %swap3A_183 = arith.constant 96 : index
        %swap3A_184 = tpu.vector_load %arg16[%swap3A_182, %swap3A_183] {strides = array<i32>} : memref<80x128xf32, #tpu.memory_space<vmem>>, vector<16xf32>,
        tpu.vector_store %arg16[%swap3A_182, %swap3A_183], %mul3A_181 {strides = array<i32>} : memref<80x128xf32, #tpu.memory_space<vmem>>, vector<16xf32>,
        %get3A_185 = arith.index_cast %add3A_122 : i32 to index
        %get3A_186 = arith.constant 112 : index
        %get3A_187 = tpu.vector_load %arg16[%get3A_185, %get3A_186] {strides = array<i32>} : memref<80x128xf32, #tpu.memory_space<vmem>>, vector<16xf32>,
        %mul3A_188 = arith.mulf %get3A_187, %gather3A_177 : vector<16xf32>
        %swap3A_189 = arith.index_cast %add3A_122 : i32 to index
        %swap3A_190 = arith.constant 112 : index
        %swap3A_191 = tpu.vector_load %arg16[%swap3A_189, %swap3A_190] {strides = array<i32>} : memref<80x128xf32, #tpu.memory_space<vmem>>, vector<16xf32>,
        tpu.vector_store %arg16[%swap3A_189, %swap3A_190], %mul3A_188 {strides = array<i32>} : memref<80x128xf32, #tpu.memory_space<vmem>>, vector<16xf32>,
        %add3A_192 = arith.constant 2 : i32
        %add3A_193 = arith.addi %add3A_53, %add3A_192 : i32
        %broadcast_in_dim3A_194 = vector.broadcast %add3A_193 : i32 to vector<16xi32>
        %broadcast_in_dim3A_195 = arith.constant 0 : i32
        %broadcast_in_dim3A_196 = vector.broadcast %broadcast_in_dim3A_195 : i32 to vector<16xi32>
        %gather3A_197 = tpu.vector_load_idx %arg13[%broadcast_in_dim3A_194, %broadcast_in_dim3A_196] : memref<80x8xf32, #tpu.memory_space<vmem>>[vector<16xi32>, vector<16xi32>], vector<16xf32>,
        %get3A_198 = arith.index_cast %add3A_193 : i32 to index
        %get3A_199 = arith.constant 0 : index
        %get3A_200 = tpu.vector_load %arg16[%get3A_198, %get3A_199] {strides = array<i32>} : memref<80x128xf32, #tpu.memory_space<vmem>>, vector<16xf32>,
        %mul3A_201 = arith.mulf %get3A_200, %gather3A_197 : vector<16xf32>
        %swap3A_202 = arith.index_cast %add3A_193 : i32 to index
        %swap3A_203 = arith.constant 0 : index
        %swap3A_204 = tpu.vector_load %arg16[%swap3A_202, %swap3A_203] {strides = array<i32>} : memref<80x128xf32, #tpu.memory_space<vmem>>, vector<16xf32>,
        tpu.vector_store %arg16[%swap3A_202, %swap3A_203], %mul3A_201 {strides = array<i32>} : memref<80x128xf32, #tpu.memory_space<vmem>>, vector<16xf32>,
        %get3A_205 = arith.index_cast %add3A_193 : i32 to index
        %get3A_206 = arith.constant 16 : index
        %get3A_207 = tpu.vector_load %arg16[%get3A_205, %get3A_206] {strides = array<i32>} : memref<80x128xf32, #tpu.memory_space<vmem>>, vector<16xf32>,
        %mul3A_208 = arith.mulf %get3A_207, %gather3A_197 : vector<16xf32>
        %swap3A_209 = arith.index_cast %add3A_193 : i32 to index
        %swap3A_210 = arith.constant 16 : index
        %swap3A_211 = tpu.vector_load %arg16[%swap3A_209, %swap3A_210] {strides = array<i32>} : memref<80x128xf32, #tpu.memory_space<vmem>>, vector<16xf32>,
        tpu.vector_store %arg16[%swap3A_209, %swap3A_210], %mul3A_208 {strides = array<i32>} : memref<80x128xf32, #tpu.memory_space<vmem>>, vector<16xf32>,
        %broadcast_in_dim3A_212 = arith.constant 1 : i32
        %broadcast_in_dim3A_213 = vector.broadcast %broadcast_in_dim3A_212 : i32 to vector<16xi32>
        %gather3A_214 = tpu.vector_load_idx %arg13[%broadcast_in_dim3A_194, %broadcast_in_dim3A_213] : memref<80x8xf32, #tpu.memory_space<vmem>>[vector<16xi32>, vector<16xi32>], vector<16xf32>,
        %get3A_215 = arith.index_cast %add3A_193 : i32 to index
        %get3A_216 = arith.constant 32 : index
        %get3A_217 = tpu.vector_load %arg16[%get3A_215, %get3A_216] {strides = array<i32>} : memref<80x128xf32, #tpu.memory_space<vmem>>, vector<16xf32>,
        %mul3A_218 = arith.mulf %get3A_217, %gather3A_214 : vector<16xf32>
        %swap3A_219 = arith.index_cast %add3A_193 : i32 to index
        %swap3A_220 = arith.constant 32 : index
        %swap3A_221 = tpu.vector_load %arg16[%swap3A_219, %swap3A_220] {strides = array<i32>} : memref<80x128xf32, #tpu.memory_space<vmem>>, vector<16xf32>,
        tpu.vector_store %arg16[%swap3A_219, %swap3A_220], %mul3A_218 {strides = array<i32>} : memref<80x128xf32, #tpu.memory_space<vmem>>, vector<16xf32>,
        %get3A_222 = arith.index_cast %add3A_193 : i32 to index
        %get3A_223 = arith.constant 48 : index
        %get3A_224 = tpu.vector_load %arg16[%get3A_222, %get3A_223] {strides = array<i32>} : memref<80x128xf32, #tpu.memory_space<vmem>>, vector<16xf32>,
        %mul3A_225 = arith.mulf %get3A_224, %gather3A_214 : vector<16xf32>
        %swap3A_226 = arith.index_cast %add3A_193 : i32 to index
        %swap3A_227 = arith.constant 48 : index
        %swap3A_228 = tpu.vector_load %arg16[%swap3A_226, %swap3A_227] {strides = array<i32>} : memref<80x128xf32, #tpu.memory_space<vmem>>, vector<16xf32>,
        tpu.vector_store %arg16[%swap3A_226, %swap3A_227], %mul3A_225 {strides = array<i32>} : memref<80x128xf32, #tpu.memory_space<vmem>>, vector<16xf32>,
        %broadcast_in_dim3A_229 = arith.constant 2 : i32
        %broadcast_in_dim3A_230 = vector.broadcast %broadcast_in_dim3A_229 : i32 to vector<16xi32>
        %gather3A_231 = tpu.vector_load_idx %arg13[%broadcast_in_dim3A_194, %broadcast_in_dim3A_230] : memref<80x8xf32, #tpu.memory_space<vmem>>[vector<16xi32>, vector<16xi32>], vector<16xf32>,
        %get3A_232 = arith.index_cast %add3A_193 : i32 to index
        %get3A_233 = arith.constant 64 : index
        %get3A_234 = tpu.vector_load %arg16[%get3A_232, %get3A_233] {strides = array<i32>} : memref<80x128xf32, #tpu.memory_space<vmem>>, vector<16xf32>,
        %mul3A_235 = arith.mulf %get3A_234, %gather3A_231 : vector<16xf32>
        %swap3A_236 = arith.index_cast %add3A_193 : i32 to index
        %swap3A_237 = arith.constant 64 : index
        %swap3A_238 = tpu.vector_load %arg16[%swap3A_236, %swap3A_237] {strides = array<i32>} : memref<80x128xf32, #tpu.memory_space<vmem>>, vector<16xf32>,
        tpu.vector_store %arg16[%swap3A_236, %swap3A_237], %mul3A_235 {strides = array<i32>} : memref<80x128xf32, #tpu.memory_space<vmem>>, vector<16xf32>,
        %get3A_239 = arith.index_cast %add3A_193 : i32 to index
        %get3A_240 = arith.constant 80 : index
        %get3A_241 = tpu.vector_load %arg16[%get3A_239, %get3A_240] {strides = array<i32>} : memref<80x128xf32, #tpu.memory_space<vmem>>, vector<16xf32>,
        %mul3A_242 = arith.mulf %get3A_241, %gather3A_231 : vector<16xf32>
        %swap3A_243 = arith.index_cast %add3A_193 : i32 to index
        %swap3A_244 = arith.constant 80 : index
        %swap3A_245 = tpu.vector_load %arg16[%swap3A_243, %swap3A_244] {strides = array<i32>} : memref<80x128xf32, #tpu.memory_space<vmem>>, vector<16xf32>,
        tpu.vector_store %arg16[%swap3A_243, %swap3A_244], %mul3A_242 {strides = array<i32>} : memref<80x128xf32, #tpu.memory_space<vmem>>, vector<16xf32>,
        %broadcast_in_dim3A_246 = arith.constant 3 : i32
        %broadcast_in_dim3A_247 = vector.broadcast %broadcast_in_dim3A_246 : i32 to vector<16xi32>
        %gather3A_248 = tpu.vector_load_idx %arg13[%broadcast_in_dim3A_194, %broadcast_in_dim3A_247] : memref<80x8xf32, #tpu.memory_space<vmem>>[vector<16xi32>, vector<16xi32>], vector<16xf32>,
        %get3A_249 = arith.index_cast %add3A_193 : i32 to index
        %get3A_250 = arith.constant 96 : index
        %get3A_251 = tpu.vector_load %arg16[%get3A_249, %get3A_250] {strides = array<i32>} : memref<80x128xf32, #tpu.memory_space<vmem>>, vector<16xf32>,
        %mul3A_252 = arith.mulf %get3A_251, %gather3A_248 : vector<16xf32>
        %swap3A_253 = arith.index_cast %add3A_193 : i32 to index
        %swap3A_254 = arith.constant 96 : index
        %swap3A_255 = tpu.vector_load %arg16[%swap3A_253, %swap3A_254] {strides = array<i32>} : memref<80x128xf32, #tpu.memory_space<vmem>>, vector<16xf32>,
        tpu.vector_store %arg16[%swap3A_253, %swap3A_254], %mul3A_252 {strides = array<i32>} : memref<80x128xf32, #tpu.memory_space<vmem>>, vector<16xf32>,
        %get3A_256 = arith.index_cast %add3A_193 : i32 to index
        %get3A_257 = arith.constant 112 : index
        %get3A_258 = tpu.vector_load %arg16[%get3A_256, %get3A_257] {strides = array<i32>} : memref<80x128xf32, #tpu.memory_space<vmem>>, vector<16xf32>,
        %mul3A_259 = arith.mulf %get3A_258, %gather3A_248 : vector<16xf32>
        %swap3A_260 = arith.index_cast %add3A_193 : i32 to index
        %swap3A_261 = arith.constant 112 : index
        %swap3A_262 = tpu.vector_load %arg16[%swap3A_260, %swap3A_261] {strides = array<i32>} : memref<80x128xf32, #tpu.memory_space<vmem>>, vector<16xf32>,
        tpu.vector_store %arg16[%swap3A_260, %swap3A_261], %mul3A_259 {strides = array<i32>} : memref<80x128xf32, #tpu.memory_space<vmem>>, vector<16xf32>,
        %add3A_263 = arith.constant 3 : i32
        %add3A_264 = arith.addi %add3A_53, %add3A_263 : i32
        %broadcast_in_dim3A_265 = vector.broadcast %add3A_264 : i32 to vector<16xi32>
        %broadcast_in_dim3A_266 = arith.constant 0 : i32
        %broadcast_in_dim3A_267 = vector.broadcast %broadcast_in_dim3A_266 : i32 to vector<16xi32>
        %gather3A_268 = tpu.vector_load_idx %arg13[%broadcast_in_dim3A_265, %broadcast_in_dim3A_267] : memref<80x8xf32, #tpu.memory_space<vmem>>[vector<16xi32>, vector<16xi32>], vector<16xf32>,
        %get3A_269 = arith.index_cast %add3A_264 : i32 to index
        %get3A_270 = arith.constant 0 : index
        %get3A_271 = tpu.vector_load %arg16[%get3A_269, %get3A_270] {strides = array<i32>} : memref<80x128xf32, #tpu.memory_space<vmem>>, vector<16xf32>,
        %mul3A_272 = arith.mulf %get3A_271, %gather3A_268 : vector<16xf32>
        %swap3A_273 = arith.index_cast %add3A_264 : i32 to index
        %swap3A_274 = arith.constant 0 : index
        %swap3A_275 = tpu.vector_load %arg16[%swap3A_273, %swap3A_274] {strides = array<i32>} : memref<80x128xf32, #tpu.memory_space<vmem>>, vector<16xf32>,
        tpu.vector_store %arg16[%swap3A_273, %swap3A_274], %mul3A_272 {strides = array<i32>} : memref<80x128xf32, #tpu.memory_space<vmem>>, vector<16xf32>,
        %get3A_276 = arith.index_cast %add3A_264 : i32 to index
        %get3A_277 = arith.constant 16 : index
        %get3A_278 = tpu.vector_load %arg16[%get3A_276, %get3A_277] {strides = array<i32>} : memref<80x128xf32, #tpu.memory_space<vmem>>, vector<16xf32>,
        %mul3A_279 = arith.mulf %get3A_278, %gather3A_268 : vector<16xf32>
        %swap3A_280 = arith.index_cast %add3A_264 : i32 to index
        %swap3A_281 = arith.constant 16 : index
        %swap3A_282 = tpu.vector_load %arg16[%swap3A_280, %swap3A_281] {strides = array<i32>} : memref<80x128xf32, #tpu.memory_space<vmem>>, vector<16xf32>,
        tpu.vector_store %arg16[%swap3A_280, %swap3A_281], %mul3A_279 {strides = array<i32>} : memref<80x128xf32, #tpu.memory_space<vmem>>, vector<16xf32>,
        %broadcast_in_dim3A_283 = arith.constant 1 : i32
        %broadcast_in_dim3A_284 = vector.broadcast %broadcast_in_dim3A_283 : i32 to vector<16xi32>
        %gather3A_285 = tpu.vector_load_idx %arg13[%broadcast_in_dim3A_265, %broadcast_in_dim3A_284] : memref<80x8xf32, #tpu.memory_space<vmem>>[vector<16xi32>, vector<16xi32>], vector<16xf32>,
        %get3A_286 = arith.index_cast %add3A_264 : i32 to index
        %get3A_287 = arith.constant 32 : index
        %get3A_288 = tpu.vector_load %arg16[%get3A_286, %get3A_287] {strides = array<i32>} : memref<80x128xf32, #tpu.memory_space<vmem>>, vector<16xf32>,
        %mul3A_289 = arith.mulf %get3A_288, %gather3A_285 : vector<16xf32>
        %swap3A_290 = arith.index_cast %add3A_264 : i32 to index
        %swap3A_291 = arith.constant 32 : index
        %swap3A_292 = tpu.vector_load %arg16[%swap3A_290, %swap3A_291] {strides = array<i32>} : memref<80x128xf32, #tpu.memory_space<vmem>>, vector<16xf32>,
        tpu.vector_store %arg16[%swap3A_290, %swap3A_291], %mul3A_289 {strides = array<i32>} : memref<80x128xf32, #tpu.memory_space<vmem>>, vector<16xf32>,
        %get3A_293 = arith.index_cast %add3A_264 : i32 to index
        %get3A_294 = arith.constant 48 : index
        %get3A_295 = tpu.vector_load %arg16[%get3A_293, %get3A_294] {strides = array<i32>} : memref<80x128xf32, #tpu.memory_space<vmem>>, vector<16xf32>,
        %mul3A_296 = arith.mulf %get3A_295, %gather3A_285 : vector<16xf32>
        %swap3A_297 = arith.index_cast %add3A_264 : i32 to index
        %swap3A_298 = arith.constant 48 : index
        %swap3A_299 = tpu.vector_load %arg16[%swap3A_297, %swap3A_298] {strides = array<i32>} : memref<80x128xf32, #tpu.memory_space<vmem>>, vector<16xf32>,
        tpu.vector_store %arg16[%swap3A_297, %swap3A_298], %mul3A_296 {strides = array<i32>} : memref<80x128xf32, #tpu.memory_space<vmem>>, vector<16xf32>,
        %broadcast_in_dim3A_300 = arith.constant 2 : i32
        %broadcast_in_dim3A_301 = vector.broadcast %broadcast_in_dim3A_300 : i32 to vector<16xi32>
        %gather3A_302 = tpu.vector_load_idx %arg13[%broadcast_in_dim3A_265, %broadcast_in_dim3A_301] : memref<80x8xf32, #tpu.memory_space<vmem>>[vector<16xi32>, vector<16xi32>], vector<16xf32>,
        %get3A_303 = arith.index_cast %add3A_264 : i32 to index
        %get3A_304 = arith.constant 64 : index
        %get3A_305 = tpu.vector_load %arg16[%get3A_303, %get3A_304] {strides = array<i32>} : memref<80x128xf32, #tpu.memory_space<vmem>>, vector<16xf32>,
        %mul3A_306 = arith.mulf %get3A_305, %gather3A_302 : vector<16xf32>
        %swap3A_307 = arith.index_cast %add3A_264 : i32 to index
        %swap3A_308 = arith.constant 64 : index
        %swap3A_309 = tpu.vector_load %arg16[%swap3A_307, %swap3A_308] {strides = array<i32>} : memref<80x128xf32, #tpu.memory_space<vmem>>, vector<16xf32>,
        tpu.vector_store %arg16[%swap3A_307, %swap3A_308], %mul3A_306 {strides = array<i32>} : memref<80x128xf32, #tpu.memory_space<vmem>>, vector<16xf32>,
        %get3A_310 = arith.index_cast %add3A_264 : i32 to index
        %get3A_311 = arith.constant 80 : index
        %get3A_312 = tpu.vector_load %arg16[%get3A_310, %get3A_311] {strides = array<i32>} : memref<80x128xf32, #tpu.memory_space<vmem>>, vector<16xf32>,
        %mul3A_313 = arith.mulf %get3A_312, %gather3A_302 : vector<16xf32>
        %swap3A_314 = arith.index_cast %add3A_264 : i32 to index
        %swap3A_315 = arith.constant 80 : index
        %swap3A_316 = tpu.vector_load %arg16[%swap3A_314, %swap3A_315] {strides = array<i32>} : memref<80x128xf32, #tpu.memory_space<vmem>>, vector<16xf32>,
        tpu.vector_store %arg16[%swap3A_314, %swap3A_315], %mul3A_313 {strides = array<i32>} : memref<80x128xf32, #tpu.memory_space<vmem>>, vector<16xf32>,
        %broadcast_in_dim3A_317 = arith.constant 3 : i32
        %broadcast_in_dim3A_318 = vector.broadcast %broadcast_in_dim3A_317 : i32 to vector<16xi32>
        %gather3A_319 = tpu.vector_load_idx %arg13[%broadcast_in_dim3A_265, %broadcast_in_dim3A_318] : memref<80x8xf32, #tpu.memory_space<vmem>>[vector<16xi32>, vector<16xi32>], vector<16xf32>,
        %get3A_320 = arith.index_cast %add3A_264 : i32 to index
        %get3A_321 = arith.constant 96 : index
        %get3A_322 = tpu.vector_load %arg16[%get3A_320, %get3A_321] {strides = array<i32>} : memref<80x128xf32, #tpu.memory_space<vmem>>, vector<16xf32>,
        %mul3A_323 = arith.mulf %get3A_322, %gather3A_319 : vector<16xf32>
        %swap3A_324 = arith.index_cast %add3A_264 : i32 to index
        %swap3A_325 = arith.constant 96 : index
        %swap3A_326 = tpu.vector_load %arg16[%swap3A_324, %swap3A_325] {strides = array<i32>} : memref<80x128xf32, #tpu.memory_space<vmem>>, vector<16xf32>,
        tpu.vector_store %arg16[%swap3A_324, %swap3A_325], %mul3A_323 {strides = array<i32>} : memref<80x128xf32, #tpu.memory_space<vmem>>, vector<16xf32>,
        %get3A_327 = arith.index_cast %add3A_264 : i32 to index
        %get3A_328 = arith.constant 112 : index
        %get3A_329 = tpu.vector_load %arg16[%get3A_327, %get3A_328] {strides = array<i32>} : memref<80x128xf32, #tpu.memory_space<vmem>>, vector<16xf32>,
        %mul3A_330 = arith.mulf %get3A_329, %gather3A_319 : vector<16xf32>
        %swap3A_331 = arith.index_cast %add3A_264 : i32 to index
        %swap3A_332 = arith.constant 112 : index
        %swap3A_333 = tpu.vector_load %arg16[%swap3A_331, %swap3A_332] {strides = array<i32>} : memref<80x128xf32, #tpu.memory_space<vmem>>, vector<16xf32>,
        tpu.vector_store %arg16[%swap3A_331, %swap3A_332], %mul3A_330 {strides = array<i32>} : memref<80x128xf32, #tpu.memory_space<vmem>>, vector<16xf32>,
        %add3A_334 = arith.constant 4 : i32
        %add3A_335 = arith.addi %add3A_53, %add3A_334 : i32
        %broadcast_in_dim3A_336 = vector.broadcast %add3A_335 : i32 to vector<16xi32>
        %broadcast_in_dim3A_337 = arith.constant 0 : i32
        %broadcast_in_dim3A_338 = vector.broadcast %broadcast_in_dim3A_337 : i32 to vector<16xi32>
        %gather3A_339 = tpu.vector_load_idx %arg13[%broadcast_in_dim3A_336, %broadcast_in_dim3A_338] : memref<80x8xf32, #tpu.memory_space<vmem>>[vector<16xi32>, vector<16xi32>], vector<16xf32>,
        %get3A_340 = arith.index_cast %add3A_335 : i32 to index
        %get3A_341 = arith.constant 0 : index
        %get3A_342 = tpu.vector_load %arg16[%get3A_340, %get3A_341] {strides = array<i32>} : memref<80x128xf32, #tpu.memory_space<vmem>>, vector<16xf32>,
        %mul3A_343 = arith.mulf %get3A_342, %gather3A_339 : vector<16xf32>
        %swap3A_344 = arith.index_cast %add3A_335 : i32 to index
        %swap3A_345 = arith.constant 0 : index
        %swap3A_346 = tpu.vector_load %arg16[%swap3A_344, %swap3A_345] {strides = array<i32>} : memref<80x128xf32, #tpu.memory_space<vmem>>, vector<16xf32>,
        tpu.vector_store %arg16[%swap3A_344, %swap3A_345], %mul3A_343 {strides = array<i32>} : memref<80x128xf32, #tpu.memory_space<vmem>>, vector<16xf32>,
        %get3A_347 = arith.index_cast %add3A_335 : i32 to index
        %get3A_348 = arith.constant 16 : index
        %get3A_349 = tpu.vector_load %arg16[%get3A_347, %get3A_348] {strides = array<i32>} : memref<80x128xf32, #tpu.memory_space<vmem>>, vector<16xf32>,
        %mul3A_350 = arith.mulf %get3A_349, %gather3A_339 : vector<16xf32>
        %swap3A_351 = arith.index_cast %add3A_335 : i32 to index
        %swap3A_352 = arith.constant 16 : index
        %swap3A_353 = tpu.vector_load %arg16[%swap3A_351, %swap3A_352] {strides = array<i32>} : memref<80x128xf32, #tpu.memory_space<vmem>>, vector<16xf32>,
        tpu.vector_store %arg16[%swap3A_351, %swap3A_352], %mul3A_350 {strides = array<i32>} : memref<80x128xf32, #tpu.memory_space<vmem>>, vector<16xf32>,
        %broadcast_in_dim3A_354 = arith.constant 1 : i32
        %broadcast_in_dim3A_355 = vector.broadcast %broadcast_in_dim3A_354 : i32 to vector<16xi32>
        %gather3A_356 = tpu.vector_load_idx %arg13[%broadcast_in_dim3A_336, %broadcast_in_dim3A_355] : memref<80x8xf32, #tpu.memory_space<vmem>>[vector<16xi32>, vector<16xi32>], vector<16xf32>,
        %get3A_357 = arith.index_cast %add3A_335 : i32 to index
        %get3A_358 = arith.constant 32 : index
        %get3A_359 = tpu.vector_load %arg16[%get3A_357, %get3A_358] {strides = array<i32>} : memref<80x128xf32, #tpu.memory_space<vmem>>, vector<16xf32>,
        %mul3A_360 = arith.mulf %get3A_359, %gather3A_356 : vector<16xf32>
        %swap3A_361 = arith.index_cast %add3A_335 : i32 to index
        %swap3A_362 = arith.constant 32 : index
        %swap3A_363 = tpu.vector_load %arg16[%swap3A_361, %swap3A_362] {strides = array<i32>} : memref<80x128xf32, #tpu.memory_space<vmem>>, vector<16xf32>,
        tpu.vector_store %arg16[%swap3A_361, %swap3A_362], %mul3A_360 {strides = array<i32>} : memref<80x128xf32, #tpu.memory_space<vmem>>, vector<16xf32>,
        %get3A_364 = arith.index_cast %add3A_335 : i32 to index
        %get3A_365 = arith.constant 48 : index
        %get3A_366 = tpu.vector_load %arg16[%get3A_364, %get3A_365] {strides = array<i32>} : memref<80x128xf32, #tpu.memory_space<vmem>>, vector<16xf32>,
        %mul3A_367 = arith.mulf %get3A_366, %gather3A_356 : vector<16xf32>
        %swap3A_368 = arith.index_cast %add3A_335 : i32 to index
        %swap3A_369 = arith.constant 48 : index
        %swap3A_370 = tpu.vector_load %arg16[%swap3A_368, %swap3A_369] {strides = array<i32>} : memref<80x128xf32, #tpu.memory_space<vmem>>, vector<16xf32>,
        tpu.vector_store %arg16[%swap3A_368, %swap3A_369], %mul3A_367 {strides = array<i32>} : memref<80x128xf32, #tpu.memory_space<vmem>>, vector<16xf32>,
        %broadcast_in_dim3A_371 = arith.constant 2 : i32
        %broadcast_in_dim3A_372 = vector.broadcast %broadcast_in_dim3A_371 : i32 to vector<16xi32>
        %gather3A_373 = tpu.vector_load_idx %arg13[%broadcast_in_dim3A_336, %broadcast_in_dim3A_372] : memref<80x8xf32, #tpu.memory_space<vmem>>[vector<16xi32>, vector<16xi32>], vector<16xf32>,
        %get3A_374 = arith.index_cast %add3A_335 : i32 to index
        %get3A_375 = arith.constant 64 : index
        %get3A_376 = tpu.vector_load %arg16[%get3A_374, %get3A_375] {strides = array<i32>} : memref<80x128xf32, #tpu.memory_space<vmem>>, vector<16xf32>,
        %mul3A_377 = arith.mulf %get3A_376, %gather3A_373 : vector<16xf32>
        %swap3A_378 = arith.index_cast %add3A_335 : i32 to index
        %swap3A_379 = arith.constant 64 : index
        %swap3A_380 = tpu.vector_load %arg16[%swap3A_378, %swap3A_379] {strides = array<i32>} : memref<80x128xf32, #tpu.memory_space<vmem>>, vector<16xf32>,
        tpu.vector_store %arg16[%swap3A_378, %swap3A_379], %mul3A_377 {strides = array<i32>} : memref<80x128xf32, #tpu.memory_space<vmem>>, vector<16xf32>,
        %get3A_381 = arith.index_cast %add3A_335 : i32 to index
        %get3A_382 = arith.constant 80 : index
        %get3A_383 = tpu.vector_load %arg16[%get3A_381, %get3A_382] {strides = array<i32>} : memref<80x128xf32, #tpu.memory_space<vmem>>, vector<16xf32>,
        %mul3A_384 = arith.mulf %get3A_383, %gather3A_373 : vector<16xf32>
        %swap3A_385 = arith.index_cast %add3A_335 : i32 to index
        %swap3A_386 = arith.constant 80 : index
        %swap3A_387 = tpu.vector_load %arg16[%swap3A_385, %swap3A_386] {strides = array<i32>} : memref<80x128xf32, #tpu.memory_space<vmem>>, vector<16xf32>,
        tpu.vector_store %arg16[%swap3A_385, %swap3A_386], %mul3A_384 {strides = array<i32>} : memref<80x128xf32, #tpu.memory_space<vmem>>, vector<16xf32>,
        %broadcast_in_dim3A_388 = arith.constant 3 : i32
        %broadcast_in_dim3A_389 = vector.broadcast %broadcast_in_dim3A_388 : i32 to vector<16xi32>
        %gather3A_390 = tpu.vector_load_idx %arg13[%broadcast_in_dim3A_336, %broadcast_in_dim3A_389] : memref<80x8xf32, #tpu.memory_space<vmem>>[vector<16xi32>, vector<16xi32>], vector<16xf32>,
        %get3A_391 = arith.index_cast %add3A_335 : i32 to index
        %get3A_392 = arith.constant 96 : index
        %get3A_393 = tpu.vector_load %arg16[%get3A_391, %get3A_392] {strides = array<i32>} : memref<80x128xf32, #tpu.memory_space<vmem>>, vector<16xf32>,
        %mul3A_394 = arith.mulf %get3A_393, %gather3A_390 : vector<16xf32>
        %swap3A_395 = arith.index_cast %add3A_335 : i32 to index
        %swap3A_396 = arith.constant 96 : index
        %swap3A_397 = tpu.vector_load %arg16[%swap3A_395, %swap3A_396] {strides = array<i32>} : memref<80x128xf32, #tpu.memory_space<vmem>>, vector<16xf32>,
        tpu.vector_store %arg16[%swap3A_395, %swap3A_396], %mul3A_394 {strides = array<i32>} : memref<80x128xf32, #tpu.memory_space<vmem>>, vector<16xf32>,
        %get3A_398 = arith.index_cast %add3A_335 : i32 to index
        %get3A_399 = arith.constant 112 : index
        %get3A_400 = tpu.vector_load %arg16[%get3A_398, %get3A_399] {strides = array<i32>} : memref<80x128xf32, #tpu.memory_space<vmem>>, vector<16xf32>,
        %mul3A_401 = arith.mulf %get3A_400, %gather3A_390 : vector<16xf32>
        %swap3A_402 = arith.index_cast %add3A_335 : i32 to index
        %swap3A_403 = arith.constant 112 : index
        %swap3A_404 = tpu.vector_load %arg16[%swap3A_402, %swap3A_403] {strides = array<i32>} : memref<80x128xf32, #tpu.memory_space<vmem>>, vector<16xf32>,
        tpu.vector_store %arg16[%swap3A_402, %swap3A_403], %mul3A_401 {strides = array<i32>} : memref<80x128xf32, #tpu.memory_space<vmem>>, vector<16xf32>,
        %add3A_405 = arith.constant 5 : i32
        %add3A_406 = arith.addi %add3A_53, %add3A_405 : i32
        %broadcast_in_dim3A_407 = vector.broadcast %add3A_406 : i32 to vector<16xi32>
        %broadcast_in_dim3A_408 = arith.constant 0 : i32
        %broadcast_in_dim3A_409 = vector.broadcast %broadcast_in_dim3A_408 : i32 to vector<16xi32>
        %gather3A_410 = tpu.vector_load_idx %arg13[%broadcast_in_dim3A_407, %broadcast_in_dim3A_409] : memref<80x8xf32, #tpu.memory_space<vmem>>[vector<16xi32>, vector<16xi32>], vector<16xf32>,
        %get3A_411 = arith.index_cast %add3A_406 : i32 to index
        %get3A_412 = arith.constant 0 : index
        %get3A_413 = tpu.vector_load %arg16[%get3A_411, %get3A_412] {strides = array<i32>} : memref<80x128xf32, #tpu.memory_space<vmem>>, vector<16xf32>,
        %mul3A_414 = arith.mulf %get3A_413, %gather3A_410 : vector<16xf32>
        %swap3A_415 = arith.index_cast %add3A_406 : i32 to index
        %swap3A_416 = arith.constant 0 : index
        %swap3A_417 = tpu.vector_load %arg16[%swap3A_415, %swap3A_416] {strides = array<i32>} : memref<80x128xf32, #tpu.memory_space<vmem>>, vector<16xf32>,
        tpu.vector_store %arg16[%swap3A_415, %swap3A_416], %mul3A_414 {strides = array<i32>} : memref<80x128xf32, #tpu.memory_space<vmem>>, vector<16xf32>,
        %get3A_418 = arith.index_cast %add3A_406 : i32 to index
        %get3A_419 = arith.constant 16 : index
        %get3A_420 = tpu.vector_load %arg16[%get3A_418, %get3A_419] {strides = array<i32>} : memref<80x128xf32, #tpu.memory_space<vmem>>, vector<16xf32>,
        %mul3A_421 = arith.mulf %get3A_420, %gather3A_410 : vector<16xf32>
        %swap3A_422 = arith.index_cast %add3A_406 : i32 to index
        %swap3A_423 = arith.constant 16 : index
        %swap3A_424 = tpu.vector_load %arg16[%swap3A_422, %swap3A_423] {strides = array<i32>} : memref<80x128xf32, #tpu.memory_space<vmem>>, vector<16xf32>,
        tpu.vector_store %arg16[%swap3A_422, %swap3A_423], %mul3A_421 {strides = array<i32>} : memref<80x128xf32, #tpu.memory_space<vmem>>, vector<16xf32>,
        %broadcast_in_dim3A_425 = arith.constant 1 : i32
        %broadcast_in_dim3A_426 = vector.broadcast %broadcast_in_dim3A_425 : i32 to vector<16xi32>
        %gather3A_427 = tpu.vector_load_idx %arg13[%broadcast_in_dim3A_407, %broadcast_in_dim3A_426] : memref<80x8xf32, #tpu.memory_space<vmem>>[vector<16xi32>, vector<16xi32>], vector<16xf32>,
        %get3A_428 = arith.index_cast %add3A_406 : i32 to index
        %get3A_429 = arith.constant 32 : index
        %get3A_430 = tpu.vector_load %arg16[%get3A_428, %get3A_429] {strides = array<i32>} : memref<80x128xf32, #tpu.memory_space<vmem>>, vector<16xf32>,
        %mul3A_431 = arith.mulf %get3A_430, %gather3A_427 : vector<16xf32>
        %swap3A_432 = arith.index_cast %add3A_406 : i32 to index
        %swap3A_433 = arith.constant 32 : index
        %swap3A_434 = tpu.vector_load %arg16[%swap3A_432, %swap3A_433] {strides = array<i32>} : memref<80x128xf32, #tpu.memory_space<vmem>>, vector<16xf32>,
        tpu.vector_store %arg16[%swap3A_432, %swap3A_433], %mul3A_431 {strides = array<i32>} : memref<80x128xf32, #tpu.memory_space<vmem>>, vector<16xf32>,
        %get3A_435 = arith.index_cast %add3A_406 : i32 to index
        %get3A_436 = arith.constant 48 : index
        %get3A_437 = tpu.vector_load %arg16[%get3A_435, %get3A_436] {strides = array<i32>} : memref<80x128xf32, #tpu.memory_space<vmem>>, vector<16xf32>,
        %mul3A_438 = arith.mulf %get3A_437, %gather3A_427 : vector<16xf32>
        %swap3A_439 = arith.index_cast %add3A_406 : i32 to index
        %swap3A_440 = arith.constant 48 : index
        %swap3A_441 = tpu.vector_load %arg16[%swap3A_439, %swap3A_440] {strides = array<i32>} : memref<80x128xf32, #tpu.memory_space<vmem>>, vector<16xf32>,
        tpu.vector_store %arg16[%swap3A_439, %swap3A_440], %mul3A_438 {strides = array<i32>} : memref<80x128xf32, #tpu.memory_space<vmem>>, vector<16xf32>,
        %broadcast_in_dim3A_442 = arith.constant 2 : i32
        %broadcast_in_dim3A_443 = vector.broadcast %broadcast_in_dim3A_442 : i32 to vector<16xi32>
        %gather3A_444 = tpu.vector_load_idx %arg13[%broadcast_in_dim3A_407, %broadcast_in_dim3A_443] : memref<80x8xf32, #tpu.memory_space<vmem>>[vector<16xi32>, vector<16xi32>], vector<16xf32>,
        %get3A_445 = arith.index_cast %add3A_406 : i32 to index
        %get3A_446 = arith.constant 64 : index
        %get3A_447 = tpu.vector_load %arg16[%get3A_445, %get3A_446] {strides = array<i32>} : memref<80x128xf32, #tpu.memory_space<vmem>>, vector<16xf32>,
        %mul3A_448 = arith.mulf %get3A_447, %gather3A_444 : vector<16xf32>
        %swap3A_449 = arith.index_cast %add3A_406 : i32 to index
        %swap3A_450 = arith.constant 64 : index
        %swap3A_451 = tpu.vector_load %arg16[%swap3A_449, %swap3A_450] {strides = array<i32>} : memref<80x128xf32, #tpu.memory_space<vmem>>, vector<16xf32>,
        tpu.vector_store %arg16[%swap3A_449, %swap3A_450], %mul3A_448 {strides = array<i32>} : memref<80x128xf32, #tpu.memory_space<vmem>>, vector<16xf32>,
        %get3A_452 = arith.index_cast %add3A_406 : i32 to index
        %get3A_453 = arith.constant 80 : index
        %get3A_454 = tpu.vector_load %arg16[%get3A_452, %get3A_453] {strides = array<i32>} : memref<80x128xf32, #tpu.memory_space<vmem>>, vector<16xf32>,
        %mul3A_455 = arith.mulf %get3A_454, %gather3A_444 : vector<16xf32>
        %swap3A_456 = arith.index_cast %add3A_406 : i32 to index
        %swap3A_457 = arith.constant 80 : index
        %swap3A_458 = tpu.vector_load %arg16[%swap3A_456, %swap3A_457] {strides = array<i32>} : memref<80x128xf32, #tpu.memory_space<vmem>>, vector<16xf32>,
        tpu.vector_store %arg16[%swap3A_456, %swap3A_457], %mul3A_455 {strides = array<i32>} : memref<80x128xf32, #tpu.memory_space<vmem>>, vector<16xf32>,
        %broadcast_in_dim3A_459 = arith.constant 3 : i32
        %broadcast_in_dim3A_460 = vector.broadcast %broadcast_in_dim3A_459 : i32 to vector<16xi32>
        %gather3A_461 = tpu.vector_load_idx %arg13[%broadcast_in_dim3A_407, %broadcast_in_dim3A_460] : memref<80x8xf32, #tpu.memory_space<vmem>>[vector<16xi32>, vector<16xi32>], vector<16xf32>,
        %get3A_462 = arith.index_cast %add3A_406 : i32 to index
        %get3A_463 = arith.constant 96 : index
        %get3A_464 = tpu.vector_load %arg16[%get3A_462, %get3A_463] {strides = array<i32>} : memref<80x128xf32, #tpu.memory_space<vmem>>, vector<16xf32>,
        %mul3A_465 = arith.mulf %get3A_464, %gather3A_461 : vector<16xf32>
        %swap3A_466 = arith.index_cast %add3A_406 : i32 to index
        %swap3A_467 = arith.constant 96 : index
        %swap3A_468 = tpu.vector_load %arg16[%swap3A_466, %swap3A_467] {strides = array<i32>} : memref<80x128xf32, #tpu.memory_space<vmem>>, vector<16xf32>,
        tpu.vector_store %arg16[%swap3A_466, %swap3A_467], %mul3A_465 {strides = array<i32>} : memref<80x128xf32, #tpu.memory_space<vmem>>, vector<16xf32>,
        %get3A_469 = arith.index_cast %add3A_406 : i32 to index
        %get3A_470 = arith.constant 112 : index
        %get3A_471 = tpu.vector_load %arg16[%get3A_469, %get3A_470] {strides = array<i32>} : memref<80x128xf32, #tpu.memory_space<vmem>>, vector<16xf32>,
        %mul3A_472 = arith.mulf %get3A_471, %gather3A_461 : vector<16xf32>
        %swap3A_473 = arith.index_cast %add3A_406 : i32 to index
        %swap3A_474 = arith.constant 112 : index
        %swap3A_475 = tpu.vector_load %arg16[%swap3A_473, %swap3A_474] {strides = array<i32>} : memref<80x128xf32, #tpu.memory_space<vmem>>, vector<16xf32>,
        tpu.vector_store %arg16[%swap3A_473, %swap3A_474], %mul3A_472 {strides = array<i32>} : memref<80x128xf32, #tpu.memory_space<vmem>>, vector<16xf32>,
        %add3A_476 = arith.constant 6 : i32
        %add3A_477 = arith.addi %add3A_53, %add3A_476 : i32
        %broadcast_in_dim3A_478 = vector.broadcast %add3A_477 : i32 to vector<16xi32>
        %broadcast_in_dim3A_479 = arith.constant 0 : i32
        %broadcast_in_dim3A_480 = vector.broadcast %broadcast_in_dim3A_479 : i32 to vector<16xi32>
        %gather3A_481 = tpu.vector_load_idx %arg13[%broadcast_in_dim3A_478, %broadcast_in_dim3A_480] : memref<80x8xf32, #tpu.memory_space<vmem>>[vector<16xi32>, vector<16xi32>], vector<16xf32>,
        %get3A_482 = arith.index_cast %add3A_477 : i32 to index
        %get3A_483 = arith.constant 0 : index
        %get3A_484 = tpu.vector_load %arg16[%get3A_482, %get3A_483] {strides = array<i32>} : memref<80x128xf32, #tpu.memory_space<vmem>>, vector<16xf32>,
        %mul3A_485 = arith.mulf %get3A_484, %gather3A_481 : vector<16xf32>
        %swap3A_486 = arith.index_cast %add3A_477 : i32 to index
        %swap3A_487 = arith.constant 0 : index
        %swap3A_488 = tpu.vector_load %arg16[%swap3A_486, %swap3A_487] {strides = array<i32>} : memref<80x128xf32, #tpu.memory_space<vmem>>, vector<16xf32>,
        tpu.vector_store %arg16[%swap3A_486, %swap3A_487], %mul3A_485 {strides = array<i32>} : memref<80x128xf32, #tpu.memory_space<vmem>>, vector<16xf32>,
        %get3A_489 = arith.index_cast %add3A_477 : i32 to index
        %get3A_490 = arith.constant 16 : index
        %get3A_491 = tpu.vector_load %arg16[%get3A_489, %get3A_490] {strides = array<i32>} : memref<80x128xf32, #tpu.memory_space<vmem>>, vector<16xf32>,
        %mul3A_492 = arith.mulf %get3A_491, %gather3A_481 : vector<16xf32>
        %swap3A_493 = arith.index_cast %add3A_477 : i32 to index
        %swap3A_494 = arith.constant 16 : index
        %swap3A_495 = tpu.vector_load %arg16[%swap3A_493, %swap3A_494] {strides = array<i32>} : memref<80x128xf32, #tpu.memory_space<vmem>>, vector<16xf32>,
        tpu.vector_store %arg16[%swap3A_493, %swap3A_494], %mul3A_492 {strides = array<i32>} : memref<80x128xf32, #tpu.memory_space<vmem>>, vector<16xf32>,
        %broadcast_in_dim3A_496 = arith.constant 1 : i32
        %broadcast_in_dim3A_497 = vector.broadcast %broadcast_in_dim3A_496 : i32 to vector<16xi32>
        %gather3A_498 = tpu.vector_load_idx %arg13[%broadcast_in_dim3A_478, %broadcast_in_dim3A_497] : memref<80x8xf32, #tpu.memory_space<vmem>>[vector<16xi32>, vector<16xi32>], vector<16xf32>,
        %get3A_499 = arith.index_cast %add3A_477 : i32 to index
        %get3A_500 = arith.constant 32 : index
        %get3A_501 = tpu.vector_load %arg16[%get3A_499, %get3A_500] {strides = array<i32>} : memref<80x128xf32, #tpu.memory_space<vmem>>, vector<16xf32>,
        %mul3A_502 = arith.mulf %get3A_501, %gather3A_498 : vector<16xf32>
        %swap3A_503 = arith.index_cast %add3A_477 : i32 to index
        %swap3A_504 = arith.constant 32 : index
        %swap3A_505 = tpu.vector_load %arg16[%swap3A_503, %swap3A_504] {strides = array<i32>} : memref<80x128xf32, #tpu.memory_space<vmem>>, vector<16xf32>,
        tpu.vector_store %arg16[%swap3A_503, %swap3A_504], %mul3A_502 {strides = array<i32>} : memref<80x128xf32, #tpu.memory_space<vmem>>, vector<16xf32>,
        %get3A_506 = arith.index_cast %add3A_477 : i32 to index
        %get3A_507 = arith.constant 48 : index
        %get3A_508 = tpu.vector_load %arg16[%get3A_506, %get3A_507] {strides = array<i32>} : memref<80x128xf32, #tpu.memory_space<vmem>>, vector<16xf32>,
        %mul3A_509 = arith.mulf %get3A_508, %gather3A_498 : vector<16xf32>
        %swap3A_510 = arith.index_cast %add3A_477 : i32 to index
        %swap3A_511 = arith.constant 48 : index
        %swap3A_512 = tpu.vector_load %arg16[%swap3A_510, %swap3A_511] {strides = array<i32>} : memref<80x128xf32, #tpu.memory_space<vmem>>, vector<16xf32>,
        tpu.vector_store %arg16[%swap3A_510, %swap3A_511], %mul3A_509 {strides = array<i32>} : memref<80x128xf32, #tpu.memory_space<vmem>>, vector<16xf32>,
        %broadcast_in_dim3A_513 = arith.constant 2 : i32
        %broadcast_in_dim3A_514 = vector.broadcast %broadcast_in_dim3A_513 : i32 to vector<16xi32>
        %gather3A_515 = tpu.vector_load_idx %arg13[%broadcast_in_dim3A_478, %broadcast_in_dim3A_514] : memref<80x8xf32, #tpu.memory_space<vmem>>[vector<16xi32>, vector<16xi32>], vector<16xf32>,
        %get3A_516 = arith.index_cast %add3A_477 : i32 to index
        %get3A_517 = arith.constant 64 : index
        %get3A_518 = tpu.vector_load %arg16[%get3A_516, %get3A_517] {strides = array<i32>} : memref<80x128xf32, #tpu.memory_space<vmem>>, vector<16xf32>,
        %mul3A_519 = arith.mulf %get3A_518, %gather3A_515 : vector<16xf32>
        %swap3A_520 = arith.index_cast %add3A_477 : i32 to index
        %swap3A_521 = arith.constant 64 : index
        %swap3A_522 = tpu.vector_load %arg16[%swap3A_520, %swap3A_521] {strides = array<i32>} : memref<80x128xf32, #tpu.memory_space<vmem>>, vector<16xf32>,
        tpu.vector_store %arg16[%swap3A_520, %swap3A_521], %mul3A_519 {strides = array<i32>} : memref<80x128xf32, #tpu.memory_space<vmem>>, vector<16xf32>,
        %get3A_523 = arith.index_cast %add3A_477 : i32 to index
        %get3A_524 = arith.constant 80 : index
        %get3A_525 = tpu.vector_load %arg16[%get3A_523, %get3A_524] {strides = array<i32>} : memref<80x128xf32, #tpu.memory_space<vmem>>, vector<16xf32>,
        %mul3A_526 = arith.mulf %get3A_525, %gather3A_515 : vector<16xf32>
        %swap3A_527 = arith.index_cast %add3A_477 : i32 to index
        %swap3A_528 = arith.constant 80 : index
        %swap3A_529 = tpu.vector_load %arg16[%swap3A_527, %swap3A_528] {strides = array<i32>} : memref<80x128xf32, #tpu.memory_space<vmem>>, vector<16xf32>,
        tpu.vector_store %arg16[%swap3A_527, %swap3A_528], %mul3A_526 {strides = array<i32>} : memref<80x128xf32, #tpu.memory_space<vmem>>, vector<16xf32>,
        %broadcast_in_dim3A_530 = arith.constant 3 : i32
        %broadcast_in_dim3A_531 = vector.broadcast %broadcast_in_dim3A_530 : i32 to vector<16xi32>
        %gather3A_532 = tpu.vector_load_idx %arg13[%broadcast_in_dim3A_478, %broadcast_in_dim3A_531] : memref<80x8xf32, #tpu.memory_space<vmem>>[vector<16xi32>, vector<16xi32>], vector<16xf32>,
        %get3A_533 = arith.index_cast %add3A_477 : i32 to index
        %get3A_534 = arith.constant 96 : index
        %get3A_535 = tpu.vector_load %arg16[%get3A_533, %get3A_534] {strides = array<i32>} : memref<80x128xf32, #tpu.memory_space<vmem>>, vector<16xf32>,
        %mul3A_536 = arith.mulf %get3A_535, %gather3A_532 : vector<16xf32>
        %swap3A_537 = arith.index_cast %add3A_477 : i32 to index
        %swap3A_538 = arith.constant 96 : index
        %swap3A_539 = tpu.vector_load %arg16[%swap3A_537, %swap3A_538] {strides = array<i32>} : memref<80x128xf32, #tpu.memory_space<vmem>>, vector<16xf32>,
        tpu.vector_store %arg16[%swap3A_537, %swap3A_538], %mul3A_536 {strides = array<i32>} : memref<80x128xf32, #tpu.memory_space<vmem>>, vector<16xf32>,
        %get3A_540 = arith.index_cast %add3A_477 : i32 to index
        %get3A_541 = arith.constant 112 : index
        %get3A_542 = tpu.vector_load %arg16[%get3A_540, %get3A_541] {strides = array<i32>} : memref<80x128xf32, #tpu.memory_space<vmem>>, vector<16xf32>,
        %mul3A_543 = arith.mulf %get3A_542, %gather3A_532 : vector<16xf32>
        %swap3A_544 = arith.index_cast %add3A_477 : i32 to index
        %swap3A_545 = arith.constant 112 : index
        %swap3A_546 = tpu.vector_load %arg16[%swap3A_544, %swap3A_545] {strides = array<i32>} : memref<80x128xf32, #tpu.memory_space<vmem>>, vector<16xf32>,
        tpu.vector_store %arg16[%swap3A_544, %swap3A_545], %mul3A_543 {strides = array<i32>} : memref<80x128xf32, #tpu.memory_space<vmem>>, vector<16xf32>,
        %add3A_547 = arith.constant 7 : i32
        %add3A_548 = arith.addi %add3A_53, %add3A_547 : i32
        %broadcast_in_dim3A_549 = vector.broadcast %add3A_548 : i32 to vector<16xi32>
        %broadcast_in_dim3A_550 = arith.constant 0 : i32
        %broadcast_in_dim3A_551 = vector.broadcast %broadcast_in_dim3A_550 : i32 to vector<16xi32>
        %gather3A_552 = tpu.vector_load_idx %arg13[%broadcast_in_dim3A_549, %broadcast_in_dim3A_551] : memref<80x8xf32, #tpu.memory_space<vmem>>[vector<16xi32>, vector<16xi32>], vector<16xf32>,
        %get3A_553 = arith.index_cast %add3A_548 : i32 to index
        %get3A_554 = arith.constant 0 : index
        %get3A_555 = tpu.vector_load %arg16[%get3A_553, %get3A_554] {strides = array<i32>} : memref<80x128xf32, #tpu.memory_space<vmem>>, vector<16xf32>,
        %mul3A_556 = arith.mulf %get3A_555, %gather3A_552 : vector<16xf32>
        %swap3A_557 = arith.index_cast %add3A_548 : i32 to index
        %swap3A_558 = arith.constant 0 : index
        %swap3A_559 = tpu.vector_load %arg16[%swap3A_557, %swap3A_558] {strides = array<i32>} : memref<80x128xf32, #tpu.memory_space<vmem>>, vector<16xf32>,
        tpu.vector_store %arg16[%swap3A_557, %swap3A_558], %mul3A_556 {strides = array<i32>} : memref<80x128xf32, #tpu.memory_space<vmem>>, vector<16xf32>,
        %get3A_560 = arith.index_cast %add3A_548 : i32 to index
        %get3A_561 = arith.constant 16 : index
        %get3A_562 = tpu.vector_load %arg16[%get3A_560, %get3A_561] {strides = array<i32>} : memref<80x128xf32, #tpu.memory_space<vmem>>, vector<16xf32>,
        %mul3A_563 = arith.mulf %get3A_562, %gather3A_552 : vector<16xf32>
        %swap3A_564 = arith.index_cast %add3A_548 : i32 to index
        %swap3A_565 = arith.constant 16 : index
        %swap3A_566 = tpu.vector_load %arg16[%swap3A_564, %swap3A_565] {strides = array<i32>} : memref<80x128xf32, #tpu.memory_space<vmem>>, vector<16xf32>,
        tpu.vector_store %arg16[%swap3A_564, %swap3A_565], %mul3A_563 {strides = array<i32>} : memref<80x128xf32, #tpu.memory_space<vmem>>, vector<16xf32>,
        %broadcast_in_dim3A_567 = arith.constant 1 : i32
        %broadcast_in_dim3A_568 = vector.broadcast %broadcast_in_dim3A_567 : i32 to vector<16xi32>
        %gather3A_569 = tpu.vector_load_idx %arg13[%broadcast_in_dim3A_549, %broadcast_in_dim3A_568] : memref<80x8xf32, #tpu.memory_space<vmem>>[vector<16xi32>, vector<16xi32>], vector<16xf32>,
        %get3A_570 = arith.index_cast %add3A_548 : i32 to index
        %get3A_571 = arith.constant 32 : index
        %get3A_572 = tpu.vector_load %arg16[%get3A_570, %get3A_571] {strides = array<i32>} : memref<80x128xf32, #tpu.memory_space<vmem>>, vector<16xf32>,
        %mul3A_573 = arith.mulf %get3A_572, %gather3A_569 : vector<16xf32>
        %swap3A_574 = arith.index_cast %add3A_548 : i32 to index
        %swap3A_575 = arith.constant 32 : index
        %swap3A_576 = tpu.vector_load %arg16[%swap3A_574, %swap3A_575] {strides = array<i32>} : memref<80x128xf32, #tpu.memory_space<vmem>>, vector<16xf32>,
        tpu.vector_store %arg16[%swap3A_574, %swap3A_575], %mul3A_573 {strides = array<i32>} : memref<80x128xf32, #tpu.memory_space<vmem>>, vector<16xf32>,
        %get3A_577 = arith.index_cast %add3A_548 : i32 to index
        %get3A_578 = arith.constant 48 : index
        %get3A_579 = tpu.vector_load %arg16[%get3A_577, %get3A_578] {strides = array<i32>} : memref<80x128xf32, #tpu.memory_space<vmem>>, vector<16xf32>,
        %mul3A_580 = arith.mulf %get3A_579, %gather3A_569 : vector<16xf32>
        %swap3A_581 = arith.index_cast %add3A_548 : i32 to index
        %swap3A_582 = arith.constant 48 : index
        %swap3A_583 = tpu.vector_load %arg16[%swap3A_581, %swap3A_582] {strides = array<i32>} : memref<80x128xf32, #tpu.memory_space<vmem>>, vector<16xf32>,
        tpu.vector_store %arg16[%swap3A_581, %swap3A_582], %mul3A_580 {strides = array<i32>} : memref<80x128xf32, #tpu.memory_space<vmem>>, vector<16xf32>,
        %broadcast_in_dim3A_584 = arith.constant 2 : i32
        %broadcast_in_dim3A_585 = vector.broadcast %broadcast_in_dim3A_584 : i32 to vector<16xi32>
        %gather3A_586 = tpu.vector_load_idx %arg13[%broadcast_in_dim3A_549, %broadcast_in_dim3A_585] : memref<80x8xf32, #tpu.memory_space<vmem>>[vector<16xi32>, vector<16xi32>], vector<16xf32>,
        %get3A_587 = arith.index_cast %add3A_548 : i32 to index
        %get3A_588 = arith.constant 64 : index
        %get3A_589 = tpu.vector_load %arg16[%get3A_587, %get3A_588] {strides = array<i32>} : memref<80x128xf32, #tpu.memory_space<vmem>>, vector<16xf32>,
        %mul3A_590 = arith.mulf %get3A_589, %gather3A_586 : vector<16xf32>
        %swap3A_591 = arith.index_cast %add3A_548 : i32 to index
        %swap3A_592 = arith.constant 64 : index
        %swap3A_593 = tpu.vector_load %arg16[%swap3A_591, %swap3A_592] {strides = array<i32>} : memref<80x128xf32, #tpu.memory_space<vmem>>, vector<16xf32>,
        tpu.vector_store %arg16[%swap3A_591, %swap3A_592], %mul3A_590 {strides = array<i32>} : memref<80x128xf32, #tpu.memory_space<vmem>>, vector<16xf32>,
        %get3A_594 = arith.index_cast %add3A_548 : i32 to index
        %get3A_595 = arith.constant 80 : index
        %get3A_596 = tpu.vector_load %arg16[%get3A_594, %get3A_595] {strides = array<i32>} : memref<80x128xf32, #tpu.memory_space<vmem>>, vector<16xf32>,
        %mul3A_597 = arith.mulf %get3A_596, %gather3A_586 : vector<16xf32>
        %swap3A_598 = arith.index_cast %add3A_548 : i32 to index
        %swap3A_599 = arith.constant 80 : index
        %swap3A_600 = tpu.vector_load %arg16[%swap3A_598, %swap3A_599] {strides = array<i32>} : memref<80x128xf32, #tpu.memory_space<vmem>>, vector<16xf32>,
        tpu.vector_store %arg16[%swap3A_598, %swap3A_599], %mul3A_597 {strides = array<i32>} : memref<80x128xf32, #tpu.memory_space<vmem>>, vector<16xf32>,
        %broadcast_in_dim3A_601 = arith.constant 3 : i32
        %broadcast_in_dim3A_602 = vector.broadcast %broadcast_in_dim3A_601 : i32 to vector<16xi32>
        %gather3A_603 = tpu.vector_load_idx %arg13[%broadcast_in_dim3A_549, %broadcast_in_dim3A_602] : memref<80x8xf32, #tpu.memory_space<vmem>>[vector<16xi32>, vector<16xi32>], vector<16xf32>,
        %get3A_604 = arith.index_cast %add3A_548 : i32 to index
        %get3A_605 = arith.constant 96 : index
        %get3A_606 = tpu.vector_load %arg16[%get3A_604, %get3A_605] {strides = array<i32>} : memref<80x128xf32, #tpu.memory_space<vmem>>, vector<16xf32>,
        %mul3A_607 = arith.mulf %get3A_606, %gather3A_603 : vector<16xf32>
        %swap3A_608 = arith.index_cast %add3A_548 : i32 to index
        %swap3A_609 = arith.constant 96 : index
        %swap3A_610 = tpu.vector_load %arg16[%swap3A_608, %swap3A_609] {strides = array<i32>} : memref<80x128xf32, #tpu.memory_space<vmem>>, vector<16xf32>,
        tpu.vector_store %arg16[%swap3A_608, %swap3A_609], %mul3A_607 {strides = array<i32>} : memref<80x128xf32, #tpu.memory_space<vmem>>, vector<16xf32>,
        %get3A_611 = arith.index_cast %add3A_548 : i32 to index
        %get3A_612 = arith.constant 112 : index
        %get3A_613 = tpu.vector_load %arg16[%get3A_611, %get3A_612] {strides = array<i32>} : memref<80x128xf32, #tpu.memory_space<vmem>>, vector<16xf32>,
        %mul3A_614 = arith.mulf %get3A_613, %gather3A_603 : vector<16xf32>
        %swap3A_615 = arith.index_cast %add3A_548 : i32 to index
        %swap3A_616 = arith.constant 112 : index
        %swap3A_617 = tpu.vector_load %arg16[%swap3A_615, %swap3A_616] {strides = array<i32>} : memref<80x128xf32, #tpu.memory_space<vmem>>, vector<16xf32>,
        tpu.vector_store %arg16[%swap3A_615, %swap3A_616], %mul3A_614 {strides = array<i32>} : memref<80x128xf32, #tpu.memory_space<vmem>>, vector<16xf32>,
      }
      %scan3A_48 = arith.constant 10 : i32
      "tpu.region"() ({
        %run_scoped3A = tpu.sem_alloc : memref<!tpu.dma_semaphore, #tpu.memory_space<semaphore_mem>>
        %dma_start3A_49 = arith.constant 0 : i32
        %dma_start3A_50 = arith.constant 0 : i32
        %dma_start3A_51 = tpu.memref_slice %arg17[%dma_start3A_49, %dma_start3A_50] : memref<10000x128xf32, #tpu.memory_space<vmem_shared>> -> memref<10000x128xf32, #tpu.memory_space<vmem_shared>>
        tpu.enqueue_indirect_dma source(%arg16 : memref<80x128xf32, #tpu.memory_space<vmem>>) target(%dma_start3A_51 : memref<10000x128xf32, #tpu.memory_space<vmem_shared>>) offsets(%arg12 : memref<80xi32, #tpu.memory_space<vmem>>) semaphore(%run_scoped3A : memref<!tpu.dma_semaphore, #tpu.memory_space<semaphore_mem>>) {add = true}
        %dma_wait3A_52 = arith.constant 0 : i32
        %dma_wait3A_53 = arith.constant 0 : i32
        %dma_wait3A_54 = tpu.memref_slice %arg17[%dma_wait3A_52, %dma_wait3A_53] : memref<10000x128xf32, #tpu.memory_space<vmem_shared>> -> memref<10000x128xf32, #tpu.memory_space<vmem_shared>>
        tpu.wait_indirect_dma semaphore(%run_scoped3A : memref<!tpu.dma_semaphore, #tpu.memory_space<semaphore_mem>>) src(%arg16 : memref<80x128xf32, #tpu.memory_space<vmem>>) dst(%dma_wait3A_54 : memref<10000x128xf32, #tpu.memory_space<vmem_shared>>)
        tpu.yield
      }) : () -> ()
    }
    %scan3A_8 = arith.constant 125 : i32
    %barrier3A_9 = arith.constant 0 : index
    tpu.barrier barrier_id(%barrier3A_9)
    %eq3A_10 = arith.constant 0 : i32
    %eq3A_11 = arith.cmpi eq, %arg1, %eq3A_10 : i32
    %convert_element_type3A_12 = arith.extui %eq3A_11 : i1 to i32
    %cond3A_13 = arith.constant 0 : i32
    %cond3A_14 = arith.cmpi ne, %convert_element_type3A_12, %cond3A_13 : i32
    scf.if %cond3A_14 {
      "tpu.region"() ({
        %run_scoped3A = tpu.sem_alloc : memref<!tpu.dma_semaphore, #tpu.memory_space<semaphore_mem>>
        %dma_start3A = arith.constant 0 : i32
        %dma_start3A_15 = arith.constant 0 : i32
        %dma_start3A_16 = tpu.memref_slice %arg10[%arg0, %dma_start3A, %dma_start3A_15] : memref<2x10000x128xf32, #tpu.memory_space<hbm>> -> memref<1x10000x128xf32, #tpu.memory_space<hbm>>
        %dma_start3A_17 = tpu.memref_squeeze %dma_start3A_16 : memref<1x10000x128xf32, #tpu.memory_space<hbm>> -> memref<10000x128xf32, #tpu.memory_space<hbm>>
        tpu.enqueue_dma source(%arg17 : memref<10000x128xf32, #tpu.memory_space<vmem_shared>>) target(%dma_start3A_17 : memref<10000x128xf32, #tpu.memory_space<hbm>>) target_semaphore(%run_scoped3A : memref<!tpu.dma_semaphore, #tpu.memory_space<semaphore_mem>>)
        %dma_wait3A = arith.constant 0 : i32
        %dma_wait3A_18 = arith.constant 0 : i32
        %dma_wait3A_19 = tpu.memref_slice %arg10[%arg0, %dma_wait3A, %dma_wait3A_18] : memref<2x10000x128xf32, #tpu.memory_space<hbm>> -> memref<1x10000x128xf32, #tpu.memory_space<hbm>>
        %dma_wait3A_20 = tpu.memref_squeeze %dma_wait3A_19 : memref<1x10000x128xf32, #tpu.memory_space<hbm>> -> memref<10000x128xf32, #tpu.memory_space<hbm>>
        tpu.wait_dma2 semaphore(%run_scoped3A : memref<!tpu.dma_semaphore, #tpu.memory_space<semaphore_mem>>) src(%arg17 : memref<10000x128xf32, #tpu.memory_space<vmem_shared>>) dst(%dma_wait3A_20 : memref<10000x128xf32, #tpu.memory_space<hbm>>)
        tpu.yield
      }) : () -> ()
    } else {
    }
    return
  }
}

#map = affine_map<(d0, d1) -> (0)>
#map1 = affine_map<(d0, d1) -> (0, 0)>
#map2 = affine_map<(d0, d1) -> (0, 0, 0)>
module attributes {stable_mosaic.version = 14 : i64} {
  func.func @kern(%arg0: i32, %arg1: i32, %arg2: memref<40000xf32, #tpu.memory_space<hbm>>, %arg3: memref<40000xf32, #tpu.memory_space<hbm>>, %arg4: memref<320000xi32, #tpu.memory_space<hbm>>, %arg5: memref<320000xi32, #tpu.memory_space<hbm>>, %arg6: memref<10000x8xf32, #tpu.memory_space<hbm>>, %arg7: memref<320000x8xf32, #tpu.memory_space<hbm>>, %arg8: memref<2x10000x8xf32, #tpu.memory_space<hbm>>, %arg9: memref<40000xf32, #tpu.memory_space<vmem>>, %arg10: memref<40000xf32, #tpu.memory_space<vmem>>, %arg11: memref<80xi32, #tpu.memory_space<vmem>>, %arg12: memref<80xi32, #tpu.memory_space<vmem>>, %arg13: memref<80x8xf32, #tpu.memory_space<vmem>>, %arg14: memref<10000x8xf32, #tpu.memory_space<vmem_shared>>) attributes {dimension_semantics = [#tpu.dimension_semantics<core_parallel>, #tpu.dimension_semantics<subcore_parallel>], iteration_bounds = array<i64: 2, 16>, scalar_prefetch = 0 : i64, scratch_operands = 6 : i64, tpu.core_type = #tpu.core_type<sc_vector_subcore>, window_params = [{transform_indices = #map}, {transform_indices = #map}, {transform_indices = #map}, {transform_indices = #map}, {transform_indices = #map1}, {transform_indices = #map1}, {transform_indices = #map2}]} {
    %mul3A = arith.constant 2 : i32
    %mul3A_0 = arith.muli %arg1, %mul3A : i32
    %add3A = arith.addi %mul3A_0, %arg0 : i32
    %mul3A_1 = arith.constant 10000 : i32
    %mul3A_2 = arith.muli %add3A, %mul3A_1 : i32
    "tpu.region"() ({
      %run_scoped3A = tpu.sem_alloc : memref<!tpu.dma_semaphore, #tpu.memory_space<semaphore_mem>>
      tpu.enqueue_dma source(%arg2 : memref<40000xf32, #tpu.memory_space<hbm>>) target(%arg9 : memref<40000xf32, #tpu.memory_space<vmem>>) target_semaphore(%run_scoped3A : memref<!tpu.dma_semaphore, #tpu.memory_space<semaphore_mem>>)
      tpu.wait_dma2 semaphore(%run_scoped3A : memref<!tpu.dma_semaphore, #tpu.memory_space<semaphore_mem>>) src(%arg2 : memref<40000xf32, #tpu.memory_space<hbm>>) dst(%arg9 : memref<40000xf32, #tpu.memory_space<vmem>>)
      tpu.yield
    }) : () -> ()
    "tpu.region"() ({
      %run_scoped3A = tpu.sem_alloc : memref<!tpu.dma_semaphore, #tpu.memory_space<semaphore_mem>>
      tpu.enqueue_dma source(%arg3 : memref<40000xf32, #tpu.memory_space<hbm>>) target(%arg10 : memref<40000xf32, #tpu.memory_space<vmem>>) target_semaphore(%run_scoped3A : memref<!tpu.dma_semaphore, #tpu.memory_space<semaphore_mem>>)
      tpu.wait_dma2 semaphore(%run_scoped3A : memref<!tpu.dma_semaphore, #tpu.memory_space<semaphore_mem>>) src(%arg3 : memref<40000xf32, #tpu.memory_space<hbm>>) dst(%arg10 : memref<40000xf32, #tpu.memory_space<vmem>>)
      tpu.yield
    }) : () -> ()
    %eq3A = arith.constant 0 : i32
    %eq3A_3 = arith.cmpi eq, %arg1, %eq3A : i32
    %convert_element_type3A = arith.extui %eq3A_3 : i1 to i32
    %cond3A = arith.constant 0 : i32
    %cond3A_4 = arith.cmpi ne, %convert_element_type3A, %cond3A : i32
    scf.if %cond3A_4 {
      "tpu.region"() ({
        %run_scoped3A = tpu.sem_alloc : memref<!tpu.dma_semaphore, #tpu.memory_space<semaphore_mem>>
        tpu.enqueue_dma source(%arg6 : memref<10000x8xf32, #tpu.memory_space<hbm>>) target(%arg14 : memref<10000x8xf32, #tpu.memory_space<vmem_shared>>) target_semaphore(%run_scoped3A : memref<!tpu.dma_semaphore, #tpu.memory_space<semaphore_mem>>)
        tpu.wait_dma2 semaphore(%run_scoped3A : memref<!tpu.dma_semaphore, #tpu.memory_space<semaphore_mem>>) src(%arg6 : memref<10000x8xf32, #tpu.memory_space<hbm>>) dst(%arg14 : memref<10000x8xf32, #tpu.memory_space<vmem_shared>>)
        tpu.yield
      }) : () -> ()
    } else {
    }
    %iota3A = tpu.iota {dimensions = array<i32: 0>} : vector<16xi32>
    %broadcast_in_dim3A = arith.constant 0.000000e+00 : f32
    %broadcast_in_dim3A_5 = vector.broadcast %broadcast_in_dim3A : f32 to vector<16xf32>
    %scan3A = arith.constant 0 : i32
    %scan3A_6 = arith.constant 5 : i32
    %scan3A_7 = arith.addi %scan3A, %scan3A_6 : i32
    %scan3A_8 = arith.constant 1 : i32
    scf.for %scan3A_21 = %scan3A to %scan3A_7 step %scan3A_8  : i32 {
      %mul3A_22 = arith.constant 1 : i32
      %mul3A_23 = arith.muli %scan3A_21, %mul3A_22 : i32
      %add3A_24 = arith.constant 0 : i32
      %add3A_25 = arith.addi %add3A_24, %mul3A_23 : i32
      %mul3A_26 = arith.constant 16 : i32
      %mul3A_27 = arith.muli %add3A_25, %mul3A_26 : i32
      %add3A_28 = vector.broadcast %mul3A_27 : i32 to vector<16xi32>
      %add3A_29 = arith.addi %add3A_28, %iota3A : vector<16xi32>
      %broadcast_in_dim3A_30 = arith.constant 4 : i32
      %broadcast_in_dim3A_31 = vector.broadcast %broadcast_in_dim3A_30 : i32 to vector<16xi32>
      tpu.vector_store_idx %arg13[%add3A_29, %broadcast_in_dim3A_31], %broadcast_in_dim3A_5 : memref<80x8xf32, #tpu.memory_space<vmem>>[vector<16xi32>, vector<16xi32>], vector<16xf32>,
      %broadcast_in_dim3A_32 = arith.constant 5 : i32
      %broadcast_in_dim3A_33 = vector.broadcast %broadcast_in_dim3A_32 : i32 to vector<16xi32>
      tpu.vector_store_idx %arg13[%add3A_29, %broadcast_in_dim3A_33], %broadcast_in_dim3A_5 : memref<80x8xf32, #tpu.memory_space<vmem>>[vector<16xi32>, vector<16xi32>], vector<16xf32>,
      %broadcast_in_dim3A_34 = arith.constant 6 : i32
      %broadcast_in_dim3A_35 = vector.broadcast %broadcast_in_dim3A_34 : i32 to vector<16xi32>
      tpu.vector_store_idx %arg13[%add3A_29, %broadcast_in_dim3A_35], %broadcast_in_dim3A_5 : memref<80x8xf32, #tpu.memory_space<vmem>>[vector<16xi32>, vector<16xi32>], vector<16xf32>,
      %broadcast_in_dim3A_36 = arith.constant 7 : i32
      %broadcast_in_dim3A_37 = vector.broadcast %broadcast_in_dim3A_36 : i32 to vector<16xi32>
      tpu.vector_store_idx %arg13[%add3A_29, %broadcast_in_dim3A_37], %broadcast_in_dim3A_5 : memref<80x8xf32, #tpu.memory_space<vmem>>[vector<16xi32>, vector<16xi32>], vector<16xf32>,
    }
    %scan3A_9 = arith.constant 5 : i32
    %barrier3A = arith.constant 0 : index
    tpu.barrier barrier_id(%barrier3A)
    %scan3A_10 = arith.constant 0 : i32
    %scan3A_11 = arith.constant 125 : i32
    %scan3A_12 = arith.addi %scan3A_10, %scan3A_11 : i32
    %scan3A_13 = arith.constant 1 : i32
    scf.for %scan3A_21 = %scan3A_10 to %scan3A_12 step %scan3A_13  : i32 {
      %mul3A_22 = arith.constant 1 : i32
      %mul3A_23 = arith.muli %scan3A_21, %mul3A_22 : i32
      %add3A_24 = arith.constant 0 : i32
      %add3A_25 = arith.addi %add3A_24, %mul3A_23 : i32
      %mul3A_26 = arith.constant 80 : i32
      %mul3A_27 = arith.muli %add3A_25, %mul3A_26 : i32
      %add3A_28 = arith.addi %mul3A_2, %mul3A_27 : i32
      "tpu.region"() ({
        %run_scoped3A = tpu.sem_alloc : memref<!tpu.dma_semaphore, #tpu.memory_space<semaphore_mem>>
        %dma_start3A = tpu.memref_slice %arg4[%add3A_28] : memref<320000xi32, #tpu.memory_space<hbm>> -> memref<80xi32, #tpu.memory_space<hbm>>
        %dma_start3A_34 = tpu.memref_slice %arg4[%add3A_28] : memref<320000xi32, #tpu.memory_space<hbm>> -> memref<80xi32, #tpu.memory_space<hbm>>
        tpu.enqueue_dma source(%dma_start3A_34 : memref<80xi32, #tpu.memory_space<hbm>>) target(%arg11 : memref<80xi32, #tpu.memory_space<vmem>>) target_semaphore(%run_scoped3A : memref<!tpu.dma_semaphore, #tpu.memory_space<semaphore_mem>>)
        %dma_wait3A = tpu.memref_slice %arg4[%add3A_28] : memref<320000xi32, #tpu.memory_space<hbm>> -> memref<80xi32, #tpu.memory_space<hbm>>
        %dma_wait3A_35 = tpu.memref_slice %arg4[%add3A_28] : memref<320000xi32, #tpu.memory_space<hbm>> -> memref<80xi32, #tpu.memory_space<hbm>>
        tpu.wait_dma2 semaphore(%run_scoped3A : memref<!tpu.dma_semaphore, #tpu.memory_space<semaphore_mem>>) src(%dma_wait3A_35 : memref<80xi32, #tpu.memory_space<hbm>>) dst(%arg11 : memref<80xi32, #tpu.memory_space<vmem>>)
        tpu.yield
      }) : () -> ()
      "tpu.region"() ({
        %run_scoped3A = tpu.sem_alloc : memref<!tpu.dma_semaphore, #tpu.memory_space<semaphore_mem>>
        %dma_start3A = tpu.memref_slice %arg5[%add3A_28] : memref<320000xi32, #tpu.memory_space<hbm>> -> memref<80xi32, #tpu.memory_space<hbm>>
        %dma_start3A_34 = tpu.memref_slice %arg5[%add3A_28] : memref<320000xi32, #tpu.memory_space<hbm>> -> memref<80xi32, #tpu.memory_space<hbm>>
        tpu.enqueue_dma source(%dma_start3A_34 : memref<80xi32, #tpu.memory_space<hbm>>) target(%arg12 : memref<80xi32, #tpu.memory_space<vmem>>) target_semaphore(%run_scoped3A : memref<!tpu.dma_semaphore, #tpu.memory_space<semaphore_mem>>)
        %dma_wait3A = tpu.memref_slice %arg5[%add3A_28] : memref<320000xi32, #tpu.memory_space<hbm>> -> memref<80xi32, #tpu.memory_space<hbm>>
        %dma_wait3A_35 = tpu.memref_slice %arg5[%add3A_28] : memref<320000xi32, #tpu.memory_space<hbm>> -> memref<80xi32, #tpu.memory_space<hbm>>
        tpu.wait_dma2 semaphore(%run_scoped3A : memref<!tpu.dma_semaphore, #tpu.memory_space<semaphore_mem>>) src(%dma_wait3A_35 : memref<80xi32, #tpu.memory_space<hbm>>) dst(%arg12 : memref<80xi32, #tpu.memory_space<vmem>>)
        tpu.yield
      }) : () -> ()
      %scan3A_29 = arith.constant 0 : i32
      %scan3A_30 = arith.constant 5 : i32
      %scan3A_31 = arith.addi %scan3A_29, %scan3A_30 : i32
      %scan3A_32 = arith.constant 1 : i32
      scf.for %scan3A_34 = %scan3A_29 to %scan3A_31 step %scan3A_32  : i32 {
        %mul3A_35 = arith.constant 1 : i32
        %mul3A_36 = arith.muli %scan3A_34, %mul3A_35 : i32
        %add3A_37 = arith.constant 0 : i32
        %add3A_38 = arith.addi %add3A_37, %mul3A_36 : i32
        %mul3A_39 = arith.constant 16 : i32
        %mul3A_40 = arith.muli %add3A_38, %mul3A_39 : i32
        %get3A = arith.index_cast %mul3A_40 : i32 to index
        %get3A_41 = tpu.vector_load %arg11[%get3A] {strides = array<i32>} : memref<80xi32, #tpu.memory_space<vmem>>, vector<16xi32>,
        %mul3A_42 = arith.constant 16 : i32
        %mul3A_43 = arith.muli %add3A_38, %mul3A_42 : i32
        %get3A_44 = arith.index_cast %mul3A_43 : i32 to index
        %get3A_45 = tpu.vector_load %arg12[%get3A_44] {strides = array<i32>} : memref<80xi32, #tpu.memory_space<vmem>>, vector<16xi32>,
        %mul3A_46 = arith.constant 16 : i32
        %mul3A_47 = arith.muli %add3A_38, %mul3A_46 : i32
        %add3A_48 = vector.broadcast %mul3A_47 : i32 to vector<16xi32>
        %add3A_49 = arith.addi %add3A_48, %iota3A : vector<16xi32>
        %mul3A_50 = arith.constant 4 : i32
        %mul3A_51 = vector.broadcast %mul3A_50 : i32 to vector<16xi32>
        %mul3A_52 = arith.muli %get3A_41, %mul3A_51 : vector<16xi32>
        %mul3A_53 = arith.constant 4 : i32
        %mul3A_54 = vector.broadcast %mul3A_53 : i32 to vector<16xi32>
        %mul3A_55 = arith.muli %get3A_45, %mul3A_54 : vector<16xi32>
        %broadcast_in_dim3A_56 = arith.constant 0 : i32
        %broadcast_in_dim3A_57 = vector.broadcast %broadcast_in_dim3A_56 : i32 to vector<16xi32>
        %add3A_58 = arith.constant 0 : i32
        %add3A_59 = vector.broadcast %add3A_58 : i32 to vector<16xi32>
        %add3A_60 = arith.addi %mul3A_52, %add3A_59 : vector<16xi32>
        %gather3A = tpu.vector_load_idx %arg9[%add3A_60] : memref<40000xf32, #tpu.memory_space<vmem>>[vector<16xi32>], vector<16xf32>,
        %add3A_61 = arith.constant 0 : i32
        %add3A_62 = vector.broadcast %add3A_61 : i32 to vector<16xi32>
        %add3A_63 = arith.addi %mul3A_55, %add3A_62 : vector<16xi32>
        %gather3A_64 = tpu.vector_load_idx %arg10[%add3A_63] : memref<40000xf32, #tpu.memory_space<vmem>>[vector<16xi32>], vector<16xf32>,
        %add3A_65 = arith.addf %gather3A, %gather3A_64 : vector<16xf32>
        %mul3A_66 = arith.constant 2.000000e-01 : f32
        %mul3A_67 = vector.broadcast %mul3A_66 : f32 to vector<16xf32>
        %mul3A_68 = arith.mulf %mul3A_67, %add3A_65 : vector<16xf32>
        %max3A = arith.maximumf %add3A_65, %mul3A_68 : vector<16xf32>
        %exp3A = math.exp %max3A : vector<16xf32>
        tpu.vector_store_idx %arg13[%add3A_49, %broadcast_in_dim3A_57], %exp3A : memref<80x8xf32, #tpu.memory_space<vmem>>[vector<16xi32>, vector<16xi32>], vector<16xf32>,
        %broadcast_in_dim3A_69 = arith.constant 1 : i32
        %broadcast_in_dim3A_70 = vector.broadcast %broadcast_in_dim3A_69 : i32 to vector<16xi32>
        %add3A_71 = arith.constant 1 : i32
        %add3A_72 = vector.broadcast %add3A_71 : i32 to vector<16xi32>
        %add3A_73 = arith.addi %mul3A_52, %add3A_72 : vector<16xi32>
        %gather3A_74 = tpu.vector_load_idx %arg9[%add3A_73] : memref<40000xf32, #tpu.memory_space<vmem>>[vector<16xi32>], vector<16xf32>,
        %add3A_75 = arith.constant 1 : i32
        %add3A_76 = vector.broadcast %add3A_75 : i32 to vector<16xi32>
        %add3A_77 = arith.addi %mul3A_55, %add3A_76 : vector<16xi32>
        %gather3A_78 = tpu.vector_load_idx %arg10[%add3A_77] : memref<40000xf32, #tpu.memory_space<vmem>>[vector<16xi32>], vector<16xf32>,
        %add3A_79 = arith.addf %gather3A_74, %gather3A_78 : vector<16xf32>
        %mul3A_80 = arith.constant 2.000000e-01 : f32
        %mul3A_81 = vector.broadcast %mul3A_80 : f32 to vector<16xf32>
        %mul3A_82 = arith.mulf %mul3A_81, %add3A_79 : vector<16xf32>
        %max3A_83 = arith.maximumf %add3A_79, %mul3A_82 : vector<16xf32>
        %exp3A_84 = math.exp %max3A_83 : vector<16xf32>
        tpu.vector_store_idx %arg13[%add3A_49, %broadcast_in_dim3A_70], %exp3A_84 : memref<80x8xf32, #tpu.memory_space<vmem>>[vector<16xi32>, vector<16xi32>], vector<16xf32>,
        %broadcast_in_dim3A_85 = arith.constant 2 : i32
        %broadcast_in_dim3A_86 = vector.broadcast %broadcast_in_dim3A_85 : i32 to vector<16xi32>
        %add3A_87 = arith.constant 2 : i32
        %add3A_88 = vector.broadcast %add3A_87 : i32 to vector<16xi32>
        %add3A_89 = arith.addi %mul3A_52, %add3A_88 : vector<16xi32>
        %gather3A_90 = tpu.vector_load_idx %arg9[%add3A_89] : memref<40000xf32, #tpu.memory_space<vmem>>[vector<16xi32>], vector<16xf32>,
        %add3A_91 = arith.constant 2 : i32
        %add3A_92 = vector.broadcast %add3A_91 : i32 to vector<16xi32>
        %add3A_93 = arith.addi %mul3A_55, %add3A_92 : vector<16xi32>
        %gather3A_94 = tpu.vector_load_idx %arg10[%add3A_93] : memref<40000xf32, #tpu.memory_space<vmem>>[vector<16xi32>], vector<16xf32>,
        %add3A_95 = arith.addf %gather3A_90, %gather3A_94 : vector<16xf32>
        %mul3A_96 = arith.constant 2.000000e-01 : f32
        %mul3A_97 = vector.broadcast %mul3A_96 : f32 to vector<16xf32>
        %mul3A_98 = arith.mulf %mul3A_97, %add3A_95 : vector<16xf32>
        %max3A_99 = arith.maximumf %add3A_95, %mul3A_98 : vector<16xf32>
        %exp3A_100 = math.exp %max3A_99 : vector<16xf32>
        tpu.vector_store_idx %arg13[%add3A_49, %broadcast_in_dim3A_86], %exp3A_100 : memref<80x8xf32, #tpu.memory_space<vmem>>[vector<16xi32>, vector<16xi32>], vector<16xf32>,
        %broadcast_in_dim3A_101 = arith.constant 3 : i32
        %broadcast_in_dim3A_102 = vector.broadcast %broadcast_in_dim3A_101 : i32 to vector<16xi32>
        %add3A_103 = arith.constant 3 : i32
        %add3A_104 = vector.broadcast %add3A_103 : i32 to vector<16xi32>
        %add3A_105 = arith.addi %mul3A_52, %add3A_104 : vector<16xi32>
        %gather3A_106 = tpu.vector_load_idx %arg9[%add3A_105] : memref<40000xf32, #tpu.memory_space<vmem>>[vector<16xi32>], vector<16xf32>,
        %add3A_107 = arith.constant 3 : i32
        %add3A_108 = vector.broadcast %add3A_107 : i32 to vector<16xi32>
        %add3A_109 = arith.addi %mul3A_55, %add3A_108 : vector<16xi32>
        %gather3A_110 = tpu.vector_load_idx %arg10[%add3A_109] : memref<40000xf32, #tpu.memory_space<vmem>>[vector<16xi32>], vector<16xf32>,
        %add3A_111 = arith.addf %gather3A_106, %gather3A_110 : vector<16xf32>
        %mul3A_112 = arith.constant 2.000000e-01 : f32
        %mul3A_113 = vector.broadcast %mul3A_112 : f32 to vector<16xf32>
        %mul3A_114 = arith.mulf %mul3A_113, %add3A_111 : vector<16xf32>
        %max3A_115 = arith.maximumf %add3A_111, %mul3A_114 : vector<16xf32>
        %exp3A_116 = math.exp %max3A_115 : vector<16xf32>
        tpu.vector_store_idx %arg13[%add3A_49, %broadcast_in_dim3A_102], %exp3A_116 : memref<80x8xf32, #tpu.memory_space<vmem>>[vector<16xi32>, vector<16xi32>], vector<16xf32>,
      }
      %scan3A_33 = arith.constant 5 : i32
      "tpu.region"() ({
        %run_scoped3A = tpu.sem_alloc : memref<!tpu.dma_semaphore, #tpu.memory_space<semaphore_mem>>
        %dma_start3A = arith.constant 0 : i32
        %dma_start3A_34 = arith.constant 0 : i32
        %dma_start3A_35 = tpu.memref_slice %arg14[%dma_start3A, %dma_start3A_34] : memref<10000x8xf32, #tpu.memory_space<vmem_shared>> -> memref<10000x8xf32, #tpu.memory_space<vmem_shared>>
        tpu.enqueue_indirect_dma source(%arg13 : memref<80x8xf32, #tpu.memory_space<vmem>>) target(%dma_start3A_35 : memref<10000x8xf32, #tpu.memory_space<vmem_shared>>) offsets(%arg12 : memref<80xi32, #tpu.memory_space<vmem>>) semaphore(%run_scoped3A : memref<!tpu.dma_semaphore, #tpu.memory_space<semaphore_mem>>) {add = true}
        %dma_wait3A = arith.constant 0 : i32
        %dma_wait3A_36 = arith.constant 0 : i32
        %dma_wait3A_37 = tpu.memref_slice %arg14[%dma_wait3A, %dma_wait3A_36] : memref<10000x8xf32, #tpu.memory_space<vmem_shared>> -> memref<10000x8xf32, #tpu.memory_space<vmem_shared>>
        tpu.wait_indirect_dma semaphore(%run_scoped3A : memref<!tpu.dma_semaphore, #tpu.memory_space<semaphore_mem>>) src(%arg13 : memref<80x8xf32, #tpu.memory_space<vmem>>) dst(%dma_wait3A_37 : memref<10000x8xf32, #tpu.memory_space<vmem_shared>>)
        tpu.yield
      }) : () -> ()
      "tpu.region"() ({
        %run_scoped3A = tpu.sem_alloc : memref<!tpu.dma_semaphore, #tpu.memory_space<semaphore_mem>>
        %dma_start3A = arith.constant 0 : i32
        %dma_start3A_34 = tpu.memref_slice %arg7[%add3A_28, %dma_start3A] : memref<320000x8xf32, #tpu.memory_space<hbm>> -> memref<80x8xf32, #tpu.memory_space<hbm>>
        %dma_start3A_35 = arith.constant 0 : i32
        %dma_start3A_36 = tpu.memref_slice %arg7[%add3A_28, %dma_start3A_35] : memref<320000x8xf32, #tpu.memory_space<hbm>> -> memref<80x8xf32, #tpu.memory_space<hbm>>
        tpu.enqueue_dma source(%arg13 : memref<80x8xf32, #tpu.memory_space<vmem>>) target(%dma_start3A_36 : memref<80x8xf32, #tpu.memory_space<hbm>>) target_semaphore(%run_scoped3A : memref<!tpu.dma_semaphore, #tpu.memory_space<semaphore_mem>>)
        %dma_wait3A = arith.constant 0 : i32
        %dma_wait3A_37 = tpu.memref_slice %arg7[%add3A_28, %dma_wait3A] : memref<320000x8xf32, #tpu.memory_space<hbm>> -> memref<80x8xf32, #tpu.memory_space<hbm>>
        %dma_wait3A_38 = arith.constant 0 : i32
        %dma_wait3A_39 = tpu.memref_slice %arg7[%add3A_28, %dma_wait3A_38] : memref<320000x8xf32, #tpu.memory_space<hbm>> -> memref<80x8xf32, #tpu.memory_space<hbm>>
        tpu.wait_dma2 semaphore(%run_scoped3A : memref<!tpu.dma_semaphore, #tpu.memory_space<semaphore_mem>>) src(%arg13 : memref<80x8xf32, #tpu.memory_space<vmem>>) dst(%dma_wait3A_39 : memref<80x8xf32, #tpu.memory_space<hbm>>)
        tpu.yield
      }) : () -> ()
    }
    %scan3A_14 = arith.constant 125 : i32
    %barrier3A_15 = arith.constant 0 : index
    tpu.barrier barrier_id(%barrier3A_15)
    %eq3A_16 = arith.constant 0 : i32
    %eq3A_17 = arith.cmpi eq, %arg1, %eq3A_16 : i32
    %convert_element_type3A_18 = arith.extui %eq3A_17 : i1 to i32
    %cond3A_19 = arith.constant 0 : i32
    %cond3A_20 = arith.cmpi ne, %convert_element_type3A_18, %cond3A_19 : i32
    scf.if %cond3A_20 {
      "tpu.region"() ({
        %run_scoped3A = tpu.sem_alloc : memref<!tpu.dma_semaphore, #tpu.memory_space<semaphore_mem>>
        %dma_start3A = arith.constant 0 : i32
        %dma_start3A_21 = arith.constant 0 : i32
        %dma_start3A_22 = tpu.memref_slice %arg8[%arg0, %dma_start3A, %dma_start3A_21] : memref<2x10000x8xf32, #tpu.memory_space<hbm>> -> memref<1x10000x8xf32, #tpu.memory_space<hbm>>
        %dma_start3A_23 = tpu.memref_squeeze %dma_start3A_22 : memref<1x10000x8xf32, #tpu.memory_space<hbm>> -> memref<10000x8xf32, #tpu.memory_space<hbm>>
        tpu.enqueue_dma source(%arg14 : memref<10000x8xf32, #tpu.memory_space<vmem_shared>>) target(%dma_start3A_23 : memref<10000x8xf32, #tpu.memory_space<hbm>>) target_semaphore(%run_scoped3A : memref<!tpu.dma_semaphore, #tpu.memory_space<semaphore_mem>>)
        %dma_wait3A = arith.constant 0 : i32
        %dma_wait3A_24 = arith.constant 0 : i32
        %dma_wait3A_25 = tpu.memref_slice %arg8[%arg0, %dma_wait3A, %dma_wait3A_24] : memref<2x10000x8xf32, #tpu.memory_space<hbm>> -> memref<1x10000x8xf32, #tpu.memory_space<hbm>>
        %dma_wait3A_26 = tpu.memref_squeeze %dma_wait3A_25 : memref<1x10000x8xf32, #tpu.memory_space<hbm>> -> memref<10000x8xf32, #tpu.memory_space<hbm>>
        tpu.wait_dma2 semaphore(%run_scoped3A : memref<!tpu.dma_semaphore, #tpu.memory_space<semaphore_mem>>) src(%arg14 : memref<10000x8xf32, #tpu.memory_space<vmem_shared>>) dst(%dma_wait3A_26 : memref<10000x8xf32, #tpu.memory_space<hbm>>)
        tpu.yield
      }) : () -> ()
    } else {
    }
    return
  }
}

#map = affine_map<(d0, d1) -> (0, 0)>
#map1 = affine_map<(d0, d1) -> (0)>
#map2 = affine_map<(d0, d1) -> (0, 0, 0)>
module attributes {stable_mosaic.version = 14 : i64} {
  func.func @kern(%arg0: i32, %arg1: i32, %arg2: memref<320000x8xf32, #tpu.memory_space<hbm>>, %arg3: memref<10000x8xf32, #tpu.memory_space<hbm>>, %arg4: memref<10000x8xf32, #tpu.memory_space<hbm>>, %arg5: memref<320000xi32, #tpu.memory_space<hbm>>, %arg6: memref<320000xi32, #tpu.memory_space<hbm>>, %arg7: memref<10000x128xf32, #tpu.memory_space<hbm>>, %arg8: memref<10000x128xf32, #tpu.memory_space<hbm>>, %arg9: memref<320000x8xf32, #tpu.memory_space<hbm>>, %arg10: memref<2x10000x128xf32, #tpu.memory_space<hbm>>, %arg11: memref<80xi32, #tpu.memory_space<vmem>>, %arg12: memref<80xi32, #tpu.memory_space<vmem>>, %arg13: memref<80x8xf32, #tpu.memory_space<vmem>>, %arg14: memref<80x8xf32, #tpu.memory_space<vmem>>, %arg15: memref<80x8xf32, #tpu.memory_space<vmem>>, %arg16: memref<80x128xf32, #tpu.memory_space<vmem>>, %arg17: memref<10000x128xf32, #tpu.memory_space<vmem_shared>>, %arg18: memref<!tpu.dma_semaphore, #tpu.memory_space<semaphore_mem>>, %arg19: memref<!tpu.dma_semaphore, #tpu.memory_space<semaphore_mem>>, %arg20: memref<!tpu.dma_semaphore, #tpu.memory_space<semaphore_mem>>) attributes {dimension_semantics = [#tpu.dimension_semantics<core_parallel>, #tpu.dimension_semantics<subcore_parallel>], iteration_bounds = array<i64: 2, 16>, scalar_prefetch = 0 : i64, scratch_operands = 10 : i64, tpu.core_type = #tpu.core_type<sc_vector_subcore>, window_params = [{transform_indices = #map}, {transform_indices = #map}, {transform_indices = #map}, {transform_indices = #map1}, {transform_indices = #map1}, {transform_indices = #map}, {transform_indices = #map}, {transform_indices = #map}, {transform_indices = #map2}]} {
    %mul3A = arith.constant 2 : i32
    %mul3A_0 = arith.muli %arg1, %mul3A : i32
    %add3A = arith.addi %mul3A_0, %arg0 : i32
    %mul3A_1 = arith.constant 10000 : i32
    %mul3A_2 = arith.muli %add3A, %mul3A_1 : i32
    %eq3A = arith.constant 0 : i32
    %eq3A_3 = arith.cmpi eq, %arg1, %eq3A : i32
    %convert_element_type3A = arith.extui %eq3A_3 : i1 to i32
    %cond3A = arith.constant 0 : i32
    %cond3A_4 = arith.cmpi ne, %convert_element_type3A, %cond3A : i32
    scf.if %cond3A_4 {
      "tpu.region"() ({
        %run_scoped3A = tpu.sem_alloc : memref<!tpu.dma_semaphore, #tpu.memory_space<semaphore_mem>>
        tpu.enqueue_dma source(%arg8 : memref<10000x128xf32, #tpu.memory_space<hbm>>) target(%arg17 : memref<10000x128xf32, #tpu.memory_space<vmem_shared>>) target_semaphore(%run_scoped3A : memref<!tpu.dma_semaphore, #tpu.memory_space<semaphore_mem>>)
        tpu.wait_dma2 semaphore(%run_scoped3A : memref<!tpu.dma_semaphore, #tpu.memory_space<semaphore_mem>>) src(%arg8 : memref<10000x128xf32, #tpu.memory_space<hbm>>) dst(%arg17 : memref<10000x128xf32, #tpu.memory_space<vmem_shared>>)
        tpu.yield
      }) : () -> ()
    } else {
    }
    %barrier3A = arith.constant 0 : index
    tpu.barrier barrier_id(%barrier3A)
    %iota3A = tpu.iota {dimensions = array<i32: 0>} : vector<16xi32>
    %scan3A = arith.constant 0 : i32
    %scan3A_5 = arith.constant 125 : i32
    %scan3A_6 = arith.addi %scan3A, %scan3A_5 : i32
    %scan3A_7 = arith.constant 1 : i32
    scf.for %scan3A_15 = %scan3A to %scan3A_6 step %scan3A_7  : i32 {
      %mul3A_16 = arith.constant 1 : i32
      %mul3A_17 = arith.muli %scan3A_15, %mul3A_16 : i32
      %add3A_18 = arith.constant 0 : i32
      %add3A_19 = arith.addi %add3A_18, %mul3A_17 : i32
      %mul3A_20 = arith.constant 80 : i32
      %mul3A_21 = arith.muli %add3A_19, %mul3A_20 : i32
      %add3A_22 = arith.addi %mul3A_2, %mul3A_21 : i32
      "tpu.region"() ({
        %run_scoped3A = tpu.sem_alloc : memref<!tpu.dma_semaphore, #tpu.memory_space<semaphore_mem>>
        %dma_start3A_49 = tpu.memref_slice %arg5[%add3A_22] : memref<320000xi32, #tpu.memory_space<hbm>> -> memref<80xi32, #tpu.memory_space<hbm>>
        %dma_start3A_50 = tpu.memref_slice %arg5[%add3A_22] : memref<320000xi32, #tpu.memory_space<hbm>> -> memref<80xi32, #tpu.memory_space<hbm>>
        tpu.enqueue_dma source(%dma_start3A_50 : memref<80xi32, #tpu.memory_space<hbm>>) target(%arg11 : memref<80xi32, #tpu.memory_space<vmem>>) target_semaphore(%run_scoped3A : memref<!tpu.dma_semaphore, #tpu.memory_space<semaphore_mem>>)
        %dma_wait3A_51 = tpu.memref_slice %arg5[%add3A_22] : memref<320000xi32, #tpu.memory_space<hbm>> -> memref<80xi32, #tpu.memory_space<hbm>>
        %dma_wait3A_52 = tpu.memref_slice %arg5[%add3A_22] : memref<320000xi32, #tpu.memory_space<hbm>> -> memref<80xi32, #tpu.memory_space<hbm>>
        tpu.wait_dma2 semaphore(%run_scoped3A : memref<!tpu.dma_semaphore, #tpu.memory_space<semaphore_mem>>) src(%dma_wait3A_52 : memref<80xi32, #tpu.memory_space<hbm>>) dst(%arg11 : memref<80xi32, #tpu.memory_space<vmem>>)
        tpu.yield
      }) : () -> ()
      "tpu.region"() ({
        %run_scoped3A = tpu.sem_alloc : memref<!tpu.dma_semaphore, #tpu.memory_space<semaphore_mem>>
        %dma_start3A_49 = tpu.memref_slice %arg6[%add3A_22] : memref<320000xi32, #tpu.memory_space<hbm>> -> memref<80xi32, #tpu.memory_space<hbm>>
        %dma_start3A_50 = tpu.memref_slice %arg6[%add3A_22] : memref<320000xi32, #tpu.memory_space<hbm>> -> memref<80xi32, #tpu.memory_space<hbm>>
        tpu.enqueue_dma source(%dma_start3A_50 : memref<80xi32, #tpu.memory_space<hbm>>) target(%arg12 : memref<80xi32, #tpu.memory_space<vmem>>) target_semaphore(%run_scoped3A : memref<!tpu.dma_semaphore, #tpu.memory_space<semaphore_mem>>)
        %dma_wait3A_51 = tpu.memref_slice %arg6[%add3A_22] : memref<320000xi32, #tpu.memory_space<hbm>> -> memref<80xi32, #tpu.memory_space<hbm>>
        %dma_wait3A_52 = tpu.memref_slice %arg6[%add3A_22] : memref<320000xi32, #tpu.memory_space<hbm>> -> memref<80xi32, #tpu.memory_space<hbm>>
        tpu.wait_dma2 semaphore(%run_scoped3A : memref<!tpu.dma_semaphore, #tpu.memory_space<semaphore_mem>>) src(%dma_wait3A_52 : memref<80xi32, #tpu.memory_space<hbm>>) dst(%arg12 : memref<80xi32, #tpu.memory_space<vmem>>)
        tpu.yield
      }) : () -> ()
      %dma_start3A = arith.constant 0 : i32
      %dma_start3A_23 = arith.constant 0 : i32
      %dma_start3A_24 = tpu.memref_slice %arg7[%dma_start3A, %dma_start3A_23] : memref<10000x128xf32, #tpu.memory_space<hbm>> -> memref<10000x128xf32, #tpu.memory_space<hbm>>
      tpu.enqueue_indirect_dma source(%dma_start3A_24 : memref<10000x128xf32, #tpu.memory_space<hbm>>) target(%arg16 : memref<80x128xf32, #tpu.memory_space<vmem>>) offsets(%arg11 : memref<80xi32, #tpu.memory_space<vmem>>) semaphore(%arg20 : memref<!tpu.dma_semaphore, #tpu.memory_space<semaphore_mem>>)
      %dma_start3A_25 = arith.constant 0 : i32
      %dma_start3A_26 = arith.constant 0 : i32
      %dma_start3A_27 = tpu.memref_slice %arg3[%dma_start3A_25, %dma_start3A_26] : memref<10000x8xf32, #tpu.memory_space<hbm>> -> memref<10000x8xf32, #tpu.memory_space<hbm>>
      tpu.enqueue_indirect_dma source(%dma_start3A_27 : memref<10000x8xf32, #tpu.memory_space<hbm>>) target(%arg14 : memref<80x8xf32, #tpu.memory_space<vmem>>) offsets(%arg12 : memref<80xi32, #tpu.memory_space<vmem>>) semaphore(%arg18 : memref<!tpu.dma_semaphore, #tpu.memory_space<semaphore_mem>>)
      %dma_start3A_28 = arith.constant 0 : i32
      %dma_start3A_29 = arith.constant 0 : i32
      %dma_start3A_30 = tpu.memref_slice %arg4[%dma_start3A_28, %dma_start3A_29] : memref<10000x8xf32, #tpu.memory_space<hbm>> -> memref<10000x8xf32, #tpu.memory_space<hbm>>
      tpu.enqueue_indirect_dma source(%dma_start3A_30 : memref<10000x8xf32, #tpu.memory_space<hbm>>) target(%arg15 : memref<80x8xf32, #tpu.memory_space<vmem>>) offsets(%arg12 : memref<80xi32, #tpu.memory_space<vmem>>) semaphore(%arg19 : memref<!tpu.dma_semaphore, #tpu.memory_space<semaphore_mem>>)
      "tpu.region"() ({
        %run_scoped3A = tpu.sem_alloc : memref<!tpu.dma_semaphore, #tpu.memory_space<semaphore_mem>>
        %dma_start3A_49 = arith.constant 0 : i32
        %dma_start3A_50 = tpu.memref_slice %arg2[%add3A_22, %dma_start3A_49] : memref<320000x8xf32, #tpu.memory_space<hbm>> -> memref<80x8xf32, #tpu.memory_space<hbm>>
        %dma_start3A_51 = arith.constant 0 : i32
        %dma_start3A_52 = tpu.memref_slice %arg2[%add3A_22, %dma_start3A_51] : memref<320000x8xf32, #tpu.memory_space<hbm>> -> memref<80x8xf32, #tpu.memory_space<hbm>>
        tpu.enqueue_dma source(%dma_start3A_52 : memref<80x8xf32, #tpu.memory_space<hbm>>) target(%arg13 : memref<80x8xf32, #tpu.memory_space<vmem>>) target_semaphore(%run_scoped3A : memref<!tpu.dma_semaphore, #tpu.memory_space<semaphore_mem>>)
        %dma_wait3A_53 = arith.constant 0 : i32
        %dma_wait3A_54 = tpu.memref_slice %arg2[%add3A_22, %dma_wait3A_53] : memref<320000x8xf32, #tpu.memory_space<hbm>> -> memref<80x8xf32, #tpu.memory_space<hbm>>
        %dma_wait3A_55 = arith.constant 0 : i32
        %dma_wait3A_56 = tpu.memref_slice %arg2[%add3A_22, %dma_wait3A_55] : memref<320000x8xf32, #tpu.memory_space<hbm>> -> memref<80x8xf32, #tpu.memory_space<hbm>>
        tpu.wait_dma2 semaphore(%run_scoped3A : memref<!tpu.dma_semaphore, #tpu.memory_space<semaphore_mem>>) src(%dma_wait3A_56 : memref<80x8xf32, #tpu.memory_space<hbm>>) dst(%arg13 : memref<80x8xf32, #tpu.memory_space<vmem>>)
        tpu.yield
      }) : () -> ()
      %dma_wait3A = arith.constant 0 : i32
      %dma_wait3A_31 = arith.constant 0 : i32
      %dma_wait3A_32 = tpu.memref_slice %arg3[%dma_wait3A, %dma_wait3A_31] : memref<10000x8xf32, #tpu.memory_space<hbm>> -> memref<10000x8xf32, #tpu.memory_space<hbm>>
      tpu.wait_indirect_dma semaphore(%arg18 : memref<!tpu.dma_semaphore, #tpu.memory_space<semaphore_mem>>) src(%dma_wait3A_32 : memref<10000x8xf32, #tpu.memory_space<hbm>>) dst(%arg14 : memref<80x8xf32, #tpu.memory_space<vmem>>)
      %dma_wait3A_33 = arith.constant 0 : i32
      %dma_wait3A_34 = arith.constant 0 : i32
      %dma_wait3A_35 = tpu.memref_slice %arg4[%dma_wait3A_33, %dma_wait3A_34] : memref<10000x8xf32, #tpu.memory_space<hbm>> -> memref<10000x8xf32, #tpu.memory_space<hbm>>
      tpu.wait_indirect_dma semaphore(%arg19 : memref<!tpu.dma_semaphore, #tpu.memory_space<semaphore_mem>>) src(%dma_wait3A_35 : memref<10000x8xf32, #tpu.memory_space<hbm>>) dst(%arg15 : memref<80x8xf32, #tpu.memory_space<vmem>>)
      %scan3A_36 = arith.constant 0 : i32
      %scan3A_37 = arith.constant 5 : i32
      %scan3A_38 = arith.addi %scan3A_36, %scan3A_37 : i32
      %scan3A_39 = arith.constant 1 : i32
      scf.for %scan3A_49 = %scan3A_36 to %scan3A_38 step %scan3A_39  : i32 {
        %mul3A_50 = arith.constant 1 : i32
        %mul3A_51 = arith.muli %scan3A_49, %mul3A_50 : i32
        %add3A_52 = arith.constant 0 : i32
        %add3A_53 = arith.addi %add3A_52, %mul3A_51 : i32
        %mul3A_54 = arith.constant 16 : i32
        %mul3A_55 = arith.muli %add3A_53, %mul3A_54 : i32
        %add3A_56 = vector.broadcast %mul3A_55 : i32 to vector<16xi32>
        %add3A_57 = arith.addi %add3A_56, %iota3A : vector<16xi32>
        %broadcast_in_dim3A = arith.constant 0 : i32
        %broadcast_in_dim3A_58 = vector.broadcast %broadcast_in_dim3A : i32 to vector<16xi32>
        %gather3A = tpu.vector_load_idx %arg14[%add3A_57, %broadcast_in_dim3A_58] : memref<80x8xf32, #tpu.memory_space<vmem>>[vector<16xi32>, vector<16xi32>], vector<16xf32>,
        %gather3A_59 = tpu.vector_load_idx %arg15[%add3A_57, %broadcast_in_dim3A_58] : memref<80x8xf32, #tpu.memory_space<vmem>>[vector<16xi32>, vector<16xi32>], vector<16xf32>,
        %gather3A_60 = tpu.vector_load_idx %arg13[%add3A_57, %broadcast_in_dim3A_58] : memref<80x8xf32, #tpu.memory_space<vmem>>[vector<16xi32>, vector<16xi32>], vector<16xf32>,
        %add3A_61 = arith.addf %gather3A, %gather3A_59 : vector<16xf32>
        %add3A_62 = arith.constant 9.99999971E-10 : f32
        %add3A_63 = vector.broadcast %add3A_62 : f32 to vector<16xf32>
        %add3A_64 = arith.addf %add3A_61, %add3A_63 : vector<16xf32>
        %div3A = arith.divf %gather3A_60, %add3A_64 : vector<16xf32>
        tpu.vector_store_idx %arg13[%add3A_57, %broadcast_in_dim3A_58], %div3A : memref<80x8xf32, #tpu.memory_space<vmem>>[vector<16xi32>, vector<16xi32>], vector<16xf32>,
        %broadcast_in_dim3A_65 = arith.constant 1 : i32
        %broadcast_in_dim3A_66 = vector.broadcast %broadcast_in_dim3A_65 : i32 to vector<16xi32>
        %gather3A_67 = tpu.vector_load_idx %arg14[%add3A_57, %broadcast_in_dim3A_66] : memref<80x8xf32, #tpu.memory_space<vmem>>[vector<16xi32>, vector<16xi32>], vector<16xf32>,
        %gather3A_68 = tpu.vector_load_idx %arg15[%add3A_57, %broadcast_in_dim3A_66] : memref<80x8xf32, #tpu.memory_space<vmem>>[vector<16xi32>, vector<16xi32>], vector<16xf32>,
        %gather3A_69 = tpu.vector_load_idx %arg13[%add3A_57, %broadcast_in_dim3A_66] : memref<80x8xf32, #tpu.memory_space<vmem>>[vector<16xi32>, vector<16xi32>], vector<16xf32>,
        %add3A_70 = arith.addf %gather3A_67, %gather3A_68 : vector<16xf32>
        %add3A_71 = arith.constant 9.99999971E-10 : f32
        %add3A_72 = vector.broadcast %add3A_71 : f32 to vector<16xf32>
        %add3A_73 = arith.addf %add3A_70, %add3A_72 : vector<16xf32>
        %div3A_74 = arith.divf %gather3A_69, %add3A_73 : vector<16xf32>
        tpu.vector_store_idx %arg13[%add3A_57, %broadcast_in_dim3A_66], %div3A_74 : memref<80x8xf32, #tpu.memory_space<vmem>>[vector<16xi32>, vector<16xi32>], vector<16xf32>,
        %broadcast_in_dim3A_75 = arith.constant 2 : i32
        %broadcast_in_dim3A_76 = vector.broadcast %broadcast_in_dim3A_75 : i32 to vector<16xi32>
        %gather3A_77 = tpu.vector_load_idx %arg14[%add3A_57, %broadcast_in_dim3A_76] : memref<80x8xf32, #tpu.memory_space<vmem>>[vector<16xi32>, vector<16xi32>], vector<16xf32>,
        %gather3A_78 = tpu.vector_load_idx %arg15[%add3A_57, %broadcast_in_dim3A_76] : memref<80x8xf32, #tpu.memory_space<vmem>>[vector<16xi32>, vector<16xi32>], vector<16xf32>,
        %gather3A_79 = tpu.vector_load_idx %arg13[%add3A_57, %broadcast_in_dim3A_76] : memref<80x8xf32, #tpu.memory_space<vmem>>[vector<16xi32>, vector<16xi32>], vector<16xf32>,
        %add3A_80 = arith.addf %gather3A_77, %gather3A_78 : vector<16xf32>
        %add3A_81 = arith.constant 9.99999971E-10 : f32
        %add3A_82 = vector.broadcast %add3A_81 : f32 to vector<16xf32>
        %add3A_83 = arith.addf %add3A_80, %add3A_82 : vector<16xf32>
        %div3A_84 = arith.divf %gather3A_79, %add3A_83 : vector<16xf32>
        tpu.vector_store_idx %arg13[%add3A_57, %broadcast_in_dim3A_76], %div3A_84 : memref<80x8xf32, #tpu.memory_space<vmem>>[vector<16xi32>, vector<16xi32>], vector<16xf32>,
        %broadcast_in_dim3A_85 = arith.constant 3 : i32
        %broadcast_in_dim3A_86 = vector.broadcast %broadcast_in_dim3A_85 : i32 to vector<16xi32>
        %gather3A_87 = tpu.vector_load_idx %arg14[%add3A_57, %broadcast_in_dim3A_86] : memref<80x8xf32, #tpu.memory_space<vmem>>[vector<16xi32>, vector<16xi32>], vector<16xf32>,
        %gather3A_88 = tpu.vector_load_idx %arg15[%add3A_57, %broadcast_in_dim3A_86] : memref<80x8xf32, #tpu.memory_space<vmem>>[vector<16xi32>, vector<16xi32>], vector<16xf32>,
        %gather3A_89 = tpu.vector_load_idx %arg13[%add3A_57, %broadcast_in_dim3A_86] : memref<80x8xf32, #tpu.memory_space<vmem>>[vector<16xi32>, vector<16xi32>], vector<16xf32>,
        %add3A_90 = arith.addf %gather3A_87, %gather3A_88 : vector<16xf32>
        %add3A_91 = arith.constant 9.99999971E-10 : f32
        %add3A_92 = vector.broadcast %add3A_91 : f32 to vector<16xf32>
        %add3A_93 = arith.addf %add3A_90, %add3A_92 : vector<16xf32>
        %div3A_94 = arith.divf %gather3A_89, %add3A_93 : vector<16xf32>
        tpu.vector_store_idx %arg13[%add3A_57, %broadcast_in_dim3A_86], %div3A_94 : memref<80x8xf32, #tpu.memory_space<vmem>>[vector<16xi32>, vector<16xi32>], vector<16xf32>,
      }
      %scan3A_40 = arith.constant 5 : i32
      "tpu.region"() ({
        %run_scoped3A = tpu.sem_alloc : memref<!tpu.dma_semaphore, #tpu.memory_space<semaphore_mem>>
        %dma_start3A_49 = arith.constant 0 : i32
        %dma_start3A_50 = tpu.memref_slice %arg9[%add3A_22, %dma_start3A_49] : memref<320000x8xf32, #tpu.memory_space<hbm>> -> memref<80x8xf32, #tpu.memory_space<hbm>>
        %dma_start3A_51 = arith.constant 0 : i32
        %dma_start3A_52 = tpu.memref_slice %arg9[%add3A_22, %dma_start3A_51] : memref<320000x8xf32, #tpu.memory_space<hbm>> -> memref<80x8xf32, #tpu.memory_space<hbm>>
        tpu.enqueue_dma source(%arg13 : memref<80x8xf32, #tpu.memory_space<vmem>>) target(%dma_start3A_52 : memref<80x8xf32, #tpu.memory_space<hbm>>) target_semaphore(%run_scoped3A : memref<!tpu.dma_semaphore, #tpu.memory_space<semaphore_mem>>)
        %dma_wait3A_53 = arith.constant 0 : i32
        %dma_wait3A_54 = tpu.memref_slice %arg9[%add3A_22, %dma_wait3A_53] : memref<320000x8xf32, #tpu.memory_space<hbm>> -> memref<80x8xf32, #tpu.memory_space<hbm>>
        %dma_wait3A_55 = arith.constant 0 : i32
        %dma_wait3A_56 = tpu.memref_slice %arg9[%add3A_22, %dma_wait3A_55] : memref<320000x8xf32, #tpu.memory_space<hbm>> -> memref<80x8xf32, #tpu.memory_space<hbm>>
        tpu.wait_dma2 semaphore(%run_scoped3A : memref<!tpu.dma_semaphore, #tpu.memory_space<semaphore_mem>>) src(%arg13 : memref<80x8xf32, #tpu.memory_space<vmem>>) dst(%dma_wait3A_56 : memref<80x8xf32, #tpu.memory_space<hbm>>)
        tpu.yield
      }) : () -> ()
      %dma_wait3A_41 = arith.constant 0 : i32
      %dma_wait3A_42 = arith.constant 0 : i32
      %dma_wait3A_43 = tpu.memref_slice %arg7[%dma_wait3A_41, %dma_wait3A_42] : memref<10000x128xf32, #tpu.memory_space<hbm>> -> memref<10000x128xf32, #tpu.memory_space<hbm>>
      tpu.wait_indirect_dma semaphore(%arg20 : memref<!tpu.dma_semaphore, #tpu.memory_space<semaphore_mem>>) src(%dma_wait3A_43 : memref<10000x128xf32, #tpu.memory_space<hbm>>) dst(%arg16 : memref<80x128xf32, #tpu.memory_space<vmem>>)
      %scan3A_44 = arith.constant 0 : i32
      %scan3A_45 = arith.constant 10 : i32
      %scan3A_46 = arith.addi %scan3A_44, %scan3A_45 : i32
      %scan3A_47 = arith.constant 1 : i32
      scf.for %scan3A_49 = %scan3A_44 to %scan3A_46 step %scan3A_47  : i32 {
        %mul3A_50 = arith.constant 8 : i32
        %mul3A_51 = arith.muli %scan3A_49, %mul3A_50 : i32
        %add3A_52 = arith.constant 0 : i32
        %add3A_53 = arith.addi %add3A_52, %mul3A_51 : i32
        %add3A_54 = arith.constant 0 : i32
        %add3A_55 = arith.addi %add3A_53, %add3A_54 : i32
        %broadcast_in_dim3A = vector.broadcast %add3A_55 : i32 to vector<16xi32>
        %broadcast_in_dim3A_56 = arith.constant 0 : i32
        %broadcast_in_dim3A_57 = vector.broadcast %broadcast_in_dim3A_56 : i32 to vector<16xi32>
        %gather3A = tpu.vector_load_idx %arg13[%broadcast_in_dim3A, %broadcast_in_dim3A_57] : memref<80x8xf32, #tpu.memory_space<vmem>>[vector<16xi32>, vector<16xi32>], vector<16xf32>,
        %get3A = arith.index_cast %add3A_55 : i32 to index
        %get3A_58 = arith.constant 0 : index
        %get3A_59 = tpu.vector_load %arg16[%get3A, %get3A_58] {strides = array<i32>} : memref<80x128xf32, #tpu.memory_space<vmem>>, vector<16xf32>,
        %mul3A_60 = arith.mulf %get3A_59, %gather3A : vector<16xf32>
        %swap3A = arith.index_cast %add3A_55 : i32 to index
        %swap3A_61 = arith.constant 0 : index
        %swap3A_62 = tpu.vector_load %arg16[%swap3A, %swap3A_61] {strides = array<i32>} : memref<80x128xf32, #tpu.memory_space<vmem>>, vector<16xf32>,
        tpu.vector_store %arg16[%swap3A, %swap3A_61], %mul3A_60 {strides = array<i32>} : memref<80x128xf32, #tpu.memory_space<vmem>>, vector<16xf32>,
        %get3A_63 = arith.index_cast %add3A_55 : i32 to index
        %get3A_64 = arith.constant 16 : index
        %get3A_65 = tpu.vector_load %arg16[%get3A_63, %get3A_64] {strides = array<i32>} : memref<80x128xf32, #tpu.memory_space<vmem>>, vector<16xf32>,
        %mul3A_66 = arith.mulf %get3A_65, %gather3A : vector<16xf32>
        %swap3A_67 = arith.index_cast %add3A_55 : i32 to index
        %swap3A_68 = arith.constant 16 : index
        %swap3A_69 = tpu.vector_load %arg16[%swap3A_67, %swap3A_68] {strides = array<i32>} : memref<80x128xf32, #tpu.memory_space<vmem>>, vector<16xf32>,
        tpu.vector_store %arg16[%swap3A_67, %swap3A_68], %mul3A_66 {strides = array<i32>} : memref<80x128xf32, #tpu.memory_space<vmem>>, vector<16xf32>,
        %broadcast_in_dim3A_70 = arith.constant 1 : i32
        %broadcast_in_dim3A_71 = vector.broadcast %broadcast_in_dim3A_70 : i32 to vector<16xi32>
        %gather3A_72 = tpu.vector_load_idx %arg13[%broadcast_in_dim3A, %broadcast_in_dim3A_71] : memref<80x8xf32, #tpu.memory_space<vmem>>[vector<16xi32>, vector<16xi32>], vector<16xf32>,
        %get3A_73 = arith.index_cast %add3A_55 : i32 to index
        %get3A_74 = arith.constant 32 : index
        %get3A_75 = tpu.vector_load %arg16[%get3A_73, %get3A_74] {strides = array<i32>} : memref<80x128xf32, #tpu.memory_space<vmem>>, vector<16xf32>,
        %mul3A_76 = arith.mulf %get3A_75, %gather3A_72 : vector<16xf32>
        %swap3A_77 = arith.index_cast %add3A_55 : i32 to index
        %swap3A_78 = arith.constant 32 : index
        %swap3A_79 = tpu.vector_load %arg16[%swap3A_77, %swap3A_78] {strides = array<i32>} : memref<80x128xf32, #tpu.memory_space<vmem>>, vector<16xf32>,
        tpu.vector_store %arg16[%swap3A_77, %swap3A_78], %mul3A_76 {strides = array<i32>} : memref<80x128xf32, #tpu.memory_space<vmem>>, vector<16xf32>,
        %get3A_80 = arith.index_cast %add3A_55 : i32 to index
        %get3A_81 = arith.constant 48 : index
        %get3A_82 = tpu.vector_load %arg16[%get3A_80, %get3A_81] {strides = array<i32>} : memref<80x128xf32, #tpu.memory_space<vmem>>, vector<16xf32>,
        %mul3A_83 = arith.mulf %get3A_82, %gather3A_72 : vector<16xf32>
        %swap3A_84 = arith.index_cast %add3A_55 : i32 to index
        %swap3A_85 = arith.constant 48 : index
        %swap3A_86 = tpu.vector_load %arg16[%swap3A_84, %swap3A_85] {strides = array<i32>} : memref<80x128xf32, #tpu.memory_space<vmem>>, vector<16xf32>,
        tpu.vector_store %arg16[%swap3A_84, %swap3A_85], %mul3A_83 {strides = array<i32>} : memref<80x128xf32, #tpu.memory_space<vmem>>, vector<16xf32>,
        %broadcast_in_dim3A_87 = arith.constant 2 : i32
        %broadcast_in_dim3A_88 = vector.broadcast %broadcast_in_dim3A_87 : i32 to vector<16xi32>
        %gather3A_89 = tpu.vector_load_idx %arg13[%broadcast_in_dim3A, %broadcast_in_dim3A_88] : memref<80x8xf32, #tpu.memory_space<vmem>>[vector<16xi32>, vector<16xi32>], vector<16xf32>,
        %get3A_90 = arith.index_cast %add3A_55 : i32 to index
        %get3A_91 = arith.constant 64 : index
        %get3A_92 = tpu.vector_load %arg16[%get3A_90, %get3A_91] {strides = array<i32>} : memref<80x128xf32, #tpu.memory_space<vmem>>, vector<16xf32>,
        %mul3A_93 = arith.mulf %get3A_92, %gather3A_89 : vector<16xf32>
        %swap3A_94 = arith.index_cast %add3A_55 : i32 to index
        %swap3A_95 = arith.constant 64 : index
        %swap3A_96 = tpu.vector_load %arg16[%swap3A_94, %swap3A_95] {strides = array<i32>} : memref<80x128xf32, #tpu.memory_space<vmem>>, vector<16xf32>,
        tpu.vector_store %arg16[%swap3A_94, %swap3A_95], %mul3A_93 {strides = array<i32>} : memref<80x128xf32, #tpu.memory_space<vmem>>, vector<16xf32>,
        %get3A_97 = arith.index_cast %add3A_55 : i32 to index
        %get3A_98 = arith.constant 80 : index
        %get3A_99 = tpu.vector_load %arg16[%get3A_97, %get3A_98] {strides = array<i32>} : memref<80x128xf32, #tpu.memory_space<vmem>>, vector<16xf32>,
        %mul3A_100 = arith.mulf %get3A_99, %gather3A_89 : vector<16xf32>
        %swap3A_101 = arith.index_cast %add3A_55 : i32 to index
        %swap3A_102 = arith.constant 80 : index
        %swap3A_103 = tpu.vector_load %arg16[%swap3A_101, %swap3A_102] {strides = array<i32>} : memref<80x128xf32, #tpu.memory_space<vmem>>, vector<16xf32>,
        tpu.vector_store %arg16[%swap3A_101, %swap3A_102], %mul3A_100 {strides = array<i32>} : memref<80x128xf32, #tpu.memory_space<vmem>>, vector<16xf32>,
        %broadcast_in_dim3A_104 = arith.constant 3 : i32
        %broadcast_in_dim3A_105 = vector.broadcast %broadcast_in_dim3A_104 : i32 to vector<16xi32>
        %gather3A_106 = tpu.vector_load_idx %arg13[%broadcast_in_dim3A, %broadcast_in_dim3A_105] : memref<80x8xf32, #tpu.memory_space<vmem>>[vector<16xi32>, vector<16xi32>], vector<16xf32>,
        %get3A_107 = arith.index_cast %add3A_55 : i32 to index
        %get3A_108 = arith.constant 96 : index
        %get3A_109 = tpu.vector_load %arg16[%get3A_107, %get3A_108] {strides = array<i32>} : memref<80x128xf32, #tpu.memory_space<vmem>>, vector<16xf32>,
        %mul3A_110 = arith.mulf %get3A_109, %gather3A_106 : vector<16xf32>
        %swap3A_111 = arith.index_cast %add3A_55 : i32 to index
        %swap3A_112 = arith.constant 96 : index
        %swap3A_113 = tpu.vector_load %arg16[%swap3A_111, %swap3A_112] {strides = array<i32>} : memref<80x128xf32, #tpu.memory_space<vmem>>, vector<16xf32>,
        tpu.vector_store %arg16[%swap3A_111, %swap3A_112], %mul3A_110 {strides = array<i32>} : memref<80x128xf32, #tpu.memory_space<vmem>>, vector<16xf32>,
        %get3A_114 = arith.index_cast %add3A_55 : i32 to index
        %get3A_115 = arith.constant 112 : index
        %get3A_116 = tpu.vector_load %arg16[%get3A_114, %get3A_115] {strides = array<i32>} : memref<80x128xf32, #tpu.memory_space<vmem>>, vector<16xf32>,
        %mul3A_117 = arith.mulf %get3A_116, %gather3A_106 : vector<16xf32>
        %swap3A_118 = arith.index_cast %add3A_55 : i32 to index
        %swap3A_119 = arith.constant 112 : index
        %swap3A_120 = tpu.vector_load %arg16[%swap3A_118, %swap3A_119] {strides = array<i32>} : memref<80x128xf32, #tpu.memory_space<vmem>>, vector<16xf32>,
        tpu.vector_store %arg16[%swap3A_118, %swap3A_119], %mul3A_117 {strides = array<i32>} : memref<80x128xf32, #tpu.memory_space<vmem>>, vector<16xf32>,
        %add3A_121 = arith.constant 1 : i32
        %add3A_122 = arith.addi %add3A_53, %add3A_121 : i32
        %broadcast_in_dim3A_123 = vector.broadcast %add3A_122 : i32 to vector<16xi32>
        %broadcast_in_dim3A_124 = arith.constant 0 : i32
        %broadcast_in_dim3A_125 = vector.broadcast %broadcast_in_dim3A_124 : i32 to vector<16xi32>
        %gather3A_126 = tpu.vector_load_idx %arg13[%broadcast_in_dim3A_123, %broadcast_in_dim3A_125] : memref<80x8xf32, #tpu.memory_space<vmem>>[vector<16xi32>, vector<16xi32>], vector<16xf32>,
        %get3A_127 = arith.index_cast %add3A_122 : i32 to index
        %get3A_128 = arith.constant 0 : index
        %get3A_129 = tpu.vector_load %arg16[%get3A_127, %get3A_128] {strides = array<i32>} : memref<80x128xf32, #tpu.memory_space<vmem>>, vector<16xf32>,
        %mul3A_130 = arith.mulf %get3A_129, %gather3A_126 : vector<16xf32>
        %swap3A_131 = arith.index_cast %add3A_122 : i32 to index
        %swap3A_132 = arith.constant 0 : index
        %swap3A_133 = tpu.vector_load %arg16[%swap3A_131, %swap3A_132] {strides = array<i32>} : memref<80x128xf32, #tpu.memory_space<vmem>>, vector<16xf32>,
        tpu.vector_store %arg16[%swap3A_131, %swap3A_132], %mul3A_130 {strides = array<i32>} : memref<80x128xf32, #tpu.memory_space<vmem>>, vector<16xf32>,
        %get3A_134 = arith.index_cast %add3A_122 : i32 to index
        %get3A_135 = arith.constant 16 : index
        %get3A_136 = tpu.vector_load %arg16[%get3A_134, %get3A_135] {strides = array<i32>} : memref<80x128xf32, #tpu.memory_space<vmem>>, vector<16xf32>,
        %mul3A_137 = arith.mulf %get3A_136, %gather3A_126 : vector<16xf32>
        %swap3A_138 = arith.index_cast %add3A_122 : i32 to index
        %swap3A_139 = arith.constant 16 : index
        %swap3A_140 = tpu.vector_load %arg16[%swap3A_138, %swap3A_139] {strides = array<i32>} : memref<80x128xf32, #tpu.memory_space<vmem>>, vector<16xf32>,
        tpu.vector_store %arg16[%swap3A_138, %swap3A_139], %mul3A_137 {strides = array<i32>} : memref<80x128xf32, #tpu.memory_space<vmem>>, vector<16xf32>,
        %broadcast_in_dim3A_141 = arith.constant 1 : i32
        %broadcast_in_dim3A_142 = vector.broadcast %broadcast_in_dim3A_141 : i32 to vector<16xi32>
        %gather3A_143 = tpu.vector_load_idx %arg13[%broadcast_in_dim3A_123, %broadcast_in_dim3A_142] : memref<80x8xf32, #tpu.memory_space<vmem>>[vector<16xi32>, vector<16xi32>], vector<16xf32>,
        %get3A_144 = arith.index_cast %add3A_122 : i32 to index
        %get3A_145 = arith.constant 32 : index
        %get3A_146 = tpu.vector_load %arg16[%get3A_144, %get3A_145] {strides = array<i32>} : memref<80x128xf32, #tpu.memory_space<vmem>>, vector<16xf32>,
        %mul3A_147 = arith.mulf %get3A_146, %gather3A_143 : vector<16xf32>
        %swap3A_148 = arith.index_cast %add3A_122 : i32 to index
        %swap3A_149 = arith.constant 32 : index
        %swap3A_150 = tpu.vector_load %arg16[%swap3A_148, %swap3A_149] {strides = array<i32>} : memref<80x128xf32, #tpu.memory_space<vmem>>, vector<16xf32>,
        tpu.vector_store %arg16[%swap3A_148, %swap3A_149], %mul3A_147 {strides = array<i32>} : memref<80x128xf32, #tpu.memory_space<vmem>>, vector<16xf32>,
        %get3A_151 = arith.index_cast %add3A_122 : i32 to index
        %get3A_152 = arith.constant 48 : index
        %get3A_153 = tpu.vector_load %arg16[%get3A_151, %get3A_152] {strides = array<i32>} : memref<80x128xf32, #tpu.memory_space<vmem>>, vector<16xf32>,
        %mul3A_154 = arith.mulf %get3A_153, %gather3A_143 : vector<16xf32>
        %swap3A_155 = arith.index_cast %add3A_122 : i32 to index
        %swap3A_156 = arith.constant 48 : index
        %swap3A_157 = tpu.vector_load %arg16[%swap3A_155, %swap3A_156] {strides = array<i32>} : memref<80x128xf32, #tpu.memory_space<vmem>>, vector<16xf32>,
        tpu.vector_store %arg16[%swap3A_155, %swap3A_156], %mul3A_154 {strides = array<i32>} : memref<80x128xf32, #tpu.memory_space<vmem>>, vector<16xf32>,
        %broadcast_in_dim3A_158 = arith.constant 2 : i32
        %broadcast_in_dim3A_159 = vector.broadcast %broadcast_in_dim3A_158 : i32 to vector<16xi32>
        %gather3A_160 = tpu.vector_load_idx %arg13[%broadcast_in_dim3A_123, %broadcast_in_dim3A_159] : memref<80x8xf32, #tpu.memory_space<vmem>>[vector<16xi32>, vector<16xi32>], vector<16xf32>,
        %get3A_161 = arith.index_cast %add3A_122 : i32 to index
        %get3A_162 = arith.constant 64 : index
        %get3A_163 = tpu.vector_load %arg16[%get3A_161, %get3A_162] {strides = array<i32>} : memref<80x128xf32, #tpu.memory_space<vmem>>, vector<16xf32>,
        %mul3A_164 = arith.mulf %get3A_163, %gather3A_160 : vector<16xf32>
        %swap3A_165 = arith.index_cast %add3A_122 : i32 to index
        %swap3A_166 = arith.constant 64 : index
        %swap3A_167 = tpu.vector_load %arg16[%swap3A_165, %swap3A_166] {strides = array<i32>} : memref<80x128xf32, #tpu.memory_space<vmem>>, vector<16xf32>,
        tpu.vector_store %arg16[%swap3A_165, %swap3A_166], %mul3A_164 {strides = array<i32>} : memref<80x128xf32, #tpu.memory_space<vmem>>, vector<16xf32>,
        %get3A_168 = arith.index_cast %add3A_122 : i32 to index
        %get3A_169 = arith.constant 80 : index
        %get3A_170 = tpu.vector_load %arg16[%get3A_168, %get3A_169] {strides = array<i32>} : memref<80x128xf32, #tpu.memory_space<vmem>>, vector<16xf32>,
        %mul3A_171 = arith.mulf %get3A_170, %gather3A_160 : vector<16xf32>
        %swap3A_172 = arith.index_cast %add3A_122 : i32 to index
        %swap3A_173 = arith.constant 80 : index
        %swap3A_174 = tpu.vector_load %arg16[%swap3A_172, %swap3A_173] {strides = array<i32>} : memref<80x128xf32, #tpu.memory_space<vmem>>, vector<16xf32>,
        tpu.vector_store %arg16[%swap3A_172, %swap3A_173], %mul3A_171 {strides = array<i32>} : memref<80x128xf32, #tpu.memory_space<vmem>>, vector<16xf32>,
        %broadcast_in_dim3A_175 = arith.constant 3 : i32
        %broadcast_in_dim3A_176 = vector.broadcast %broadcast_in_dim3A_175 : i32 to vector<16xi32>
        %gather3A_177 = tpu.vector_load_idx %arg13[%broadcast_in_dim3A_123, %broadcast_in_dim3A_176] : memref<80x8xf32, #tpu.memory_space<vmem>>[vector<16xi32>, vector<16xi32>], vector<16xf32>,
        %get3A_178 = arith.index_cast %add3A_122 : i32 to index
        %get3A_179 = arith.constant 96 : index
        %get3A_180 = tpu.vector_load %arg16[%get3A_178, %get3A_179] {strides = array<i32>} : memref<80x128xf32, #tpu.memory_space<vmem>>, vector<16xf32>,
        %mul3A_181 = arith.mulf %get3A_180, %gather3A_177 : vector<16xf32>
        %swap3A_182 = arith.index_cast %add3A_122 : i32 to index
        %swap3A_183 = arith.constant 96 : index
        %swap3A_184 = tpu.vector_load %arg16[%swap3A_182, %swap3A_183] {strides = array<i32>} : memref<80x128xf32, #tpu.memory_space<vmem>>, vector<16xf32>,
        tpu.vector_store %arg16[%swap3A_182, %swap3A_183], %mul3A_181 {strides = array<i32>} : memref<80x128xf32, #tpu.memory_space<vmem>>, vector<16xf32>,
        %get3A_185 = arith.index_cast %add3A_122 : i32 to index
        %get3A_186 = arith.constant 112 : index
        %get3A_187 = tpu.vector_load %arg16[%get3A_185, %get3A_186] {strides = array<i32>} : memref<80x128xf32, #tpu.memory_space<vmem>>, vector<16xf32>,
        %mul3A_188 = arith.mulf %get3A_187, %gather3A_177 : vector<16xf32>
        %swap3A_189 = arith.index_cast %add3A_122 : i32 to index
        %swap3A_190 = arith.constant 112 : index
        %swap3A_191 = tpu.vector_load %arg16[%swap3A_189, %swap3A_190] {strides = array<i32>} : memref<80x128xf32, #tpu.memory_space<vmem>>, vector<16xf32>,
        tpu.vector_store %arg16[%swap3A_189, %swap3A_190], %mul3A_188 {strides = array<i32>} : memref<80x128xf32, #tpu.memory_space<vmem>>, vector<16xf32>,
        %add3A_192 = arith.constant 2 : i32
        %add3A_193 = arith.addi %add3A_53, %add3A_192 : i32
        %broadcast_in_dim3A_194 = vector.broadcast %add3A_193 : i32 to vector<16xi32>
        %broadcast_in_dim3A_195 = arith.constant 0 : i32
        %broadcast_in_dim3A_196 = vector.broadcast %broadcast_in_dim3A_195 : i32 to vector<16xi32>
        %gather3A_197 = tpu.vector_load_idx %arg13[%broadcast_in_dim3A_194, %broadcast_in_dim3A_196] : memref<80x8xf32, #tpu.memory_space<vmem>>[vector<16xi32>, vector<16xi32>], vector<16xf32>,
        %get3A_198 = arith.index_cast %add3A_193 : i32 to index
        %get3A_199 = arith.constant 0 : index
        %get3A_200 = tpu.vector_load %arg16[%get3A_198, %get3A_199] {strides = array<i32>} : memref<80x128xf32, #tpu.memory_space<vmem>>, vector<16xf32>,
        %mul3A_201 = arith.mulf %get3A_200, %gather3A_197 : vector<16xf32>
        %swap3A_202 = arith.index_cast %add3A_193 : i32 to index
        %swap3A_203 = arith.constant 0 : index
        %swap3A_204 = tpu.vector_load %arg16[%swap3A_202, %swap3A_203] {strides = array<i32>} : memref<80x128xf32, #tpu.memory_space<vmem>>, vector<16xf32>,
        tpu.vector_store %arg16[%swap3A_202, %swap3A_203], %mul3A_201 {strides = array<i32>} : memref<80x128xf32, #tpu.memory_space<vmem>>, vector<16xf32>,
        %get3A_205 = arith.index_cast %add3A_193 : i32 to index
        %get3A_206 = arith.constant 16 : index
        %get3A_207 = tpu.vector_load %arg16[%get3A_205, %get3A_206] {strides = array<i32>} : memref<80x128xf32, #tpu.memory_space<vmem>>, vector<16xf32>,
        %mul3A_208 = arith.mulf %get3A_207, %gather3A_197 : vector<16xf32>
        %swap3A_209 = arith.index_cast %add3A_193 : i32 to index
        %swap3A_210 = arith.constant 16 : index
        %swap3A_211 = tpu.vector_load %arg16[%swap3A_209, %swap3A_210] {strides = array<i32>} : memref<80x128xf32, #tpu.memory_space<vmem>>, vector<16xf32>,
        tpu.vector_store %arg16[%swap3A_209, %swap3A_210], %mul3A_208 {strides = array<i32>} : memref<80x128xf32, #tpu.memory_space<vmem>>, vector<16xf32>,
        %broadcast_in_dim3A_212 = arith.constant 1 : i32
        %broadcast_in_dim3A_213 = vector.broadcast %broadcast_in_dim3A_212 : i32 to vector<16xi32>
        %gather3A_214 = tpu.vector_load_idx %arg13[%broadcast_in_dim3A_194, %broadcast_in_dim3A_213] : memref<80x8xf32, #tpu.memory_space<vmem>>[vector<16xi32>, vector<16xi32>], vector<16xf32>,
        %get3A_215 = arith.index_cast %add3A_193 : i32 to index
        %get3A_216 = arith.constant 32 : index
        %get3A_217 = tpu.vector_load %arg16[%get3A_215, %get3A_216] {strides = array<i32>} : memref<80x128xf32, #tpu.memory_space<vmem>>, vector<16xf32>,
        %mul3A_218 = arith.mulf %get3A_217, %gather3A_214 : vector<16xf32>
        %swap3A_219 = arith.index_cast %add3A_193 : i32 to index
        %swap3A_220 = arith.constant 32 : index
        %swap3A_221 = tpu.vector_load %arg16[%swap3A_219, %swap3A_220] {strides = array<i32>} : memref<80x128xf32, #tpu.memory_space<vmem>>, vector<16xf32>,
        tpu.vector_store %arg16[%swap3A_219, %swap3A_220], %mul3A_218 {strides = array<i32>} : memref<80x128xf32, #tpu.memory_space<vmem>>, vector<16xf32>,
        %get3A_222 = arith.index_cast %add3A_193 : i32 to index
        %get3A_223 = arith.constant 48 : index
        %get3A_224 = tpu.vector_load %arg16[%get3A_222, %get3A_223] {strides = array<i32>} : memref<80x128xf32, #tpu.memory_space<vmem>>, vector<16xf32>,
        %mul3A_225 = arith.mulf %get3A_224, %gather3A_214 : vector<16xf32>
        %swap3A_226 = arith.index_cast %add3A_193 : i32 to index
        %swap3A_227 = arith.constant 48 : index
        %swap3A_228 = tpu.vector_load %arg16[%swap3A_226, %swap3A_227] {strides = array<i32>} : memref<80x128xf32, #tpu.memory_space<vmem>>, vector<16xf32>,
        tpu.vector_store %arg16[%swap3A_226, %swap3A_227], %mul3A_225 {strides = array<i32>} : memref<80x128xf32, #tpu.memory_space<vmem>>, vector<16xf32>,
        %broadcast_in_dim3A_229 = arith.constant 2 : i32
        %broadcast_in_dim3A_230 = vector.broadcast %broadcast_in_dim3A_229 : i32 to vector<16xi32>
        %gather3A_231 = tpu.vector_load_idx %arg13[%broadcast_in_dim3A_194, %broadcast_in_dim3A_230] : memref<80x8xf32, #tpu.memory_space<vmem>>[vector<16xi32>, vector<16xi32>], vector<16xf32>,
        %get3A_232 = arith.index_cast %add3A_193 : i32 to index
        %get3A_233 = arith.constant 64 : index
        %get3A_234 = tpu.vector_load %arg16[%get3A_232, %get3A_233] {strides = array<i32>} : memref<80x128xf32, #tpu.memory_space<vmem>>, vector<16xf32>,
        %mul3A_235 = arith.mulf %get3A_234, %gather3A_231 : vector<16xf32>
        %swap3A_236 = arith.index_cast %add3A_193 : i32 to index
        %swap3A_237 = arith.constant 64 : index
        %swap3A_238 = tpu.vector_load %arg16[%swap3A_236, %swap3A_237] {strides = array<i32>} : memref<80x128xf32, #tpu.memory_space<vmem>>, vector<16xf32>,
        tpu.vector_store %arg16[%swap3A_236, %swap3A_237], %mul3A_235 {strides = array<i32>} : memref<80x128xf32, #tpu.memory_space<vmem>>, vector<16xf32>,
        %get3A_239 = arith.index_cast %add3A_193 : i32 to index
        %get3A_240 = arith.constant 80 : index
        %get3A_241 = tpu.vector_load %arg16[%get3A_239, %get3A_240] {strides = array<i32>} : memref<80x128xf32, #tpu.memory_space<vmem>>, vector<16xf32>,
        %mul3A_242 = arith.mulf %get3A_241, %gather3A_231 : vector<16xf32>
        %swap3A_243 = arith.index_cast %add3A_193 : i32 to index
        %swap3A_244 = arith.constant 80 : index
        %swap3A_245 = tpu.vector_load %arg16[%swap3A_243, %swap3A_244] {strides = array<i32>} : memref<80x128xf32, #tpu.memory_space<vmem>>, vector<16xf32>,
        tpu.vector_store %arg16[%swap3A_243, %swap3A_244], %mul3A_242 {strides = array<i32>} : memref<80x128xf32, #tpu.memory_space<vmem>>, vector<16xf32>,
        %broadcast_in_dim3A_246 = arith.constant 3 : i32
        %broadcast_in_dim3A_247 = vector.broadcast %broadcast_in_dim3A_246 : i32 to vector<16xi32>
        %gather3A_248 = tpu.vector_load_idx %arg13[%broadcast_in_dim3A_194, %broadcast_in_dim3A_247] : memref<80x8xf32, #tpu.memory_space<vmem>>[vector<16xi32>, vector<16xi32>], vector<16xf32>,
        %get3A_249 = arith.index_cast %add3A_193 : i32 to index
        %get3A_250 = arith.constant 96 : index
        %get3A_251 = tpu.vector_load %arg16[%get3A_249, %get3A_250] {strides = array<i32>} : memref<80x128xf32, #tpu.memory_space<vmem>>, vector<16xf32>,
        %mul3A_252 = arith.mulf %get3A_251, %gather3A_248 : vector<16xf32>
        %swap3A_253 = arith.index_cast %add3A_193 : i32 to index
        %swap3A_254 = arith.constant 96 : index
        %swap3A_255 = tpu.vector_load %arg16[%swap3A_253, %swap3A_254] {strides = array<i32>} : memref<80x128xf32, #tpu.memory_space<vmem>>, vector<16xf32>,
        tpu.vector_store %arg16[%swap3A_253, %swap3A_254], %mul3A_252 {strides = array<i32>} : memref<80x128xf32, #tpu.memory_space<vmem>>, vector<16xf32>,
        %get3A_256 = arith.index_cast %add3A_193 : i32 to index
        %get3A_257 = arith.constant 112 : index
        %get3A_258 = tpu.vector_load %arg16[%get3A_256, %get3A_257] {strides = array<i32>} : memref<80x128xf32, #tpu.memory_space<vmem>>, vector<16xf32>,
        %mul3A_259 = arith.mulf %get3A_258, %gather3A_248 : vector<16xf32>
        %swap3A_260 = arith.index_cast %add3A_193 : i32 to index
        %swap3A_261 = arith.constant 112 : index
        %swap3A_262 = tpu.vector_load %arg16[%swap3A_260, %swap3A_261] {strides = array<i32>} : memref<80x128xf32, #tpu.memory_space<vmem>>, vector<16xf32>,
        tpu.vector_store %arg16[%swap3A_260, %swap3A_261], %mul3A_259 {strides = array<i32>} : memref<80x128xf32, #tpu.memory_space<vmem>>, vector<16xf32>,
        %add3A_263 = arith.constant 3 : i32
        %add3A_264 = arith.addi %add3A_53, %add3A_263 : i32
        %broadcast_in_dim3A_265 = vector.broadcast %add3A_264 : i32 to vector<16xi32>
        %broadcast_in_dim3A_266 = arith.constant 0 : i32
        %broadcast_in_dim3A_267 = vector.broadcast %broadcast_in_dim3A_266 : i32 to vector<16xi32>
        %gather3A_268 = tpu.vector_load_idx %arg13[%broadcast_in_dim3A_265, %broadcast_in_dim3A_267] : memref<80x8xf32, #tpu.memory_space<vmem>>[vector<16xi32>, vector<16xi32>], vector<16xf32>,
        %get3A_269 = arith.index_cast %add3A_264 : i32 to index
        %get3A_270 = arith.constant 0 : index
        %get3A_271 = tpu.vector_load %arg16[%get3A_269, %get3A_270] {strides = array<i32>} : memref<80x128xf32, #tpu.memory_space<vmem>>, vector<16xf32>,
        %mul3A_272 = arith.mulf %get3A_271, %gather3A_268 : vector<16xf32>
        %swap3A_273 = arith.index_cast %add3A_264 : i32 to index
        %swap3A_274 = arith.constant 0 : index
        %swap3A_275 = tpu.vector_load %arg16[%swap3A_273, %swap3A_274] {strides = array<i32>} : memref<80x128xf32, #tpu.memory_space<vmem>>, vector<16xf32>,
        tpu.vector_store %arg16[%swap3A_273, %swap3A_274], %mul3A_272 {strides = array<i32>} : memref<80x128xf32, #tpu.memory_space<vmem>>, vector<16xf32>,
        %get3A_276 = arith.index_cast %add3A_264 : i32 to index
        %get3A_277 = arith.constant 16 : index
        %get3A_278 = tpu.vector_load %arg16[%get3A_276, %get3A_277] {strides = array<i32>} : memref<80x128xf32, #tpu.memory_space<vmem>>, vector<16xf32>,
        %mul3A_279 = arith.mulf %get3A_278, %gather3A_268 : vector<16xf32>
        %swap3A_280 = arith.index_cast %add3A_264 : i32 to index
        %swap3A_281 = arith.constant 16 : index
        %swap3A_282 = tpu.vector_load %arg16[%swap3A_280, %swap3A_281] {strides = array<i32>} : memref<80x128xf32, #tpu.memory_space<vmem>>, vector<16xf32>,
        tpu.vector_store %arg16[%swap3A_280, %swap3A_281], %mul3A_279 {strides = array<i32>} : memref<80x128xf32, #tpu.memory_space<vmem>>, vector<16xf32>,
        %broadcast_in_dim3A_283 = arith.constant 1 : i32
        %broadcast_in_dim3A_284 = vector.broadcast %broadcast_in_dim3A_283 : i32 to vector<16xi32>
        %gather3A_285 = tpu.vector_load_idx %arg13[%broadcast_in_dim3A_265, %broadcast_in_dim3A_284] : memref<80x8xf32, #tpu.memory_space<vmem>>[vector<16xi32>, vector<16xi32>], vector<16xf32>,
        %get3A_286 = arith.index_cast %add3A_264 : i32 to index
        %get3A_287 = arith.constant 32 : index
        %get3A_288 = tpu.vector_load %arg16[%get3A_286, %get3A_287] {strides = array<i32>} : memref<80x128xf32, #tpu.memory_space<vmem>>, vector<16xf32>,
        %mul3A_289 = arith.mulf %get3A_288, %gather3A_285 : vector<16xf32>
        %swap3A_290 = arith.index_cast %add3A_264 : i32 to index
        %swap3A_291 = arith.constant 32 : index
        %swap3A_292 = tpu.vector_load %arg16[%swap3A_290, %swap3A_291] {strides = array<i32>} : memref<80x128xf32, #tpu.memory_space<vmem>>, vector<16xf32>,
        tpu.vector_store %arg16[%swap3A_290, %swap3A_291], %mul3A_289 {strides = array<i32>} : memref<80x128xf32, #tpu.memory_space<vmem>>, vector<16xf32>,
        %get3A_293 = arith.index_cast %add3A_264 : i32 to index
        %get3A_294 = arith.constant 48 : index
        %get3A_295 = tpu.vector_load %arg16[%get3A_293, %get3A_294] {strides = array<i32>} : memref<80x128xf32, #tpu.memory_space<vmem>>, vector<16xf32>,
        %mul3A_296 = arith.mulf %get3A_295, %gather3A_285 : vector<16xf32>
        %swap3A_297 = arith.index_cast %add3A_264 : i32 to index
        %swap3A_298 = arith.constant 48 : index
        %swap3A_299 = tpu.vector_load %arg16[%swap3A_297, %swap3A_298] {strides = array<i32>} : memref<80x128xf32, #tpu.memory_space<vmem>>, vector<16xf32>,
        tpu.vector_store %arg16[%swap3A_297, %swap3A_298], %mul3A_296 {strides = array<i32>} : memref<80x128xf32, #tpu.memory_space<vmem>>, vector<16xf32>,
        %broadcast_in_dim3A_300 = arith.constant 2 : i32
        %broadcast_in_dim3A_301 = vector.broadcast %broadcast_in_dim3A_300 : i32 to vector<16xi32>
        %gather3A_302 = tpu.vector_load_idx %arg13[%broadcast_in_dim3A_265, %broadcast_in_dim3A_301] : memref<80x8xf32, #tpu.memory_space<vmem>>[vector<16xi32>, vector<16xi32>], vector<16xf32>,
        %get3A_303 = arith.index_cast %add3A_264 : i32 to index
        %get3A_304 = arith.constant 64 : index
        %get3A_305 = tpu.vector_load %arg16[%get3A_303, %get3A_304] {strides = array<i32>} : memref<80x128xf32, #tpu.memory_space<vmem>>, vector<16xf32>,
        %mul3A_306 = arith.mulf %get3A_305, %gather3A_302 : vector<16xf32>
        %swap3A_307 = arith.index_cast %add3A_264 : i32 to index
        %swap3A_308 = arith.constant 64 : index
        %swap3A_309 = tpu.vector_load %arg16[%swap3A_307, %swap3A_308] {strides = array<i32>} : memref<80x128xf32, #tpu.memory_space<vmem>>, vector<16xf32>,
        tpu.vector_store %arg16[%swap3A_307, %swap3A_308], %mul3A_306 {strides = array<i32>} : memref<80x128xf32, #tpu.memory_space<vmem>>, vector<16xf32>,
        %get3A_310 = arith.index_cast %add3A_264 : i32 to index
        %get3A_311 = arith.constant 80 : index
        %get3A_312 = tpu.vector_load %arg16[%get3A_310, %get3A_311] {strides = array<i32>} : memref<80x128xf32, #tpu.memory_space<vmem>>, vector<16xf32>,
        %mul3A_313 = arith.mulf %get3A_312, %gather3A_302 : vector<16xf32>
        %swap3A_314 = arith.index_cast %add3A_264 : i32 to index
        %swap3A_315 = arith.constant 80 : index
        %swap3A_316 = tpu.vector_load %arg16[%swap3A_314, %swap3A_315] {strides = array<i32>} : memref<80x128xf32, #tpu.memory_space<vmem>>, vector<16xf32>,
        tpu.vector_store %arg16[%swap3A_314, %swap3A_315], %mul3A_313 {strides = array<i32>} : memref<80x128xf32, #tpu.memory_space<vmem>>, vector<16xf32>,
        %broadcast_in_dim3A_317 = arith.constant 3 : i32
        %broadcast_in_dim3A_318 = vector.broadcast %broadcast_in_dim3A_317 : i32 to vector<16xi32>
        %gather3A_319 = tpu.vector_load_idx %arg13[%broadcast_in_dim3A_265, %broadcast_in_dim3A_318] : memref<80x8xf32, #tpu.memory_space<vmem>>[vector<16xi32>, vector<16xi32>], vector<16xf32>,
        %get3A_320 = arith.index_cast %add3A_264 : i32 to index
        %get3A_321 = arith.constant 96 : index
        %get3A_322 = tpu.vector_load %arg16[%get3A_320, %get3A_321] {strides = array<i32>} : memref<80x128xf32, #tpu.memory_space<vmem>>, vector<16xf32>,
        %mul3A_323 = arith.mulf %get3A_322, %gather3A_319 : vector<16xf32>
        %swap3A_324 = arith.index_cast %add3A_264 : i32 to index
        %swap3A_325 = arith.constant 96 : index
        %swap3A_326 = tpu.vector_load %arg16[%swap3A_324, %swap3A_325] {strides = array<i32>} : memref<80x128xf32, #tpu.memory_space<vmem>>, vector<16xf32>,
        tpu.vector_store %arg16[%swap3A_324, %swap3A_325], %mul3A_323 {strides = array<i32>} : memref<80x128xf32, #tpu.memory_space<vmem>>, vector<16xf32>,
        %get3A_327 = arith.index_cast %add3A_264 : i32 to index
        %get3A_328 = arith.constant 112 : index
        %get3A_329 = tpu.vector_load %arg16[%get3A_327, %get3A_328] {strides = array<i32>} : memref<80x128xf32, #tpu.memory_space<vmem>>, vector<16xf32>,
        %mul3A_330 = arith.mulf %get3A_329, %gather3A_319 : vector<16xf32>
        %swap3A_331 = arith.index_cast %add3A_264 : i32 to index
        %swap3A_332 = arith.constant 112 : index
        %swap3A_333 = tpu.vector_load %arg16[%swap3A_331, %swap3A_332] {strides = array<i32>} : memref<80x128xf32, #tpu.memory_space<vmem>>, vector<16xf32>,
        tpu.vector_store %arg16[%swap3A_331, %swap3A_332], %mul3A_330 {strides = array<i32>} : memref<80x128xf32, #tpu.memory_space<vmem>>, vector<16xf32>,
        %add3A_334 = arith.constant 4 : i32
        %add3A_335 = arith.addi %add3A_53, %add3A_334 : i32
        %broadcast_in_dim3A_336 = vector.broadcast %add3A_335 : i32 to vector<16xi32>
        %broadcast_in_dim3A_337 = arith.constant 0 : i32
        %broadcast_in_dim3A_338 = vector.broadcast %broadcast_in_dim3A_337 : i32 to vector<16xi32>
        %gather3A_339 = tpu.vector_load_idx %arg13[%broadcast_in_dim3A_336, %broadcast_in_dim3A_338] : memref<80x8xf32, #tpu.memory_space<vmem>>[vector<16xi32>, vector<16xi32>], vector<16xf32>,
        %get3A_340 = arith.index_cast %add3A_335 : i32 to index
        %get3A_341 = arith.constant 0 : index
        %get3A_342 = tpu.vector_load %arg16[%get3A_340, %get3A_341] {strides = array<i32>} : memref<80x128xf32, #tpu.memory_space<vmem>>, vector<16xf32>,
        %mul3A_343 = arith.mulf %get3A_342, %gather3A_339 : vector<16xf32>
        %swap3A_344 = arith.index_cast %add3A_335 : i32 to index
        %swap3A_345 = arith.constant 0 : index
        %swap3A_346 = tpu.vector_load %arg16[%swap3A_344, %swap3A_345] {strides = array<i32>} : memref<80x128xf32, #tpu.memory_space<vmem>>, vector<16xf32>,
        tpu.vector_store %arg16[%swap3A_344, %swap3A_345], %mul3A_343 {strides = array<i32>} : memref<80x128xf32, #tpu.memory_space<vmem>>, vector<16xf32>,
        %get3A_347 = arith.index_cast %add3A_335 : i32 to index
        %get3A_348 = arith.constant 16 : index
        %get3A_349 = tpu.vector_load %arg16[%get3A_347, %get3A_348] {strides = array<i32>} : memref<80x128xf32, #tpu.memory_space<vmem>>, vector<16xf32>,
        %mul3A_350 = arith.mulf %get3A_349, %gather3A_339 : vector<16xf32>
        %swap3A_351 = arith.index_cast %add3A_335 : i32 to index
        %swap3A_352 = arith.constant 16 : index
        %swap3A_353 = tpu.vector_load %arg16[%swap3A_351, %swap3A_352] {strides = array<i32>} : memref<80x128xf32, #tpu.memory_space<vmem>>, vector<16xf32>,
        tpu.vector_store %arg16[%swap3A_351, %swap3A_352], %mul3A_350 {strides = array<i32>} : memref<80x128xf32, #tpu.memory_space<vmem>>, vector<16xf32>,
        %broadcast_in_dim3A_354 = arith.constant 1 : i32
        %broadcast_in_dim3A_355 = vector.broadcast %broadcast_in_dim3A_354 : i32 to vector<16xi32>
        %gather3A_356 = tpu.vector_load_idx %arg13[%broadcast_in_dim3A_336, %broadcast_in_dim3A_355] : memref<80x8xf32, #tpu.memory_space<vmem>>[vector<16xi32>, vector<16xi32>], vector<16xf32>,
        %get3A_357 = arith.index_cast %add3A_335 : i32 to index
        %get3A_358 = arith.constant 32 : index
        %get3A_359 = tpu.vector_load %arg16[%get3A_357, %get3A_358] {strides = array<i32>} : memref<80x128xf32, #tpu.memory_space<vmem>>, vector<16xf32>,
        %mul3A_360 = arith.mulf %get3A_359, %gather3A_356 : vector<16xf32>
        %swap3A_361 = arith.index_cast %add3A_335 : i32 to index
        %swap3A_362 = arith.constant 32 : index
        %swap3A_363 = tpu.vector_load %arg16[%swap3A_361, %swap3A_362] {strides = array<i32>} : memref<80x128xf32, #tpu.memory_space<vmem>>, vector<16xf32>,
        tpu.vector_store %arg16[%swap3A_361, %swap3A_362], %mul3A_360 {strides = array<i32>} : memref<80x128xf32, #tpu.memory_space<vmem>>, vector<16xf32>,
        %get3A_364 = arith.index_cast %add3A_335 : i32 to index
        %get3A_365 = arith.constant 48 : index
        %get3A_366 = tpu.vector_load %arg16[%get3A_364, %get3A_365] {strides = array<i32>} : memref<80x128xf32, #tpu.memory_space<vmem>>, vector<16xf32>,
        %mul3A_367 = arith.mulf %get3A_366, %gather3A_356 : vector<16xf32>
        %swap3A_368 = arith.index_cast %add3A_335 : i32 to index
        %swap3A_369 = arith.constant 48 : index
        %swap3A_370 = tpu.vector_load %arg16[%swap3A_368, %swap3A_369] {strides = array<i32>} : memref<80x128xf32, #tpu.memory_space<vmem>>, vector<16xf32>,
        tpu.vector_store %arg16[%swap3A_368, %swap3A_369], %mul3A_367 {strides = array<i32>} : memref<80x128xf32, #tpu.memory_space<vmem>>, vector<16xf32>,
        %broadcast_in_dim3A_371 = arith.constant 2 : i32
        %broadcast_in_dim3A_372 = vector.broadcast %broadcast_in_dim3A_371 : i32 to vector<16xi32>
        %gather3A_373 = tpu.vector_load_idx %arg13[%broadcast_in_dim3A_336, %broadcast_in_dim3A_372] : memref<80x8xf32, #tpu.memory_space<vmem>>[vector<16xi32>, vector<16xi32>], vector<16xf32>,
        %get3A_374 = arith.index_cast %add3A_335 : i32 to index
        %get3A_375 = arith.constant 64 : index
        %get3A_376 = tpu.vector_load %arg16[%get3A_374, %get3A_375] {strides = array<i32>} : memref<80x128xf32, #tpu.memory_space<vmem>>, vector<16xf32>,
        %mul3A_377 = arith.mulf %get3A_376, %gather3A_373 : vector<16xf32>
        %swap3A_378 = arith.index_cast %add3A_335 : i32 to index
        %swap3A_379 = arith.constant 64 : index
        %swap3A_380 = tpu.vector_load %arg16[%swap3A_378, %swap3A_379] {strides = array<i32>} : memref<80x128xf32, #tpu.memory_space<vmem>>, vector<16xf32>,
        tpu.vector_store %arg16[%swap3A_378, %swap3A_379], %mul3A_377 {strides = array<i32>} : memref<80x128xf32, #tpu.memory_space<vmem>>, vector<16xf32>,
        %get3A_381 = arith.index_cast %add3A_335 : i32 to index
        %get3A_382 = arith.constant 80 : index
        %get3A_383 = tpu.vector_load %arg16[%get3A_381, %get3A_382] {strides = array<i32>} : memref<80x128xf32, #tpu.memory_space<vmem>>, vector<16xf32>,
        %mul3A_384 = arith.mulf %get3A_383, %gather3A_373 : vector<16xf32>
        %swap3A_385 = arith.index_cast %add3A_335 : i32 to index
        %swap3A_386 = arith.constant 80 : index
        %swap3A_387 = tpu.vector_load %arg16[%swap3A_385, %swap3A_386] {strides = array<i32>} : memref<80x128xf32, #tpu.memory_space<vmem>>, vector<16xf32>,
        tpu.vector_store %arg16[%swap3A_385, %swap3A_386], %mul3A_384 {strides = array<i32>} : memref<80x128xf32, #tpu.memory_space<vmem>>, vector<16xf32>,
        %broadcast_in_dim3A_388 = arith.constant 3 : i32
        %broadcast_in_dim3A_389 = vector.broadcast %broadcast_in_dim3A_388 : i32 to vector<16xi32>
        %gather3A_390 = tpu.vector_load_idx %arg13[%broadcast_in_dim3A_336, %broadcast_in_dim3A_389] : memref<80x8xf32, #tpu.memory_space<vmem>>[vector<16xi32>, vector<16xi32>], vector<16xf32>,
        %get3A_391 = arith.index_cast %add3A_335 : i32 to index
        %get3A_392 = arith.constant 96 : index
        %get3A_393 = tpu.vector_load %arg16[%get3A_391, %get3A_392] {strides = array<i32>} : memref<80x128xf32, #tpu.memory_space<vmem>>, vector<16xf32>,
        %mul3A_394 = arith.mulf %get3A_393, %gather3A_390 : vector<16xf32>
        %swap3A_395 = arith.index_cast %add3A_335 : i32 to index
        %swap3A_396 = arith.constant 96 : index
        %swap3A_397 = tpu.vector_load %arg16[%swap3A_395, %swap3A_396] {strides = array<i32>} : memref<80x128xf32, #tpu.memory_space<vmem>>, vector<16xf32>,
        tpu.vector_store %arg16[%swap3A_395, %swap3A_396], %mul3A_394 {strides = array<i32>} : memref<80x128xf32, #tpu.memory_space<vmem>>, vector<16xf32>,
        %get3A_398 = arith.index_cast %add3A_335 : i32 to index
        %get3A_399 = arith.constant 112 : index
        %get3A_400 = tpu.vector_load %arg16[%get3A_398, %get3A_399] {strides = array<i32>} : memref<80x128xf32, #tpu.memory_space<vmem>>, vector<16xf32>,
        %mul3A_401 = arith.mulf %get3A_400, %gather3A_390 : vector<16xf32>
        %swap3A_402 = arith.index_cast %add3A_335 : i32 to index
        %swap3A_403 = arith.constant 112 : index
        %swap3A_404 = tpu.vector_load %arg16[%swap3A_402, %swap3A_403] {strides = array<i32>} : memref<80x128xf32, #tpu.memory_space<vmem>>, vector<16xf32>,
        tpu.vector_store %arg16[%swap3A_402, %swap3A_403], %mul3A_401 {strides = array<i32>} : memref<80x128xf32, #tpu.memory_space<vmem>>, vector<16xf32>,
        %add3A_405 = arith.constant 5 : i32
        %add3A_406 = arith.addi %add3A_53, %add3A_405 : i32
        %broadcast_in_dim3A_407 = vector.broadcast %add3A_406 : i32 to vector<16xi32>
        %broadcast_in_dim3A_408 = arith.constant 0 : i32
        %broadcast_in_dim3A_409 = vector.broadcast %broadcast_in_dim3A_408 : i32 to vector<16xi32>
        %gather3A_410 = tpu.vector_load_idx %arg13[%broadcast_in_dim3A_407, %broadcast_in_dim3A_409] : memref<80x8xf32, #tpu.memory_space<vmem>>[vector<16xi32>, vector<16xi32>], vector<16xf32>,
        %get3A_411 = arith.index_cast %add3A_406 : i32 to index
        %get3A_412 = arith.constant 0 : index
        %get3A_413 = tpu.vector_load %arg16[%get3A_411, %get3A_412] {strides = array<i32>} : memref<80x128xf32, #tpu.memory_space<vmem>>, vector<16xf32>,
        %mul3A_414 = arith.mulf %get3A_413, %gather3A_410 : vector<16xf32>
        %swap3A_415 = arith.index_cast %add3A_406 : i32 to index
        %swap3A_416 = arith.constant 0 : index
        %swap3A_417 = tpu.vector_load %arg16[%swap3A_415, %swap3A_416] {strides = array<i32>} : memref<80x128xf32, #tpu.memory_space<vmem>>, vector<16xf32>,
        tpu.vector_store %arg16[%swap3A_415, %swap3A_416], %mul3A_414 {strides = array<i32>} : memref<80x128xf32, #tpu.memory_space<vmem>>, vector<16xf32>,
        %get3A_418 = arith.index_cast %add3A_406 : i32 to index
        %get3A_419 = arith.constant 16 : index
        %get3A_420 = tpu.vector_load %arg16[%get3A_418, %get3A_419] {strides = array<i32>} : memref<80x128xf32, #tpu.memory_space<vmem>>, vector<16xf32>,
        %mul3A_421 = arith.mulf %get3A_420, %gather3A_410 : vector<16xf32>
        %swap3A_422 = arith.index_cast %add3A_406 : i32 to index
        %swap3A_423 = arith.constant 16 : index
        %swap3A_424 = tpu.vector_load %arg16[%swap3A_422, %swap3A_423] {strides = array<i32>} : memref<80x128xf32, #tpu.memory_space<vmem>>, vector<16xf32>,
        tpu.vector_store %arg16[%swap3A_422, %swap3A_423], %mul3A_421 {strides = array<i32>} : memref<80x128xf32, #tpu.memory_space<vmem>>, vector<16xf32>,
        %broadcast_in_dim3A_425 = arith.constant 1 : i32
        %broadcast_in_dim3A_426 = vector.broadcast %broadcast_in_dim3A_425 : i32 to vector<16xi32>
        %gather3A_427 = tpu.vector_load_idx %arg13[%broadcast_in_dim3A_407, %broadcast_in_dim3A_426] : memref<80x8xf32, #tpu.memory_space<vmem>>[vector<16xi32>, vector<16xi32>], vector<16xf32>,
        %get3A_428 = arith.index_cast %add3A_406 : i32 to index
        %get3A_429 = arith.constant 32 : index
        %get3A_430 = tpu.vector_load %arg16[%get3A_428, %get3A_429] {strides = array<i32>} : memref<80x128xf32, #tpu.memory_space<vmem>>, vector<16xf32>,
        %mul3A_431 = arith.mulf %get3A_430, %gather3A_427 : vector<16xf32>
        %swap3A_432 = arith.index_cast %add3A_406 : i32 to index
        %swap3A_433 = arith.constant 32 : index
        %swap3A_434 = tpu.vector_load %arg16[%swap3A_432, %swap3A_433] {strides = array<i32>} : memref<80x128xf32, #tpu.memory_space<vmem>>, vector<16xf32>,
        tpu.vector_store %arg16[%swap3A_432, %swap3A_433], %mul3A_431 {strides = array<i32>} : memref<80x128xf32, #tpu.memory_space<vmem>>, vector<16xf32>,
        %get3A_435 = arith.index_cast %add3A_406 : i32 to index
        %get3A_436 = arith.constant 48 : index
        %get3A_437 = tpu.vector_load %arg16[%get3A_435, %get3A_436] {strides = array<i32>} : memref<80x128xf32, #tpu.memory_space<vmem>>, vector<16xf32>,
        %mul3A_438 = arith.mulf %get3A_437, %gather3A_427 : vector<16xf32>
        %swap3A_439 = arith.index_cast %add3A_406 : i32 to index
        %swap3A_440 = arith.constant 48 : index
        %swap3A_441 = tpu.vector_load %arg16[%swap3A_439, %swap3A_440] {strides = array<i32>} : memref<80x128xf32, #tpu.memory_space<vmem>>, vector<16xf32>,
        tpu.vector_store %arg16[%swap3A_439, %swap3A_440], %mul3A_438 {strides = array<i32>} : memref<80x128xf32, #tpu.memory_space<vmem>>, vector<16xf32>,
        %broadcast_in_dim3A_442 = arith.constant 2 : i32
        %broadcast_in_dim3A_443 = vector.broadcast %broadcast_in_dim3A_442 : i32 to vector<16xi32>
        %gather3A_444 = tpu.vector_load_idx %arg13[%broadcast_in_dim3A_407, %broadcast_in_dim3A_443] : memref<80x8xf32, #tpu.memory_space<vmem>>[vector<16xi32>, vector<16xi32>], vector<16xf32>,
        %get3A_445 = arith.index_cast %add3A_406 : i32 to index
        %get3A_446 = arith.constant 64 : index
        %get3A_447 = tpu.vector_load %arg16[%get3A_445, %get3A_446] {strides = array<i32>} : memref<80x128xf32, #tpu.memory_space<vmem>>, vector<16xf32>,
        %mul3A_448 = arith.mulf %get3A_447, %gather3A_444 : vector<16xf32>
        %swap3A_449 = arith.index_cast %add3A_406 : i32 to index
        %swap3A_450 = arith.constant 64 : index
        %swap3A_451 = tpu.vector_load %arg16[%swap3A_449, %swap3A_450] {strides = array<i32>} : memref<80x128xf32, #tpu.memory_space<vmem>>, vector<16xf32>,
        tpu.vector_store %arg16[%swap3A_449, %swap3A_450], %mul3A_448 {strides = array<i32>} : memref<80x128xf32, #tpu.memory_space<vmem>>, vector<16xf32>,
        %get3A_452 = arith.index_cast %add3A_406 : i32 to index
        %get3A_453 = arith.constant 80 : index
        %get3A_454 = tpu.vector_load %arg16[%get3A_452, %get3A_453] {strides = array<i32>} : memref<80x128xf32, #tpu.memory_space<vmem>>, vector<16xf32>,
        %mul3A_455 = arith.mulf %get3A_454, %gather3A_444 : vector<16xf32>
        %swap3A_456 = arith.index_cast %add3A_406 : i32 to index
        %swap3A_457 = arith.constant 80 : index
        %swap3A_458 = tpu.vector_load %arg16[%swap3A_456, %swap3A_457] {strides = array<i32>} : memref<80x128xf32, #tpu.memory_space<vmem>>, vector<16xf32>,
        tpu.vector_store %arg16[%swap3A_456, %swap3A_457], %mul3A_455 {strides = array<i32>} : memref<80x128xf32, #tpu.memory_space<vmem>>, vector<16xf32>,
        %broadcast_in_dim3A_459 = arith.constant 3 : i32
        %broadcast_in_dim3A_460 = vector.broadcast %broadcast_in_dim3A_459 : i32 to vector<16xi32>
        %gather3A_461 = tpu.vector_load_idx %arg13[%broadcast_in_dim3A_407, %broadcast_in_dim3A_460] : memref<80x8xf32, #tpu.memory_space<vmem>>[vector<16xi32>, vector<16xi32>], vector<16xf32>,
        %get3A_462 = arith.index_cast %add3A_406 : i32 to index
        %get3A_463 = arith.constant 96 : index
        %get3A_464 = tpu.vector_load %arg16[%get3A_462, %get3A_463] {strides = array<i32>} : memref<80x128xf32, #tpu.memory_space<vmem>>, vector<16xf32>,
        %mul3A_465 = arith.mulf %get3A_464, %gather3A_461 : vector<16xf32>
        %swap3A_466 = arith.index_cast %add3A_406 : i32 to index
        %swap3A_467 = arith.constant 96 : index
        %swap3A_468 = tpu.vector_load %arg16[%swap3A_466, %swap3A_467] {strides = array<i32>} : memref<80x128xf32, #tpu.memory_space<vmem>>, vector<16xf32>,
        tpu.vector_store %arg16[%swap3A_466, %swap3A_467], %mul3A_465 {strides = array<i32>} : memref<80x128xf32, #tpu.memory_space<vmem>>, vector<16xf32>,
        %get3A_469 = arith.index_cast %add3A_406 : i32 to index
        %get3A_470 = arith.constant 112 : index
        %get3A_471 = tpu.vector_load %arg16[%get3A_469, %get3A_470] {strides = array<i32>} : memref<80x128xf32, #tpu.memory_space<vmem>>, vector<16xf32>,
        %mul3A_472 = arith.mulf %get3A_471, %gather3A_461 : vector<16xf32>
        %swap3A_473 = arith.index_cast %add3A_406 : i32 to index
        %swap3A_474 = arith.constant 112 : index
        %swap3A_475 = tpu.vector_load %arg16[%swap3A_473, %swap3A_474] {strides = array<i32>} : memref<80x128xf32, #tpu.memory_space<vmem>>, vector<16xf32>,
        tpu.vector_store %arg16[%swap3A_473, %swap3A_474], %mul3A_472 {strides = array<i32>} : memref<80x128xf32, #tpu.memory_space<vmem>>, vector<16xf32>,
        %add3A_476 = arith.constant 6 : i32
        %add3A_477 = arith.addi %add3A_53, %add3A_476 : i32
        %broadcast_in_dim3A_478 = vector.broadcast %add3A_477 : i32 to vector<16xi32>
        %broadcast_in_dim3A_479 = arith.constant 0 : i32
        %broadcast_in_dim3A_480 = vector.broadcast %broadcast_in_dim3A_479 : i32 to vector<16xi32>
        %gather3A_481 = tpu.vector_load_idx %arg13[%broadcast_in_dim3A_478, %broadcast_in_dim3A_480] : memref<80x8xf32, #tpu.memory_space<vmem>>[vector<16xi32>, vector<16xi32>], vector<16xf32>,
        %get3A_482 = arith.index_cast %add3A_477 : i32 to index
        %get3A_483 = arith.constant 0 : index
        %get3A_484 = tpu.vector_load %arg16[%get3A_482, %get3A_483] {strides = array<i32>} : memref<80x128xf32, #tpu.memory_space<vmem>>, vector<16xf32>,
        %mul3A_485 = arith.mulf %get3A_484, %gather3A_481 : vector<16xf32>
        %swap3A_486 = arith.index_cast %add3A_477 : i32 to index
        %swap3A_487 = arith.constant 0 : index
        %swap3A_488 = tpu.vector_load %arg16[%swap3A_486, %swap3A_487] {strides = array<i32>} : memref<80x128xf32, #tpu.memory_space<vmem>>, vector<16xf32>,
        tpu.vector_store %arg16[%swap3A_486, %swap3A_487], %mul3A_485 {strides = array<i32>} : memref<80x128xf32, #tpu.memory_space<vmem>>, vector<16xf32>,
        %get3A_489 = arith.index_cast %add3A_477 : i32 to index
        %get3A_490 = arith.constant 16 : index
        %get3A_491 = tpu.vector_load %arg16[%get3A_489, %get3A_490] {strides = array<i32>} : memref<80x128xf32, #tpu.memory_space<vmem>>, vector<16xf32>,
        %mul3A_492 = arith.mulf %get3A_491, %gather3A_481 : vector<16xf32>
        %swap3A_493 = arith.index_cast %add3A_477 : i32 to index
        %swap3A_494 = arith.constant 16 : index
        %swap3A_495 = tpu.vector_load %arg16[%swap3A_493, %swap3A_494] {strides = array<i32>} : memref<80x128xf32, #tpu.memory_space<vmem>>, vector<16xf32>,
        tpu.vector_store %arg16[%swap3A_493, %swap3A_494], %mul3A_492 {strides = array<i32>} : memref<80x128xf32, #tpu.memory_space<vmem>>, vector<16xf32>,
        %broadcast_in_dim3A_496 = arith.constant 1 : i32
        %broadcast_in_dim3A_497 = vector.broadcast %broadcast_in_dim3A_496 : i32 to vector<16xi32>
        %gather3A_498 = tpu.vector_load_idx %arg13[%broadcast_in_dim3A_478, %broadcast_in_dim3A_497] : memref<80x8xf32, #tpu.memory_space<vmem>>[vector<16xi32>, vector<16xi32>], vector<16xf32>,
        %get3A_499 = arith.index_cast %add3A_477 : i32 to index
        %get3A_500 = arith.constant 32 : index
        %get3A_501 = tpu.vector_load %arg16[%get3A_499, %get3A_500] {strides = array<i32>} : memref<80x128xf32, #tpu.memory_space<vmem>>, vector<16xf32>,
        %mul3A_502 = arith.mulf %get3A_501, %gather3A_498 : vector<16xf32>
        %swap3A_503 = arith.index_cast %add3A_477 : i32 to index
        %swap3A_504 = arith.constant 32 : index
        %swap3A_505 = tpu.vector_load %arg16[%swap3A_503, %swap3A_504] {strides = array<i32>} : memref<80x128xf32, #tpu.memory_space<vmem>>, vector<16xf32>,
        tpu.vector_store %arg16[%swap3A_503, %swap3A_504], %mul3A_502 {strides = array<i32>} : memref<80x128xf32, #tpu.memory_space<vmem>>, vector<16xf32>,
        %get3A_506 = arith.index_cast %add3A_477 : i32 to index
        %get3A_507 = arith.constant 48 : index
        %get3A_508 = tpu.vector_load %arg16[%get3A_506, %get3A_507] {strides = array<i32>} : memref<80x128xf32, #tpu.memory_space<vmem>>, vector<16xf32>,
        %mul3A_509 = arith.mulf %get3A_508, %gather3A_498 : vector<16xf32>
        %swap3A_510 = arith.index_cast %add3A_477 : i32 to index
        %swap3A_511 = arith.constant 48 : index
        %swap3A_512 = tpu.vector_load %arg16[%swap3A_510, %swap3A_511] {strides = array<i32>} : memref<80x128xf32, #tpu.memory_space<vmem>>, vector<16xf32>,
        tpu.vector_store %arg16[%swap3A_510, %swap3A_511], %mul3A_509 {strides = array<i32>} : memref<80x128xf32, #tpu.memory_space<vmem>>, vector<16xf32>,
        %broadcast_in_dim3A_513 = arith.constant 2 : i32
        %broadcast_in_dim3A_514 = vector.broadcast %broadcast_in_dim3A_513 : i32 to vector<16xi32>
        %gather3A_515 = tpu.vector_load_idx %arg13[%broadcast_in_dim3A_478, %broadcast_in_dim3A_514] : memref<80x8xf32, #tpu.memory_space<vmem>>[vector<16xi32>, vector<16xi32>], vector<16xf32>,
        %get3A_516 = arith.index_cast %add3A_477 : i32 to index
        %get3A_517 = arith.constant 64 : index
        %get3A_518 = tpu.vector_load %arg16[%get3A_516, %get3A_517] {strides = array<i32>} : memref<80x128xf32, #tpu.memory_space<vmem>>, vector<16xf32>,
        %mul3A_519 = arith.mulf %get3A_518, %gather3A_515 : vector<16xf32>
        %swap3A_520 = arith.index_cast %add3A_477 : i32 to index
        %swap3A_521 = arith.constant 64 : index
        %swap3A_522 = tpu.vector_load %arg16[%swap3A_520, %swap3A_521] {strides = array<i32>} : memref<80x128xf32, #tpu.memory_space<vmem>>, vector<16xf32>,
        tpu.vector_store %arg16[%swap3A_520, %swap3A_521], %mul3A_519 {strides = array<i32>} : memref<80x128xf32, #tpu.memory_space<vmem>>, vector<16xf32>,
        %get3A_523 = arith.index_cast %add3A_477 : i32 to index
        %get3A_524 = arith.constant 80 : index
        %get3A_525 = tpu.vector_load %arg16[%get3A_523, %get3A_524] {strides = array<i32>} : memref<80x128xf32, #tpu.memory_space<vmem>>, vector<16xf32>,
        %mul3A_526 = arith.mulf %get3A_525, %gather3A_515 : vector<16xf32>
        %swap3A_527 = arith.index_cast %add3A_477 : i32 to index
        %swap3A_528 = arith.constant 80 : index
        %swap3A_529 = tpu.vector_load %arg16[%swap3A_527, %swap3A_528] {strides = array<i32>} : memref<80x128xf32, #tpu.memory_space<vmem>>, vector<16xf32>,
        tpu.vector_store %arg16[%swap3A_527, %swap3A_528], %mul3A_526 {strides = array<i32>} : memref<80x128xf32, #tpu.memory_space<vmem>>, vector<16xf32>,
        %broadcast_in_dim3A_530 = arith.constant 3 : i32
        %broadcast_in_dim3A_531 = vector.broadcast %broadcast_in_dim3A_530 : i32 to vector<16xi32>
        %gather3A_532 = tpu.vector_load_idx %arg13[%broadcast_in_dim3A_478, %broadcast_in_dim3A_531] : memref<80x8xf32, #tpu.memory_space<vmem>>[vector<16xi32>, vector<16xi32>], vector<16xf32>,
        %get3A_533 = arith.index_cast %add3A_477 : i32 to index
        %get3A_534 = arith.constant 96 : index
        %get3A_535 = tpu.vector_load %arg16[%get3A_533, %get3A_534] {strides = array<i32>} : memref<80x128xf32, #tpu.memory_space<vmem>>, vector<16xf32>,
        %mul3A_536 = arith.mulf %get3A_535, %gather3A_532 : vector<16xf32>
        %swap3A_537 = arith.index_cast %add3A_477 : i32 to index
        %swap3A_538 = arith.constant 96 : index
        %swap3A_539 = tpu.vector_load %arg16[%swap3A_537, %swap3A_538] {strides = array<i32>} : memref<80x128xf32, #tpu.memory_space<vmem>>, vector<16xf32>,
        tpu.vector_store %arg16[%swap3A_537, %swap3A_538], %mul3A_536 {strides = array<i32>} : memref<80x128xf32, #tpu.memory_space<vmem>>, vector<16xf32>,
        %get3A_540 = arith.index_cast %add3A_477 : i32 to index
        %get3A_541 = arith.constant 112 : index
        %get3A_542 = tpu.vector_load %arg16[%get3A_540, %get3A_541] {strides = array<i32>} : memref<80x128xf32, #tpu.memory_space<vmem>>, vector<16xf32>,
        %mul3A_543 = arith.mulf %get3A_542, %gather3A_532 : vector<16xf32>
        %swap3A_544 = arith.index_cast %add3A_477 : i32 to index
        %swap3A_545 = arith.constant 112 : index
        %swap3A_546 = tpu.vector_load %arg16[%swap3A_544, %swap3A_545] {strides = array<i32>} : memref<80x128xf32, #tpu.memory_space<vmem>>, vector<16xf32>,
        tpu.vector_store %arg16[%swap3A_544, %swap3A_545], %mul3A_543 {strides = array<i32>} : memref<80x128xf32, #tpu.memory_space<vmem>>, vector<16xf32>,
        %add3A_547 = arith.constant 7 : i32
        %add3A_548 = arith.addi %add3A_53, %add3A_547 : i32
        %broadcast_in_dim3A_549 = vector.broadcast %add3A_548 : i32 to vector<16xi32>
        %broadcast_in_dim3A_550 = arith.constant 0 : i32
        %broadcast_in_dim3A_551 = vector.broadcast %broadcast_in_dim3A_550 : i32 to vector<16xi32>
        %gather3A_552 = tpu.vector_load_idx %arg13[%broadcast_in_dim3A_549, %broadcast_in_dim3A_551] : memref<80x8xf32, #tpu.memory_space<vmem>>[vector<16xi32>, vector<16xi32>], vector<16xf32>,
        %get3A_553 = arith.index_cast %add3A_548 : i32 to index
        %get3A_554 = arith.constant 0 : index
        %get3A_555 = tpu.vector_load %arg16[%get3A_553, %get3A_554] {strides = array<i32>} : memref<80x128xf32, #tpu.memory_space<vmem>>, vector<16xf32>,
        %mul3A_556 = arith.mulf %get3A_555, %gather3A_552 : vector<16xf32>
        %swap3A_557 = arith.index_cast %add3A_548 : i32 to index
        %swap3A_558 = arith.constant 0 : index
        %swap3A_559 = tpu.vector_load %arg16[%swap3A_557, %swap3A_558] {strides = array<i32>} : memref<80x128xf32, #tpu.memory_space<vmem>>, vector<16xf32>,
        tpu.vector_store %arg16[%swap3A_557, %swap3A_558], %mul3A_556 {strides = array<i32>} : memref<80x128xf32, #tpu.memory_space<vmem>>, vector<16xf32>,
        %get3A_560 = arith.index_cast %add3A_548 : i32 to index
        %get3A_561 = arith.constant 16 : index
        %get3A_562 = tpu.vector_load %arg16[%get3A_560, %get3A_561] {strides = array<i32>} : memref<80x128xf32, #tpu.memory_space<vmem>>, vector<16xf32>,
        %mul3A_563 = arith.mulf %get3A_562, %gather3A_552 : vector<16xf32>
        %swap3A_564 = arith.index_cast %add3A_548 : i32 to index
        %swap3A_565 = arith.constant 16 : index
        %swap3A_566 = tpu.vector_load %arg16[%swap3A_564, %swap3A_565] {strides = array<i32>} : memref<80x128xf32, #tpu.memory_space<vmem>>, vector<16xf32>,
        tpu.vector_store %arg16[%swap3A_564, %swap3A_565], %mul3A_563 {strides = array<i32>} : memref<80x128xf32, #tpu.memory_space<vmem>>, vector<16xf32>,
        %broadcast_in_dim3A_567 = arith.constant 1 : i32
        %broadcast_in_dim3A_568 = vector.broadcast %broadcast_in_dim3A_567 : i32 to vector<16xi32>
        %gather3A_569 = tpu.vector_load_idx %arg13[%broadcast_in_dim3A_549, %broadcast_in_dim3A_568] : memref<80x8xf32, #tpu.memory_space<vmem>>[vector<16xi32>, vector<16xi32>], vector<16xf32>,
        %get3A_570 = arith.index_cast %add3A_548 : i32 to index
        %get3A_571 = arith.constant 32 : index
        %get3A_572 = tpu.vector_load %arg16[%get3A_570, %get3A_571] {strides = array<i32>} : memref<80x128xf32, #tpu.memory_space<vmem>>, vector<16xf32>,
        %mul3A_573 = arith.mulf %get3A_572, %gather3A_569 : vector<16xf32>
        %swap3A_574 = arith.index_cast %add3A_548 : i32 to index
        %swap3A_575 = arith.constant 32 : index
        %swap3A_576 = tpu.vector_load %arg16[%swap3A_574, %swap3A_575] {strides = array<i32>} : memref<80x128xf32, #tpu.memory_space<vmem>>, vector<16xf32>,
        tpu.vector_store %arg16[%swap3A_574, %swap3A_575], %mul3A_573 {strides = array<i32>} : memref<80x128xf32, #tpu.memory_space<vmem>>, vector<16xf32>,
        %get3A_577 = arith.index_cast %add3A_548 : i32 to index
        %get3A_578 = arith.constant 48 : index
        %get3A_579 = tpu.vector_load %arg16[%get3A_577, %get3A_578] {strides = array<i32>} : memref<80x128xf32, #tpu.memory_space<vmem>>, vector<16xf32>,
        %mul3A_580 = arith.mulf %get3A_579, %gather3A_569 : vector<16xf32>
        %swap3A_581 = arith.index_cast %add3A_548 : i32 to index
        %swap3A_582 = arith.constant 48 : index
        %swap3A_583 = tpu.vector_load %arg16[%swap3A_581, %swap3A_582] {strides = array<i32>} : memref<80x128xf32, #tpu.memory_space<vmem>>, vector<16xf32>,
        tpu.vector_store %arg16[%swap3A_581, %swap3A_582], %mul3A_580 {strides = array<i32>} : memref<80x128xf32, #tpu.memory_space<vmem>>, vector<16xf32>,
        %broadcast_in_dim3A_584 = arith.constant 2 : i32
        %broadcast_in_dim3A_585 = vector.broadcast %broadcast_in_dim3A_584 : i32 to vector<16xi32>
        %gather3A_586 = tpu.vector_load_idx %arg13[%broadcast_in_dim3A_549, %broadcast_in_dim3A_585] : memref<80x8xf32, #tpu.memory_space<vmem>>[vector<16xi32>, vector<16xi32>], vector<16xf32>,
        %get3A_587 = arith.index_cast %add3A_548 : i32 to index
        %get3A_588 = arith.constant 64 : index
        %get3A_589 = tpu.vector_load %arg16[%get3A_587, %get3A_588] {strides = array<i32>} : memref<80x128xf32, #tpu.memory_space<vmem>>, vector<16xf32>,
        %mul3A_590 = arith.mulf %get3A_589, %gather3A_586 : vector<16xf32>
        %swap3A_591 = arith.index_cast %add3A_548 : i32 to index
        %swap3A_592 = arith.constant 64 : index
        %swap3A_593 = tpu.vector_load %arg16[%swap3A_591, %swap3A_592] {strides = array<i32>} : memref<80x128xf32, #tpu.memory_space<vmem>>, vector<16xf32>,
        tpu.vector_store %arg16[%swap3A_591, %swap3A_592], %mul3A_590 {strides = array<i32>} : memref<80x128xf32, #tpu.memory_space<vmem>>, vector<16xf32>,
        %get3A_594 = arith.index_cast %add3A_548 : i32 to index
        %get3A_595 = arith.constant 80 : index
        %get3A_596 = tpu.vector_load %arg16[%get3A_594, %get3A_595] {strides = array<i32>} : memref<80x128xf32, #tpu.memory_space<vmem>>, vector<16xf32>,
        %mul3A_597 = arith.mulf %get3A_596, %gather3A_586 : vector<16xf32>
        %swap3A_598 = arith.index_cast %add3A_548 : i32 to index
        %swap3A_599 = arith.constant 80 : index
        %swap3A_600 = tpu.vector_load %arg16[%swap3A_598, %swap3A_599] {strides = array<i32>} : memref<80x128xf32, #tpu.memory_space<vmem>>, vector<16xf32>,
        tpu.vector_store %arg16[%swap3A_598, %swap3A_599], %mul3A_597 {strides = array<i32>} : memref<80x128xf32, #tpu.memory_space<vmem>>, vector<16xf32>,
        %broadcast_in_dim3A_601 = arith.constant 3 : i32
        %broadcast_in_dim3A_602 = vector.broadcast %broadcast_in_dim3A_601 : i32 to vector<16xi32>
        %gather3A_603 = tpu.vector_load_idx %arg13[%broadcast_in_dim3A_549, %broadcast_in_dim3A_602] : memref<80x8xf32, #tpu.memory_space<vmem>>[vector<16xi32>, vector<16xi32>], vector<16xf32>,
        %get3A_604 = arith.index_cast %add3A_548 : i32 to index
        %get3A_605 = arith.constant 96 : index
        %get3A_606 = tpu.vector_load %arg16[%get3A_604, %get3A_605] {strides = array<i32>} : memref<80x128xf32, #tpu.memory_space<vmem>>, vector<16xf32>,
        %mul3A_607 = arith.mulf %get3A_606, %gather3A_603 : vector<16xf32>
        %swap3A_608 = arith.index_cast %add3A_548 : i32 to index
        %swap3A_609 = arith.constant 96 : index
        %swap3A_610 = tpu.vector_load %arg16[%swap3A_608, %swap3A_609] {strides = array<i32>} : memref<80x128xf32, #tpu.memory_space<vmem>>, vector<16xf32>,
        tpu.vector_store %arg16[%swap3A_608, %swap3A_609], %mul3A_607 {strides = array<i32>} : memref<80x128xf32, #tpu.memory_space<vmem>>, vector<16xf32>,
        %get3A_611 = arith.index_cast %add3A_548 : i32 to index
        %get3A_612 = arith.constant 112 : index
        %get3A_613 = tpu.vector_load %arg16[%get3A_611, %get3A_612] {strides = array<i32>} : memref<80x128xf32, #tpu.memory_space<vmem>>, vector<16xf32>,
        %mul3A_614 = arith.mulf %get3A_613, %gather3A_603 : vector<16xf32>
        %swap3A_615 = arith.index_cast %add3A_548 : i32 to index
        %swap3A_616 = arith.constant 112 : index
        %swap3A_617 = tpu.vector_load %arg16[%swap3A_615, %swap3A_616] {strides = array<i32>} : memref<80x128xf32, #tpu.memory_space<vmem>>, vector<16xf32>,
        tpu.vector_store %arg16[%swap3A_615, %swap3A_616], %mul3A_614 {strides = array<i32>} : memref<80x128xf32, #tpu.memory_space<vmem>>, vector<16xf32>,
      }
      %scan3A_48 = arith.constant 10 : i32
      "tpu.region"() ({
        %run_scoped3A = tpu.sem_alloc : memref<!tpu.dma_semaphore, #tpu.memory_space<semaphore_mem>>
        %dma_start3A_49 = arith.constant 0 : i32
        %dma_start3A_50 = arith.constant 0 : i32
        %dma_start3A_51 = tpu.memref_slice %arg17[%dma_start3A_49, %dma_start3A_50] : memref<10000x128xf32, #tpu.memory_space<vmem_shared>> -> memref<10000x128xf32, #tpu.memory_space<vmem_shared>>
        tpu.enqueue_indirect_dma source(%arg16 : memref<80x128xf32, #tpu.memory_space<vmem>>) target(%dma_start3A_51 : memref<10000x128xf32, #tpu.memory_space<vmem_shared>>) offsets(%arg12 : memref<80xi32, #tpu.memory_space<vmem>>) semaphore(%run_scoped3A : memref<!tpu.dma_semaphore, #tpu.memory_space<semaphore_mem>>) {add = true}
        %dma_wait3A_52 = arith.constant 0 : i32
        %dma_wait3A_53 = arith.constant 0 : i32
        %dma_wait3A_54 = tpu.memref_slice %arg17[%dma_wait3A_52, %dma_wait3A_53] : memref<10000x128xf32, #tpu.memory_space<vmem_shared>> -> memref<10000x128xf32, #tpu.memory_space<vmem_shared>>
        tpu.wait_indirect_dma semaphore(%run_scoped3A : memref<!tpu.dma_semaphore, #tpu.memory_space<semaphore_mem>>) src(%arg16 : memref<80x128xf32, #tpu.memory_space<vmem>>) dst(%dma_wait3A_54 : memref<10000x128xf32, #tpu.memory_space<vmem_shared>>)
        tpu.yield
      }) : () -> ()
    }
    %scan3A_8 = arith.constant 125 : i32
    %barrier3A_9 = arith.constant 0 : index
    tpu.barrier barrier_id(%barrier3A_9)
    %eq3A_10 = arith.constant 0 : i32
    %eq3A_11 = arith.cmpi eq, %arg1, %eq3A_10 : i32
    %convert_element_type3A_12 = arith.extui %eq3A_11 : i1 to i32
    %cond3A_13 = arith.constant 0 : i32
    %cond3A_14 = arith.cmpi ne, %convert_element_type3A_12, %cond3A_13 : i32
    scf.if %cond3A_14 {
      "tpu.region"() ({
        %run_scoped3A = tpu.sem_alloc : memref<!tpu.dma_semaphore, #tpu.memory_space<semaphore_mem>>
        %dma_start3A = arith.constant 0 : i32
        %dma_start3A_15 = arith.constant 0 : i32
        %dma_start3A_16 = tpu.memref_slice %arg10[%arg0, %dma_start3A, %dma_start3A_15] : memref<2x10000x128xf32, #tpu.memory_space<hbm>> -> memref<1x10000x128xf32, #tpu.memory_space<hbm>>
        %dma_start3A_17 = tpu.memref_squeeze %dma_start3A_16 : memref<1x10000x128xf32, #tpu.memory_space<hbm>> -> memref<10000x128xf32, #tpu.memory_space<hbm>>
        tpu.enqueue_dma source(%arg17 : memref<10000x128xf32, #tpu.memory_space<vmem_shared>>) target(%dma_start3A_17 : memref<10000x128xf32, #tpu.memory_space<hbm>>) target_semaphore(%run_scoped3A : memref<!tpu.dma_semaphore, #tpu.memory_space<semaphore_mem>>)
        %dma_wait3A = arith.constant 0 : i32
        %dma_wait3A_18 = arith.constant 0 : i32
        %dma_wait3A_19 = tpu.memref_slice %arg10[%arg0, %dma_wait3A, %dma_wait3A_18] : memref<2x10000x128xf32, #tpu.memory_space<hbm>> -> memref<1x10000x128xf32, #tpu.memory_space<hbm>>
        %dma_wait3A_20 = tpu.memref_squeeze %dma_wait3A_19 : memref<1x10000x128xf32, #tpu.memory_space<hbm>> -> memref<10000x128xf32, #tpu.memory_space<hbm>>
        tpu.wait_dma2 semaphore(%run_scoped3A : memref<!tpu.dma_semaphore, #tpu.memory_space<semaphore_mem>>) src(%arg17 : memref<10000x128xf32, #tpu.memory_space<vmem_shared>>) dst(%dma_wait3A_20 : memref<10000x128xf32, #tpu.memory_space<hbm>>)
        tpu.yield
      }) : () -> ()
    } else {
    }
    return
  }
}

#map = affine_map<(d0, d1) -> (0)>
#map1 = affine_map<(d0, d1) -> (0, 0)>
#map2 = affine_map<(d0, d1) -> (0, 0, 0)>
module attributes {stable_mosaic.version = 14 : i64} {
  func.func @kern(%arg0: i32, %arg1: i32, %arg2: memref<40000xf32, #tpu.memory_space<hbm>>, %arg3: memref<40000xf32, #tpu.memory_space<hbm>>, %arg4: memref<320000xi32, #tpu.memory_space<hbm>>, %arg5: memref<320000xi32, #tpu.memory_space<hbm>>, %arg6: memref<10000x8xf32, #tpu.memory_space<hbm>>, %arg7: memref<320000x8xf32, #tpu.memory_space<hbm>>, %arg8: memref<2x10000x8xf32, #tpu.memory_space<hbm>>, %arg9: memref<40000xf32, #tpu.memory_space<vmem>>, %arg10: memref<40000xf32, #tpu.memory_space<vmem>>, %arg11: memref<80xi32, #tpu.memory_space<vmem>>, %arg12: memref<80xi32, #tpu.memory_space<vmem>>, %arg13: memref<80x8xf32, #tpu.memory_space<vmem>>, %arg14: memref<10000x8xf32, #tpu.memory_space<vmem_shared>>) attributes {dimension_semantics = [#tpu.dimension_semantics<core_parallel>, #tpu.dimension_semantics<subcore_parallel>], iteration_bounds = array<i64: 2, 16>, scalar_prefetch = 0 : i64, scratch_operands = 6 : i64, tpu.core_type = #tpu.core_type<sc_vector_subcore>, window_params = [{transform_indices = #map}, {transform_indices = #map}, {transform_indices = #map}, {transform_indices = #map}, {transform_indices = #map1}, {transform_indices = #map1}, {transform_indices = #map2}]} {
    %mul3A = arith.constant 2 : i32
    %mul3A_0 = arith.muli %arg1, %mul3A : i32
    %add3A = arith.addi %mul3A_0, %arg0 : i32
    %mul3A_1 = arith.constant 10000 : i32
    %mul3A_2 = arith.muli %add3A, %mul3A_1 : i32
    "tpu.region"() ({
      %run_scoped3A = tpu.sem_alloc : memref<!tpu.dma_semaphore, #tpu.memory_space<semaphore_mem>>
      tpu.enqueue_dma source(%arg2 : memref<40000xf32, #tpu.memory_space<hbm>>) target(%arg9 : memref<40000xf32, #tpu.memory_space<vmem>>) target_semaphore(%run_scoped3A : memref<!tpu.dma_semaphore, #tpu.memory_space<semaphore_mem>>)
      tpu.wait_dma2 semaphore(%run_scoped3A : memref<!tpu.dma_semaphore, #tpu.memory_space<semaphore_mem>>) src(%arg2 : memref<40000xf32, #tpu.memory_space<hbm>>) dst(%arg9 : memref<40000xf32, #tpu.memory_space<vmem>>)
      tpu.yield
    }) : () -> ()
    "tpu.region"() ({
      %run_scoped3A = tpu.sem_alloc : memref<!tpu.dma_semaphore, #tpu.memory_space<semaphore_mem>>
      tpu.enqueue_dma source(%arg3 : memref<40000xf32, #tpu.memory_space<hbm>>) target(%arg10 : memref<40000xf32, #tpu.memory_space<vmem>>) target_semaphore(%run_scoped3A : memref<!tpu.dma_semaphore, #tpu.memory_space<semaphore_mem>>)
      tpu.wait_dma2 semaphore(%run_scoped3A : memref<!tpu.dma_semaphore, #tpu.memory_space<semaphore_mem>>) src(%arg3 : memref<40000xf32, #tpu.memory_space<hbm>>) dst(%arg10 : memref<40000xf32, #tpu.memory_space<vmem>>)
      tpu.yield
    }) : () -> ()
    %eq3A = arith.constant 0 : i32
    %eq3A_3 = arith.cmpi eq, %arg1, %eq3A : i32
    %convert_element_type3A = arith.extui %eq3A_3 : i1 to i32
    %cond3A = arith.constant 0 : i32
    %cond3A_4 = arith.cmpi ne, %convert_element_type3A, %cond3A : i32
    scf.if %cond3A_4 {
      "tpu.region"() ({
        %run_scoped3A = tpu.sem_alloc : memref<!tpu.dma_semaphore, #tpu.memory_space<semaphore_mem>>
        tpu.enqueue_dma source(%arg6 : memref<10000x8xf32, #tpu.memory_space<hbm>>) target(%arg14 : memref<10000x8xf32, #tpu.memory_space<vmem_shared>>) target_semaphore(%run_scoped3A : memref<!tpu.dma_semaphore, #tpu.memory_space<semaphore_mem>>)
        tpu.wait_dma2 semaphore(%run_scoped3A : memref<!tpu.dma_semaphore, #tpu.memory_space<semaphore_mem>>) src(%arg6 : memref<10000x8xf32, #tpu.memory_space<hbm>>) dst(%arg14 : memref<10000x8xf32, #tpu.memory_space<vmem_shared>>)
        tpu.yield
      }) : () -> ()
    } else {
    }
    %iota3A = tpu.iota {dimensions = array<i32: 0>} : vector<16xi32>
    %broadcast_in_dim3A = arith.constant 0.000000e+00 : f32
    %broadcast_in_dim3A_5 = vector.broadcast %broadcast_in_dim3A : f32 to vector<16xf32>
    %scan3A = arith.constant 0 : i32
    %scan3A_6 = arith.constant 5 : i32
    %scan3A_7 = arith.addi %scan3A, %scan3A_6 : i32
    %scan3A_8 = arith.constant 1 : i32
    scf.for %scan3A_21 = %scan3A to %scan3A_7 step %scan3A_8  : i32 {
      %mul3A_22 = arith.constant 1 : i32
      %mul3A_23 = arith.muli %scan3A_21, %mul3A_22 : i32
      %add3A_24 = arith.constant 0 : i32
      %add3A_25 = arith.addi %add3A_24, %mul3A_23 : i32
      %mul3A_26 = arith.constant 16 : i32
      %mul3A_27 = arith.muli %add3A_25, %mul3A_26 : i32
      %add3A_28 = vector.broadcast %mul3A_27 : i32 to vector<16xi32>
      %add3A_29 = arith.addi %add3A_28, %iota3A : vector<16xi32>
      %broadcast_in_dim3A_30 = arith.constant 4 : i32
      %broadcast_in_dim3A_31 = vector.broadcast %broadcast_in_dim3A_30 : i32 to vector<16xi32>
      tpu.vector_store_idx %arg13[%add3A_29, %broadcast_in_dim3A_31], %broadcast_in_dim3A_5 : memref<80x8xf32, #tpu.memory_space<vmem>>[vector<16xi32>, vector<16xi32>], vector<16xf32>,
      %broadcast_in_dim3A_32 = arith.constant 5 : i32
      %broadcast_in_dim3A_33 = vector.broadcast %broadcast_in_dim3A_32 : i32 to vector<16xi32>
      tpu.vector_store_idx %arg13[%add3A_29, %broadcast_in_dim3A_33], %broadcast_in_dim3A_5 : memref<80x8xf32, #tpu.memory_space<vmem>>[vector<16xi32>, vector<16xi32>], vector<16xf32>,
      %broadcast_in_dim3A_34 = arith.constant 6 : i32
      %broadcast_in_dim3A_35 = vector.broadcast %broadcast_in_dim3A_34 : i32 to vector<16xi32>
      tpu.vector_store_idx %arg13[%add3A_29, %broadcast_in_dim3A_35], %broadcast_in_dim3A_5 : memref<80x8xf32, #tpu.memory_space<vmem>>[vector<16xi32>, vector<16xi32>], vector<16xf32>,
      %broadcast_in_dim3A_36 = arith.constant 7 : i32
      %broadcast_in_dim3A_37 = vector.broadcast %broadcast_in_dim3A_36 : i32 to vector<16xi32>
      tpu.vector_store_idx %arg13[%add3A_29, %broadcast_in_dim3A_37], %broadcast_in_dim3A_5 : memref<80x8xf32, #tpu.memory_space<vmem>>[vector<16xi32>, vector<16xi32>], vector<16xf32>,
    }
    %scan3A_9 = arith.constant 5 : i32
    %barrier3A = arith.constant 0 : index
    tpu.barrier barrier_id(%barrier3A)
    %scan3A_10 = arith.constant 0 : i32
    %scan3A_11 = arith.constant 125 : i32
    %scan3A_12 = arith.addi %scan3A_10, %scan3A_11 : i32
    %scan3A_13 = arith.constant 1 : i32
    scf.for %scan3A_21 = %scan3A_10 to %scan3A_12 step %scan3A_13  : i32 {
      %mul3A_22 = arith.constant 1 : i32
      %mul3A_23 = arith.muli %scan3A_21, %mul3A_22 : i32
      %add3A_24 = arith.constant 0 : i32
      %add3A_25 = arith.addi %add3A_24, %mul3A_23 : i32
      %mul3A_26 = arith.constant 80 : i32
      %mul3A_27 = arith.muli %add3A_25, %mul3A_26 : i32
      %add3A_28 = arith.addi %mul3A_2, %mul3A_27 : i32
      "tpu.region"() ({
        %run_scoped3A = tpu.sem_alloc : memref<!tpu.dma_semaphore, #tpu.memory_space<semaphore_mem>>
        %dma_start3A = tpu.memref_slice %arg4[%add3A_28] : memref<320000xi32, #tpu.memory_space<hbm>> -> memref<80xi32, #tpu.memory_space<hbm>>
        %dma_start3A_34 = tpu.memref_slice %arg4[%add3A_28] : memref<320000xi32, #tpu.memory_space<hbm>> -> memref<80xi32, #tpu.memory_space<hbm>>
        tpu.enqueue_dma source(%dma_start3A_34 : memref<80xi32, #tpu.memory_space<hbm>>) target(%arg11 : memref<80xi32, #tpu.memory_space<vmem>>) target_semaphore(%run_scoped3A : memref<!tpu.dma_semaphore, #tpu.memory_space<semaphore_mem>>)
        %dma_wait3A = tpu.memref_slice %arg4[%add3A_28] : memref<320000xi32, #tpu.memory_space<hbm>> -> memref<80xi32, #tpu.memory_space<hbm>>
        %dma_wait3A_35 = tpu.memref_slice %arg4[%add3A_28] : memref<320000xi32, #tpu.memory_space<hbm>> -> memref<80xi32, #tpu.memory_space<hbm>>
        tpu.wait_dma2 semaphore(%run_scoped3A : memref<!tpu.dma_semaphore, #tpu.memory_space<semaphore_mem>>) src(%dma_wait3A_35 : memref<80xi32, #tpu.memory_space<hbm>>) dst(%arg11 : memref<80xi32, #tpu.memory_space<vmem>>)
        tpu.yield
      }) : () -> ()
      "tpu.region"() ({
        %run_scoped3A = tpu.sem_alloc : memref<!tpu.dma_semaphore, #tpu.memory_space<semaphore_mem>>
        %dma_start3A = tpu.memref_slice %arg5[%add3A_28] : memref<320000xi32, #tpu.memory_space<hbm>> -> memref<80xi32, #tpu.memory_space<hbm>>
        %dma_start3A_34 = tpu.memref_slice %arg5[%add3A_28] : memref<320000xi32, #tpu.memory_space<hbm>> -> memref<80xi32, #tpu.memory_space<hbm>>
        tpu.enqueue_dma source(%dma_start3A_34 : memref<80xi32, #tpu.memory_space<hbm>>) target(%arg12 : memref<80xi32, #tpu.memory_space<vmem>>) target_semaphore(%run_scoped3A : memref<!tpu.dma_semaphore, #tpu.memory_space<semaphore_mem>>)
        %dma_wait3A = tpu.memref_slice %arg5[%add3A_28] : memref<320000xi32, #tpu.memory_space<hbm>> -> memref<80xi32, #tpu.memory_space<hbm>>
        %dma_wait3A_35 = tpu.memref_slice %arg5[%add3A_28] : memref<320000xi32, #tpu.memory_space<hbm>> -> memref<80xi32, #tpu.memory_space<hbm>>
        tpu.wait_dma2 semaphore(%run_scoped3A : memref<!tpu.dma_semaphore, #tpu.memory_space<semaphore_mem>>) src(%dma_wait3A_35 : memref<80xi32, #tpu.memory_space<hbm>>) dst(%arg12 : memref<80xi32, #tpu.memory_space<vmem>>)
        tpu.yield
      }) : () -> ()
      %scan3A_29 = arith.constant 0 : i32
      %scan3A_30 = arith.constant 5 : i32
      %scan3A_31 = arith.addi %scan3A_29, %scan3A_30 : i32
      %scan3A_32 = arith.constant 1 : i32
      scf.for %scan3A_34 = %scan3A_29 to %scan3A_31 step %scan3A_32  : i32 {
        %mul3A_35 = arith.constant 1 : i32
        %mul3A_36 = arith.muli %scan3A_34, %mul3A_35 : i32
        %add3A_37 = arith.constant 0 : i32
        %add3A_38 = arith.addi %add3A_37, %mul3A_36 : i32
        %mul3A_39 = arith.constant 16 : i32
        %mul3A_40 = arith.muli %add3A_38, %mul3A_39 : i32
        %get3A = arith.index_cast %mul3A_40 : i32 to index
        %get3A_41 = tpu.vector_load %arg11[%get3A] {strides = array<i32>} : memref<80xi32, #tpu.memory_space<vmem>>, vector<16xi32>,
        %mul3A_42 = arith.constant 16 : i32
        %mul3A_43 = arith.muli %add3A_38, %mul3A_42 : i32
        %get3A_44 = arith.index_cast %mul3A_43 : i32 to index
        %get3A_45 = tpu.vector_load %arg12[%get3A_44] {strides = array<i32>} : memref<80xi32, #tpu.memory_space<vmem>>, vector<16xi32>,
        %mul3A_46 = arith.constant 16 : i32
        %mul3A_47 = arith.muli %add3A_38, %mul3A_46 : i32
        %add3A_48 = vector.broadcast %mul3A_47 : i32 to vector<16xi32>
        %add3A_49 = arith.addi %add3A_48, %iota3A : vector<16xi32>
        %mul3A_50 = arith.constant 4 : i32
        %mul3A_51 = vector.broadcast %mul3A_50 : i32 to vector<16xi32>
        %mul3A_52 = arith.muli %get3A_41, %mul3A_51 : vector<16xi32>
        %mul3A_53 = arith.constant 4 : i32
        %mul3A_54 = vector.broadcast %mul3A_53 : i32 to vector<16xi32>
        %mul3A_55 = arith.muli %get3A_45, %mul3A_54 : vector<16xi32>
        %broadcast_in_dim3A_56 = arith.constant 0 : i32
        %broadcast_in_dim3A_57 = vector.broadcast %broadcast_in_dim3A_56 : i32 to vector<16xi32>
        %add3A_58 = arith.constant 0 : i32
        %add3A_59 = vector.broadcast %add3A_58 : i32 to vector<16xi32>
        %add3A_60 = arith.addi %mul3A_52, %add3A_59 : vector<16xi32>
        %gather3A = tpu.vector_load_idx %arg9[%add3A_60] : memref<40000xf32, #tpu.memory_space<vmem>>[vector<16xi32>], vector<16xf32>,
        %add3A_61 = arith.constant 0 : i32
        %add3A_62 = vector.broadcast %add3A_61 : i32 to vector<16xi32>
        %add3A_63 = arith.addi %mul3A_55, %add3A_62 : vector<16xi32>
        %gather3A_64 = tpu.vector_load_idx %arg10[%add3A_63] : memref<40000xf32, #tpu.memory_space<vmem>>[vector<16xi32>], vector<16xf32>,
        %add3A_65 = arith.addf %gather3A, %gather3A_64 : vector<16xf32>
        %mul3A_66 = arith.constant 2.000000e-01 : f32
        %mul3A_67 = vector.broadcast %mul3A_66 : f32 to vector<16xf32>
        %mul3A_68 = arith.mulf %mul3A_67, %add3A_65 : vector<16xf32>
        %max3A = arith.maximumf %add3A_65, %mul3A_68 : vector<16xf32>
        %exp3A = math.exp %max3A : vector<16xf32>
        tpu.vector_store_idx %arg13[%add3A_49, %broadcast_in_dim3A_57], %exp3A : memref<80x8xf32, #tpu.memory_space<vmem>>[vector<16xi32>, vector<16xi32>], vector<16xf32>,
        %broadcast_in_dim3A_69 = arith.constant 1 : i32
        %broadcast_in_dim3A_70 = vector.broadcast %broadcast_in_dim3A_69 : i32 to vector<16xi32>
        %add3A_71 = arith.constant 1 : i32
        %add3A_72 = vector.broadcast %add3A_71 : i32 to vector<16xi32>
        %add3A_73 = arith.addi %mul3A_52, %add3A_72 : vector<16xi32>
        %gather3A_74 = tpu.vector_load_idx %arg9[%add3A_73] : memref<40000xf32, #tpu.memory_space<vmem>>[vector<16xi32>], vector<16xf32>,
        %add3A_75 = arith.constant 1 : i32
        %add3A_76 = vector.broadcast %add3A_75 : i32 to vector<16xi32>
        %add3A_77 = arith.addi %mul3A_55, %add3A_76 : vector<16xi32>
        %gather3A_78 = tpu.vector_load_idx %arg10[%add3A_77] : memref<40000xf32, #tpu.memory_space<vmem>>[vector<16xi32>], vector<16xf32>,
        %add3A_79 = arith.addf %gather3A_74, %gather3A_78 : vector<16xf32>
        %mul3A_80 = arith.constant 2.000000e-01 : f32
        %mul3A_81 = vector.broadcast %mul3A_80 : f32 to vector<16xf32>
        %mul3A_82 = arith.mulf %mul3A_81, %add3A_79 : vector<16xf32>
        %max3A_83 = arith.maximumf %add3A_79, %mul3A_82 : vector<16xf32>
        %exp3A_84 = math.exp %max3A_83 : vector<16xf32>
        tpu.vector_store_idx %arg13[%add3A_49, %broadcast_in_dim3A_70], %exp3A_84 : memref<80x8xf32, #tpu.memory_space<vmem>>[vector<16xi32>, vector<16xi32>], vector<16xf32>,
        %broadcast_in_dim3A_85 = arith.constant 2 : i32
        %broadcast_in_dim3A_86 = vector.broadcast %broadcast_in_dim3A_85 : i32 to vector<16xi32>
        %add3A_87 = arith.constant 2 : i32
        %add3A_88 = vector.broadcast %add3A_87 : i32 to vector<16xi32>
        %add3A_89 = arith.addi %mul3A_52, %add3A_88 : vector<16xi32>
        %gather3A_90 = tpu.vector_load_idx %arg9[%add3A_89] : memref<40000xf32, #tpu.memory_space<vmem>>[vector<16xi32>], vector<16xf32>,
        %add3A_91 = arith.constant 2 : i32
        %add3A_92 = vector.broadcast %add3A_91 : i32 to vector<16xi32>
        %add3A_93 = arith.addi %mul3A_55, %add3A_92 : vector<16xi32>
        %gather3A_94 = tpu.vector_load_idx %arg10[%add3A_93] : memref<40000xf32, #tpu.memory_space<vmem>>[vector<16xi32>], vector<16xf32>,
        %add3A_95 = arith.addf %gather3A_90, %gather3A_94 : vector<16xf32>
        %mul3A_96 = arith.constant 2.000000e-01 : f32
        %mul3A_97 = vector.broadcast %mul3A_96 : f32 to vector<16xf32>
        %mul3A_98 = arith.mulf %mul3A_97, %add3A_95 : vector<16xf32>
        %max3A_99 = arith.maximumf %add3A_95, %mul3A_98 : vector<16xf32>
        %exp3A_100 = math.exp %max3A_99 : vector<16xf32>
        tpu.vector_store_idx %arg13[%add3A_49, %broadcast_in_dim3A_86], %exp3A_100 : memref<80x8xf32, #tpu.memory_space<vmem>>[vector<16xi32>, vector<16xi32>], vector<16xf32>,
        %broadcast_in_dim3A_101 = arith.constant 3 : i32
        %broadcast_in_dim3A_102 = vector.broadcast %broadcast_in_dim3A_101 : i32 to vector<16xi32>
        %add3A_103 = arith.constant 3 : i32
        %add3A_104 = vector.broadcast %add3A_103 : i32 to vector<16xi32>
        %add3A_105 = arith.addi %mul3A_52, %add3A_104 : vector<16xi32>
        %gather3A_106 = tpu.vector_load_idx %arg9[%add3A_105] : memref<40000xf32, #tpu.memory_space<vmem>>[vector<16xi32>], vector<16xf32>,
        %add3A_107 = arith.constant 3 : i32
        %add3A_108 = vector.broadcast %add3A_107 : i32 to vector<16xi32>
        %add3A_109 = arith.addi %mul3A_55, %add3A_108 : vector<16xi32>
        %gather3A_110 = tpu.vector_load_idx %arg10[%add3A_109] : memref<40000xf32, #tpu.memory_space<vmem>>[vector<16xi32>], vector<16xf32>,
        %add3A_111 = arith.addf %gather3A_106, %gather3A_110 : vector<16xf32>
        %mul3A_112 = arith.constant 2.000000e-01 : f32
        %mul3A_113 = vector.broadcast %mul3A_112 : f32 to vector<16xf32>
        %mul3A_114 = arith.mulf %mul3A_113, %add3A_111 : vector<16xf32>
        %max3A_115 = arith.maximumf %add3A_111, %mul3A_114 : vector<16xf32>
        %exp3A_116 = math.exp %max3A_115 : vector<16xf32>
        tpu.vector_store_idx %arg13[%add3A_49, %broadcast_in_dim3A_102], %exp3A_116 : memref<80x8xf32, #tpu.memory_space<vmem>>[vector<16xi32>, vector<16xi32>], vector<16xf32>,
      }
      %scan3A_33 = arith.constant 5 : i32
      "tpu.region"() ({
        %run_scoped3A = tpu.sem_alloc : memref<!tpu.dma_semaphore, #tpu.memory_space<semaphore_mem>>
        %dma_start3A = arith.constant 0 : i32
        %dma_start3A_34 = arith.constant 0 : i32
        %dma_start3A_35 = tpu.memref_slice %arg14[%dma_start3A, %dma_start3A_34] : memref<10000x8xf32, #tpu.memory_space<vmem_shared>> -> memref<10000x8xf32, #tpu.memory_space<vmem_shared>>
        tpu.enqueue_indirect_dma source(%arg13 : memref<80x8xf32, #tpu.memory_space<vmem>>) target(%dma_start3A_35 : memref<10000x8xf32, #tpu.memory_space<vmem_shared>>) offsets(%arg12 : memref<80xi32, #tpu.memory_space<vmem>>) semaphore(%run_scoped3A : memref<!tpu.dma_semaphore, #tpu.memory_space<semaphore_mem>>) {add = true}
        %dma_wait3A = arith.constant 0 : i32
        %dma_wait3A_36 = arith.constant 0 : i32
        %dma_wait3A_37 = tpu.memref_slice %arg14[%dma_wait3A, %dma_wait3A_36] : memref<10000x8xf32, #tpu.memory_space<vmem_shared>> -> memref<10000x8xf32, #tpu.memory_space<vmem_shared>>
        tpu.wait_indirect_dma semaphore(%run_scoped3A : memref<!tpu.dma_semaphore, #tpu.memory_space<semaphore_mem>>) src(%arg13 : memref<80x8xf32, #tpu.memory_space<vmem>>) dst(%dma_wait3A_37 : memref<10000x8xf32, #tpu.memory_space<vmem_shared>>)
        tpu.yield
      }) : () -> ()
      "tpu.region"() ({
        %run_scoped3A = tpu.sem_alloc : memref<!tpu.dma_semaphore, #tpu.memory_space<semaphore_mem>>
        %dma_start3A = arith.constant 0 : i32
        %dma_start3A_34 = tpu.memref_slice %arg7[%add3A_28, %dma_start3A] : memref<320000x8xf32, #tpu.memory_space<hbm>> -> memref<80x8xf32, #tpu.memory_space<hbm>>
        %dma_start3A_35 = arith.constant 0 : i32
        %dma_start3A_36 = tpu.memref_slice %arg7[%add3A_28, %dma_start3A_35] : memref<320000x8xf32, #tpu.memory_space<hbm>> -> memref<80x8xf32, #tpu.memory_space<hbm>>
        tpu.enqueue_dma source(%arg13 : memref<80x8xf32, #tpu.memory_space<vmem>>) target(%dma_start3A_36 : memref<80x8xf32, #tpu.memory_space<hbm>>) target_semaphore(%run_scoped3A : memref<!tpu.dma_semaphore, #tpu.memory_space<semaphore_mem>>)
        %dma_wait3A = arith.constant 0 : i32
        %dma_wait3A_37 = tpu.memref_slice %arg7[%add3A_28, %dma_wait3A] : memref<320000x8xf32, #tpu.memory_space<hbm>> -> memref<80x8xf32, #tpu.memory_space<hbm>>
        %dma_wait3A_38 = arith.constant 0 : i32
        %dma_wait3A_39 = tpu.memref_slice %arg7[%add3A_28, %dma_wait3A_38] : memref<320000x8xf32, #tpu.memory_space<hbm>> -> memref<80x8xf32, #tpu.memory_space<hbm>>
        tpu.wait_dma2 semaphore(%run_scoped3A : memref<!tpu.dma_semaphore, #tpu.memory_space<semaphore_mem>>) src(%arg13 : memref<80x8xf32, #tpu.memory_space<vmem>>) dst(%dma_wait3A_39 : memref<80x8xf32, #tpu.memory_space<hbm>>)
        tpu.yield
      }) : () -> ()
    }
    %scan3A_14 = arith.constant 125 : i32
    %barrier3A_15 = arith.constant 0 : index
    tpu.barrier barrier_id(%barrier3A_15)
    %eq3A_16 = arith.constant 0 : i32
    %eq3A_17 = arith.cmpi eq, %arg1, %eq3A_16 : i32
    %convert_element_type3A_18 = arith.extui %eq3A_17 : i1 to i32
    %cond3A_19 = arith.constant 0 : i32
    %cond3A_20 = arith.cmpi ne, %convert_element_type3A_18, %cond3A_19 : i32
    scf.if %cond3A_20 {
      "tpu.region"() ({
        %run_scoped3A = tpu.sem_alloc : memref<!tpu.dma_semaphore, #tpu.memory_space<semaphore_mem>>
        %dma_start3A = arith.constant 0 : i32
        %dma_start3A_21 = arith.constant 0 : i32
        %dma_start3A_22 = tpu.memref_slice %arg8[%arg0, %dma_start3A, %dma_start3A_21] : memref<2x10000x8xf32, #tpu.memory_space<hbm>> -> memref<1x10000x8xf32, #tpu.memory_space<hbm>>
        %dma_start3A_23 = tpu.memref_squeeze %dma_start3A_22 : memref<1x10000x8xf32, #tpu.memory_space<hbm>> -> memref<10000x8xf32, #tpu.memory_space<hbm>>
        tpu.enqueue_dma source(%arg14 : memref<10000x8xf32, #tpu.memory_space<vmem_shared>>) target(%dma_start3A_23 : memref<10000x8xf32, #tpu.memory_space<hbm>>) target_semaphore(%run_scoped3A : memref<!tpu.dma_semaphore, #tpu.memory_space<semaphore_mem>>)
        %dma_wait3A = arith.constant 0 : i32
        %dma_wait3A_24 = arith.constant 0 : i32
        %dma_wait3A_25 = tpu.memref_slice %arg8[%arg0, %dma_wait3A, %dma_wait3A_24] : memref<2x10000x8xf32, #tpu.memory_space<hbm>> -> memref<1x10000x8xf32, #tpu.memory_space<hbm>>
        %dma_wait3A_26 = tpu.memref_squeeze %dma_wait3A_25 : memref<1x10000x8xf32, #tpu.memory_space<hbm>> -> memref<10000x8xf32, #tpu.memory_space<hbm>>
        tpu.wait_dma2 semaphore(%run_scoped3A : memref<!tpu.dma_semaphore, #tpu.memory_space<semaphore_mem>>) src(%arg14 : memref<10000x8xf32, #tpu.memory_space<vmem_shared>>) dst(%dma_wait3A_26 : memref<10000x8xf32, #tpu.memory_space<hbm>>)
        tpu.yield
      }) : () -> ()
    } else {
    }
    return
  }
}

#map = affine_map<(d0, d1) -> (0)>
#map1 = affine_map<(d0, d1) -> (0, 0)>
#map2 = affine_map<(d0, d1) -> (0, 0, 0)>
module attributes {stable_mosaic.version = 14 : i64} {
  func.func @kern(%arg0: i32, %arg1: i32, %arg2: memref<10000xf32, #tpu.memory_space<hbm>>, %arg3: memref<10000xf32, #tpu.memory_space<hbm>>, %arg4: memref<320000xi32, #tpu.memory_space<hbm>>, %arg5: memref<320000xi32, #tpu.memory_space<hbm>>, %arg6: memref<10000x8xf32, #tpu.memory_space<hbm>>, %arg7: memref<320000x8xf32, #tpu.memory_space<hbm>>, %arg8: memref<2x10000x8xf32, #tpu.memory_space<hbm>>, %arg9: memref<10000xf32, #tpu.memory_space<vmem>>, %arg10: memref<10000xf32, #tpu.memory_space<vmem>>, %arg11: memref<80xi32, #tpu.memory_space<vmem>>, %arg12: memref<80xi32, #tpu.memory_space<vmem>>, %arg13: memref<80x8xf32, #tpu.memory_space<vmem>>, %arg14: memref<10000x8xf32, #tpu.memory_space<vmem_shared>>) attributes {dimension_semantics = [#tpu.dimension_semantics<core_parallel>, #tpu.dimension_semantics<subcore_parallel>], iteration_bounds = array<i64: 2, 16>, scalar_prefetch = 0 : i64, scratch_operands = 6 : i64, tpu.core_type = #tpu.core_type<sc_vector_subcore>, window_params = [{transform_indices = #map}, {transform_indices = #map}, {transform_indices = #map}, {transform_indices = #map}, {transform_indices = #map1}, {transform_indices = #map1}, {transform_indices = #map2}]} {
    %mul3A = arith.constant 2 : i32
    %mul3A_0 = arith.muli %arg1, %mul3A : i32
    %add3A = arith.addi %mul3A_0, %arg0 : i32
    %mul3A_1 = arith.constant 10000 : i32
    %mul3A_2 = arith.muli %add3A, %mul3A_1 : i32
    "tpu.region"() ({
      %run_scoped3A = tpu.sem_alloc : memref<!tpu.dma_semaphore, #tpu.memory_space<semaphore_mem>>
      tpu.enqueue_dma source(%arg2 : memref<10000xf32, #tpu.memory_space<hbm>>) target(%arg9 : memref<10000xf32, #tpu.memory_space<vmem>>) target_semaphore(%run_scoped3A : memref<!tpu.dma_semaphore, #tpu.memory_space<semaphore_mem>>)
      tpu.wait_dma2 semaphore(%run_scoped3A : memref<!tpu.dma_semaphore, #tpu.memory_space<semaphore_mem>>) src(%arg2 : memref<10000xf32, #tpu.memory_space<hbm>>) dst(%arg9 : memref<10000xf32, #tpu.memory_space<vmem>>)
      tpu.yield
    }) : () -> ()
    "tpu.region"() ({
      %run_scoped3A = tpu.sem_alloc : memref<!tpu.dma_semaphore, #tpu.memory_space<semaphore_mem>>
      tpu.enqueue_dma source(%arg3 : memref<10000xf32, #tpu.memory_space<hbm>>) target(%arg10 : memref<10000xf32, #tpu.memory_space<vmem>>) target_semaphore(%run_scoped3A : memref<!tpu.dma_semaphore, #tpu.memory_space<semaphore_mem>>)
      tpu.wait_dma2 semaphore(%run_scoped3A : memref<!tpu.dma_semaphore, #tpu.memory_space<semaphore_mem>>) src(%arg3 : memref<10000xf32, #tpu.memory_space<hbm>>) dst(%arg10 : memref<10000xf32, #tpu.memory_space<vmem>>)
      tpu.yield
    }) : () -> ()
    %eq3A = arith.constant 0 : i32
    %eq3A_3 = arith.cmpi eq, %arg1, %eq3A : i32
    %convert_element_type3A = arith.extui %eq3A_3 : i1 to i32
    %cond3A = arith.constant 0 : i32
    %cond3A_4 = arith.cmpi ne, %convert_element_type3A, %cond3A : i32
    scf.if %cond3A_4 {
      "tpu.region"() ({
        %run_scoped3A = tpu.sem_alloc : memref<!tpu.dma_semaphore, #tpu.memory_space<semaphore_mem>>
        tpu.enqueue_dma source(%arg6 : memref<10000x8xf32, #tpu.memory_space<hbm>>) target(%arg14 : memref<10000x8xf32, #tpu.memory_space<vmem_shared>>) target_semaphore(%run_scoped3A : memref<!tpu.dma_semaphore, #tpu.memory_space<semaphore_mem>>)
        tpu.wait_dma2 semaphore(%run_scoped3A : memref<!tpu.dma_semaphore, #tpu.memory_space<semaphore_mem>>) src(%arg6 : memref<10000x8xf32, #tpu.memory_space<hbm>>) dst(%arg14 : memref<10000x8xf32, #tpu.memory_space<vmem_shared>>)
        tpu.yield
      }) : () -> ()
    } else {
    }
    %iota3A = tpu.iota {dimensions = array<i32: 0>} : vector<16xi32>
    %broadcast_in_dim3A = arith.constant 0.000000e+00 : f32
    %broadcast_in_dim3A_5 = vector.broadcast %broadcast_in_dim3A : f32 to vector<16xf32>
    %scan3A = arith.constant 0 : i32
    %scan3A_6 = arith.constant 5 : i32
    %scan3A_7 = arith.addi %scan3A, %scan3A_6 : i32
    %scan3A_8 = arith.constant 1 : i32
    scf.for %scan3A_21 = %scan3A to %scan3A_7 step %scan3A_8  : i32 {
      %mul3A_22 = arith.constant 1 : i32
      %mul3A_23 = arith.muli %scan3A_21, %mul3A_22 : i32
      %add3A_24 = arith.constant 0 : i32
      %add3A_25 = arith.addi %add3A_24, %mul3A_23 : i32
      %mul3A_26 = arith.constant 16 : i32
      %mul3A_27 = arith.muli %add3A_25, %mul3A_26 : i32
      %add3A_28 = vector.broadcast %mul3A_27 : i32 to vector<16xi32>
      %add3A_29 = arith.addi %add3A_28, %iota3A : vector<16xi32>
      %broadcast_in_dim3A_30 = arith.constant 1 : i32
      %broadcast_in_dim3A_31 = vector.broadcast %broadcast_in_dim3A_30 : i32 to vector<16xi32>
      tpu.vector_store_idx %arg13[%add3A_29, %broadcast_in_dim3A_31], %broadcast_in_dim3A_5 : memref<80x8xf32, #tpu.memory_space<vmem>>[vector<16xi32>, vector<16xi32>], vector<16xf32>,
      %broadcast_in_dim3A_32 = arith.constant 2 : i32
      %broadcast_in_dim3A_33 = vector.broadcast %broadcast_in_dim3A_32 : i32 to vector<16xi32>
      tpu.vector_store_idx %arg13[%add3A_29, %broadcast_in_dim3A_33], %broadcast_in_dim3A_5 : memref<80x8xf32, #tpu.memory_space<vmem>>[vector<16xi32>, vector<16xi32>], vector<16xf32>,
      %broadcast_in_dim3A_34 = arith.constant 3 : i32
      %broadcast_in_dim3A_35 = vector.broadcast %broadcast_in_dim3A_34 : i32 to vector<16xi32>
      tpu.vector_store_idx %arg13[%add3A_29, %broadcast_in_dim3A_35], %broadcast_in_dim3A_5 : memref<80x8xf32, #tpu.memory_space<vmem>>[vector<16xi32>, vector<16xi32>], vector<16xf32>,
      %broadcast_in_dim3A_36 = arith.constant 4 : i32
      %broadcast_in_dim3A_37 = vector.broadcast %broadcast_in_dim3A_36 : i32 to vector<16xi32>
      tpu.vector_store_idx %arg13[%add3A_29, %broadcast_in_dim3A_37], %broadcast_in_dim3A_5 : memref<80x8xf32, #tpu.memory_space<vmem>>[vector<16xi32>, vector<16xi32>], vector<16xf32>,
      %broadcast_in_dim3A_38 = arith.constant 5 : i32
      %broadcast_in_dim3A_39 = vector.broadcast %broadcast_in_dim3A_38 : i32 to vector<16xi32>
      tpu.vector_store_idx %arg13[%add3A_29, %broadcast_in_dim3A_39], %broadcast_in_dim3A_5 : memref<80x8xf32, #tpu.memory_space<vmem>>[vector<16xi32>, vector<16xi32>], vector<16xf32>,
      %broadcast_in_dim3A_40 = arith.constant 6 : i32
      %broadcast_in_dim3A_41 = vector.broadcast %broadcast_in_dim3A_40 : i32 to vector<16xi32>
      tpu.vector_store_idx %arg13[%add3A_29, %broadcast_in_dim3A_41], %broadcast_in_dim3A_5 : memref<80x8xf32, #tpu.memory_space<vmem>>[vector<16xi32>, vector<16xi32>], vector<16xf32>,
      %broadcast_in_dim3A_42 = arith.constant 7 : i32
      %broadcast_in_dim3A_43 = vector.broadcast %broadcast_in_dim3A_42 : i32 to vector<16xi32>
      tpu.vector_store_idx %arg13[%add3A_29, %broadcast_in_dim3A_43], %broadcast_in_dim3A_5 : memref<80x8xf32, #tpu.memory_space<vmem>>[vector<16xi32>, vector<16xi32>], vector<16xf32>,
    }
    %scan3A_9 = arith.constant 5 : i32
    %barrier3A = arith.constant 0 : index
    tpu.barrier barrier_id(%barrier3A)
    %scan3A_10 = arith.constant 0 : i32
    %scan3A_11 = arith.constant 125 : i32
    %scan3A_12 = arith.addi %scan3A_10, %scan3A_11 : i32
    %scan3A_13 = arith.constant 1 : i32
    scf.for %scan3A_21 = %scan3A_10 to %scan3A_12 step %scan3A_13  : i32 {
      %mul3A_22 = arith.constant 1 : i32
      %mul3A_23 = arith.muli %scan3A_21, %mul3A_22 : i32
      %add3A_24 = arith.constant 0 : i32
      %add3A_25 = arith.addi %add3A_24, %mul3A_23 : i32
      %mul3A_26 = arith.constant 80 : i32
      %mul3A_27 = arith.muli %add3A_25, %mul3A_26 : i32
      %add3A_28 = arith.addi %mul3A_2, %mul3A_27 : i32
      "tpu.region"() ({
        %run_scoped3A = tpu.sem_alloc : memref<!tpu.dma_semaphore, #tpu.memory_space<semaphore_mem>>
        %dma_start3A = tpu.memref_slice %arg4[%add3A_28] : memref<320000xi32, #tpu.memory_space<hbm>> -> memref<80xi32, #tpu.memory_space<hbm>>
        %dma_start3A_34 = tpu.memref_slice %arg4[%add3A_28] : memref<320000xi32, #tpu.memory_space<hbm>> -> memref<80xi32, #tpu.memory_space<hbm>>
        tpu.enqueue_dma source(%dma_start3A_34 : memref<80xi32, #tpu.memory_space<hbm>>) target(%arg11 : memref<80xi32, #tpu.memory_space<vmem>>) target_semaphore(%run_scoped3A : memref<!tpu.dma_semaphore, #tpu.memory_space<semaphore_mem>>)
        %dma_wait3A = tpu.memref_slice %arg4[%add3A_28] : memref<320000xi32, #tpu.memory_space<hbm>> -> memref<80xi32, #tpu.memory_space<hbm>>
        %dma_wait3A_35 = tpu.memref_slice %arg4[%add3A_28] : memref<320000xi32, #tpu.memory_space<hbm>> -> memref<80xi32, #tpu.memory_space<hbm>>
        tpu.wait_dma2 semaphore(%run_scoped3A : memref<!tpu.dma_semaphore, #tpu.memory_space<semaphore_mem>>) src(%dma_wait3A_35 : memref<80xi32, #tpu.memory_space<hbm>>) dst(%arg11 : memref<80xi32, #tpu.memory_space<vmem>>)
        tpu.yield
      }) : () -> ()
      "tpu.region"() ({
        %run_scoped3A = tpu.sem_alloc : memref<!tpu.dma_semaphore, #tpu.memory_space<semaphore_mem>>
        %dma_start3A = tpu.memref_slice %arg5[%add3A_28] : memref<320000xi32, #tpu.memory_space<hbm>> -> memref<80xi32, #tpu.memory_space<hbm>>
        %dma_start3A_34 = tpu.memref_slice %arg5[%add3A_28] : memref<320000xi32, #tpu.memory_space<hbm>> -> memref<80xi32, #tpu.memory_space<hbm>>
        tpu.enqueue_dma source(%dma_start3A_34 : memref<80xi32, #tpu.memory_space<hbm>>) target(%arg12 : memref<80xi32, #tpu.memory_space<vmem>>) target_semaphore(%run_scoped3A : memref<!tpu.dma_semaphore, #tpu.memory_space<semaphore_mem>>)
        %dma_wait3A = tpu.memref_slice %arg5[%add3A_28] : memref<320000xi32, #tpu.memory_space<hbm>> -> memref<80xi32, #tpu.memory_space<hbm>>
        %dma_wait3A_35 = tpu.memref_slice %arg5[%add3A_28] : memref<320000xi32, #tpu.memory_space<hbm>> -> memref<80xi32, #tpu.memory_space<hbm>>
        tpu.wait_dma2 semaphore(%run_scoped3A : memref<!tpu.dma_semaphore, #tpu.memory_space<semaphore_mem>>) src(%dma_wait3A_35 : memref<80xi32, #tpu.memory_space<hbm>>) dst(%arg12 : memref<80xi32, #tpu.memory_space<vmem>>)
        tpu.yield
      }) : () -> ()
      %scan3A_29 = arith.constant 0 : i32
      %scan3A_30 = arith.constant 5 : i32
      %scan3A_31 = arith.addi %scan3A_29, %scan3A_30 : i32
      %scan3A_32 = arith.constant 1 : i32
      scf.for %scan3A_34 = %scan3A_29 to %scan3A_31 step %scan3A_32  : i32 {
        %mul3A_35 = arith.constant 1 : i32
        %mul3A_36 = arith.muli %scan3A_34, %mul3A_35 : i32
        %add3A_37 = arith.constant 0 : i32
        %add3A_38 = arith.addi %add3A_37, %mul3A_36 : i32
        %mul3A_39 = arith.constant 16 : i32
        %mul3A_40 = arith.muli %add3A_38, %mul3A_39 : i32
        %get3A = arith.index_cast %mul3A_40 : i32 to index
        %get3A_41 = tpu.vector_load %arg11[%get3A] {strides = array<i32>} : memref<80xi32, #tpu.memory_space<vmem>>, vector<16xi32>,
        %mul3A_42 = arith.constant 16 : i32
        %mul3A_43 = arith.muli %add3A_38, %mul3A_42 : i32
        %get3A_44 = arith.index_cast %mul3A_43 : i32 to index
        %get3A_45 = tpu.vector_load %arg12[%get3A_44] {strides = array<i32>} : memref<80xi32, #tpu.memory_space<vmem>>, vector<16xi32>,
        %mul3A_46 = arith.constant 16 : i32
        %mul3A_47 = arith.muli %add3A_38, %mul3A_46 : i32
        %add3A_48 = vector.broadcast %mul3A_47 : i32 to vector<16xi32>
        %add3A_49 = arith.addi %add3A_48, %iota3A : vector<16xi32>
        %mul3A_50 = arith.constant 1 : i32
        %mul3A_51 = vector.broadcast %mul3A_50 : i32 to vector<16xi32>
        %mul3A_52 = arith.muli %get3A_41, %mul3A_51 : vector<16xi32>
        %mul3A_53 = arith.constant 1 : i32
        %mul3A_54 = vector.broadcast %mul3A_53 : i32 to vector<16xi32>
        %mul3A_55 = arith.muli %get3A_45, %mul3A_54 : vector<16xi32>
        %broadcast_in_dim3A_56 = arith.constant 0 : i32
        %broadcast_in_dim3A_57 = vector.broadcast %broadcast_in_dim3A_56 : i32 to vector<16xi32>
        %add3A_58 = arith.constant 0 : i32
        %add3A_59 = vector.broadcast %add3A_58 : i32 to vector<16xi32>
        %add3A_60 = arith.addi %mul3A_52, %add3A_59 : vector<16xi32>
        %gather3A = tpu.vector_load_idx %arg9[%add3A_60] : memref<10000xf32, #tpu.memory_space<vmem>>[vector<16xi32>], vector<16xf32>,
        %add3A_61 = arith.constant 0 : i32
        %add3A_62 = vector.broadcast %add3A_61 : i32 to vector<16xi32>
        %add3A_63 = arith.addi %mul3A_55, %add3A_62 : vector<16xi32>
        %gather3A_64 = tpu.vector_load_idx %arg10[%add3A_63] : memref<10000xf32, #tpu.memory_space<vmem>>[vector<16xi32>], vector<16xf32>,
        %add3A_65 = arith.addf %gather3A, %gather3A_64 : vector<16xf32>
        %mul3A_66 = arith.constant 2.000000e-01 : f32
        %mul3A_67 = vector.broadcast %mul3A_66 : f32 to vector<16xf32>
        %mul3A_68 = arith.mulf %mul3A_67, %add3A_65 : vector<16xf32>
        %max3A = arith.maximumf %add3A_65, %mul3A_68 : vector<16xf32>
        %exp3A = math.exp %max3A : vector<16xf32>
        tpu.vector_store_idx %arg13[%add3A_49, %broadcast_in_dim3A_57], %exp3A : memref<80x8xf32, #tpu.memory_space<vmem>>[vector<16xi32>, vector<16xi32>], vector<16xf32>,
      }
      %scan3A_33 = arith.constant 5 : i32
      "tpu.region"() ({
        %run_scoped3A = tpu.sem_alloc : memref<!tpu.dma_semaphore, #tpu.memory_space<semaphore_mem>>
        %dma_start3A = arith.constant 0 : i32
        %dma_start3A_34 = arith.constant 0 : i32
        %dma_start3A_35 = tpu.memref_slice %arg14[%dma_start3A, %dma_start3A_34] : memref<10000x8xf32, #tpu.memory_space<vmem_shared>> -> memref<10000x8xf32, #tpu.memory_space<vmem_shared>>
        tpu.enqueue_indirect_dma source(%arg13 : memref<80x8xf32, #tpu.memory_space<vmem>>) target(%dma_start3A_35 : memref<10000x8xf32, #tpu.memory_space<vmem_shared>>) offsets(%arg12 : memref<80xi32, #tpu.memory_space<vmem>>) semaphore(%run_scoped3A : memref<!tpu.dma_semaphore, #tpu.memory_space<semaphore_mem>>) {add = true}
        %dma_wait3A = arith.constant 0 : i32
        %dma_wait3A_36 = arith.constant 0 : i32
        %dma_wait3A_37 = tpu.memref_slice %arg14[%dma_wait3A, %dma_wait3A_36] : memref<10000x8xf32, #tpu.memory_space<vmem_shared>> -> memref<10000x8xf32, #tpu.memory_space<vmem_shared>>
        tpu.wait_indirect_dma semaphore(%run_scoped3A : memref<!tpu.dma_semaphore, #tpu.memory_space<semaphore_mem>>) src(%arg13 : memref<80x8xf32, #tpu.memory_space<vmem>>) dst(%dma_wait3A_37 : memref<10000x8xf32, #tpu.memory_space<vmem_shared>>)
        tpu.yield
      }) : () -> ()
      "tpu.region"() ({
        %run_scoped3A = tpu.sem_alloc : memref<!tpu.dma_semaphore, #tpu.memory_space<semaphore_mem>>
        %dma_start3A = arith.constant 0 : i32
        %dma_start3A_34 = tpu.memref_slice %arg7[%add3A_28, %dma_start3A] : memref<320000x8xf32, #tpu.memory_space<hbm>> -> memref<80x8xf32, #tpu.memory_space<hbm>>
        %dma_start3A_35 = arith.constant 0 : i32
        %dma_start3A_36 = tpu.memref_slice %arg7[%add3A_28, %dma_start3A_35] : memref<320000x8xf32, #tpu.memory_space<hbm>> -> memref<80x8xf32, #tpu.memory_space<hbm>>
        tpu.enqueue_dma source(%arg13 : memref<80x8xf32, #tpu.memory_space<vmem>>) target(%dma_start3A_36 : memref<80x8xf32, #tpu.memory_space<hbm>>) target_semaphore(%run_scoped3A : memref<!tpu.dma_semaphore, #tpu.memory_space<semaphore_mem>>)
        %dma_wait3A = arith.constant 0 : i32
        %dma_wait3A_37 = tpu.memref_slice %arg7[%add3A_28, %dma_wait3A] : memref<320000x8xf32, #tpu.memory_space<hbm>> -> memref<80x8xf32, #tpu.memory_space<hbm>>
        %dma_wait3A_38 = arith.constant 0 : i32
        %dma_wait3A_39 = tpu.memref_slice %arg7[%add3A_28, %dma_wait3A_38] : memref<320000x8xf32, #tpu.memory_space<hbm>> -> memref<80x8xf32, #tpu.memory_space<hbm>>
        tpu.wait_dma2 semaphore(%run_scoped3A : memref<!tpu.dma_semaphore, #tpu.memory_space<semaphore_mem>>) src(%arg13 : memref<80x8xf32, #tpu.memory_space<vmem>>) dst(%dma_wait3A_39 : memref<80x8xf32, #tpu.memory_space<hbm>>)
        tpu.yield
      }) : () -> ()
    }
    %scan3A_14 = arith.constant 125 : i32
    %barrier3A_15 = arith.constant 0 : index
    tpu.barrier barrier_id(%barrier3A_15)
    %eq3A_16 = arith.constant 0 : i32
    %eq3A_17 = arith.cmpi eq, %arg1, %eq3A_16 : i32
    %convert_element_type3A_18 = arith.extui %eq3A_17 : i1 to i32
    %cond3A_19 = arith.constant 0 : i32
    %cond3A_20 = arith.cmpi ne, %convert_element_type3A_18, %cond3A_19 : i32
    scf.if %cond3A_20 {
      "tpu.region"() ({
        %run_scoped3A = tpu.sem_alloc : memref<!tpu.dma_semaphore, #tpu.memory_space<semaphore_mem>>
        %dma_start3A = arith.constant 0 : i32
        %dma_start3A_21 = arith.constant 0 : i32
        %dma_start3A_22 = tpu.memref_slice %arg8[%arg0, %dma_start3A, %dma_start3A_21] : memref<2x10000x8xf32, #tpu.memory_space<hbm>> -> memref<1x10000x8xf32, #tpu.memory_space<hbm>>
        %dma_start3A_23 = tpu.memref_squeeze %dma_start3A_22 : memref<1x10000x8xf32, #tpu.memory_space<hbm>> -> memref<10000x8xf32, #tpu.memory_space<hbm>>
        tpu.enqueue_dma source(%arg14 : memref<10000x8xf32, #tpu.memory_space<vmem_shared>>) target(%dma_start3A_23 : memref<10000x8xf32, #tpu.memory_space<hbm>>) target_semaphore(%run_scoped3A : memref<!tpu.dma_semaphore, #tpu.memory_space<semaphore_mem>>)
        %dma_wait3A = arith.constant 0 : i32
        %dma_wait3A_24 = arith.constant 0 : i32
        %dma_wait3A_25 = tpu.memref_slice %arg8[%arg0, %dma_wait3A, %dma_wait3A_24] : memref<2x10000x8xf32, #tpu.memory_space<hbm>> -> memref<1x10000x8xf32, #tpu.memory_space<hbm>>
        %dma_wait3A_26 = tpu.memref_squeeze %dma_wait3A_25 : memref<1x10000x8xf32, #tpu.memory_space<hbm>> -> memref<10000x8xf32, #tpu.memory_space<hbm>>
        tpu.wait_dma2 semaphore(%run_scoped3A : memref<!tpu.dma_semaphore, #tpu.memory_space<semaphore_mem>>) src(%arg14 : memref<10000x8xf32, #tpu.memory_space<vmem_shared>>) dst(%dma_wait3A_26 : memref<10000x8xf32, #tpu.memory_space<hbm>>)
        tpu.yield
      }) : () -> ()
    } else {
    }
    return
  }
}

#map = affine_map<(d0, d1) -> (0, 0)>
#map1 = affine_map<(d0, d1) -> (0)>
#map2 = affine_map<(d0, d1) -> (0, 0, 0)>
module attributes {stable_mosaic.version = 14 : i64} {
  func.func @kern(%arg0: i32, %arg1: i32, %arg2: memref<320000x8xf32, #tpu.memory_space<hbm>>, %arg3: memref<10000x8xf32, #tpu.memory_space<hbm>>, %arg4: memref<10000x8xf32, #tpu.memory_space<hbm>>, %arg5: memref<320000xi32, #tpu.memory_space<hbm>>, %arg6: memref<320000xi32, #tpu.memory_space<hbm>>, %arg7: memref<10000x16xf32, #tpu.memory_space<hbm>>, %arg8: memref<10000x16xf32, #tpu.memory_space<hbm>>, %arg9: memref<320000x8xf32, #tpu.memory_space<hbm>>, %arg10: memref<2x10000x16xf32, #tpu.memory_space<hbm>>, %arg11: memref<80xi32, #tpu.memory_space<vmem>>, %arg12: memref<80xi32, #tpu.memory_space<vmem>>, %arg13: memref<80x8xf32, #tpu.memory_space<vmem>>, %arg14: memref<80x8xf32, #tpu.memory_space<vmem>>, %arg15: memref<80x8xf32, #tpu.memory_space<vmem>>, %arg16: memref<80x16xf32, #tpu.memory_space<vmem>>, %arg17: memref<10000x16xf32, #tpu.memory_space<vmem_shared>>, %arg18: memref<!tpu.dma_semaphore, #tpu.memory_space<semaphore_mem>>, %arg19: memref<!tpu.dma_semaphore, #tpu.memory_space<semaphore_mem>>, %arg20: memref<!tpu.dma_semaphore, #tpu.memory_space<semaphore_mem>>) attributes {dimension_semantics = [#tpu.dimension_semantics<core_parallel>, #tpu.dimension_semantics<subcore_parallel>], iteration_bounds = array<i64: 2, 16>, scalar_prefetch = 0 : i64, scratch_operands = 10 : i64, tpu.core_type = #tpu.core_type<sc_vector_subcore>, window_params = [{transform_indices = #map}, {transform_indices = #map}, {transform_indices = #map}, {transform_indices = #map1}, {transform_indices = #map1}, {transform_indices = #map}, {transform_indices = #map}, {transform_indices = #map}, {transform_indices = #map2}]} {
    %mul3A = arith.constant 2 : i32
    %mul3A_0 = arith.muli %arg1, %mul3A : i32
    %add3A = arith.addi %mul3A_0, %arg0 : i32
    %mul3A_1 = arith.constant 10000 : i32
    %mul3A_2 = arith.muli %add3A, %mul3A_1 : i32
    %eq3A = arith.constant 0 : i32
    %eq3A_3 = arith.cmpi eq, %arg1, %eq3A : i32
    %convert_element_type3A = arith.extui %eq3A_3 : i1 to i32
    %cond3A = arith.constant 0 : i32
    %cond3A_4 = arith.cmpi ne, %convert_element_type3A, %cond3A : i32
    scf.if %cond3A_4 {
      "tpu.region"() ({
        %run_scoped3A = tpu.sem_alloc : memref<!tpu.dma_semaphore, #tpu.memory_space<semaphore_mem>>
        tpu.enqueue_dma source(%arg8 : memref<10000x16xf32, #tpu.memory_space<hbm>>) target(%arg17 : memref<10000x16xf32, #tpu.memory_space<vmem_shared>>) target_semaphore(%run_scoped3A : memref<!tpu.dma_semaphore, #tpu.memory_space<semaphore_mem>>)
        tpu.wait_dma2 semaphore(%run_scoped3A : memref<!tpu.dma_semaphore, #tpu.memory_space<semaphore_mem>>) src(%arg8 : memref<10000x16xf32, #tpu.memory_space<hbm>>) dst(%arg17 : memref<10000x16xf32, #tpu.memory_space<vmem_shared>>)
        tpu.yield
      }) : () -> ()
    } else {
    }
    %barrier3A = arith.constant 0 : index
    tpu.barrier barrier_id(%barrier3A)
    %iota3A = tpu.iota {dimensions = array<i32: 0>} : vector<16xi32>
    %scan3A = arith.constant 0 : i32
    %scan3A_5 = arith.constant 125 : i32
    %scan3A_6 = arith.addi %scan3A, %scan3A_5 : i32
    %scan3A_7 = arith.constant 1 : i32
    scf.for %scan3A_15 = %scan3A to %scan3A_6 step %scan3A_7  : i32 {
      %mul3A_16 = arith.constant 1 : i32
      %mul3A_17 = arith.muli %scan3A_15, %mul3A_16 : i32
      %add3A_18 = arith.constant 0 : i32
      %add3A_19 = arith.addi %add3A_18, %mul3A_17 : i32
      %mul3A_20 = arith.constant 80 : i32
      %mul3A_21 = arith.muli %add3A_19, %mul3A_20 : i32
      %add3A_22 = arith.addi %mul3A_2, %mul3A_21 : i32
      "tpu.region"() ({
        %run_scoped3A = tpu.sem_alloc : memref<!tpu.dma_semaphore, #tpu.memory_space<semaphore_mem>>
        %dma_start3A_49 = tpu.memref_slice %arg5[%add3A_22] : memref<320000xi32, #tpu.memory_space<hbm>> -> memref<80xi32, #tpu.memory_space<hbm>>
        %dma_start3A_50 = tpu.memref_slice %arg5[%add3A_22] : memref<320000xi32, #tpu.memory_space<hbm>> -> memref<80xi32, #tpu.memory_space<hbm>>
        tpu.enqueue_dma source(%dma_start3A_50 : memref<80xi32, #tpu.memory_space<hbm>>) target(%arg11 : memref<80xi32, #tpu.memory_space<vmem>>) target_semaphore(%run_scoped3A : memref<!tpu.dma_semaphore, #tpu.memory_space<semaphore_mem>>)
        %dma_wait3A_51 = tpu.memref_slice %arg5[%add3A_22] : memref<320000xi32, #tpu.memory_space<hbm>> -> memref<80xi32, #tpu.memory_space<hbm>>
        %dma_wait3A_52 = tpu.memref_slice %arg5[%add3A_22] : memref<320000xi32, #tpu.memory_space<hbm>> -> memref<80xi32, #tpu.memory_space<hbm>>
        tpu.wait_dma2 semaphore(%run_scoped3A : memref<!tpu.dma_semaphore, #tpu.memory_space<semaphore_mem>>) src(%dma_wait3A_52 : memref<80xi32, #tpu.memory_space<hbm>>) dst(%arg11 : memref<80xi32, #tpu.memory_space<vmem>>)
        tpu.yield
      }) : () -> ()
      "tpu.region"() ({
        %run_scoped3A = tpu.sem_alloc : memref<!tpu.dma_semaphore, #tpu.memory_space<semaphore_mem>>
        %dma_start3A_49 = tpu.memref_slice %arg6[%add3A_22] : memref<320000xi32, #tpu.memory_space<hbm>> -> memref<80xi32, #tpu.memory_space<hbm>>
        %dma_start3A_50 = tpu.memref_slice %arg6[%add3A_22] : memref<320000xi32, #tpu.memory_space<hbm>> -> memref<80xi32, #tpu.memory_space<hbm>>
        tpu.enqueue_dma source(%dma_start3A_50 : memref<80xi32, #tpu.memory_space<hbm>>) target(%arg12 : memref<80xi32, #tpu.memory_space<vmem>>) target_semaphore(%run_scoped3A : memref<!tpu.dma_semaphore, #tpu.memory_space<semaphore_mem>>)
        %dma_wait3A_51 = tpu.memref_slice %arg6[%add3A_22] : memref<320000xi32, #tpu.memory_space<hbm>> -> memref<80xi32, #tpu.memory_space<hbm>>
        %dma_wait3A_52 = tpu.memref_slice %arg6[%add3A_22] : memref<320000xi32, #tpu.memory_space<hbm>> -> memref<80xi32, #tpu.memory_space<hbm>>
        tpu.wait_dma2 semaphore(%run_scoped3A : memref<!tpu.dma_semaphore, #tpu.memory_space<semaphore_mem>>) src(%dma_wait3A_52 : memref<80xi32, #tpu.memory_space<hbm>>) dst(%arg12 : memref<80xi32, #tpu.memory_space<vmem>>)
        tpu.yield
      }) : () -> ()
      %dma_start3A = arith.constant 0 : i32
      %dma_start3A_23 = arith.constant 0 : i32
      %dma_start3A_24 = tpu.memref_slice %arg7[%dma_start3A, %dma_start3A_23] : memref<10000x16xf32, #tpu.memory_space<hbm>> -> memref<10000x16xf32, #tpu.memory_space<hbm>>
      tpu.enqueue_indirect_dma source(%dma_start3A_24 : memref<10000x16xf32, #tpu.memory_space<hbm>>) target(%arg16 : memref<80x16xf32, #tpu.memory_space<vmem>>) offsets(%arg11 : memref<80xi32, #tpu.memory_space<vmem>>) semaphore(%arg20 : memref<!tpu.dma_semaphore, #tpu.memory_space<semaphore_mem>>)
      %dma_start3A_25 = arith.constant 0 : i32
      %dma_start3A_26 = arith.constant 0 : i32
      %dma_start3A_27 = tpu.memref_slice %arg3[%dma_start3A_25, %dma_start3A_26] : memref<10000x8xf32, #tpu.memory_space<hbm>> -> memref<10000x8xf32, #tpu.memory_space<hbm>>
      tpu.enqueue_indirect_dma source(%dma_start3A_27 : memref<10000x8xf32, #tpu.memory_space<hbm>>) target(%arg14 : memref<80x8xf32, #tpu.memory_space<vmem>>) offsets(%arg12 : memref<80xi32, #tpu.memory_space<vmem>>) semaphore(%arg18 : memref<!tpu.dma_semaphore, #tpu.memory_space<semaphore_mem>>)
      %dma_start3A_28 = arith.constant 0 : i32
      %dma_start3A_29 = arith.constant 0 : i32
      %dma_start3A_30 = tpu.memref_slice %arg4[%dma_start3A_28, %dma_start3A_29] : memref<10000x8xf32, #tpu.memory_space<hbm>> -> memref<10000x8xf32, #tpu.memory_space<hbm>>
      tpu.enqueue_indirect_dma source(%dma_start3A_30 : memref<10000x8xf32, #tpu.memory_space<hbm>>) target(%arg15 : memref<80x8xf32, #tpu.memory_space<vmem>>) offsets(%arg12 : memref<80xi32, #tpu.memory_space<vmem>>) semaphore(%arg19 : memref<!tpu.dma_semaphore, #tpu.memory_space<semaphore_mem>>)
      "tpu.region"() ({
        %run_scoped3A = tpu.sem_alloc : memref<!tpu.dma_semaphore, #tpu.memory_space<semaphore_mem>>
        %dma_start3A_49 = arith.constant 0 : i32
        %dma_start3A_50 = tpu.memref_slice %arg2[%add3A_22, %dma_start3A_49] : memref<320000x8xf32, #tpu.memory_space<hbm>> -> memref<80x8xf32, #tpu.memory_space<hbm>>
        %dma_start3A_51 = arith.constant 0 : i32
        %dma_start3A_52 = tpu.memref_slice %arg2[%add3A_22, %dma_start3A_51] : memref<320000x8xf32, #tpu.memory_space<hbm>> -> memref<80x8xf32, #tpu.memory_space<hbm>>
        tpu.enqueue_dma source(%dma_start3A_52 : memref<80x8xf32, #tpu.memory_space<hbm>>) target(%arg13 : memref<80x8xf32, #tpu.memory_space<vmem>>) target_semaphore(%run_scoped3A : memref<!tpu.dma_semaphore, #tpu.memory_space<semaphore_mem>>)
        %dma_wait3A_53 = arith.constant 0 : i32
        %dma_wait3A_54 = tpu.memref_slice %arg2[%add3A_22, %dma_wait3A_53] : memref<320000x8xf32, #tpu.memory_space<hbm>> -> memref<80x8xf32, #tpu.memory_space<hbm>>
        %dma_wait3A_55 = arith.constant 0 : i32
        %dma_wait3A_56 = tpu.memref_slice %arg2[%add3A_22, %dma_wait3A_55] : memref<320000x8xf32, #tpu.memory_space<hbm>> -> memref<80x8xf32, #tpu.memory_space<hbm>>
        tpu.wait_dma2 semaphore(%run_scoped3A : memref<!tpu.dma_semaphore, #tpu.memory_space<semaphore_mem>>) src(%dma_wait3A_56 : memref<80x8xf32, #tpu.memory_space<hbm>>) dst(%arg13 : memref<80x8xf32, #tpu.memory_space<vmem>>)
        tpu.yield
      }) : () -> ()
      %dma_wait3A = arith.constant 0 : i32
      %dma_wait3A_31 = arith.constant 0 : i32
      %dma_wait3A_32 = tpu.memref_slice %arg3[%dma_wait3A, %dma_wait3A_31] : memref<10000x8xf32, #tpu.memory_space<hbm>> -> memref<10000x8xf32, #tpu.memory_space<hbm>>
      tpu.wait_indirect_dma semaphore(%arg18 : memref<!tpu.dma_semaphore, #tpu.memory_space<semaphore_mem>>) src(%dma_wait3A_32 : memref<10000x8xf32, #tpu.memory_space<hbm>>) dst(%arg14 : memref<80x8xf32, #tpu.memory_space<vmem>>)
      %dma_wait3A_33 = arith.constant 0 : i32
      %dma_wait3A_34 = arith.constant 0 : i32
      %dma_wait3A_35 = tpu.memref_slice %arg4[%dma_wait3A_33, %dma_wait3A_34] : memref<10000x8xf32, #tpu.memory_space<hbm>> -> memref<10000x8xf32, #tpu.memory_space<hbm>>
      tpu.wait_indirect_dma semaphore(%arg19 : memref<!tpu.dma_semaphore, #tpu.memory_space<semaphore_mem>>) src(%dma_wait3A_35 : memref<10000x8xf32, #tpu.memory_space<hbm>>) dst(%arg15 : memref<80x8xf32, #tpu.memory_space<vmem>>)
      %scan3A_36 = arith.constant 0 : i32
      %scan3A_37 = arith.constant 5 : i32
      %scan3A_38 = arith.addi %scan3A_36, %scan3A_37 : i32
      %scan3A_39 = arith.constant 1 : i32
      scf.for %scan3A_49 = %scan3A_36 to %scan3A_38 step %scan3A_39  : i32 {
        %mul3A_50 = arith.constant 1 : i32
        %mul3A_51 = arith.muli %scan3A_49, %mul3A_50 : i32
        %add3A_52 = arith.constant 0 : i32
        %add3A_53 = arith.addi %add3A_52, %mul3A_51 : i32
        %mul3A_54 = arith.constant 16 : i32
        %mul3A_55 = arith.muli %add3A_53, %mul3A_54 : i32
        %add3A_56 = vector.broadcast %mul3A_55 : i32 to vector<16xi32>
        %add3A_57 = arith.addi %add3A_56, %iota3A : vector<16xi32>
        %broadcast_in_dim3A = arith.constant 0 : i32
        %broadcast_in_dim3A_58 = vector.broadcast %broadcast_in_dim3A : i32 to vector<16xi32>
        %gather3A = tpu.vector_load_idx %arg14[%add3A_57, %broadcast_in_dim3A_58] : memref<80x8xf32, #tpu.memory_space<vmem>>[vector<16xi32>, vector<16xi32>], vector<16xf32>,
        %gather3A_59 = tpu.vector_load_idx %arg15[%add3A_57, %broadcast_in_dim3A_58] : memref<80x8xf32, #tpu.memory_space<vmem>>[vector<16xi32>, vector<16xi32>], vector<16xf32>,
        %gather3A_60 = tpu.vector_load_idx %arg13[%add3A_57, %broadcast_in_dim3A_58] : memref<80x8xf32, #tpu.memory_space<vmem>>[vector<16xi32>, vector<16xi32>], vector<16xf32>,
        %add3A_61 = arith.addf %gather3A, %gather3A_59 : vector<16xf32>
        %add3A_62 = arith.constant 9.99999971E-10 : f32
        %add3A_63 = vector.broadcast %add3A_62 : f32 to vector<16xf32>
        %add3A_64 = arith.addf %add3A_61, %add3A_63 : vector<16xf32>
        %div3A = arith.divf %gather3A_60, %add3A_64 : vector<16xf32>
        tpu.vector_store_idx %arg13[%add3A_57, %broadcast_in_dim3A_58], %div3A : memref<80x8xf32, #tpu.memory_space<vmem>>[vector<16xi32>, vector<16xi32>], vector<16xf32>,
      }
      %scan3A_40 = arith.constant 5 : i32
      "tpu.region"() ({
        %run_scoped3A = tpu.sem_alloc : memref<!tpu.dma_semaphore, #tpu.memory_space<semaphore_mem>>
        %dma_start3A_49 = arith.constant 0 : i32
        %dma_start3A_50 = tpu.memref_slice %arg9[%add3A_22, %dma_start3A_49] : memref<320000x8xf32, #tpu.memory_space<hbm>> -> memref<80x8xf32, #tpu.memory_space<hbm>>
        %dma_start3A_51 = arith.constant 0 : i32
        %dma_start3A_52 = tpu.memref_slice %arg9[%add3A_22, %dma_start3A_51] : memref<320000x8xf32, #tpu.memory_space<hbm>> -> memref<80x8xf32, #tpu.memory_space<hbm>>
        tpu.enqueue_dma source(%arg13 : memref<80x8xf32, #tpu.memory_space<vmem>>) target(%dma_start3A_52 : memref<80x8xf32, #tpu.memory_space<hbm>>) target_semaphore(%run_scoped3A : memref<!tpu.dma_semaphore, #tpu.memory_space<semaphore_mem>>)
        %dma_wait3A_53 = arith.constant 0 : i32
        %dma_wait3A_54 = tpu.memref_slice %arg9[%add3A_22, %dma_wait3A_53] : memref<320000x8xf32, #tpu.memory_space<hbm>> -> memref<80x8xf32, #tpu.memory_space<hbm>>
        %dma_wait3A_55 = arith.constant 0 : i32
        %dma_wait3A_56 = tpu.memref_slice %arg9[%add3A_22, %dma_wait3A_55] : memref<320000x8xf32, #tpu.memory_space<hbm>> -> memref<80x8xf32, #tpu.memory_space<hbm>>
        tpu.wait_dma2 semaphore(%run_scoped3A : memref<!tpu.dma_semaphore, #tpu.memory_space<semaphore_mem>>) src(%arg13 : memref<80x8xf32, #tpu.memory_space<vmem>>) dst(%dma_wait3A_56 : memref<80x8xf32, #tpu.memory_space<hbm>>)
        tpu.yield
      }) : () -> ()
      %dma_wait3A_41 = arith.constant 0 : i32
      %dma_wait3A_42 = arith.constant 0 : i32
      %dma_wait3A_43 = tpu.memref_slice %arg7[%dma_wait3A_41, %dma_wait3A_42] : memref<10000x16xf32, #tpu.memory_space<hbm>> -> memref<10000x16xf32, #tpu.memory_space<hbm>>
      tpu.wait_indirect_dma semaphore(%arg20 : memref<!tpu.dma_semaphore, #tpu.memory_space<semaphore_mem>>) src(%dma_wait3A_43 : memref<10000x16xf32, #tpu.memory_space<hbm>>) dst(%arg16 : memref<80x16xf32, #tpu.memory_space<vmem>>)
      %scan3A_44 = arith.constant 0 : i32
      %scan3A_45 = arith.constant 10 : i32
      %scan3A_46 = arith.addi %scan3A_44, %scan3A_45 : i32
      %scan3A_47 = arith.constant 1 : i32
      scf.for %scan3A_49 = %scan3A_44 to %scan3A_46 step %scan3A_47  : i32 {
        %mul3A_50 = arith.constant 8 : i32
        %mul3A_51 = arith.muli %scan3A_49, %mul3A_50 : i32
        %add3A_52 = arith.constant 0 : i32
        %add3A_53 = arith.addi %add3A_52, %mul3A_51 : i32
        %add3A_54 = arith.constant 0 : i32
        %add3A_55 = arith.addi %add3A_53, %add3A_54 : i32
        %broadcast_in_dim3A = vector.broadcast %add3A_55 : i32 to vector<16xi32>
        %broadcast_in_dim3A_56 = arith.constant 0 : i32
        %broadcast_in_dim3A_57 = vector.broadcast %broadcast_in_dim3A_56 : i32 to vector<16xi32>
        %gather3A = tpu.vector_load_idx %arg13[%broadcast_in_dim3A, %broadcast_in_dim3A_57] : memref<80x8xf32, #tpu.memory_space<vmem>>[vector<16xi32>, vector<16xi32>], vector<16xf32>,
        %get3A = arith.index_cast %add3A_55 : i32 to index
        %get3A_58 = arith.constant 0 : index
        %get3A_59 = tpu.vector_load %arg16[%get3A, %get3A_58] {strides = array<i32>} : memref<80x16xf32, #tpu.memory_space<vmem>>, vector<16xf32>,
        %mul3A_60 = arith.mulf %get3A_59, %gather3A : vector<16xf32>
        %swap3A = arith.index_cast %add3A_55 : i32 to index
        %swap3A_61 = arith.constant 0 : index
        %swap3A_62 = tpu.vector_load %arg16[%swap3A, %swap3A_61] {strides = array<i32>} : memref<80x16xf32, #tpu.memory_space<vmem>>, vector<16xf32>,
        tpu.vector_store %arg16[%swap3A, %swap3A_61], %mul3A_60 {strides = array<i32>} : memref<80x16xf32, #tpu.memory_space<vmem>>, vector<16xf32>,
        %add3A_63 = arith.constant 1 : i32
        %add3A_64 = arith.addi %add3A_53, %add3A_63 : i32
        %broadcast_in_dim3A_65 = vector.broadcast %add3A_64 : i32 to vector<16xi32>
        %broadcast_in_dim3A_66 = arith.constant 0 : i32
        %broadcast_in_dim3A_67 = vector.broadcast %broadcast_in_dim3A_66 : i32 to vector<16xi32>
        %gather3A_68 = tpu.vector_load_idx %arg13[%broadcast_in_dim3A_65, %broadcast_in_dim3A_67] : memref<80x8xf32, #tpu.memory_space<vmem>>[vector<16xi32>, vector<16xi32>], vector<16xf32>,
        %get3A_69 = arith.index_cast %add3A_64 : i32 to index
        %get3A_70 = arith.constant 0 : index
        %get3A_71 = tpu.vector_load %arg16[%get3A_69, %get3A_70] {strides = array<i32>} : memref<80x16xf32, #tpu.memory_space<vmem>>, vector<16xf32>,
        %mul3A_72 = arith.mulf %get3A_71, %gather3A_68 : vector<16xf32>
        %swap3A_73 = arith.index_cast %add3A_64 : i32 to index
        %swap3A_74 = arith.constant 0 : index
        %swap3A_75 = tpu.vector_load %arg16[%swap3A_73, %swap3A_74] {strides = array<i32>} : memref<80x16xf32, #tpu.memory_space<vmem>>, vector<16xf32>,
        tpu.vector_store %arg16[%swap3A_73, %swap3A_74], %mul3A_72 {strides = array<i32>} : memref<80x16xf32, #tpu.memory_space<vmem>>, vector<16xf32>,
        %add3A_76 = arith.constant 2 : i32
        %add3A_77 = arith.addi %add3A_53, %add3A_76 : i32
        %broadcast_in_dim3A_78 = vector.broadcast %add3A_77 : i32 to vector<16xi32>
        %broadcast_in_dim3A_79 = arith.constant 0 : i32
        %broadcast_in_dim3A_80 = vector.broadcast %broadcast_in_dim3A_79 : i32 to vector<16xi32>
        %gather3A_81 = tpu.vector_load_idx %arg13[%broadcast_in_dim3A_78, %broadcast_in_dim3A_80] : memref<80x8xf32, #tpu.memory_space<vmem>>[vector<16xi32>, vector<16xi32>], vector<16xf32>,
        %get3A_82 = arith.index_cast %add3A_77 : i32 to index
        %get3A_83 = arith.constant 0 : index
        %get3A_84 = tpu.vector_load %arg16[%get3A_82, %get3A_83] {strides = array<i32>} : memref<80x16xf32, #tpu.memory_space<vmem>>, vector<16xf32>,
        %mul3A_85 = arith.mulf %get3A_84, %gather3A_81 : vector<16xf32>
        %swap3A_86 = arith.index_cast %add3A_77 : i32 to index
        %swap3A_87 = arith.constant 0 : index
        %swap3A_88 = tpu.vector_load %arg16[%swap3A_86, %swap3A_87] {strides = array<i32>} : memref<80x16xf32, #tpu.memory_space<vmem>>, vector<16xf32>,
        tpu.vector_store %arg16[%swap3A_86, %swap3A_87], %mul3A_85 {strides = array<i32>} : memref<80x16xf32, #tpu.memory_space<vmem>>, vector<16xf32>,
        %add3A_89 = arith.constant 3 : i32
        %add3A_90 = arith.addi %add3A_53, %add3A_89 : i32
        %broadcast_in_dim3A_91 = vector.broadcast %add3A_90 : i32 to vector<16xi32>
        %broadcast_in_dim3A_92 = arith.constant 0 : i32
        %broadcast_in_dim3A_93 = vector.broadcast %broadcast_in_dim3A_92 : i32 to vector<16xi32>
        %gather3A_94 = tpu.vector_load_idx %arg13[%broadcast_in_dim3A_91, %broadcast_in_dim3A_93] : memref<80x8xf32, #tpu.memory_space<vmem>>[vector<16xi32>, vector<16xi32>], vector<16xf32>,
        %get3A_95 = arith.index_cast %add3A_90 : i32 to index
        %get3A_96 = arith.constant 0 : index
        %get3A_97 = tpu.vector_load %arg16[%get3A_95, %get3A_96] {strides = array<i32>} : memref<80x16xf32, #tpu.memory_space<vmem>>, vector<16xf32>,
        %mul3A_98 = arith.mulf %get3A_97, %gather3A_94 : vector<16xf32>
        %swap3A_99 = arith.index_cast %add3A_90 : i32 to index
        %swap3A_100 = arith.constant 0 : index
        %swap3A_101 = tpu.vector_load %arg16[%swap3A_99, %swap3A_100] {strides = array<i32>} : memref<80x16xf32, #tpu.memory_space<vmem>>, vector<16xf32>,
        tpu.vector_store %arg16[%swap3A_99, %swap3A_100], %mul3A_98 {strides = array<i32>} : memref<80x16xf32, #tpu.memory_space<vmem>>, vector<16xf32>,
        %add3A_102 = arith.constant 4 : i32
        %add3A_103 = arith.addi %add3A_53, %add3A_102 : i32
        %broadcast_in_dim3A_104 = vector.broadcast %add3A_103 : i32 to vector<16xi32>
        %broadcast_in_dim3A_105 = arith.constant 0 : i32
        %broadcast_in_dim3A_106 = vector.broadcast %broadcast_in_dim3A_105 : i32 to vector<16xi32>
        %gather3A_107 = tpu.vector_load_idx %arg13[%broadcast_in_dim3A_104, %broadcast_in_dim3A_106] : memref<80x8xf32, #tpu.memory_space<vmem>>[vector<16xi32>, vector<16xi32>], vector<16xf32>,
        %get3A_108 = arith.index_cast %add3A_103 : i32 to index
        %get3A_109 = arith.constant 0 : index
        %get3A_110 = tpu.vector_load %arg16[%get3A_108, %get3A_109] {strides = array<i32>} : memref<80x16xf32, #tpu.memory_space<vmem>>, vector<16xf32>,
        %mul3A_111 = arith.mulf %get3A_110, %gather3A_107 : vector<16xf32>
        %swap3A_112 = arith.index_cast %add3A_103 : i32 to index
        %swap3A_113 = arith.constant 0 : index
        %swap3A_114 = tpu.vector_load %arg16[%swap3A_112, %swap3A_113] {strides = array<i32>} : memref<80x16xf32, #tpu.memory_space<vmem>>, vector<16xf32>,
        tpu.vector_store %arg16[%swap3A_112, %swap3A_113], %mul3A_111 {strides = array<i32>} : memref<80x16xf32, #tpu.memory_space<vmem>>, vector<16xf32>,
        %add3A_115 = arith.constant 5 : i32
        %add3A_116 = arith.addi %add3A_53, %add3A_115 : i32
        %broadcast_in_dim3A_117 = vector.broadcast %add3A_116 : i32 to vector<16xi32>
        %broadcast_in_dim3A_118 = arith.constant 0 : i32
        %broadcast_in_dim3A_119 = vector.broadcast %broadcast_in_dim3A_118 : i32 to vector<16xi32>
        %gather3A_120 = tpu.vector_load_idx %arg13[%broadcast_in_dim3A_117, %broadcast_in_dim3A_119] : memref<80x8xf32, #tpu.memory_space<vmem>>[vector<16xi32>, vector<16xi32>], vector<16xf32>,
        %get3A_121 = arith.index_cast %add3A_116 : i32 to index
        %get3A_122 = arith.constant 0 : index
        %get3A_123 = tpu.vector_load %arg16[%get3A_121, %get3A_122] {strides = array<i32>} : memref<80x16xf32, #tpu.memory_space<vmem>>, vector<16xf32>,
        %mul3A_124 = arith.mulf %get3A_123, %gather3A_120 : vector<16xf32>
        %swap3A_125 = arith.index_cast %add3A_116 : i32 to index
        %swap3A_126 = arith.constant 0 : index
        %swap3A_127 = tpu.vector_load %arg16[%swap3A_125, %swap3A_126] {strides = array<i32>} : memref<80x16xf32, #tpu.memory_space<vmem>>, vector<16xf32>,
        tpu.vector_store %arg16[%swap3A_125, %swap3A_126], %mul3A_124 {strides = array<i32>} : memref<80x16xf32, #tpu.memory_space<vmem>>, vector<16xf32>,
        %add3A_128 = arith.constant 6 : i32
        %add3A_129 = arith.addi %add3A_53, %add3A_128 : i32
        %broadcast_in_dim3A_130 = vector.broadcast %add3A_129 : i32 to vector<16xi32>
        %broadcast_in_dim3A_131 = arith.constant 0 : i32
        %broadcast_in_dim3A_132 = vector.broadcast %broadcast_in_dim3A_131 : i32 to vector<16xi32>
        %gather3A_133 = tpu.vector_load_idx %arg13[%broadcast_in_dim3A_130, %broadcast_in_dim3A_132] : memref<80x8xf32, #tpu.memory_space<vmem>>[vector<16xi32>, vector<16xi32>], vector<16xf32>,
        %get3A_134 = arith.index_cast %add3A_129 : i32 to index
        %get3A_135 = arith.constant 0 : index
        %get3A_136 = tpu.vector_load %arg16[%get3A_134, %get3A_135] {strides = array<i32>} : memref<80x16xf32, #tpu.memory_space<vmem>>, vector<16xf32>,
        %mul3A_137 = arith.mulf %get3A_136, %gather3A_133 : vector<16xf32>
        %swap3A_138 = arith.index_cast %add3A_129 : i32 to index
        %swap3A_139 = arith.constant 0 : index
        %swap3A_140 = tpu.vector_load %arg16[%swap3A_138, %swap3A_139] {strides = array<i32>} : memref<80x16xf32, #tpu.memory_space<vmem>>, vector<16xf32>,
        tpu.vector_store %arg16[%swap3A_138, %swap3A_139], %mul3A_137 {strides = array<i32>} : memref<80x16xf32, #tpu.memory_space<vmem>>, vector<16xf32>,
        %add3A_141 = arith.constant 7 : i32
        %add3A_142 = arith.addi %add3A_53, %add3A_141 : i32
        %broadcast_in_dim3A_143 = vector.broadcast %add3A_142 : i32 to vector<16xi32>
        %broadcast_in_dim3A_144 = arith.constant 0 : i32
        %broadcast_in_dim3A_145 = vector.broadcast %broadcast_in_dim3A_144 : i32 to vector<16xi32>
        %gather3A_146 = tpu.vector_load_idx %arg13[%broadcast_in_dim3A_143, %broadcast_in_dim3A_145] : memref<80x8xf32, #tpu.memory_space<vmem>>[vector<16xi32>, vector<16xi32>], vector<16xf32>,
        %get3A_147 = arith.index_cast %add3A_142 : i32 to index
        %get3A_148 = arith.constant 0 : index
        %get3A_149 = tpu.vector_load %arg16[%get3A_147, %get3A_148] {strides = array<i32>} : memref<80x16xf32, #tpu.memory_space<vmem>>, vector<16xf32>,
        %mul3A_150 = arith.mulf %get3A_149, %gather3A_146 : vector<16xf32>
        %swap3A_151 = arith.index_cast %add3A_142 : i32 to index
        %swap3A_152 = arith.constant 0 : index
        %swap3A_153 = tpu.vector_load %arg16[%swap3A_151, %swap3A_152] {strides = array<i32>} : memref<80x16xf32, #tpu.memory_space<vmem>>, vector<16xf32>,
        tpu.vector_store %arg16[%swap3A_151, %swap3A_152], %mul3A_150 {strides = array<i32>} : memref<80x16xf32, #tpu.memory_space<vmem>>, vector<16xf32>,
      }
      %scan3A_48 = arith.constant 10 : i32
      "tpu.region"() ({
        %run_scoped3A = tpu.sem_alloc : memref<!tpu.dma_semaphore, #tpu.memory_space<semaphore_mem>>
        %dma_start3A_49 = arith.constant 0 : i32
        %dma_start3A_50 = arith.constant 0 : i32
        %dma_start3A_51 = tpu.memref_slice %arg17[%dma_start3A_49, %dma_start3A_50] : memref<10000x16xf32, #tpu.memory_space<vmem_shared>> -> memref<10000x16xf32, #tpu.memory_space<vmem_shared>>
        tpu.enqueue_indirect_dma source(%arg16 : memref<80x16xf32, #tpu.memory_space<vmem>>) target(%dma_start3A_51 : memref<10000x16xf32, #tpu.memory_space<vmem_shared>>) offsets(%arg12 : memref<80xi32, #tpu.memory_space<vmem>>) semaphore(%run_scoped3A : memref<!tpu.dma_semaphore, #tpu.memory_space<semaphore_mem>>) {add = true}
        %dma_wait3A_52 = arith.constant 0 : i32
        %dma_wait3A_53 = arith.constant 0 : i32
        %dma_wait3A_54 = tpu.memref_slice %arg17[%dma_wait3A_52, %dma_wait3A_53] : memref<10000x16xf32, #tpu.memory_space<vmem_shared>> -> memref<10000x16xf32, #tpu.memory_space<vmem_shared>>
        tpu.wait_indirect_dma semaphore(%run_scoped3A : memref<!tpu.dma_semaphore, #tpu.memory_space<semaphore_mem>>) src(%arg16 : memref<80x16xf32, #tpu.memory_space<vmem>>) dst(%dma_wait3A_54 : memref<10000x16xf32, #tpu.memory_space<vmem_shared>>)
        tpu.yield
      }) : () -> ()
    }
    %scan3A_8 = arith.constant 125 : i32
    %barrier3A_9 = arith.constant 0 : index
    tpu.barrier barrier_id(%barrier3A_9)
    %eq3A_10 = arith.constant 0 : i32
    %eq3A_11 = arith.cmpi eq, %arg1, %eq3A_10 : i32
    %convert_element_type3A_12 = arith.extui %eq3A_11 : i1 to i32
    %cond3A_13 = arith.constant 0 : i32
    %cond3A_14 = arith.cmpi ne, %convert_element_type3A_12, %cond3A_13 : i32
    scf.if %cond3A_14 {
      "tpu.region"() ({
        %run_scoped3A = tpu.sem_alloc : memref<!tpu.dma_semaphore, #tpu.memory_space<semaphore_mem>>
        %dma_start3A = arith.constant 0 : i32
        %dma_start3A_15 = arith.constant 0 : i32
        %dma_start3A_16 = tpu.memref_slice %arg10[%arg0, %dma_start3A, %dma_start3A_15] : memref<2x10000x16xf32, #tpu.memory_space<hbm>> -> memref<1x10000x16xf32, #tpu.memory_space<hbm>>
        %dma_start3A_17 = tpu.memref_squeeze %dma_start3A_16 : memref<1x10000x16xf32, #tpu.memory_space<hbm>> -> memref<10000x16xf32, #tpu.memory_space<hbm>>
        tpu.enqueue_dma source(%arg17 : memref<10000x16xf32, #tpu.memory_space<vmem_shared>>) target(%dma_start3A_17 : memref<10000x16xf32, #tpu.memory_space<hbm>>) target_semaphore(%run_scoped3A : memref<!tpu.dma_semaphore, #tpu.memory_space<semaphore_mem>>)
        %dma_wait3A = arith.constant 0 : i32
        %dma_wait3A_18 = arith.constant 0 : i32
        %dma_wait3A_19 = tpu.memref_slice %arg10[%arg0, %dma_wait3A, %dma_wait3A_18] : memref<2x10000x16xf32, #tpu.memory_space<hbm>> -> memref<1x10000x16xf32, #tpu.memory_space<hbm>>
        %dma_wait3A_20 = tpu.memref_squeeze %dma_wait3A_19 : memref<1x10000x16xf32, #tpu.memory_space<hbm>> -> memref<10000x16xf32, #tpu.memory_space<hbm>>
        tpu.wait_dma2 semaphore(%run_scoped3A : memref<!tpu.dma_semaphore, #tpu.memory_space<semaphore_mem>>) src(%arg17 : memref<10000x16xf32, #tpu.memory_space<vmem_shared>>) dst(%dma_wait3A_20 : memref<10000x16xf32, #tpu.memory_space<hbm>>)
        tpu.yield
      }) : () -> ()
    } else {
    }
    return
  }
}

module attributes {stable_mosaic.version = 14 : i64} {
  func.func @_dense_body(%arg0: i32, %arg1: memref<400x128xf32, #tpu.memory_space<vmem>>, %arg2: memref<128x128xf32, #tpu.memory_space<vmem>>, %arg3: memref<128x8xf32, #tpu.memory_space<vmem>>, %arg4: memref<400x128xf32, #tpu.memory_space<vmem>>, %arg5: memref<400x8xf32, #tpu.memory_space<vmem>>) attributes {dimension_semantics = [#tpu.dimension_semantics<arbitrary>], iteration_bounds = array<i64: 25>, scalar_prefetch = 0 : i64, scratch_operands = 0 : i64, tpu.core_type = #tpu.core_type<tc>, window_params = [{transform_indices = @transform_0, window_bounds = array<i64: 400, 128>}, {pipeline_mode = #tpu.pipeline_mode<synchronous>, transform_indices = @transform_1, window_bounds = array<i64: 128, 128>}, {pipeline_mode = #tpu.pipeline_mode<synchronous>, transform_indices = @transform_2, window_bounds = array<i64: 128, 8>}, {transform_indices = @transform_3, window_bounds = array<i64: 400, 128>}, {transform_indices = @transform_4, window_bounds = array<i64: 400, 8>}]} {
    %get3A = arith.constant 0 : index
    %get3A_0 = arith.constant 0 : index
    %get3A_1 = vector.load %arg1[%get3A, %get3A_0] : memref<400x128xf32, #tpu.memory_space<vmem>>, vector<400x128xf32>
    %get3A_2 = arith.constant 0 : index
    %get3A_3 = arith.constant 0 : index
    %get3A_4 = vector.load %arg2[%get3A_2, %get3A_3] : memref<128x128xf32, #tpu.memory_space<vmem>>, vector<128x128xf32>
    %dot_general3A = arith.constant dense<0.000000e+00> : vector<400x128xf32>
    %dot_general3A_5 = tpu.matmul %get3A_1, %get3A_4, %dot_general3A {dimension_numbers = #tpu.dot_dimension_numbers<[1], [0], [0], [1], [0, 0, 1, 1], [], []>, transpose_lhs_hint = false} : vector<400x128xf32>, vector<128x128xf32>, vector<400x128xf32> -> vector<400x128xf32>
    %swap3A = arith.constant 0 : index
    %swap3A_6 = arith.constant 0 : index
    %swap3A_7 = vector.load %arg4[%swap3A, %swap3A_6] : memref<400x128xf32, #tpu.memory_space<vmem>>, vector<400x128xf32>
    tpu.vector_store %arg4[%swap3A, %swap3A_6], %dot_general3A_5 {strides = array<i32>} : memref<400x128xf32, #tpu.memory_space<vmem>>, vector<400x128xf32>,
    %get3A_8 = arith.constant 0 : index
    %get3A_9 = arith.constant 0 : index
    %get3A_10 = vector.load %arg3[%get3A_8, %get3A_9] : memref<128x8xf32, #tpu.memory_space<vmem>>, vector<128x8xf32>
    %dot_general3A_11 = arith.constant dense<0.000000e+00> : vector<400x8xf32>
    %dot_general3A_12 = tpu.matmul %dot_general3A_5, %get3A_10, %dot_general3A_11 {dimension_numbers = #tpu.dot_dimension_numbers<[1], [0], [0], [1], [0, 0, 1, 1], [], []>, transpose_lhs_hint = false} : vector<400x128xf32>, vector<128x8xf32>, vector<400x8xf32> -> vector<400x8xf32>
    %swap3A_13 = arith.constant 0 : index
    %swap3A_14 = arith.constant 0 : index
    %swap3A_15 = vector.load %arg5[%swap3A_13, %swap3A_14] : memref<400x8xf32, #tpu.memory_space<vmem>>, vector<400x8xf32>
    tpu.vector_store %arg5[%swap3A_13, %swap3A_14], %dot_general3A_12 {strides = array<i32>} : memref<400x8xf32, #tpu.memory_space<vmem>>, vector<400x8xf32>,
    return
  }
  func.func @transform_0(%arg0: i32) -> (i32, i32) {
    %c0_i32 = arith.constant 0 : i32
    %c0_i32_0 = arith.constant 0 : i32
    return %arg0, %c0_i32 : i32, i32
  }
  func.func @transform_1(%arg0: i32) -> (i32, i32) {
    %c0_i32 = arith.constant 0 : i32
    %c0_i32_0 = arith.constant 0 : i32
    %c0_i32_1 = arith.constant 0 : i32
    return %c0_i32, %c0_i32_0 : i32, i32
  }
  func.func @transform_2(%arg0: i32) -> (i32, i32) {
    %c0_i32 = arith.constant 0 : i32
    %c0_i32_0 = arith.constant 0 : i32
    %c0_i32_1 = arith.constant 0 : i32
    return %c0_i32, %c0_i32_0 : i32, i32
  }
  func.func @transform_3(%arg0: i32) -> (i32, i32) {
    %c0_i32 = arith.constant 0 : i32
    %c0_i32_0 = arith.constant 0 : i32
    return %arg0, %c0_i32 : i32, i32
  }
  func.func @transform_4(%arg0: i32) -> (i32, i32) {
    %c0_i32 = arith.constant 0 : i32
    %c0_i32_0 = arith.constant 0 : i32
    return %arg0, %c0_i32 : i32, i32
  }
}

module attributes {stable_mosaic.version = 14 : i64} {
  func.func @_lambda_(%arg0: i32, %arg1: memref<400x128xf32, #tpu.memory_space<vmem>>, %arg2: memref<400x128xf32, #tpu.memory_space<vmem>>, %arg3: memref<400x128xf32, #tpu.memory_space<vmem>>) attributes {dimension_semantics = [#tpu.dimension_semantics<arbitrary>], iteration_bounds = array<i64: 25>, scalar_prefetch = 0 : i64, scratch_operands = 0 : i64, tpu.core_type = #tpu.core_type<tc>, window_params = [{transform_indices = @transform_0, window_bounds = array<i64: 400, 128>}, {transform_indices = @transform_1, window_bounds = array<i64: 400, 128>}, {transform_indices = @transform_2, window_bounds = array<i64: 400, 128>}]} {
    %get3A = arith.constant 0 : index
    %get3A_0 = arith.constant 0 : index
    %get3A_1 = vector.load %arg1[%get3A, %get3A_0] : memref<400x128xf32, #tpu.memory_space<vmem>>, vector<400x128xf32>
    %get3A_2 = arith.constant 0 : index
    %get3A_3 = arith.constant 0 : index
    %get3A_4 = vector.load %arg2[%get3A_2, %get3A_3] : memref<400x128xf32, #tpu.memory_space<vmem>>, vector<400x128xf32>
    %add3A = arith.addf %get3A_1, %get3A_4 : vector<400x128xf32>
    %gt3A = arith.constant 0.000000e+00 : f32
    %gt3A_5 = vector.broadcast %gt3A : f32 to vector<400x128xf32>
    %gt3A_6 = arith.cmpf ogt, %add3A, %gt3A_5 : vector<400x128xf32>
    %min3A = arith.constant 0.000000e+00 : f32
    %min3A_7 = vector.broadcast %min3A : f32 to vector<400x128xf32>
    %min3A_8 = arith.minimumf %add3A, %min3A_7 : vector<400x128xf32>
    %exp3A = math.exp %min3A_8 : vector<400x128xf32>
    %sub3A = arith.constant 1.000000e+00 : f32
    %sub3A_9 = vector.broadcast %sub3A : f32 to vector<400x128xf32>
    %sub3A_10 = arith.subf %exp3A, %sub3A_9 : vector<400x128xf32>
    %select_n3A = arith.select %gt3A_6, %add3A, %sub3A_10 : vector<400x128xi1>, vector<400x128xf32>
    %swap3A = arith.constant 0 : index
    %swap3A_11 = arith.constant 0 : index
    %swap3A_12 = vector.load %arg3[%swap3A, %swap3A_11] : memref<400x128xf32, #tpu.memory_space<vmem>>, vector<400x128xf32>
    tpu.vector_store %arg3[%swap3A, %swap3A_11], %select_n3A {strides = array<i32>} : memref<400x128xf32, #tpu.memory_space<vmem>>, vector<400x128xf32>,
    return
  }
  func.func @transform_0(%arg0: i32) -> (i32, i32) {
    %c0_i32 = arith.constant 0 : i32
    %c0_i32_0 = arith.constant 0 : i32
    return %arg0, %c0_i32 : i32, i32
  }
  func.func @transform_1(%arg0: i32) -> (i32, i32) {
    %c0_i32 = arith.constant 0 : i32
    %c0_i32_0 = arith.constant 0 : i32
    return %arg0, %c0_i32 : i32, i32
  }
  func.func @transform_2(%arg0: i32) -> (i32, i32) {
    %c0_i32 = arith.constant 0 : i32
    %c0_i32_0 = arith.constant 0 : i32
    return %arg0, %c0_i32 : i32, i32
  }
}

module attributes {stable_mosaic.version = 14 : i64} {
  func.func @_combine_body(%arg0: i32, %arg1: memref<400x128xf32, #tpu.memory_space<vmem>>, %arg2: memref<400x128xf32, #tpu.memory_space<vmem>>, %arg3: memref<400x128xf32, #tpu.memory_space<vmem>>, %arg4: memref<400x128xf32, #tpu.memory_space<vmem>>) attributes {dimension_semantics = [#tpu.dimension_semantics<arbitrary>], iteration_bounds = array<i64: 25>, scalar_prefetch = 0 : i64, scratch_operands = 0 : i64, tpu.core_type = #tpu.core_type<tc>, window_params = [{transform_indices = @transform_0, window_bounds = array<i64: 400, 128>}, {transform_indices = @transform_1, window_bounds = array<i64: 400, 128>}, {transform_indices = @transform_2, window_bounds = array<i64: 400, 128>}, {transform_indices = @transform_3, window_bounds = array<i64: 400, 128>}]} {
    %get3A = arith.constant 0 : index
    %get3A_0 = arith.constant 0 : index
    %get3A_1 = vector.load %arg1[%get3A, %get3A_0] : memref<400x128xf32, #tpu.memory_space<vmem>>, vector<400x128xf32>
    %get3A_2 = arith.constant 0 : index
    %get3A_3 = arith.constant 0 : index
    %get3A_4 = vector.load %arg2[%get3A_2, %get3A_3] : memref<400x128xf32, #tpu.memory_space<vmem>>, vector<400x128xf32>
    %add3A = arith.addf %get3A_1, %get3A_4 : vector<400x128xf32>
    %get3A_5 = arith.constant 0 : index
    %get3A_6 = arith.constant 0 : index
    %get3A_7 = vector.load %arg3[%get3A_5, %get3A_6] : memref<400x128xf32, #tpu.memory_space<vmem>>, vector<400x128xf32>
    %add3A_8 = arith.addf %add3A, %get3A_7 : vector<400x128xf32>
    %gt3A = arith.constant 0.000000e+00 : f32
    %gt3A_9 = vector.broadcast %gt3A : f32 to vector<400x128xf32>
    %gt3A_10 = arith.cmpf ogt, %add3A_8, %gt3A_9 : vector<400x128xf32>
    %min3A = arith.constant 0.000000e+00 : f32
    %min3A_11 = vector.broadcast %min3A : f32 to vector<400x128xf32>
    %min3A_12 = arith.minimumf %add3A_8, %min3A_11 : vector<400x128xf32>
    %exp3A = math.exp %min3A_12 : vector<400x128xf32>
    %sub3A = arith.constant 1.000000e+00 : f32
    %sub3A_13 = vector.broadcast %sub3A : f32 to vector<400x128xf32>
    %sub3A_14 = arith.subf %exp3A, %sub3A_13 : vector<400x128xf32>
    %select_n3A = arith.select %gt3A_10, %add3A_8, %sub3A_14 : vector<400x128xi1>, vector<400x128xf32>
    %swap3A = arith.constant 0 : index
    %swap3A_15 = arith.constant 0 : index
    %swap3A_16 = vector.load %arg4[%swap3A, %swap3A_15] : memref<400x128xf32, #tpu.memory_space<vmem>>, vector<400x128xf32>
    tpu.vector_store %arg4[%swap3A, %swap3A_15], %select_n3A {strides = array<i32>} : memref<400x128xf32, #tpu.memory_space<vmem>>, vector<400x128xf32>,
    return
  }
  func.func @transform_0(%arg0: i32) -> (i32, i32) {
    %c0_i32 = arith.constant 0 : i32
    %c0_i32_0 = arith.constant 0 : i32
    return %arg0, %c0_i32 : i32, i32
  }
  func.func @transform_1(%arg0: i32) -> (i32, i32) {
    %c0_i32 = arith.constant 0 : i32
    %c0_i32_0 = arith.constant 0 : i32
    return %arg0, %c0_i32 : i32, i32
  }
  func.func @transform_2(%arg0: i32) -> (i32, i32) {
    %c0_i32 = arith.constant 0 : i32
    %c0_i32_0 = arith.constant 0 : i32
    return %arg0, %c0_i32 : i32, i32
  }
  func.func @transform_3(%arg0: i32) -> (i32, i32) {
    %c0_i32 = arith.constant 0 : i32
    %c0_i32_0 = arith.constant 0 : i32
    return %arg0, %c0_i32 : i32, i32
  }
}

module attributes {stable_mosaic.version = 14 : i64} {
  func.func @_dense_body(%arg0: i32, %arg1: memref<400x128xf32, #tpu.memory_space<vmem>>, %arg2: memref<128x32xf32, #tpu.memory_space<vmem>>, %arg3: memref<32x2xf32, #tpu.memory_space<vmem>>, %arg4: memref<400x32xf32, #tpu.memory_space<vmem>>, %arg5: memref<400x2xf32, #tpu.memory_space<vmem>>) attributes {dimension_semantics = [#tpu.dimension_semantics<arbitrary>], iteration_bounds = array<i64: 25>, scalar_prefetch = 0 : i64, scratch_operands = 0 : i64, tpu.core_type = #tpu.core_type<tc>, window_params = [{transform_indices = @transform_0, window_bounds = array<i64: 400, 128>}, {pipeline_mode = #tpu.pipeline_mode<synchronous>, transform_indices = @transform_1, window_bounds = array<i64: 128, 32>}, {pipeline_mode = #tpu.pipeline_mode<synchronous>, transform_indices = @transform_2, window_bounds = array<i64: 32, 2>}, {transform_indices = @transform_3, window_bounds = array<i64: 400, 32>}, {transform_indices = @transform_4, window_bounds = array<i64: 400, 2>}]} {
    %get3A = arith.constant 0 : index
    %get3A_0 = arith.constant 0 : index
    %get3A_1 = vector.load %arg1[%get3A, %get3A_0] : memref<400x128xf32, #tpu.memory_space<vmem>>, vector<400x128xf32>
    %get3A_2 = arith.constant 0 : index
    %get3A_3 = arith.constant 0 : index
    %get3A_4 = vector.load %arg2[%get3A_2, %get3A_3] : memref<128x32xf32, #tpu.memory_space<vmem>>, vector<128x32xf32>
    %dot_general3A = arith.constant dense<0.000000e+00> : vector<400x32xf32>
    %dot_general3A_5 = tpu.matmul %get3A_1, %get3A_4, %dot_general3A {dimension_numbers = #tpu.dot_dimension_numbers<[1], [0], [0], [1], [0, 0, 1, 1], [], []>, transpose_lhs_hint = false} : vector<400x128xf32>, vector<128x32xf32>, vector<400x32xf32> -> vector<400x32xf32>
    %swap3A = arith.constant 0 : index
    %swap3A_6 = arith.constant 0 : index
    %swap3A_7 = vector.load %arg4[%swap3A, %swap3A_6] : memref<400x32xf32, #tpu.memory_space<vmem>>, vector<400x32xf32>
    tpu.vector_store %arg4[%swap3A, %swap3A_6], %dot_general3A_5 {strides = array<i32>} : memref<400x32xf32, #tpu.memory_space<vmem>>, vector<400x32xf32>,
    %get3A_8 = arith.constant 0 : index
    %get3A_9 = arith.constant 0 : index
    %get3A_10 = vector.load %arg3[%get3A_8, %get3A_9] : memref<32x2xf32, #tpu.memory_space<vmem>>, vector<32x2xf32>
    %dot_general3A_11 = arith.constant dense<0.000000e+00> : vector<400x2xf32>
    %dot_general3A_12 = tpu.matmul %dot_general3A_5, %get3A_10, %dot_general3A_11 {dimension_numbers = #tpu.dot_dimension_numbers<[1], [0], [0], [1], [0, 0, 1, 1], [], []>, transpose_lhs_hint = false} : vector<400x32xf32>, vector<32x2xf32>, vector<400x2xf32> -> vector<400x2xf32>
    %swap3A_13 = arith.constant 0 : index
    %swap3A_14 = arith.constant 0 : index
    %swap3A_15 = vector.load %arg5[%swap3A_13, %swap3A_14] : memref<400x2xf32, #tpu.memory_space<vmem>>, vector<400x2xf32>
    tpu.vector_store %arg5[%swap3A_13, %swap3A_14], %dot_general3A_12 {strides = array<i32>} : memref<400x2xf32, #tpu.memory_space<vmem>>, vector<400x2xf32>,
    return
  }
  func.func @transform_0(%arg0: i32) -> (i32, i32) {
    %c0_i32 = arith.constant 0 : i32
    %c0_i32_0 = arith.constant 0 : i32
    return %arg0, %c0_i32 : i32, i32
  }
  func.func @transform_1(%arg0: i32) -> (i32, i32) {
    %c0_i32 = arith.constant 0 : i32
    %c0_i32_0 = arith.constant 0 : i32
    %c0_i32_1 = arith.constant 0 : i32
    return %c0_i32, %c0_i32_0 : i32, i32
  }
  func.func @transform_2(%arg0: i32) -> (i32, i32) {
    %c0_i32 = arith.constant 0 : i32
    %c0_i32_0 = arith.constant 0 : i32
    %c0_i32_1 = arith.constant 0 : i32
    return %c0_i32, %c0_i32_0 : i32, i32
  }
  func.func @transform_3(%arg0: i32) -> (i32, i32) {
    %c0_i32 = arith.constant 0 : i32
    %c0_i32_0 = arith.constant 0 : i32
    return %arg0, %c0_i32 : i32, i32
  }
  func.func @transform_4(%arg0: i32) -> (i32, i32) {
    %c0_i32 = arith.constant 0 : i32
    %c0_i32_0 = arith.constant 0 : i32
    return %arg0, %c0_i32 : i32, i32
  }
}

module attributes {stable_mosaic.version = 14 : i64} {
  func.func @_combine_body(%arg0: i32, %arg1: memref<400x16xf32, #tpu.memory_space<vmem>>, %arg2: memref<400x16xf32, #tpu.memory_space<vmem>>, %arg3: memref<400x16xf32, #tpu.memory_space<vmem>>, %arg4: memref<400x16xf32, #tpu.memory_space<vmem>>) attributes {dimension_semantics = [#tpu.dimension_semantics<arbitrary>], iteration_bounds = array<i64: 25>, scalar_prefetch = 0 : i64, scratch_operands = 0 : i64, tpu.core_type = #tpu.core_type<tc>, window_params = [{transform_indices = @transform_0, window_bounds = array<i64: 400, 16>}, {transform_indices = @transform_1, window_bounds = array<i64: 400, 16>}, {transform_indices = @transform_2, window_bounds = array<i64: 400, 16>}, {transform_indices = @transform_3, window_bounds = array<i64: 400, 16>}]} {
    %get3A = arith.constant 0 : index
    %get3A_0 = arith.constant 0 : index
    %get3A_1 = vector.load %arg1[%get3A, %get3A_0] : memref<400x16xf32, #tpu.memory_space<vmem>>, vector<400x16xf32>
    %get3A_2 = arith.constant 0 : index
    %get3A_3 = arith.constant 0 : index
    %get3A_4 = vector.load %arg2[%get3A_2, %get3A_3] : memref<400x16xf32, #tpu.memory_space<vmem>>, vector<400x16xf32>
    %add3A = arith.addf %get3A_1, %get3A_4 : vector<400x16xf32>
    %get3A_5 = arith.constant 0 : index
    %get3A_6 = arith.constant 0 : index
    %get3A_7 = vector.load %arg3[%get3A_5, %get3A_6] : memref<400x16xf32, #tpu.memory_space<vmem>>, vector<400x16xf32>
    %add3A_8 = arith.addf %add3A, %get3A_7 : vector<400x16xf32>
    %swap3A = arith.constant 0 : index
    %swap3A_9 = arith.constant 0 : index
    %swap3A_10 = vector.load %arg4[%swap3A, %swap3A_9] : memref<400x16xf32, #tpu.memory_space<vmem>>, vector<400x16xf32>
    tpu.vector_store %arg4[%swap3A, %swap3A_9], %add3A_8 {strides = array<i32>} : memref<400x16xf32, #tpu.memory_space<vmem>>, vector<400x16xf32>,
    return
  }
  func.func @transform_0(%arg0: i32) -> (i32, i32) {
    %c0_i32 = arith.constant 0 : i32
    %c0_i32_0 = arith.constant 0 : i32
    return %arg0, %c0_i32 : i32, i32
  }
  func.func @transform_1(%arg0: i32) -> (i32, i32) {
    %c0_i32 = arith.constant 0 : i32
    %c0_i32_0 = arith.constant 0 : i32
    return %arg0, %c0_i32 : i32, i32
  }
  func.func @transform_2(%arg0: i32) -> (i32, i32) {
    %c0_i32 = arith.constant 0 : i32
    %c0_i32_0 = arith.constant 0 : i32
    return %arg0, %c0_i32 : i32, i32
  }
  func.func @transform_3(%arg0: i32) -> (i32, i32) {
    %c0_i32 = arith.constant 0 : i32
    %c0_i32_0 = arith.constant 0 : i32
    return %arg0, %c0_i32 : i32, i32
  }
}

</mosaic_0001>

<sc_bundles>
// kernel: kernel.14.cloned.1.call-start
scs
__scs_entry_jumppad:
0x0: {  	(pc) =	sbr.rel $0x88, $3  }
0x1: {  	(tag) =	ssettag $0x0;
	lr =	simm.s32 $0x1  }
0x2: {  	[smem:$0x3F95] =	sst lr;
	_ =	strace $0xD0000000  }
0x3: {  	_ = 	snop  }
0x4: {  	_ = 	snop  }
0x5: {  	_ = 	snop  }
0x6: {  	_ = 	snop  }
0x7: {  	_ = 	snop  }
__scs_overlays_trampoline_lowered:
0x8: {  	[smem:$0x3FA4] =	sst s0  }
0x9: {  	[smem:$0x3FA5] =	sst s1  }
0xa: {  	[smem:$0x3FA6] =	sst s2  }
0xb: {  	[smem:$0x3FA7] =	sst s3  }
0xc: {  	[smem:$0x3FA8] =	sst s4  }
0xd: {  	[smem:$0x3FA9] =	sst s5  }
0xe: {  	[smem:$0x3FAA] =	sst s6  }
0xf: {  	[smem:$0x3FAB] =	sst s7  }
0x10: {  	[smem:$0x3FAC] =	sst s8  }
0x11: {  	[smem:$0x3FAD] =	sst s9;
	s0 =	simm.s32 @!p0 $0x0  }
0x12: {  	s1 =	sld [smem:$0x3F93];
	s0 =	simm.s32 @p0 $0x1  }
0x13: {  	[smem:$0x3FAE] =	sst s0;
	s0 =	simm.s32 @!p1 $0x0  }
0x14: {  	s2 =	sld [smem:$0x3F92];
	s0 =	simm.s32 @p1 $0x1  }
0x15: {  	[smem:$0x3FAF] =	sst s0;
	s0 =	simm.s32 @!p2 $0x0  }
0x16: {  	s3 =	sld [smem:$0x3FDB];
	s0 =	simm.s32 @p2 $0x1  }
0x17: {  	s4 =	simm.s32 $0x1BF5;
	[smem:$0x3FB1] =	sst s0  }
0x18: {  	s0 =	sld [smem:$0x3F94];
	_ =	swait.ge [sflag:s4], $0x0  }
0x19: {  	s7 =	sld [smem:$0x3F95]  }
0x1a: {  	s8 =	sadd.s32 $0xFFFFE003, lr  }
0x1b: {  	s9 =	sadd.s32 $0xFFFFFEF7, lr;
	s5 =	simm.s32 $0xFFFFFFFF;
	p2 =	slt.u32 s8, $0xFFFFF086  }
0x1c: {  	p1 =	slt.u32 s9, $0xF7A;
	s5 =	simm.s32 @!p2 $0x0  }
0x1d: {  	s5 =	simm.s32 @p1 $0x1;
	p0 =	seq.s32 s7, s2  }
0x1e: {  	s7 =	smul.u32 @!p0 $0xF7A, s2;
	p2 =	seq.s32 @!p0 s5, $0x0  }
0x1f: {  	s9 =	smul.u32 $0xF7A, s1;
	s8 =	simm.s32 @!p0 $0x1BF5;
	p2 =	por !p2, p0  }
0x20: {  	[sflag:s8] =	ssyncset.s32 @!p0 $0xFFFFF086;
	s6 =	sadd.s32 @!p0 s3, s7;
	s7 =	simm.s32 @!p0 $0x108  }
0x21: {  	s3 =	sadd.s32 s3, s9;
	s6 =	sadd.s32 @!p0 $0x88, s6;
	s7 =	simm.s32 @p2 $0x1082  }
0x22: {  	[simem:s7], [sflag:s8] =	dma.local @!p0 [hbm:s6], $0xF7A  }
0x23: {  	s9 =	sor.u32 $0xD0000000, s2;
	s6 =	simm.s32 $0x108;
	_ =	swait.ge @!p0 [sflag:s8], $0x0  }
0x24: {  	s3 =	sadd.s32 $0x88, s3;
	s6 =	simm.s32 @!p1 $0x1082;
	[sflag:s4] =	ssyncset.s32 $0xFFFFF086  }
0x25: {  	[simem:s6], [sflag:s4] =	dma.local [hbm:s3], $0xF7A  }
0x26: {  	[smem:$0x3F95] =	sst s1;
	(tag) =	ssettag s2;
	_ =	strace s9  }
0x27: {  	s1 =	sld [smem:$0x3FA5]  }
0x28: {  	s2 =	sld [smem:$0x3FA6]  }
0x29: {  	s4 =	sld [smem:$0x3FA8]  }
0x2a: {  	p0 =	seq.s32 s5, $0x0;
	s5 =	sld [smem:$0x3FA9]  }
0x2b: {  	s6 =	sld [smem:$0x3FAA]  }
0x2c: {  	s7 =	sld [smem:$0x3FAB]  }
0x2d: {  	s3 =	simm.s32 $0x108;
	s8 =	sld [smem:$0x3FAC]  }
0x2e: {  	s3 =	simm.s32 @!p0 $0x1082;
	s9 =	sld [smem:$0x3FAD]  }
0x2f: {  	lr =	sadd.s32 s0, s3;
	s0 =	sld [smem:$0x3FA4]  }
0x30: {  	s3 =	sld [smem:$0x3FA7]  }
0x31: {  	[smem:$0x3FB0] =	sst s10  }
0x32: {  	s10 =	sld [smem:$0x3FAE];
	_ =	sdelay $0x3  }
0x33: {  	p0 =	seq.s32 s10, $0x1;
	s10 =	sld [smem:$0x3FB0];
	_ =	sdelay $0x3  }
0x34: {  	[smem:$0x3FB0] =	sst s10  }
0x35: {  	s10 =	sld [smem:$0x3FAF];
	_ =	sdelay $0x3  }
0x36: {  	p1 =	seq.s32 s10, $0x1;
	s10 =	sld [smem:$0x3FB0];
	_ =	sdelay $0x3  }
0x37: {  	[smem:$0x3FB0] =	sst s10  }
0x38: {  	s10 =	sld [smem:$0x3FB1]  }
0x39: {  	_ = 	snop;
	(pc) =	sbr.ind lr, $3  }
0x3a: {  	_ = 	snop  }
0x3b: {  	_ = 	snop  }
0x3c: {  	p2 =	seq.s32 s10, $0x1;
	s10 =	sld [smem:$0x3FB0]  }
0x3d: {  	_ =	shalt  }
0x3e: {  	_ =	shalt  }
0x3f: {  	_ =	shalt  }
0x40: {  	_ =	shalt  }
0x41: {  	_ =	shalt  }
0x42: {  	_ =	shalt  }
0x43: {  	_ =	shalt  }
0x44: {  	_ =	shalt  }
0x45: {  	_ =	shalt  }
0x46: {  	_ =	shalt  }
0x47: {  	_ =	shalt  }
0x48: {  	_ =	shalt  }
0x49: {  	_ =	shalt  }
0x4a: {  	_ =	shalt  }
0x4b: {  	_ =	shalt  }
0x4c: {  	_ =	shalt  }
0x4d: {  	_ =	shalt  }
0x4e: {  	_ =	shalt  }
0x4f: {  	_ =	shalt  }
0x50: {  	_ =	shalt  }
0x51: {  	_ =	shalt  }
0x52: {  	_ =	shalt  }
0x53: {  	_ =	shalt  }
0x54: {  	_ =	shalt  }
0x55: {  	_ =	shalt  }
0x56: {  	_ =	shalt  }
0x57: {  	_ =	shalt  }
0x58: {  	_ =	shalt  }
0x59: {  	_ =	shalt  }
0x5a: {  	_ =	shalt  }
0x5b: {  	_ =	shalt  }
0x5c: {  	_ =	shalt  }
0x5d: {  	_ =	shalt  }
0x5e: {  	_ =	shalt  }
0x5f: {  	_ =	shalt  }
0x60: {  	_ =	shalt  }
0x61: {  	_ =	shalt  }
0x62: {  	_ =	shalt  }
0x63: {  	_ =	shalt  }
0x64: {  	_ =	shalt  }
0x65: {  	_ =	shalt  }
0x66: {  	_ =	shalt  }
0x67: {  	_ =	shalt  }
0x68: {  	_ =	shalt  }
0x69: {  	_ =	shalt  }
0x6a: {  	_ =	shalt  }
0x6b: {  	_ =	shalt  }
0x6c: {  	_ =	shalt  }
0x6d: {  	_ =	shalt  }
0x6e: {  	_ =	shalt  }
0x6f: {  	_ =	shalt  }
0x70: {  	_ =	shalt  }
0x71: {  	_ =	shalt  }
0x72: {  	_ =	shalt  }
0x73: {  	_ =	shalt  }
0x74: {  	_ =	shalt  }
0x75: {  	_ =	shalt  }
0x76: {  	_ =	shalt  }
0x77: {  	_ =	shalt  }
0x78: {  	_ =	shalt  }
0x79: {  	_ =	shalt  }
0x7a: {  	_ =	shalt  }
0x7b: {  	_ =	shalt  }
0x7c: {  	_ =	shalt  }
0x7d: {  	_ =	shalt  }
0x7e: {  	_ =	shalt  }
0x7f: {  	_ =	shalt  }
0x80: {  	_ =	shalt  }
0x81: {  	_ =	shalt  }
0x82: {  	_ =	shalt  }
0x83: {  	_ =	shalt  }
0x84: {  	_ =	shalt  }
0x85: {  	_ =	shalt  }
0x86: {  	_ =	shalt  }
0x87: {  	_ =	shalt  }
.Lfunc_end0:
.L_simem_size_0:
called_computation_lowered:
.L_overlay_start_0:
0x88: {  	s2 =	sld [smem:$0x3FD9]  }
0x89: {  	s3 =	sld [smem:$0x3FFE];
	_ =	sdelay $0x1  }
0x8a: {  	s1 =	srdreg.scid  }
0x8b: {  	s0 =	sand.u32 $0x1, s1  }
0x8c: {  	s14 =	sshll.u32 s0, $0xA;
	s2 =	sadd.s32 s3, s2  }
0x8d: {  	s2 =	sadd.s32 s2, s14  }
0x8e: {  	[smem:$0x3FBC] =	sst s2  }
0x8f: {  	_ = 	snop  }
0x90: {  	s2 =	sld [smem:$0x3FD0];
	_ =	sdelay $0x2  }
0x91: {  	s15 =	simm.s32 $0xA;
	s4 =	simm.s32 $0x10  }
0x92: {  	[smem:s4], [sflag:s15] =	dma.local [hbm:s2], $0x1  }
0x93: {  	_ =	swait.eq [sflag:s15], $0x1  }
0x94: {  	s16 =	sld [smem:$0x10];
	[sflag:s15] =	ssyncset.done $0x0  }
0x95: {  	s17 =	sld [smem:$0x11];
	[sflag:s15] =	ssyncadd.s32 $0xFFFFFFFF  }
0x96: {  	s18 =	sld [smem:$0x13];
	(tm) =	ssettm $0x1  }
0x97: {  	s5 =	sld [smem:$0x3FFB];
	_ =	sdelay $0x3  }
0x98: {  	_ =	strace s5  }
0x99: {  	s5 =	sld [smem:$0x3FFC];
	_ =	sdelay $0x3  }
0x9a: {  	_ =	strace s5  }
0x9b: {  	s5 =	sld [smem:$0x3FFD];
	_ =	sdelay $0x3  }
0x9c: {  	_ =	strace s5  }
0x9d: {  	_ =	strace $0x8FFFFFFF  }
0x9e: {  	s19 =	sld [smem:$0x3FDB];
	_ =	sdelay $0x1  }
0x9f: {  	s6 =	simm.s32 $_scs_section_size  }
0xa0: {  	s7 =	simm.s32 $_size__tile_overlayer_lowered;
	s8 =	simm.s32 $_tile_overlayer_lowered  }
0xa1: {  	s22 =	simm.s32 $0x1BFF;
	s21 =	sshll.u32 s8, $0x1;
	s5 =	sadd.s32 s6, s19  }
0xa2: {  	s9 =	simm.s32 $0x0;
	s20 =	sshll.u32 s7, $0x1;
	s7 =	sadd.s32 s21, s5  }
0xa3: {  	[timem:s9], [sflag:s22] =	dma.local [hbm:s7], s20  }
0xa4: {  	_ =	swait.ge [sflag:s22], s20  }
0xa5: {  	s6 =	ssub.s32 $0x0, s20;
	[sflag:s22] =	ssyncset.done $0x0  }
0xa6: {  	[sflag:s22] =	ssyncadd.s32 s6;
	_ =	sdelay $0x1  }
0xa7: {  	s23 =	simm.s32 $0x1B8B  }
0xa8: {  	_ =	swait.ge [sflag:s23], $0x1  }
0xa9: {  	[sflag:s23] =	ssyncset.done $0x0  }
0xaa: {  	s25 =	simm.s32 $0x1B8E;
	s24 =	sld [smem:$0x3FFE];
	[sflag:s23] =	ssyncadd.s32 $0xFFFFFFFF  }
0xab: {  	s26 =	simm.s32 $execute0_lowered;
	[smem:$0x3FD2] =	sst s25  }
0xac: {  	s7 =	sshll.u32 s26, $0x1;
	_ =	strace $0x80000046;
	[dreg:$0x1] =	wrdreg $0xFFFFFFFF  }
0xad: {  	s28 =	simm.s32 $_size_execute0_lowered;
	s5 =	sadd.s32 s5, s7;
	[dreg:$0x0] =	wrdreg $0x0  }
0xae: {  	s7 =	sshll.u32 s28, $0x1;
	[dreg:$0x2] =	wrdreg s5  }
0xaf: {  	[dreg:$0x3] =	wrdreg s7  }
0xb0: {  	[dreg:$0x4] =	wrdreg $0xC0  }
0xb1: {  	_ =	task [dreg:s9], $0x5FFFF  }
0xb2: {  	[dreg:$0x1] =	wrdreg $0xFFFFFFFF  }
0xb3: {  	[dreg:$0x0] =	wrdreg $0x60  }
0xb4: {  	[dreg:$0x2] =	wrdreg s18  }
0xb5: {  	[dreg:$0x3] =	wrdreg s17  }
0xb6: {  	[dreg:$0x4] =	wrdreg s24  }
0xb7: {  	[dreg:$0x5] =	wrdreg s16  }
0xb8: {  	[dreg:$0x6] =	wrdreg $0x13BA00  }
0xb9: {  	[dreg:$0x7] =	wrdreg $0x9  }
0xba: {  	_ =	task.clear_ibuf [dreg:s9], $0x8FFFF;
	_ =	strace $0x90000046  }
0xbb: {  	s29 =	simm.s32 $0x9;
	_ =	strace $0x80000048  }
0xbc: {  	_ =	swait.ge [sflag:s29], $0x1  }
0xbd: {  	[sflag:s29] =	ssyncadd.s32 $0xFFFFFFFF  }
0xbe: {  	_ =	strace $0x90000048  }
0xbf: {  	_ =	sfence  }
0xc0: {  	s30 =	sld [smem:$0x0];
	_ =	sdelay $0x2  }
0xc1: {  	s31 =	sshll.u32 s1, $0xD;
	s1 =	sshrl.u32 s1, $0x2  }
0xc2: {  	s3 =	sand.u32 $0x4000, s31;
	s1 =	sadd.s32 s1, s30  }
0xc3: {  	s0 =	sor.u32 s3, s0;
	s1 =	sshll.u32 s1, $0x11  }
0xc4: {  	s0 =	sor.u32 s1, s0  }
0xc5: {  	s0 =	sadd.s32 $0x8F2B, s0  }
0xc6: {  	[sflag:s0] =	ssyncadd.remote.s32 $0x1  }
0xc7: {  	_ =	sfence.sel $0xFFFF  }
0xc8: {  	[dreg:$0x0] =	wrdreg $0xFFFFFFFF;
	(pc) =	sbr.abs _section_cstart, $3  }
0xc9: {  	[dreg:$0x1] =	wrdreg $0xFFFFFFFF  }
0xca: {  	_ =	task.clear_ibuf [dreg:s9], $0x2FFFF;
	_ =	strace $0x9FFFFFFF  }
0xcb: {  	(tm) =	ssettm $0x7FFFFFFF  }
tec
execute0_lowered:
.L_overlay_start_1:
0x0: {  	(tag) =	ssettag $0x1  }
0x1: {  	s1 =	rddreg [dreg:$0x0]  }
0x2: {  	s2 =	rddreg [dreg:$0x1]  }
0x3: {  	s8 =	rddreg [dreg:$0x2]  }
0x4: {  	s10 =	rddreg [dreg:$0x3]  }
0x5: {  	s3 =	rddreg [dreg:$0x4]  }
0x6: {  	s0 =	rddreg [dreg:$0x5];
	v0 =	vlaneseq.u32  }
0x7: {  	s4 =	simm.s32 $0x0;
	s9 =	srdreg.scid;
	s12 =	stileid.u32;
	v0 =	vmul.u32 $0x8, v0  }
0x8: {  	s16 =	simm.s32 $0x50;
	s17 =	simm.s32 $0x138D0;
	s18 =	simm.s32 $0x0  }
0x9: {  	v2 =	vimm.f32 $0.0e+00;
	[smem:$0x7FF] =	sst s4;
	s5 =	sadd.s32 $0xF800, s8;
	s6 =	sadd.s32 $0x5A00, s8;
	v1 =	vor.u32 $0x4, v0;
	v3 =	vor.u32 $0x5, v0  }
0xa: {  	s7 =	sadd.s32 $0x19600, s8;
	s9 =	sand.u32 $0x1, s9;
	s13 =	sshll.u32 s12, $0x1;
	v4 =	vor.u32 $0x6, v0;
	v5 =	vor.u32 $0x7, v0;
	v6 =	vor.u32 $0x84, v0  }
0xb: {  	s8 =	sadd.s32 $0x1BE00, s8;
	p0 =	sne.s32 s12, $0x0;
	s12 =	simm.s32 $0x1;
	v7 =	vor.u32 $0x85, v0;
	v8 =	vor.u32 $0x86, v0;
	v9 =	vor.u32 $0x87, v0  }
0xc: {  	_ =	strace $0x80000047;
	s11 =	ssub.s32 $0x2, s9;
	s14 =	smul.u32 $0x2710, s9;
	v10 =	vor.u32 $0x104, v0;
	v11 =	vor.u32 $0x105, v0;
	v12 =	vor.u32 $0x106, v0  }
0xd: {  	s9 =	sor.u32 s9, s13;
	s13 =	simm.s32 $0x9C40;
	s15 =	sshrl.u32 s11, $0x1;
	v13 =	vor.u32 $0x107, v0;
	v14 =	vor.u32 $0x184, v0;
	v15 =	vor.u32 $0x185, v0  }
0xe: {  	s9 =	smul.u32 $0x2710, s9;
	v16 =	vor.u32 $0x186, v0;
	v17 =	vor.u32 $0x187, v0;
	v18 =	vor.u32 $0x204, v0;
	s11 =	ssub.s32 s11, s15;
	s10 =	sadd.s32 s10, s14  }
0xf: {  	v19 =	vor.u32 $0x205, v0;
	v20 =	vor.u32 $0x206, v0;
	v21 =	vor.u32 $0x207, v0;
	s14 =	sshrl.u32 @!p0 s3, $0x3;
	s15 =	simm.s32 $0x13920;
	s11 =	smax.u32 s11, $0x1  }
.LBB2_1:
0x10: {  	[tilespmem:s4], [sflag:$0x1] =	stream.linear.gather [hbm4b:s1+s4], $0x9C40, $0x38;
	[tilespmem:$0x14F28] =	vst v63  }
0x11: {  	_ =	swait.ge [sflag:s12], $0x9C40  }
0x12: {  	[sflag:s12] =	ssyncset.done $0x0  }
0x13: {  	[sflag:s12] =	ssyncadd.s32 $0xFFFF63C0  }
0x14: {  	[tilespmem:s13], [sflag:$0x1] =	stream.linear.gather [hbm4b:s2+s4], $0x9C40, $0x38;
	[tilespmem:$0x14F28] =	vst v63  }
0x15: {  	_ =	swait.ge [sflag:s12], $0x9C40  }
0x16: {  	[sflag:s12] =	ssyncset.done $0x0  }
0x17: {  	s19 =	simm.s32 @!p0 $0x1C01;
	[sflag:s12] =	ssyncadd.s32 $0xFFFF63C0  }
0x18: {  	[spmem:s14], [sflag:s19] =	dma.local @!p0 [hbm:s7], $0x2710  }
0x19: {  	s19 =	simm.s32 @!p0 $0x1  }
0x1a: {  	_ =	swait.ge @!p0 [sflag:s19], $0x2710  }
0x1b: {  	[sflag:s19] =	ssyncset.done @!p0 $0x0  }
0x1c: {  	[sflag:s19] =	ssyncadd.s32 @!p0 $0xFFFFD8F0  }
0x1d: {  	[tilespmem:v1+s15+$0x0] =	vst.idx.msk $0xffff, v2  }
0x1e: {  	[tilespmem:v3+s15+$0x0] =	vst.idx.msk $0xffff, v2  }
0x1f: {  	[tilespmem:v4+s15+$0x0] =	vst.idx.msk $0xffff, v2  }
0x20: {  	[tilespmem:v5+s15+$0x0] =	vst.idx.msk $0xffff, v2  }
0x21: {  	[tilespmem:v6+s15+$0x0] =	vst.idx.msk $0xffff, v2  }
0x22: {  	[tilespmem:v7+s15+$0x0] =	vst.idx.msk $0xffff, v2  }
0x23: {  	[tilespmem:v8+s15+$0x0] =	vst.idx.msk $0xffff, v2  }
0x24: {  	[tilespmem:v9+s15+$0x0] =	vst.idx.msk $0xffff, v2  }
0x25: {  	[tilespmem:v10+s15+$0x0] =	vst.idx.msk $0xffff, v2  }
0x26: {  	[tilespmem:v11+s15+$0x0] =	vst.idx.msk $0xffff, v2  }
0x27: {  	[tilespmem:v12+s15+$0x0] =	vst.idx.msk $0xffff, v2  }
0x28: {  	[tilespmem:v13+s15+$0x0] =	vst.idx.msk $0xffff, v2  }
0x29: {  	[tilespmem:v14+s15+$0x0] =	vst.idx.msk $0xffff, v2  }
0x2a: {  	[tilespmem:v15+s15+$0x0] =	vst.idx.msk $0xffff, v2  }
0x2b: {  	[tilespmem:v16+s15+$0x0] =	vst.idx.msk $0xffff, v2  }
0x2c: {  	[tilespmem:v17+s15+$0x0] =	vst.idx.msk $0xffff, v2  }
0x2d: {  	[tilespmem:v18+s15+$0x0] =	vst.idx.msk $0xffff, v2  }
0x2e: {  	[tilespmem:v19+s15+$0x0] =	vst.idx.msk $0xffff, v2  }
0x2f: {  	[tilespmem:v20+s15+$0x0] =	vst.idx.msk $0xffff, v2  }
0x30: {  	[tilespmem:v21+s15+$0x0] =	vst.idx.msk $0xffff, v2  }
0x31: {  	s19 =	simm.s32 $0x0;
	[bflag:$0x0] =	sbarrier.arrive $0xFFFF  }
.LBB2_2:
0x32: {  	s20 =	smul.u32 $0x50, s19;
	_ =	sdelay $0x1  }
0x33: {  	s20 =	sadd.s32 s9, s20  }
0x34: {  	s22 =	sshrl.u32 s20, $0x3  }
0x35: {  	s24 =	simm.s32 $0x0;
	s21 =	simm.s32 $0x13880;
	s23 =	sadd.s32 s5, s22  }
0x36: {  	[tilespmem:s21], [sflag:$0x1] =	stream.linear.gather [hbm4b:s23+s24], $0x50, $0x38;
	[tilespmem:$0x14F28] =	vst v63  }
0x37: {  	_ =	swait.ge [sflag:s12], $0x50  }
0x38: {  	[sflag:s12] =	ssyncset.done $0x0  }
0x39: {  	s31 =	sadd.s32 s6, s22;
	s22 =	simm.s32 $0x138D0;
	[sflag:s12] =	ssyncadd.s32 $0xFFFFFFB0  }
0x3a: {  	[tilespmem:s22], [sflag:$0x1] =	stream.linear.gather [hbm4b:s31+s24], $0x50, $0x38;
	[tilespmem:$0x14F28] =	vst v63  }
0x3b: {  	_ =	swait.ge [sflag:s12], $0x50  }
0x3c: {  	[sflag:s12] =	ssyncset.done $0x0  }
0x3d: {  	[sflag:s12] =	ssyncadd.s32 $0xFFFFFFB0  }
0x3e: {  	v22 =	vld [tilespmem:s21+$0x0]  }
0x3f: {  	v23 =	vld [tilespmem:s22+$0x0];
	_ =	sdelay $0x3  }
0x40: {  	v22 =	vshll.u32 v22, $0x2  }
0x41: {  	v23 =	vshll.u32 v23, $0x2;
	_ =	sdelay $0x3  }
0x42: {  	v24 =	vld.idx.msk [tilespmem:v22+s4+$0x0], $0xffff  }
0x43: {  	v25 =	vld.idx.msk [tilespmem:v23+s13+$0x0], $0xffff;
	_ =	sdelay $0x4  }
0x44: {  	v24 =	vadd.f32 v25, v24;
	_ =	sdelay $0x1  }
0x45: {  	v25 =	vmul.f32 $2.000000030e-01, v24;
	_ =	sdelay $0x1  }
0x46: {  	v24 =	vmax.f32 v24, v25  }
0x47: {  	v24 =	vmul.f32 $1.442695020e+00, v24;
	_ =	sdelay $0x1  }
0x48: {  	(erf) = vpow2.f32 v24;
	_ =	sdelay $0x2  }
0x49: {  	v56 =	vmov s24  }
0x4a: {  	v24 =	vshll.u32 v56, $0x3  }
0x4b: {  	v24 =	vor.u32 v0, v24  }
0x4c: {  	v57 =	vor.u32 $0x1, v22  }
0x4d: {  	v26 =	vor.u32 $0x1, v23;
	_ =	sdelay $0x1  }
0x4e: {  	v27 =	vpop (erf)  }
0x4f: {  	[tilespmem:v24+s15+$0x0] =	vst.idx.msk $0xffff, v27  }
0x50: {  	v25 =	vld.idx.msk [tilespmem:v57+s4+$0x0], $0xffff  }
0x51: {  	v26 =	vld.idx.msk [tilespmem:v26+s13+$0x0], $0xffff;
	_ =	sdelay $0x4  }
0x52: {  	v25 =	vadd.f32 v26, v25;
	_ =	sdelay $0x1  }
0x53: {  	v26 =	vmul.f32 $2.000000030e-01, v25;
	_ =	sdelay $0x1  }
0x54: {  	v25 =	vmax.f32 v25, v26  }
0x55: {  	v25 =	vmul.f32 $1.442695020e+00, v25;
	_ =	sdelay $0x1  }
0x56: {  	(erf) = vpow2.f32 v25;
	_ =	sdelay $0x4  }
0x57: {  	v58 =	vor.u32 $0x1, v24  }
0x58: {  	v59 =	vor.u32 $0x2, v22  }
0x59: {  	v60 =	vor.u32 $0x2, v23;
	_ =	sdelay $0x1  }
0x5a: {  	v28 =	vpop (erf)  }
0x5b: {  	[tilespmem:v58+s15+$0x0] =	vst.idx.msk $0xffff, v28  }
0x5c: {  	v25 =	vld.idx.msk [tilespmem:v59+s4+$0x0], $0xffff  }
0x5d: {  	v61 =	vld.idx.msk [tilespmem:v60+s13+$0x0], $0xffff;
	_ =	sdelay $0x4  }
0x5e: {  	v25 =	vadd.f32 v61, v25;
	_ =	sdelay $0x1  }
0x5f: {  	v26 =	vmul.f32 $2.000000030e-01, v25;
	_ =	sdelay $0x1  }
0x60: {  	v25 =	vmax.f32 v25, v26  }
0x61: {  	v25 =	vmul.f32 $1.442695020e+00, v25;
	_ =	sdelay $0x1  }
0x62: {  	(erf) = vpow2.f32 v25;
	_ =	sdelay $0x4  }
0x63: {  	v62 =	vor.u32 $0x2, v24  }
0x64: {  	v22 =	vor.u32 $0x3, v22  }
0x65: {  	v23 =	vor.u32 $0x3, v23;
	_ =	sdelay $0x1  }
0x66: {  	v63 =	vpop (erf)  }
0x67: {  	[tilespmem:v62+s15+$0x0] =	vst.idx.msk $0xffff, v63  }
0x68: {  	v22 =	vld.idx.msk [tilespmem:v22+s4+$0x0], $0xffff  }
0x69: {  	v23 =	vld.idx.msk [tilespmem:v23+s13+$0x0], $0xffff;
	_ =	sdelay $0x4  }
0x6a: {  	v22 =	vadd.f32 v23, v22;
	_ =	sdelay $0x1  }
0x6b: {  	v23 =	vmul.f32 $2.000000030e-01, v22;
	_ =	sdelay $0x1  }
0x6c: {  	v22 =	vmax.f32 v22, v23  }
0x6d: {  	v22 =	vmul.f32 $1.442695020e+00, v22;
	_ =	sdelay $0x1  }
0x6e: {  	(erf) = vpow2.f32 v22;
	_ =	sdelay $0x1  }
0x6f: {  	s23 =	simm.s32 $0x10;
	v22 =	vor.u32 $0x3, v24  }
.LBB2_3:
0x70: {  	_ =	sdelay $0x3  }
0x71: {  	p1 =	sne.s32 s23, $0x40;
	s21 =	sadd.s32 $0x10, s21;
	s22 =	sadd.s32 $0x10, s22  }
0x72: {  	s24 =	smov.u32 s23;
	s23 =	sadd.s32 $0x10, s23  }
0x73: {  	v23 =	vpop (erf)  }
0x74: {  	[tilespmem:v22+s15+$0x0] =	vst.idx.msk $0xffff, v23  }
0x75: {  	v22 =	vld [tilespmem:s21+$0x0]  }
0x76: {  	v23 =	vld [tilespmem:s22+$0x0];
	_ =	sdelay $0x3  }
0x77: {  	v22 =	vshll.u32 v22, $0x2  }
0x78: {  	v23 =	vshll.u32 v23, $0x2;
	_ =	sdelay $0x3  }
0x79: {  	v24 =	vld.idx.msk [tilespmem:v22+s4+$0x0], $0xffff  }
0x7a: {  	v25 =	vld.idx.msk [tilespmem:v23+s13+$0x0], $0xffff;
	_ =	sdelay $0x5  }
0x7b: {  	v24 =	vadd.f32 v25, v24;
	_ =	sdelay $0x1  }
0x7c: {  	v25 =	vmul.f32 $2.000000030e-01, v24;
	_ =	sdelay $0x1  }
0x7d: {  	v24 =	vmax.f32 v24, v25  }
0x7e: {  	v24 =	vmul.f32 $1.442695020e+00, v24;
	_ =	sdelay $0x1  }
0x7f: {  	(erf) = vpow2.f32 v24;
	_ =	sdelay $0x2  }
0x80: {  	v24 =	vmov s24  }
0x81: {  	v24 =	vshll.u32 v24, $0x3  }
0x82: {  	v24 =	vor.u32 v0, v24  }
0x83: {  	v26 =	vor.u32 $0x1, v23;
	v25 =	vor.u32 $0x1, v22;
	_ =	sdelay $0x2  }
0x84: {  	v27 =	vpop (erf)  }
0x85: {  	[tilespmem:v24+s15+$0x0] =	vst.idx.msk $0xffff, v27  }
0x86: {  	v25 =	vld.idx.msk [tilespmem:v25+s4+$0x0], $0xffff  }
0x87: {  	v26 =	vld.idx.msk [tilespmem:v26+s13+$0x0], $0xffff;
	_ =	sdelay $0x5  }
0x88: {  	v25 =	vadd.f32 v26, v25;
	_ =	sdelay $0x1  }
0x89: {  	v26 =	vmul.f32 $2.000000030e-01, v25;
	_ =	sdelay $0x1  }
0x8a: {  	v25 =	vmax.f32 v25, v26  }
0x8b: {  	v25 =	vmul.f32 $1.442695020e+00, v25;
	_ =	sdelay $0x1  }
0x8c: {  	(erf) = vpow2.f32 v25;
	_ =	sdelay $0x3  }
0x8d: {  	v25 =	vor.u32 $0x1, v24;
	_ =	sdelay $0x1  }
0x8e: {  	v27 =	vor.u32 $0x2, v23;
	v26 =	vor.u32 $0x2, v22;
	_ =	sdelay $0x2  }
0x8f: {  	v28 =	vpop (erf)  }
0x90: {  	[tilespmem:v25+s15+$0x0] =	vst.idx.msk $0xffff, v28  }
0x91: {  	v25 =	vld.idx.msk [tilespmem:v26+s4+$0x0], $0xffff  }
0x92: {  	v26 =	vld.idx.msk [tilespmem:v27+s13+$0x0], $0xffff;
	_ =	sdelay $0x5  }
0x93: {  	v25 =	vadd.f32 v26, v25;
	_ =	sdelay $0x1  }
0x94: {  	v26 =	vmul.f32 $2.000000030e-01, v25;
	_ =	sdelay $0x1  }
0x95: {  	v25 =	vmax.f32 v25, v26  }
0x96: {  	v25 =	vmul.f32 $1.442695020e+00, v25;
	_ =	sdelay $0x1  }
0x97: {  	(erf) = vpow2.f32 v25;
	_ =	sdelay $0x2  }
0x98: {  	v25 =	vor.u32 $0x2, v24;
	_ =	sdelay $0x2  }
0x99: {  	v23 =	vor.u32 $0x3, v23;
	v22 =	vor.u32 $0x3, v22;
	_ =	sdelay $0x2  }
0x9a: {  	v26 =	vpop (erf)  }
0x9b: {  	[tilespmem:v25+s15+$0x0] =	vst.idx.msk $0xffff, v26  }
0x9c: {  	v22 =	vld.idx.msk [tilespmem:v22+s4+$0x0], $0xffff  }
0x9d: {  	v23 =	vld.idx.msk [tilespmem:v23+s13+$0x0], $0xffff;
	_ =	sdelay $0x5  }
0x9e: {  	v22 =	vadd.f32 v23, v22;
	_ =	sdelay $0x1  }
0x9f: {  	v23 =	vmul.f32 $2.000000030e-01, v22;
	_ =	sdelay $0x1  }
0xa0: {  	v22 =	vmax.f32 v22, v23  }
.Ltmp0:
0xa1: {  	v22 =	vmul.f32 $1.442695020e+00, v22;
	(pc) =	sbr.rel @p1 .LBB2_3-.Ltmp0, $3  }
0xa2: {  	_ = 	snop  }
0xa3: {  	(erf) = vpow2.f32 v22;
	_ =	sdelay $0x1  }
0xa4: {  	v22 =	vor.u32 $0x3, v24  }
0xa5: {  	_ =	sdelay $0x5  }
0xa6: {  	v23 =	vpop (erf)  }
0xa7: {  	[tilespmem:v22+s15+$0x0] =	vst.idx.msk $0xffff, v23  }
0xa8: {  	[spmem:s3] =	stream.indirect.scatter.add.f32 [tilespmem:s15], [sflag:$0x1], $0x8, s17, s16, $0xb8;
	[tilespmem:$0x14F28] =	vst v63  }
0xa9: {  	s19 =	sadd.s32 $0x1, s19;
	_ =	swait.ge [sflag:s12], $0x280  }
0xaa: {  	p1 =	sne.s32 s19, $0x7D;
	[sflag:s12] =	ssyncset.done $0x0  }
.Ltmp1:
0xab: {  	s20 =	sadd.s32 s8, s20;
	[sflag:s12] =	ssyncadd.s32 $0xFFFFFD80;
	(pc) =	sbr.rel @p1 .LBB2_2-.Ltmp1, $4  }
0xac: {  	[hbm4b:s20+s4] =	stream.linear.scatter [tilespmem:s15], [sflag:$0x1], $0x280, $0x38;
	[tilespmem:$0x14F28] =	vst v63  }
0xad: {  	_ =	swait.ge [sflag:s12], $0x280  }
0xae: {  	[sflag:s12] =	ssyncset.done $0x0  }
0xaf: {  	[sflag:s12] =	ssyncadd.s32 $0xFFFFFD80  }
0xb0: {  	[bflag:$0x0] =	sbarrier.arrive $0xFFFF;
	s19 =	simm.s32 @!p0 $0x1C01;
	s18 =	sadd.s32 $0x1, s18  }
0xb1: {  	[hbm:s10], [sflag:s19] =	dma.local @!p0 [spmem:s14], $0x2710  }
0xb2: {  	p1 =	sne.s32 s18, s11  }
.Ltmp2:
0xb3: {  	_ = 	snop;
	(pc) =	sbr.rel @p1 .LBB2_1-.Ltmp2, $4  }
0xb4: {  	s19 =	simm.s32 @!p0 $0x1  }
0xb5: {  	_ =	swait.ge @!p0 [sflag:s19], $0x2710  }
0xb6: {  	[sflag:s19] =	ssyncset.done @!p0 $0x0  }
0xb7: {  	[sflag:s19] =	ssyncadd.s32 @!p0 $0xFFFFD8F0  }
0xb8: {  	_ =	sfence.sel $0x180000  }
0xb9: {  	[bflag:$0x0] =	sbarrier.arrive $0xFFFF  }
0xba: {  	_ =	strace $0x90000047  }
0xbb: {  	s0 =	sadd.s32 @!p0 $0x100000, s0;
	[bflag:$0x2] =	sbarrier.arrive $0xFFFF  }
0xbc: {  	[sflag:s0] =	ssyncadd.tile.s32 @!p0 $0x1;
	_ =	shalt  }
.Lfunc_end2:
_tile_overlayer_lowered:
.L_overlay_start_2:
0xbd: {  	(tag) =	ssettag $0x2  }
0xbe: {  	s0 =	rddreg [dreg:$0x0];
	s2 =	stileid.u32  }
0xbf: {  	s1 =	rddreg [dreg:$0x1];
	p0 =	sne.s32 s2, $0x0  }
0xc0: {  	s3 =	rddreg [dreg:$0x2];
	[bflag:$0x3] =	sbarrier.arrive $0xFFFF;
	s2 =	simm.s32 @!p0 $0x1C01  }
0xc1: {  	[timem:s3], [sflag:s2] =	dma.local @!p0 [hbm:s0], s1  }
0xc2: {  	s0 =	simm.s32 @!p0 $0x1  }
0xc3: {  	_ =	swait.ge @!p0 [sflag:s0], s1  }
0xc4: {  	s1 =	ssub.s32 @!p0 $0x0, s1;
	[sflag:s0] =	ssyncset.done @!p0 $0x0  }
0xc5: {  	[sflag:s0] =	ssyncadd.s32 @!p0 s1  }
0xc6: {  	[bflag:$0x3] =	sbarrier.arrive $0xFFFF  }
0xc7: {  	_ =	shalt  }

// kernel: kernel.17.cloned.1.call-start
scs
__scs_entry_jumppad:
0x0: {  	(pc) =	sbr.rel $0x88, $3  }
0x1: {  	(tag) =	ssettag $0x0;
	lr =	simm.s32 $0x1  }
0x2: {  	[smem:$0x3F95] =	sst lr;
	_ =	strace $0xD0000000  }
0x3: {  	_ = 	snop  }
0x4: {  	_ = 	snop  }
0x5: {  	_ = 	snop  }
0x6: {  	_ = 	snop  }
0x7: {  	_ = 	snop  }
__scs_overlays_trampoline_lowered:
0x8: {  	[smem:$0x3FA4] =	sst s0  }
0x9: {  	[smem:$0x3FA5] =	sst s1  }
0xa: {  	[smem:$0x3FA6] =	sst s2  }
0xb: {  	[smem:$0x3FA7] =	sst s3  }
0xc: {  	[smem:$0x3FA8] =	sst s4  }
0xd: {  	[smem:$0x3FA9] =	sst s5  }
0xe: {  	[smem:$0x3FAA] =	sst s6  }
0xf: {  	[smem:$0x3FAB] =	sst s7  }
0x10: {  	[smem:$0x3FAC] =	sst s8  }
0x11: {  	[smem:$0x3FAD] =	sst s9;
	s0 =	simm.s32 @!p0 $0x0  }
0x12: {  	s1 =	sld [smem:$0x3F93];
	s0 =	simm.s32 @p0 $0x1  }
0x13: {  	[smem:$0x3FAE] =	sst s0;
	s0 =	simm.s32 @!p1 $0x0  }
0x14: {  	s2 =	sld [smem:$0x3F92];
	s0 =	simm.s32 @p1 $0x1  }
0x15: {  	[smem:$0x3FAF] =	sst s0;
	s0 =	simm.s32 @!p2 $0x0  }
0x16: {  	s3 =	sld [smem:$0x3FDB];
	s0 =	simm.s32 @p2 $0x1  }
0x17: {  	s4 =	simm.s32 $0x1BF5;
	[smem:$0x3FB1] =	sst s0  }
0x18: {  	s0 =	sld [smem:$0x3F94];
	_ =	swait.ge [sflag:s4], $0x0  }
0x19: {  	s7 =	sld [smem:$0x3F95]  }
0x1a: {  	s8 =	sadd.s32 $0xFFFFE003, lr  }
0x1b: {  	s9 =	sadd.s32 $0xFFFFFEF7, lr;
	s5 =	simm.s32 $0xFFFFFFFF;
	p2 =	slt.u32 s8, $0xFFFFF086  }
0x1c: {  	p1 =	slt.u32 s9, $0xF7A;
	s5 =	simm.s32 @!p2 $0x0  }
0x1d: {  	s5 =	simm.s32 @p1 $0x1;
	p0 =	seq.s32 s7, s2  }
0x1e: {  	s7 =	smul.u32 @!p0 $0xF7A, s2;
	p2 =	seq.s32 @!p0 s5, $0x0  }
0x1f: {  	s9 =	smul.u32 $0xF7A, s1;
	s8 =	simm.s32 @!p0 $0x1BF5;
	p2 =	por !p2, p0  }
0x20: {  	[sflag:s8] =	ssyncset.s32 @!p0 $0xFFFFF086;
	s6 =	sadd.s32 @!p0 s3, s7;
	s7 =	simm.s32 @!p0 $0x108  }
0x21: {  	s3 =	sadd.s32 s3, s9;
	s6 =	sadd.s32 @!p0 $0x88, s6;
	s7 =	simm.s32 @p2 $0x1082  }
0x22: {  	[simem:s7], [sflag:s8] =	dma.local @!p0 [hbm:s6], $0xF7A  }
0x23: {  	s9 =	sor.u32 $0xD0000000, s2;
	s6 =	simm.s32 $0x108;
	_ =	swait.ge @!p0 [sflag:s8], $0x0  }
0x24: {  	s3 =	sadd.s32 $0x88, s3;
	s6 =	simm.s32 @!p1 $0x1082;
	[sflag:s4] =	ssyncset.s32 $0xFFFFF086  }
0x25: {  	[simem:s6], [sflag:s4] =	dma.local [hbm:s3], $0xF7A  }
0x26: {  	[smem:$0x3F95] =	sst s1;
	(tag) =	ssettag s2;
	_ =	strace s9  }
0x27: {  	s1 =	sld [smem:$0x3FA5]  }
0x28: {  	s2 =	sld [smem:$0x3FA6]  }
0x29: {  	s4 =	sld [smem:$0x3FA8]  }
0x2a: {  	p0 =	seq.s32 s5, $0x0;
	s5 =	sld [smem:$0x3FA9]  }
0x2b: {  	s6 =	sld [smem:$0x3FAA]  }
0x2c: {  	s7 =	sld [smem:$0x3FAB]  }
0x2d: {  	s3 =	simm.s32 $0x108;
	s8 =	sld [smem:$0x3FAC]  }
0x2e: {  	s3 =	simm.s32 @!p0 $0x1082;
	s9 =	sld [smem:$0x3FAD]  }
0x2f: {  	lr =	sadd.s32 s0, s3;
	s0 =	sld [smem:$0x3FA4]  }
0x30: {  	s3 =	sld [smem:$0x3FA7]  }
0x31: {  	[smem:$0x3FB0] =	sst s10  }
0x32: {  	s10 =	sld [smem:$0x3FAE];
	_ =	sdelay $0x3  }
0x33: {  	p0 =	seq.s32 s10, $0x1;
	s10 =	sld [smem:$0x3FB0];
	_ =	sdelay $0x3  }
0x34: {  	[smem:$0x3FB0] =	sst s10  }
0x35: {  	s10 =	sld [smem:$0x3FAF];
	_ =	sdelay $0x3  }
0x36: {  	p1 =	seq.s32 s10, $0x1;
	s10 =	sld [smem:$0x3FB0];
	_ =	sdelay $0x3  }
0x37: {  	[smem:$0x3FB0] =	sst s10  }
0x38: {  	s10 =	sld [smem:$0x3FB1]  }
0x39: {  	_ = 	snop;
	(pc) =	sbr.ind lr, $3  }
0x3a: {  	_ = 	snop  }
0x3b: {  	_ = 	snop  }
0x3c: {  	p2 =	seq.s32 s10, $0x1;
	s10 =	sld [smem:$0x3FB0]  }
0x3d: {  	_ =	shalt  }
0x3e: {  	_ =	shalt  }
0x3f: {  	_ =	shalt  }
0x40: {  	_ =	shalt  }
0x41: {  	_ =	shalt  }
0x42: {  	_ =	shalt  }
0x43: {  	_ =	shalt  }
0x44: {  	_ =	shalt  }
0x45: {  	_ =	shalt  }
0x46: {  	_ =	shalt  }
0x47: {  	_ =	shalt  }
0x48: {  	_ =	shalt  }
0x49: {  	_ =	shalt  }
0x4a: {  	_ =	shalt  }
0x4b: {  	_ =	shalt  }
0x4c: {  	_ =	shalt  }
0x4d: {  	_ =	shalt  }
0x4e: {  	_ =	shalt  }
0x4f: {  	_ =	shalt  }
0x50: {  	_ =	shalt  }
0x51: {  	_ =	shalt  }
0x52: {  	_ =	shalt  }
0x53: {  	_ =	shalt  }
0x54: {  	_ =	shalt  }
0x55: {  	_ =	shalt  }
0x56: {  	_ =	shalt  }
0x57: {  	_ =	shalt  }
0x58: {  	_ =	shalt  }
0x59: {  	_ =	shalt  }
0x5a: {  	_ =	shalt  }
0x5b: {  	_ =	shalt  }
0x5c: {  	_ =	shalt  }
0x5d: {  	_ =	shalt  }
0x5e: {  	_ =	shalt  }
0x5f: {  	_ =	shalt  }
0x60: {  	_ =	shalt  }
0x61: {  	_ =	shalt  }
0x62: {  	_ =	shalt  }
0x63: {  	_ =	shalt  }
0x64: {  	_ =	shalt  }
0x65: {  	_ =	shalt  }
0x66: {  	_ =	shalt  }
0x67: {  	_ =	shalt  }
0x68: {  	_ =	shalt  }
0x69: {  	_ =	shalt  }
0x6a: {  	_ =	shalt  }
0x6b: {  	_ =	shalt  }
0x6c: {  	_ =	shalt  }
0x6d: {  	_ =	shalt  }
0x6e: {  	_ =	shalt  }
0x6f: {  	_ =	shalt  }
0x70: {  	_ =	shalt  }
0x71: {  	_ =	shalt  }
0x72: {  	_ =	shalt  }
0x73: {  	_ =	shalt  }
0x74: {  	_ =	shalt  }
0x75: {  	_ =	shalt  }
0x76: {  	_ =	shalt  }
0x77: {  	_ =	shalt  }
0x78: {  	_ =	shalt  }
0x79: {  	_ =	shalt  }
0x7a: {  	_ =	shalt  }
0x7b: {  	_ =	shalt  }
0x7c: {  	_ =	shalt  }
0x7d: {  	_ =	shalt  }
0x7e: {  	_ =	shalt  }
0x7f: {  	_ =	shalt  }
0x80: {  	_ =	shalt  }
0x81: {  	_ =	shalt  }
0x82: {  	_ =	shalt  }
0x83: {  	_ =	shalt  }
0x84: {  	_ =	shalt  }
0x85: {  	_ =	shalt  }
0x86: {  	_ =	shalt  }
0x87: {  	_ =	shalt  }
.Lfunc_end0:
.L_simem_size_0:
called_computation.1_lowered:
.L_overlay_start_0:
0x88: {  	s2 =	sld [smem:$0x3FD9]  }
0x89: {  	s3 =	sld [smem:$0x3FFE];
	_ =	sdelay $0x1  }
0x8a: {  	s1 =	srdreg.scid  }
0x8b: {  	s0 =	sand.u32 $0x1, s1  }
0x8c: {  	s14 =	sshll.u32 s0, $0xA;
	s2 =	sadd.s32 s3, s2  }
0x8d: {  	s2 =	sadd.s32 s2, s14  }
0x8e: {  	[smem:$0x3FBC] =	sst s2  }
0x8f: {  	_ = 	snop  }
0x90: {  	s2 =	sld [smem:$0x3FD0];
	_ =	sdelay $0x2  }
0x91: {  	s15 =	simm.s32 $0xA;
	s4 =	simm.s32 $0x10  }
0x92: {  	[smem:s4], [sflag:s15] =	dma.local [hbm:s2], $0x1  }
0x93: {  	_ =	swait.eq [sflag:s15], $0x1  }
0x94: {  	s16 =	sld [smem:$0x10]  }
0x95: {  	s17 =	sld [smem:$0x11];
	[sflag:s15] =	ssyncset.done $0x0  }
0x96: {  	s5 =	sld [smem:$0x12];
	[sflag:s15] =	ssyncadd.s32 $0xFFFFFFFF  }
0x97: {  	s18 =	sld [smem:$0x13];
	(tm) =	ssettm $0x1  }
0x98: {  	s6 =	sld [smem:$0x3FFB];
	_ =	sdelay $0x3  }
0x99: {  	_ =	strace s6  }
0x9a: {  	s6 =	sld [smem:$0x3FFC];
	_ =	sdelay $0x3  }
0x9b: {  	_ =	strace s6  }
0x9c: {  	s6 =	sld [smem:$0x3FFD];
	_ =	sdelay $0x3  }
0x9d: {  	_ =	strace s6  }
0x9e: {  	_ =	strace $0x8FFFFFFF  }
0x9f: {  	s19 =	sld [smem:$0x3FDB];
	_ =	sdelay $0x1  }
0xa0: {  	s7 =	simm.s32 $_scs_section_size  }
0xa1: {  	s8 =	simm.s32 $_size__tile_overlayer_lowered;
	s9 =	simm.s32 $_tile_overlayer_lowered  }
0xa2: {  	s22 =	simm.s32 $0x1BFF;
	s21 =	sshll.u32 s9, $0x1;
	s6 =	sadd.s32 s7, s19  }
0xa3: {  	s10 =	simm.s32 $0x0;
	s20 =	sshll.u32 s8, $0x1;
	s8 =	sadd.s32 s21, s6  }
0xa4: {  	[timem:s10], [sflag:s22] =	dma.local [hbm:s8], s20  }
0xa5: {  	_ =	swait.ge [sflag:s22], s20  }
0xa6: {  	s7 =	ssub.s32 $0x0, s20;
	[sflag:s22] =	ssyncset.done $0x0  }
0xa7: {  	[sflag:s22] =	ssyncadd.s32 s7;
	_ =	sdelay $0x1  }
0xa8: {  	s23 =	simm.s32 $0x1B8B  }
0xa9: {  	_ =	swait.ge [sflag:s23], $0x1  }
0xaa: {  	[sflag:s23] =	ssyncset.done $0x0  }
0xab: {  	s25 =	simm.s32 $0x1B8E;
	s24 =	sld [smem:$0x3FFE];
	[sflag:s23] =	ssyncadd.s32 $0xFFFFFFFF  }
0xac: {  	s26 =	simm.s32 $execute0_lowered;
	[smem:$0x3FD2] =	sst s25  }
0xad: {  	s8 =	sshll.u32 s26, $0x1;
	_ =	strace $0x80000049;
	[dreg:$0x1] =	wrdreg $0xFFFFFFFF  }
0xae: {  	s28 =	simm.s32 $_size_execute0_lowered;
	s6 =	sadd.s32 s6, s8;
	[dreg:$0x0] =	wrdreg $0x0  }
0xaf: {  	s8 =	sshll.u32 s28, $0x1;
	[dreg:$0x2] =	wrdreg s6  }
0xb0: {  	[dreg:$0x3] =	wrdreg s8  }
0xb1: {  	[dreg:$0x4] =	wrdreg $0xC0  }
0xb2: {  	_ =	task [dreg:s10], $0x5FFFF  }
0xb3: {  	[dreg:$0x1] =	wrdreg $0xFFFFFFFF  }
0xb4: {  	[dreg:$0x0] =	wrdreg $0x60  }
0xb5: {  	[dreg:$0x2] =	wrdreg s24  }
0xb6: {  	[dreg:$0x3] =	wrdreg s16  }
0xb7: {  	[dreg:$0x4] =	wrdreg s18  }
0xb8: {  	[dreg:$0x5] =	wrdreg s5  }
0xb9: {  	[dreg:$0x6] =	wrdreg s17  }
0xba: {  	[dreg:$0x7] =	wrdreg $0x30200  }
0xbb: {  	[dreg:$0x8] =	wrdreg $0x9  }
0xbc: {  	_ =	task.clear_ibuf [dreg:s10], $0x9FFFF;
	_ =	strace $0x90000049  }
0xbd: {  	s29 =	simm.s32 $0x9;
	_ =	strace $0x8000004B  }
0xbe: {  	_ =	swait.ge [sflag:s29], $0x1  }
0xbf: {  	[sflag:s29] =	ssyncadd.s32 $0xFFFFFFFF  }
0xc0: {  	_ =	strace $0x9000004B  }
0xc1: {  	_ =	sfence  }
0xc2: {  	s30 =	sld [smem:$0x0];
	_ =	sdelay $0x2  }
0xc3: {  	s31 =	sshll.u32 s1, $0xD;
	s1 =	sshrl.u32 s1, $0x2  }
0xc4: {  	s3 =	sand.u32 $0x4000, s31;
	s1 =	sadd.s32 s1, s30  }
0xc5: {  	s0 =	sor.u32 s3, s0;
	s1 =	sshll.u32 s1, $0x11  }
0xc6: {  	s0 =	sor.u32 s1, s0  }
0xc7: {  	s0 =	sadd.s32 $0x8F2B, s0  }
0xc8: {  	[sflag:s0] =	ssyncadd.remote.s32 $0x1  }
0xc9: {  	_ =	sfence.sel $0xFFFF  }
0xca: {  	[dreg:$0x0] =	wrdreg $0xFFFFFFFF;
	(pc) =	sbr.abs _section_cstart, $3  }
0xcb: {  	[dreg:$0x1] =	wrdreg $0xFFFFFFFF  }
0xcc: {  	_ =	task.clear_ibuf [dreg:s10], $0x2FFFF;
	_ =	strace $0x9FFFFFFF  }
0xcd: {  	(tm) =	ssettm $0x7FFFFFFF  }
tec
execute0_lowered:
.L_overlay_start_1:
0x0: {  	(tag) =	ssettag $0x1  }
0x1: {  	s0 =	rddreg [dreg:$0x0]  }
0x2: {  	s1 =	rddreg [dreg:$0x1]  }
0x3: {  	s2 =	rddreg [dreg:$0x2]  }
0x4: {  	s3 =	rddreg [dreg:$0x3]  }
0x5: {  	s5 =	rddreg [dreg:$0x5];
	s6 =	simm.s32 $0x0;
	s4 =	srdreg.scid  }
0x6: {  	s12 =	stileid.u32;
	s16 =	simm.s32 $0x50;
	s17 =	simm.s32 $0x820  }
0x7: {  	s18 =	simm.s32 $0x320;
	s19 =	simm.s32 $0x5A0;
	s20 =	simm.s32 $0xA0  }
0x8: {  	s21 =	simm.s32 $0x1;
	s22 =	simm.s32 $0x2;
	s23 =	simm.s32 $0x3  }
0x9: {  	s24 =	simm.s32 $0x0;
	[smem:$0x7FF] =	sst s6;
	s7 =	sadd.s32 $0x1BE00, s0  }
0xa: {  	s8 =	sadd.s32 $0xF800, s0;
	s9 =	sadd.s32 $0x5A00, s0;
	s4 =	sand.u32 $0x1, s4  }
0xb: {  	s10 =	sadd.s32 $0xB8200, s0;
	s15 =	sshll.u32 s12, $0x1;
	s11 =	smul.u32 $0x27100, s4  }
0xc: {  	p0 =	sne.s32 s12, $0x0;
	_ =	strace $0x8000004A;
	s13 =	ssub.s32 $0x2, s4  }
0xd: {  	s12 =	sshrl.u32 @!p0 s5, $0x3;
	s14 =	sshrl.u32 s13, $0x1;
	s0 =	sadd.s32 s11, s0  }
0xe: {  	v0 =	vlaneseq.u32;
	[dreg:$0x9] =	wrdreg s12;
	s13 =	ssub.s32 s13, s14;
	s0 =	sadd.s32 $0x6A000, s0  }
0xf: {  	v0 =	vmul.u32 $0x8, v0;
	s4 =	sor.u32 s4, s15;
	s31 =	smax.u32 s13, $0x1;
	[dreg:$0x7] =	wrdreg s0  }
0x10: {  	s15 =	simm.s32 $0x4;
	s11 =	smul.u32 $0x2710, s4;
	[dreg:$0x8] =	wrdreg s31  }
.LBB2_1:
0x11: {  	s0 =	simm.s32 @!p0 $0x1C04;
	s4 =	rddreg [dreg:$0x4]  }
0x12: {  	[spmem:s12], [sflag:s0] =	dma.local @!p0 [hbm:s4], $0x27100  }
0x13: {  	s0 =	simm.s32 @!p0 $0x4  }
0x14: {  	_ =	swait.ge @!p0 [sflag:s0], $0x27100  }
0x15: {  	[sflag:s0] =	ssyncset.done @!p0 $0x0  }
0x16: {  	[sflag:s0] =	ssyncadd.s32 @!p0 $0xFFFD8F00  }
0x17: {  	s25 =	simm.s32 $0x0;
	[bflag:$0x0] =	sbarrier.arrive $0xFFFF  }
.LBB2_2:
0x18: {  	s0 =	smul.u32 $0x50, s25;
	_ =	sdelay $0x1  }
0x19: {  	s0 =	sadd.s32 s11, s0  }
0x1a: {  	s4 =	sshrl.u32 s0, $0x3  }
0x1b: {  	s13 =	simm.s32 $0x0;
	s12 =	sadd.s32 s8, s4  }
0x1c: {  	[tilespmem:s13], [sflag:$0x4] =	stream.linear.gather [hbm4b:s12+s13], $0x50, $0x38;
	[tilespmem:$0x168A0] =	vst v63  }
0x1d: {  	_ =	swait.ge [sflag:s15], $0x50  }
0x1e: {  	[sflag:s15] =	ssyncset.done $0x0  }
0x1f: {  	s4 =	sadd.s32 s9, s4;
	[sflag:s15] =	ssyncadd.s32 $0xFFFFFFB0  }
0x20: {  	[tilespmem:s16], [sflag:$0x4] =	stream.linear.gather [hbm4b:s4+s13], $0x50, $0x38;
	[tilespmem:$0x168A0] =	vst v63  }
0x21: {  	_ =	swait.ge [sflag:s15], $0x50  }
0x22: {  	[sflag:s15] =	ssyncset.done $0x0  }
0x23: {  	[sflag:s15] =	ssyncadd.s32 $0xFFFFFFB0  }
0x24: {  	[tilespmem:s17], [sflag:$0x3] =	stream.indirect.gather [hbm4b:s3+s16], $0x80, s13, s16, $0xb8;
	[tilespmem:$0x168A0] =	vst v63  }
0x25: {  	_ = 	snop  }
0x26: {  	[tilespmem:s18], [sflag:$0x1] =	stream.indirect.gather [hbm4b:s1+s16], $0x8, s16, s16, $0xb8;
	[tilespmem:$0x168A0] =	vst v63  }
0x27: {  	_ = 	snop  }
0x28: {  	[tilespmem:s19], [sflag:$0x2] =	stream.indirect.gather [hbm4b:s2+s16], $0x8, s16, s16, $0xb8;
	[tilespmem:$0x168A0] =	vst v63  }
0x29: {  	s30 =	sadd.s32 s7, s0  }
0x2a: {  	[tilespmem:s20], [sflag:$0x4] =	stream.linear.gather [hbm4b:s30+s13], $0x280, $0x38;
	[tilespmem:$0x168A0] =	vst v63  }
0x2b: {  	_ =	swait.ge [sflag:s15], $0x280  }
0x2c: {  	[sflag:s15] =	ssyncset.done $0x0  }
0x2d: {  	v1 =	vmov s13;
	[sflag:s15] =	ssyncadd.s32 $0xFFFFFD80  }
0x2e: {  	v1 =	vshll.u32 v1, $0x3;
	_ =	swait.ge [sflag:s21], $0x280  }
0x2f: {  	v1 =	vor.u32 v0, v1;
	[sflag:s21] =	ssyncset.done $0x0  }
0x30: {  	[sflag:s21] =	ssyncadd.s32 $0xFFFFFD80  }
0x31: {  	_ =	swait.ge [sflag:s22], $0x280  }
0x32: {  	[sflag:s22] =	ssyncset.done $0x0  }
0x33: {  	[sflag:s22] =	ssyncadd.s32 $0xFFFFFD80  }
0x34: {  	v2 =	vld.idx.msk [tilespmem:v1+s18+$0x0], $0xffff  }
0x35: {  	v3 =	vld.idx.msk [tilespmem:v1+s19+$0x0], $0xffff;
	_ =	sdelay $0x4  }
0x36: {  	v2 =	vadd.f32 v3, v2;
	_ =	sdelay $0x1  }
0x37: {  	v2 =	vadd.f32 $9.999999710e-10, v2;
	_ =	sdelay $0x1  }
0x38: {  	(erf) = vrcp.f32 v2;
	_ =	sdelay $0x4  }
0x39: {  	v2 =	vld.idx.msk [tilespmem:v1+s20+$0x0], $0xffff;
	_ =	sdelay $0x2  }
0x3a: {  	v3 =	vor.u32 $0x1, v1  }
0x3b: {  	v4 =	vpop (erf)  }
0x3c: {  	v2 =	vmul.f32 v4, v2;
	_ =	sdelay $0x1  }
0x3d: {  	[tilespmem:v1+s20+$0x0] =	vst.idx.msk $0xffff, v2  }
0x3e: {  	v2 =	vld.idx.msk [tilespmem:v3+s18+$0x0], $0xffff  }
0x3f: {  	v4 =	vld.idx.msk [tilespmem:v3+s19+$0x0], $0xffff;
	_ =	sdelay $0x4  }
0x40: {  	v2 =	vadd.f32 v4, v2;
	_ =	sdelay $0x1  }
0x41: {  	v2 =	vadd.f32 $9.999999710e-10, v2;
	_ =	sdelay $0x1  }
0x42: {  	(erf) = vrcp.f32 v2;
	_ =	sdelay $0x4  }
0x43: {  	v2 =	vld.idx.msk [tilespmem:v3+s20+$0x0], $0xffff;
	_ =	sdelay $0x2  }
0x44: {  	v4 =	vor.u32 $0x2, v1  }
0x45: {  	v5 =	vpop (erf)  }
0x46: {  	v2 =	vmul.f32 v5, v2;
	_ =	sdelay $0x1  }
0x47: {  	[tilespmem:v3+s20+$0x0] =	vst.idx.msk $0xffff, v2  }
0x48: {  	v2 =	vld.idx.msk [tilespmem:v4+s18+$0x0], $0xffff  }
0x49: {  	v3 =	vld.idx.msk [tilespmem:v4+s19+$0x0], $0xffff;
	_ =	sdelay $0x4  }
0x4a: {  	v2 =	vadd.f32 v3, v2;
	_ =	sdelay $0x1  }
0x4b: {  	v2 =	vadd.f32 $9.999999710e-10, v2;
	_ =	sdelay $0x1  }
0x4c: {  	(erf) = vrcp.f32 v2;
	_ =	sdelay $0x4  }
0x4d: {  	v2 =	vld.idx.msk [tilespmem:v4+s20+$0x0], $0xffff;
	_ =	sdelay $0x2  }
0x4e: {  	v1 =	vor.u32 $0x3, v1  }
0x4f: {  	v3 =	vpop (erf)  }
0x50: {  	v2 =	vmul.f32 v3, v2;
	_ =	sdelay $0x1  }
0x51: {  	[tilespmem:v4+s20+$0x0] =	vst.idx.msk $0xffff, v2  }
0x52: {  	v2 =	vld.idx.msk [tilespmem:v1+s18+$0x0], $0xffff  }
0x53: {  	v3 =	vld.idx.msk [tilespmem:v1+s19+$0x0], $0xffff;
	_ =	sdelay $0x4  }
0x54: {  	v2 =	vadd.f32 v3, v2;
	_ =	sdelay $0x1  }
0x55: {  	v3 =	vadd.f32 $9.999999710e-10, v2;
	_ =	sdelay $0x1  }
0x56: {  	(erf) = vrcp.f32 v3;
	_ =	sdelay $0x4  }
0x57: {  	s31 =	simm.s32 $0x10;
	v2 =	vld.idx.msk [tilespmem:v1+s20+$0x0], $0xffff  }
0x58: {  	v4 =	vmov s31  }
0x59: {  	s4 =	simm.s32 $0x20;
	v3 =	vshll.u32 v4, $0x3  }
.LBB2_3:
0x5a: {  	p1 =	sne.s32 s4, $0x40;
	v3 =	vor.u32 v0, v3;
	s12 =	smov.u32 s4;
	s4 =	sadd.s32 $0x10, s4  }
0x5b: {  	v4 =	vpop (erf)  }
0x5c: {  	v2 =	vmul.f32 v4, v2;
	_ =	sdelay $0x1  }
0x5d: {  	[tilespmem:v1+s20+$0x0] =	vst.idx.msk $0xffff, v2  }
0x5e: {  	v1 =	vld.idx.msk [tilespmem:v3+s18+$0x0], $0xffff  }
0x5f: {  	v2 =	vld.idx.msk [tilespmem:v3+s19+$0x0], $0xffff;
	_ =	sdelay $0x5  }
0x60: {  	v1 =	vadd.f32 v2, v1;
	_ =	sdelay $0x1  }
0x61: {  	v1 =	vadd.f32 $9.999999710e-10, v1;
	_ =	sdelay $0x1  }
0x62: {  	(erf) = vrcp.f32 v1;
	_ =	sdelay $0x2  }
0x63: {  	v1 =	vld.idx.msk [tilespmem:v3+s20+$0x0], $0xffff;
	_ =	sdelay $0x4  }
0x64: {  	v2 =	vor.u32 $0x1, v3  }
0x65: {  	v4 =	vpop (erf)  }
0x66: {  	v1 =	vmul.f32 v4, v1;
	_ =	sdelay $0x1  }
0x67: {  	[tilespmem:v3+s20+$0x0] =	vst.idx.msk $0xffff, v1  }
0x68: {  	v1 =	vld.idx.msk [tilespmem:v2+s18+$0x0], $0xffff  }
0x69: {  	v4 =	vld.idx.msk [tilespmem:v2+s19+$0x0], $0xffff;
	_ =	sdelay $0x5  }
0x6a: {  	v1 =	vadd.f32 v4, v1;
	_ =	sdelay $0x1  }
0x6b: {  	v1 =	vadd.f32 $9.999999710e-10, v1;
	_ =	sdelay $0x1  }
0x6c: {  	(erf) = vrcp.f32 v1;
	_ =	sdelay $0x1  }
0x6d: {  	v1 =	vld.idx.msk [tilespmem:v2+s20+$0x0], $0xffff;
	_ =	sdelay $0x5  }
0x6e: {  	v4 =	vor.u32 $0x2, v3  }
0x6f: {  	v5 =	vpop (erf)  }
0x70: {  	v1 =	vmul.f32 v5, v1;
	_ =	sdelay $0x1  }
0x71: {  	[tilespmem:v2+s20+$0x0] =	vst.idx.msk $0xffff, v1  }
0x72: {  	v1 =	vld.idx.msk [tilespmem:v4+s18+$0x0], $0xffff  }
0x73: {  	v2 =	vld.idx.msk [tilespmem:v4+s19+$0x0], $0xffff;
	_ =	sdelay $0x5  }
0x74: {  	v1 =	vadd.f32 v2, v1;
	_ =	sdelay $0x1  }
0x75: {  	v1 =	vadd.f32 $9.999999710e-10, v1;
	_ =	sdelay $0x1  }
0x76: {  	(erf) = vrcp.f32 v1  }
0x77: {  	v2 =	vld.idx.msk [tilespmem:v4+s20+$0x0], $0xffff;
	_ =	sdelay $0x6  }
0x78: {  	v1 =	vor.u32 $0x3, v3  }
0x79: {  	v3 =	vpop (erf)  }
0x7a: {  	v2 =	vmul.f32 v3, v2;
	_ =	sdelay $0x1  }
0x7b: {  	[tilespmem:v4+s20+$0x0] =	vst.idx.msk $0xffff, v2  }
0x7c: {  	v3 =	vld.idx.msk [tilespmem:v1+s18+$0x0], $0xffff  }
0x7d: {  	v4 =	vld.idx.msk [tilespmem:v1+s19+$0x0], $0xffff  }
0x7e: {  	v2 =	vld.idx.msk [tilespmem:v1+s20+$0x0], $0xffff;
	_ =	sdelay $0x4  }
0x7f: {  	v3 =	vadd.f32 v4, v3;
	_ =	sdelay $0x1  }
0x80: {  	v3 =	vadd.f32 $9.999999710e-10, v3;
	_ =	sdelay $0x1  }
0x81: {  	(erf) = vrcp.f32 v3;
	_ =	sdelay $0x2  }
.Ltmp0:
0x82: {  	(pc) =	sbr.rel @p1 .LBB2_3-.Ltmp0, $3  }
0x83: {  	_ =	sdelay $0x1  }
0x84: {  	v3 =	vmov s12  }
0x85: {  	v3 =	vshll.u32 v3, $0x3  }
0x86: {  	v3 =	vor.u32 v0, v3  }
0x87: {  	v4 =	vpop (erf)  }
0x88: {  	v2 =	vmul.f32 v4, v2;
	_ =	sdelay $0x1  }
0x89: {  	[tilespmem:v1+s20+$0x0] =	vst.idx.msk $0xffff, v2  }
0x8a: {  	v1 =	vld.idx.msk [tilespmem:v3+s18+$0x0], $0xffff  }
0x8b: {  	v2 =	vld.idx.msk [tilespmem:v3+s19+$0x0], $0xffff;
	_ =	sdelay $0x4  }
0x8c: {  	v1 =	vadd.f32 v2, v1;
	_ =	sdelay $0x1  }
0x8d: {  	v1 =	vadd.f32 $9.999999710e-10, v1;
	_ =	sdelay $0x1  }
0x8e: {  	(erf) = vrcp.f32 v1;
	_ =	sdelay $0x4  }
0x8f: {  	v1 =	vld.idx.msk [tilespmem:v3+s20+$0x0], $0xffff;
	_ =	sdelay $0x2  }
0x90: {  	v2 =	vor.u32 $0x1, v3  }
0x91: {  	v4 =	vpop (erf)  }
0x92: {  	v1 =	vmul.f32 v4, v1;
	_ =	sdelay $0x1  }
0x93: {  	[tilespmem:v3+s20+$0x0] =	vst.idx.msk $0xffff, v1  }
0x94: {  	v1 =	vld.idx.msk [tilespmem:v2+s18+$0x0], $0xffff  }
0x95: {  	v4 =	vld.idx.msk [tilespmem:v2+s19+$0x0], $0xffff;
	_ =	sdelay $0x4  }
0x96: {  	v1 =	vadd.f32 v4, v1;
	_ =	sdelay $0x1  }
0x97: {  	v1 =	vadd.f32 $9.999999710e-10, v1;
	_ =	sdelay $0x1  }
0x98: {  	(erf) = vrcp.f32 v1;
	_ =	sdelay $0x4  }
0x99: {  	v1 =	vld.idx.msk [tilespmem:v2+s20+$0x0], $0xffff;
	_ =	sdelay $0x2  }
0x9a: {  	v4 =	vor.u32 $0x2, v3  }
0x9b: {  	v5 =	vpop (erf)  }
0x9c: {  	v1 =	vmul.f32 v5, v1;
	_ =	sdelay $0x1  }
0x9d: {  	[tilespmem:v2+s20+$0x0] =	vst.idx.msk $0xffff, v1  }
0x9e: {  	v1 =	vld.idx.msk [tilespmem:v4+s18+$0x0], $0xffff  }
0x9f: {  	v2 =	vld.idx.msk [tilespmem:v4+s19+$0x0], $0xffff;
	_ =	sdelay $0x4  }
0xa0: {  	v1 =	vadd.f32 v2, v1;
	_ =	sdelay $0x1  }
0xa1: {  	v1 =	vadd.f32 $9.999999710e-10, v1;
	_ =	sdelay $0x1  }
0xa2: {  	(erf) = vrcp.f32 v1;
	_ =	sdelay $0x4  }
0xa3: {  	v1 =	vld.idx.msk [tilespmem:v4+s20+$0x0], $0xffff;
	_ =	sdelay $0x2  }
0xa4: {  	v2 =	vor.u32 $0x3, v3  }
0xa5: {  	v3 =	vpop (erf)  }
0xa6: {  	v1 =	vmul.f32 v3, v1;
	_ =	sdelay $0x1  }
0xa7: {  	[tilespmem:v4+s20+$0x0] =	vst.idx.msk $0xffff, v1  }
0xa8: {  	v1 =	vld.idx.msk [tilespmem:v2+s18+$0x0], $0xffff  }
0xa9: {  	v3 =	vld.idx.msk [tilespmem:v2+s19+$0x0], $0xffff;
	_ =	sdelay $0x4  }
0xaa: {  	v1 =	vadd.f32 v3, v1;
	_ =	sdelay $0x1  }
0xab: {  	v1 =	vadd.f32 $9.999999710e-10, v1;
	_ =	sdelay $0x1  }
0xac: {  	(erf) = vrcp.f32 v1;
	_ =	sdelay $0x4  }
0xad: {  	v1 =	vld.idx.msk [tilespmem:v2+s20+$0x0], $0xffff;
	_ =	sdelay $0x3  }
0xae: {  	v3 =	vpop (erf)  }
0xaf: {  	v1 =	vmul.f32 v3, v1;
	_ =	sdelay $0x1  }
0xb0: {  	s0 =	sadd.s32 s10, s0;
	[tilespmem:v2+s20+$0x0] =	vst.idx.msk $0xffff, v1  }
0xb1: {  	[hbm4b:s0+s6] =	stream.linear.scatter [tilespmem:s20], [sflag:$0x4], $0x280, $0x38;
	[tilespmem:$0x168A0] =	vst v63  }
0xb2: {  	s30 =	simm.s32 $0x0;
	_ =	swait.ge [sflag:s15], $0x280  }
0xb3: {  	v1 =	vmov s30;
	[sflag:s15] =	ssyncset.done $0x0  }
0xb4: {  	[sflag:s15] =	ssyncadd.s32 $0xFFFFFD80  }
0xb5: {  	_ =	swait.ge [sflag:s23], $0x2800  }
0xb6: {  	[sflag:s23] =	ssyncset.done $0x0  }
0xb7: {  	[sflag:s23] =	ssyncadd.s32 $0xFFFFD800  }
0xb8: {  	s26 =	simm.s32 $0xA20;
	v2 =	vld.idx.msk [tilespmem:v1+s20+$0x0], $0xffff  }
0xb9: {  	v3 =	vld [tilespmem:s26+$0xFFFFFE00]  }
0xba: {  	v4 =	vld [tilespmem:s26+$0xFFFFFE10];
	_ =	sdelay $0x2  }
0xbb: {  	v5 =	vor.u32 $0x1, v1  }
0xbc: {  	v3 =	vmul.f32 v3, v2  }
0xbd: {  	v2 =	vmul.f32 v4, v2  }
0xbe: {  	[tilespmem:s26+$0xFFFFFE00] =	vst v3  }
0xbf: {  	[tilespmem:s26+$0xFFFFFE10] =	vst v2;
	v3 =	vld [tilespmem:s26+$0xFFFFFE20]  }
0xc0: {  	v2 =	vld.idx.msk [tilespmem:v5+s20+$0x0], $0xffff  }
0xc1: {  	v4 =	vld [tilespmem:s26+$0xFFFFFE30];
	_ =	sdelay $0x2  }
0xc2: {  	v5 =	vor.u32 $0x2, v1  }
0xc3: {  	v3 =	vmul.f32 v3, v2  }
0xc4: {  	v2 =	vmul.f32 v4, v2  }
0xc5: {  	[tilespmem:s26+$0xFFFFFE20] =	vst v3  }
0xc6: {  	[tilespmem:s26+$0xFFFFFE30] =	vst v2;
	v3 =	vld [tilespmem:s26+$0xFFFFFE40]  }
0xc7: {  	v2 =	vld.idx.msk [tilespmem:v5+s20+$0x0], $0xffff  }
0xc8: {  	v4 =	vld [tilespmem:s26+$0xFFFFFE50];
	_ =	sdelay $0x2  }
0xc9: {  	v1 =	vor.u32 $0x3, v1  }
0xca: {  	v3 =	vmul.f32 v3, v2  }
0xcb: {  	v2 =	vmul.f32 v4, v2  }
0xcc: {  	[tilespmem:s26+$0xFFFFFE40] =	vst v3  }
0xcd: {  	[tilespmem:s26+$0xFFFFFE50] =	vst v2;
	v2 =	vld [tilespmem:s26+$0xFFFFFE60]  }
0xce: {  	v1 =	vld.idx.msk [tilespmem:v1+s20+$0x0], $0xffff  }
0xcf: {  	v3 =	vld [tilespmem:s26+$0xFFFFFE70];
	_ =	sdelay $0x1  }
0xd0: {  	s31 =	simm.s32 $0x8  }
0xd1: {  	v4 =	vmov s31  }
0xd2: {  	v2 =	vmul.f32 v2, v1  }
0xd3: {  	v1 =	vmul.f32 v3, v1  }
0xd4: {  	[tilespmem:s26+$0xFFFFFE60] =	vst v2  }
0xd5: {  	[tilespmem:s26+$0xFFFFFE70] =	vst v1;
	v2 =	vld [tilespmem:s26+$0xFFFFFE80]  }
0xd6: {  	v1 =	vld.idx.msk [tilespmem:v4+s20+$0x0], $0xffff  }
0xd7: {  	v3 =	vld [tilespmem:s26+$0xFFFFFE90];
	_ =	sdelay $0x2  }
0xd8: {  	v5 =	vor.u32 $0x1, v4  }
0xd9: {  	v2 =	vmul.f32 v2, v1  }
0xda: {  	v1 =	vmul.f32 v3, v1  }
0xdb: {  	[tilespmem:s26+$0xFFFFFE80] =	vst v2  }
0xdc: {  	[tilespmem:s26+$0xFFFFFE90] =	vst v1;
	v2 =	vld [tilespmem:s26+$0xFFFFFEA0]  }
0xdd: {  	v1 =	vld.idx.msk [tilespmem:v5+s20+$0x0], $0xffff  }
0xde: {  	v3 =	vld [tilespmem:s26+$0xFFFFFEB0];
	_ =	sdelay $0x2  }
0xdf: {  	v5 =	vor.u32 $0x2, v4  }
0xe0: {  	v2 =	vmul.f32 v2, v1  }
0xe1: {  	v1 =	vmul.f32 v3, v1  }
0xe2: {  	[tilespmem:s26+$0xFFFFFEA0] =	vst v2  }
0xe3: {  	[tilespmem:s26+$0xFFFFFEB0] =	vst v1;
	v2 =	vld [tilespmem:s26+$0xFFFFFEC0]  }
0xe4: {  	v1 =	vld.idx.msk [tilespmem:v5+s20+$0x0], $0xffff  }
0xe5: {  	v3 =	vld [tilespmem:s26+$0xFFFFFED0];
	_ =	sdelay $0x2  }
0xe6: {  	v4 =	vor.u32 $0x3, v4  }
0xe7: {  	v2 =	vmul.f32 v2, v1  }
0xe8: {  	v1 =	vmul.f32 v3, v1  }
0xe9: {  	[tilespmem:s26+$0xFFFFFEC0] =	vst v2  }
0xea: {  	[tilespmem:s26+$0xFFFFFED0] =	vst v1;
	v2 =	vld [tilespmem:s26+$0xFFFFFEE0]  }
0xeb: {  	v1 =	vld.idx.msk [tilespmem:v4+s20+$0x0], $0xffff  }
0xec: {  	v3 =	vld [tilespmem:s26+$0xFFFFFEF0];
	_ =	sdelay $0x1  }
0xed: {  	s4 =	simm.s32 $0x10  }
0xee: {  	v4 =	vmov s4  }
0xef: {  	v2 =	vmul.f32 v2, v1  }
0xf0: {  	v1 =	vmul.f32 v3, v1  }
0xf1: {  	[tilespmem:s26+$0xFFFFFEE0] =	vst v2  }
0xf2: {  	[tilespmem:s26+$0xFFFFFEF0] =	vst v1;
	v2 =	vld [tilespmem:s26+$0xFFFFFF00]  }
0xf3: {  	v1 =	vld.idx.msk [tilespmem:v4+s20+$0x0], $0xffff  }
0xf4: {  	v3 =	vld [tilespmem:s26+$0xFFFFFF10];
	_ =	sdelay $0x2  }
0xf5: {  	v5 =	vor.u32 $0x1, v4  }
0xf6: {  	v2 =	vmul.f32 v2, v1  }
0xf7: {  	v1 =	vmul.f32 v3, v1  }
0xf8: {  	[tilespmem:s26+$0xFFFFFF00] =	vst v2  }
0xf9: {  	[tilespmem:s26+$0xFFFFFF10] =	vst v1;
	v2 =	vld [tilespmem:s26+$0xFFFFFF20]  }
0xfa: {  	v1 =	vld.idx.msk [tilespmem:v5+s20+$0x0], $0xffff  }
0xfb: {  	v3 =	vld [tilespmem:s26+$0xFFFFFF30];
	_ =	sdelay $0x2  }
0xfc: {  	v5 =	vor.u32 $0x2, v4  }
0xfd: {  	v2 =	vmul.f32 v2, v1  }
0xfe: {  	v1 =	vmul.f32 v3, v1  }
0xff: {  	[tilespmem:s26+$0xFFFFFF20] =	vst v2  }
0x100: {  	[tilespmem:s26+$0xFFFFFF30] =	vst v1;
	v2 =	vld [tilespmem:s26+$0xFFFFFF40]  }
0x101: {  	v1 =	vld.idx.msk [tilespmem:v5+s20+$0x0], $0xffff  }
0x102: {  	v3 =	vld [tilespmem:s26+$0xFFFFFF50];
	_ =	sdelay $0x2  }
0x103: {  	v4 =	vor.u32 $0x3, v4  }
0x104: {  	v2 =	vmul.f32 v2, v1  }
0x105: {  	v1 =	vmul.f32 v3, v1  }
0x106: {  	[tilespmem:s26+$0xFFFFFF40] =	vst v2  }
0x107: {  	[tilespmem:s26+$0xFFFFFF50] =	vst v1;
	v2 =	vld [tilespmem:s26+$0xFFFFFF60]  }
0x108: {  	v1 =	vld.idx.msk [tilespmem:v4+s20+$0x0], $0xffff  }
0x109: {  	v3 =	vld [tilespmem:s26+$0xFFFFFF70];
	_ =	sdelay $0x1  }
0x10a: {  	s12 =	simm.s32 $0x18  }
0x10b: {  	v4 =	vmov s12  }
0x10c: {  	v2 =	vmul.f32 v2, v1  }
0x10d: {  	v1 =	vmul.f32 v3, v1  }
0x10e: {  	[tilespmem:s26+$0xFFFFFF60] =	vst v2  }
0x10f: {  	[tilespmem:s26+$0xFFFFFF70] =	vst v1;
	v2 =	vld [tilespmem:s26+$0xFFFFFF80]  }
0x110: {  	v1 =	vld.idx.msk [tilespmem:v4+s20+$0x0], $0xffff  }
0x111: {  	v3 =	vld [tilespmem:s26+$0xFFFFFF90];
	_ =	sdelay $0x2  }
0x112: {  	v5 =	vor.u32 $0x1, v4  }
0x113: {  	v2 =	vmul.f32 v2, v1  }
0x114: {  	v1 =	vmul.f32 v3, v1  }
0x115: {  	[tilespmem:s26+$0xFFFFFF80] =	vst v2  }
0x116: {  	[tilespmem:s26+$0xFFFFFF90] =	vst v1;
	v2 =	vld [tilespmem:s26+$0xFFFFFFA0]  }
0x117: {  	v1 =	vld.idx.msk [tilespmem:v5+s20+$0x0], $0xffff  }
0x118: {  	v3 =	vld [tilespmem:s26+$0xFFFFFFB0];
	_ =	sdelay $0x2  }
0x119: {  	v5 =	vor.u32 $0x2, v4  }
0x11a: {  	v2 =	vmul.f32 v2, v1  }
0x11b: {  	v1 =	vmul.f32 v3, v1  }
0x11c: {  	[tilespmem:s26+$0xFFFFFFA0] =	vst v2  }
0x11d: {  	[tilespmem:s26+$0xFFFFFFB0] =	vst v1;
	v2 =	vld [tilespmem:s26+$0xFFFFFFC0]  }
0x11e: {  	v1 =	vld.idx.msk [tilespmem:v5+s20+$0x0], $0xffff  }
0x11f: {  	v3 =	vld [tilespmem:s26+$0xFFFFFFD0];
	_ =	sdelay $0x2  }
0x120: {  	v4 =	vor.u32 $0x3, v4  }
0x121: {  	v2 =	vmul.f32 v2, v1  }
0x122: {  	v1 =	vmul.f32 v3, v1  }
0x123: {  	[tilespmem:s26+$0xFFFFFFC0] =	vst v2  }
0x124: {  	[tilespmem:s26+$0xFFFFFFD0] =	vst v1;
	v2 =	vld [tilespmem:s26+$0xFFFFFFE0]  }
0x125: {  	v1 =	vld.idx.msk [tilespmem:v4+s20+$0x0], $0xffff  }
0x126: {  	v5 =	vld [tilespmem:s26+$0xFFFFFFF0];
	_ =	sdelay $0x1  }
0x127: {  	s13 =	simm.s32 $0x20  }
0x128: {  	v3 =	vmov s13  }
0x129: {  	v2 =	vmul.f32 v2, v1  }
0x12a: {  	v1 =	vmul.f32 v5, v1  }
0x12b: {  	[tilespmem:s26+$0xFFFFFFE0] =	vst v2  }
0x12c: {  	[tilespmem:s26+$0xFFFFFFF0] =	vst v1;
	v2 =	vld [tilespmem:s26+$0x0]  }
0x12d: {  	v1 =	vld.idx.msk [tilespmem:v3+s20+$0x0], $0xffff  }
0x12e: {  	v4 =	vld [tilespmem:s26+$0x10];
	_ =	sdelay $0x2  }
0x12f: {  	v5 =	vor.u32 $0x1, v3  }
0x130: {  	v2 =	vmul.f32 v2, v1  }
0x131: {  	v1 =	vmul.f32 v4, v1  }
0x132: {  	[tilespmem:s26+$0x0] =	vst v2  }
0x133: {  	[tilespmem:s26+$0x10] =	vst v1;
	v2 =	vld [tilespmem:s26+$0x20]  }
0x134: {  	v1 =	vld.idx.msk [tilespmem:v5+s20+$0x0], $0xffff  }
0x135: {  	v4 =	vld [tilespmem:s26+$0x30];
	_ =	sdelay $0x2  }
0x136: {  	v5 =	vor.u32 $0x2, v3  }
0x137: {  	v2 =	vmul.f32 v2, v1  }
0x138: {  	v1 =	vmul.f32 v4, v1  }
0x139: {  	[tilespmem:s26+$0x20] =	vst v2  }
0x13a: {  	[tilespmem:s26+$0x30] =	vst v1;
	v2 =	vld [tilespmem:s26+$0x40]  }
0x13b: {  	v1 =	vld.idx.msk [tilespmem:v5+s20+$0x0], $0xffff  }
0x13c: {  	v4 =	vld [tilespmem:s26+$0x50];
	_ =	sdelay $0x2  }
0x13d: {  	v3 =	vor.u32 $0x3, v3  }
0x13e: {  	v2 =	vmul.f32 v2, v1  }
0x13f: {  	v1 =	vmul.f32 v4, v1  }
0x140: {  	[tilespmem:s26+$0x40] =	vst v2  }
0x141: {  	[tilespmem:s26+$0x50] =	vst v1;
	v2 =	vld [tilespmem:s26+$0x60]  }
0x142: {  	v1 =	vld.idx.msk [tilespmem:v3+s20+$0x0], $0xffff  }
0x143: {  	v3 =	vld [tilespmem:s26+$0x70];
	_ =	sdelay $0x1  }
0x144: {  	s14 =	simm.s32 $0x28  }
0x145: {  	v4 =	vmov s14  }
0x146: {  	v2 =	vmul.f32 v2, v1  }
0x147: {  	v1 =	vmul.f32 v3, v1  }
0x148: {  	[tilespmem:s26+$0x60] =	vst v2  }
0x149: {  	[tilespmem:s26+$0x70] =	vst v1;
	v2 =	vld [tilespmem:s26+$0x80]  }
0x14a: {  	v1 =	vld.idx.msk [tilespmem:v4+s20+$0x0], $0xffff  }
0x14b: {  	v3 =	vld [tilespmem:s26+$0x90];
	_ =	sdelay $0x2  }
0x14c: {  	v5 =	vor.u32 $0x1, v4  }
0x14d: {  	v2 =	vmul.f32 v2, v1  }
0x14e: {  	v1 =	vmul.f32 v3, v1  }
0x14f: {  	[tilespmem:s26+$0x80] =	vst v2  }
0x150: {  	[tilespmem:s26+$0x90] =	vst v1;
	v2 =	vld [tilespmem:s26+$0xA0]  }
0x151: {  	v1 =	vld.idx.msk [tilespmem:v5+s20+$0x0], $0xffff  }
0x152: {  	v3 =	vld [tilespmem:s26+$0xB0];
	_ =	sdelay $0x2  }
0x153: {  	v5 =	vor.u32 $0x2, v4  }
0x154: {  	v2 =	vmul.f32 v2, v1  }
0x155: {  	v1 =	vmul.f32 v3, v1  }
0x156: {  	[tilespmem:s26+$0xA0] =	vst v2  }
0x157: {  	[tilespmem:s26+$0xB0] =	vst v1;
	v2 =	vld [tilespmem:s26+$0xC0]  }
0x158: {  	v1 =	vld.idx.msk [tilespmem:v5+s20+$0x0], $0xffff  }
0x159: {  	v3 =	vld [tilespmem:s26+$0xD0];
	_ =	sdelay $0x2  }
0x15a: {  	v4 =	vor.u32 $0x3, v4  }
0x15b: {  	v2 =	vmul.f32 v2, v1  }
0x15c: {  	v1 =	vmul.f32 v3, v1  }
0x15d: {  	[tilespmem:s26+$0xC0] =	vst v2  }
0x15e: {  	[tilespmem:s26+$0xD0] =	vst v1;
	v2 =	vld [tilespmem:s26+$0xE0]  }
0x15f: {  	v1 =	vld.idx.msk [tilespmem:v4+s20+$0x0], $0xffff  }
0x160: {  	v3 =	vld [tilespmem:s26+$0xF0];
	_ =	sdelay $0x1  }
0x161: {  	s30 =	simm.s32 $0x30  }
0x162: {  	v4 =	vmov s30  }
0x163: {  	v2 =	vmul.f32 v2, v1  }
0x164: {  	v1 =	vmul.f32 v3, v1  }
0x165: {  	[tilespmem:s26+$0xE0] =	vst v2  }
0x166: {  	[tilespmem:s26+$0xF0] =	vst v1;
	v2 =	vld [tilespmem:s26+$0x100]  }
0x167: {  	v1 =	vld.idx.msk [tilespmem:v4+s20+$0x0], $0xffff  }
0x168: {  	v3 =	vld [tilespmem:s26+$0x110];
	_ =	sdelay $0x2  }
0x169: {  	v5 =	vor.u32 $0x1, v4  }
0x16a: {  	v2 =	vmul.f32 v2, v1  }
0x16b: {  	v1 =	vmul.f32 v3, v1  }
0x16c: {  	[tilespmem:s26+$0x100] =	vst v2  }
0x16d: {  	[tilespmem:s26+$0x110] =	vst v1;
	v2 =	vld [tilespmem:s26+$0x120]  }
0x16e: {  	v1 =	vld.idx.msk [tilespmem:v5+s20+$0x0], $0xffff  }
0x16f: {  	v3 =	vld [tilespmem:s26+$0x130];
	_ =	sdelay $0x2  }
0x170: {  	v5 =	vor.u32 $0x2, v4  }
0x171: {  	v2 =	vmul.f32 v2, v1  }
0x172: {  	v1 =	vmul.f32 v3, v1  }
0x173: {  	[tilespmem:s26+$0x120] =	vst v2  }
0x174: {  	[tilespmem:s26+$0x130] =	vst v1;
	v2 =	vld [tilespmem:s26+$0x140]  }
0x175: {  	v1 =	vld.idx.msk [tilespmem:v5+s20+$0x0], $0xffff  }
0x176: {  	v3 =	vld [tilespmem:s26+$0x150];
	_ =	sdelay $0x2  }
0x177: {  	v4 =	vor.u32 $0x3, v4  }
0x178: {  	v2 =	vmul.f32 v2, v1  }
0x179: {  	v1 =	vmul.f32 v3, v1  }
0x17a: {  	[tilespmem:s26+$0x140] =	vst v2  }
0x17b: {  	[tilespmem:s26+$0x150] =	vst v1;
	v2 =	vld [tilespmem:s26+$0x160]  }
0x17c: {  	v1 =	vld.idx.msk [tilespmem:v4+s20+$0x0], $0xffff  }
0x17d: {  	v3 =	vld [tilespmem:s26+$0x170];
	_ =	sdelay $0x1  }
0x17e: {  	s31 =	simm.s32 $0x38  }
0x17f: {  	v4 =	vmov s31  }
0x180: {  	v2 =	vmul.f32 v2, v1  }
0x181: {  	v1 =	vmul.f32 v3, v1  }
0x182: {  	v7 =	vld [tilespmem:s26+$0x190];
	[tilespmem:s26+$0x160] =	vst v2  }
0x183: {  	v5 =	vld [tilespmem:s26+$0x180];
	[tilespmem:s26+$0x170] =	vst v1  }
0x184: {  	v6 =	vld.idx.msk [tilespmem:v4+s20+$0x0], $0xffff;
	_ =	sdelay $0x3  }
0x185: {  	v3 =	vor.u32 $0x1, v4;
	v2 =	vor.u32 $0x2, v4  }
0x186: {  	s29 =	simm.s32 $0xF;
	s28 =	simm.s32 $0xA20;
	v1 =	vor.u32 $0x3, v4;
	v5 =	vmul.f32 v5, v6;
	v4 =	vmul.f32 v7, v6  }
.LBB2_5:
0x187: {  	p1 =	sne.s32 s29, $0x4F  }
0x188: {  	s26 =	sadd.s32 $0x400, s26;
	s0 =	smov.u32 s29;
	s29 =	sadd.s32 $0x8, s29  }
0x189: {  	[tilespmem:s28+$0x180] =	vst v5  }
0x18a: {  	[tilespmem:s28+$0x190] =	vst v4;
	v4 =	vld [tilespmem:s28+$0x1A0]  }
0x18b: {  	v3 =	vld.idx.msk [tilespmem:v3+s20+$0x0], $0xffff  }
0x18c: {  	v5 =	vld [tilespmem:s28+$0x1B0];
	_ =	sdelay $0x4  }
0x18d: {  	v4 =	vmul.f32 v4, v3;
	v3 =	vmul.f32 v5, v3;
	_ =	sdelay $0x1  }
0x18e: {  	[tilespmem:s28+$0x1A0] =	vst v4  }
0x18f: {  	[tilespmem:s28+$0x1B0] =	vst v3;
	v3 =	vld [tilespmem:s28+$0x1C0]  }
0x190: {  	v2 =	vld.idx.msk [tilespmem:v2+s20+$0x0], $0xffff  }
0x191: {  	v4 =	vld [tilespmem:s28+$0x1D0];
	_ =	sdelay $0x4  }
0x192: {  	v3 =	vmul.f32 v3, v2;
	v2 =	vmul.f32 v4, v2;
	_ =	sdelay $0x1  }
0x193: {  	[tilespmem:s28+$0x1C0] =	vst v3  }
0x194: {  	[tilespmem:s28+$0x1D0] =	vst v2;
	v2 =	vld [tilespmem:s28+$0x1E0]  }
0x195: {  	v1 =	vld.idx.msk [tilespmem:v1+s20+$0x0], $0xffff  }
0x196: {  	v3 =	vld [tilespmem:s28+$0x1F0];
	_ =	sdelay $0x1  }
0x197: {  	s30 =	sshll.u32 s0, $0x3  }
0x198: {  	s0 =	sadd.s32 $0xFFFFFFC8, s30;
	s14 =	sadd.s32 $0xFFFFFFD0, s30;
	s13 =	sadd.s32 $0xFFFFFFD8, s30  }
0x199: {  	s12 =	sadd.s32 $0xFFFFFFE0, s30;
	s4 =	sadd.s32 $0xFFFFFFE8, s30;
	v4 =	vmov s0;
	s0 =	sadd.s32 $0xFFFFFFF0, s30  }
0x19a: {  	s31 =	sadd.s32 $0xFFFFFFF8, s30;
	v2 =	vmul.f32 v2, v1;
	v1 =	vmul.f32 v3, v1;
	_ =	sdelay $0x1  }
0x19b: {  	[tilespmem:s28+$0x1E0] =	vst v2  }
0x19c: {  	v2 =	vld [tilespmem:s26+$0xFFFFFE10];
	[tilespmem:s28+$0x1F0] =	vst v1;
	s28 =	smov.u32 s26  }
0x19d: {  	v1 =	vld.idx.msk [tilespmem:v4+s20+$0x0], $0xffff  }
0x19e: {  	v3 =	vld [tilespmem:s26+$0xFFFFFE00];
	_ =	sdelay $0x2  }
0x19f: {  	v5 =	vor.u32 $0x1, v4;
	_ =	sdelay $0x1  }
0x1a0: {  	v3 =	vmul.f32 v3, v1;
	v1 =	vmul.f32 v2, v1;
	_ =	sdelay $0x1  }
0x1a1: {  	[tilespmem:s26+$0xFFFFFE00] =	vst v3  }
0x1a2: {  	[tilespmem:s26+$0xFFFFFE10] =	vst v1;
	v1 =	vld [tilespmem:s26+$0xFFFFFE30]  }
0x1a3: {  	v2 =	vld.idx.msk [tilespmem:v5+s20+$0x0], $0xffff  }
0x1a4: {  	v3 =	vld [tilespmem:s26+$0xFFFFFE20];
	_ =	sdelay $0x1  }
0x1a5: {  	v5 =	vor.u32 $0x2, v4;
	_ =	sdelay $0x2  }
0x1a6: {  	v1 =	vmul.f32 v1, v2;
	v3 =	vmul.f32 v3, v2;
	_ =	sdelay $0x1  }
0x1a7: {  	[tilespmem:s26+$0xFFFFFE20] =	vst v3  }
0x1a8: {  	[tilespmem:s26+$0xFFFFFE30] =	vst v1;
	v1 =	vld [tilespmem:s26+$0xFFFFFE50]  }
0x1a9: {  	v2 =	vld.idx.msk [tilespmem:v5+s20+$0x0], $0xffff  }
0x1aa: {  	v3 =	vld [tilespmem:s26+$0xFFFFFE40]  }
0x1ab: {  	v4 =	vor.u32 $0x3, v4;
	_ =	sdelay $0x3  }
0x1ac: {  	v1 =	vmul.f32 v1, v2;
	v3 =	vmul.f32 v3, v2;
	_ =	sdelay $0x1  }
0x1ad: {  	[tilespmem:s26+$0xFFFFFE40] =	vst v3  }
0x1ae: {  	[tilespmem:s26+$0xFFFFFE50] =	vst v1;
	v1 =	vld [tilespmem:s26+$0xFFFFFE70]  }
0x1af: {  	v2 =	vld.idx.msk [tilespmem:v4+s20+$0x0], $0xffff  }
0x1b0: {  	v4 =	vmov s14;
	v3 =	vld [tilespmem:s26+$0xFFFFFE60];
	_ =	sdelay $0x4  }
0x1b1: {  	v1 =	vmul.f32 v1, v2;
	v3 =	vmul.f32 v3, v2;
	_ =	sdelay $0x1  }
0x1b2: {  	[tilespmem:s26+$0xFFFFFE60] =	vst v3  }
0x1b3: {  	[tilespmem:s26+$0xFFFFFE70] =	vst v1;
	v1 =	vld [tilespmem:s26+$0xFFFFFE90]  }
0x1b4: {  	v3 =	vor.u32 $0x1, v4;
	v2 =	vld.idx.msk [tilespmem:v4+s20+$0x0], $0xffff  }
0x1b5: {  	v5 =	vld [tilespmem:s26+$0xFFFFFE80];
	_ =	sdelay $0x4  }
0x1b6: {  	v1 =	vmul.f32 v1, v2;
	v5 =	vmul.f32 v5, v2;
	_ =	sdelay $0x1  }
0x1b7: {  	[tilespmem:s26+$0xFFFFFE80] =	vst v5  }
0x1b8: {  	v2 =	vor.u32 $0x2, v4;
	[tilespmem:s26+$0xFFFFFE90] =	vst v1;
	v1 =	vld [tilespmem:s26+$0xFFFFFEB0]  }
0x1b9: {  	v3 =	vld.idx.msk [tilespmem:v3+s20+$0x0], $0xffff  }
0x1ba: {  	v5 =	vld [tilespmem:s26+$0xFFFFFEA0];
	_ =	sdelay $0x4  }
0x1bb: {  	v1 =	vmul.f32 v1, v3;
	v5 =	vmul.f32 v5, v3;
	_ =	sdelay $0x1  }
0x1bc: {  	v3 =	vor.u32 $0x3, v4;
	[tilespmem:s26+$0xFFFFFEA0] =	vst v5  }
0x1bd: {  	[tilespmem:s26+$0xFFFFFEB0] =	vst v1;
	v1 =	vld [tilespmem:s26+$0xFFFFFED0]  }
0x1be: {  	v2 =	vld.idx.msk [tilespmem:v2+s20+$0x0], $0xffff  }
0x1bf: {  	v4 =	vld [tilespmem:s26+$0xFFFFFEC0];
	_ =	sdelay $0x4  }
0x1c0: {  	v1 =	vmul.f32 v1, v2;
	v4 =	vmul.f32 v4, v2  }
0x1c1: {  	v2 =	vmov s13  }
0x1c2: {  	[tilespmem:s26+$0xFFFFFEC0] =	vst v4  }
0x1c3: {  	[tilespmem:s26+$0xFFFFFED0] =	vst v1;
	v1 =	vld [tilespmem:s26+$0xFFFFFEF0]  }
0x1c4: {  	v3 =	vld.idx.msk [tilespmem:v3+s20+$0x0], $0xffff  }
0x1c5: {  	v4 =	vld [tilespmem:s26+$0xFFFFFEE0];
	_ =	sdelay $0x4  }
0x1c6: {  	v1 =	vmul.f32 v1, v3;
	v4 =	vmul.f32 v4, v3;
	v3 =	vor.u32 $0x1, v2;
	_ =	sdelay $0x1  }
0x1c7: {  	[tilespmem:s26+$0xFFFFFEE0] =	vst v4  }
0x1c8: {  	[tilespmem:s26+$0xFFFFFEF0] =	vst v1;
	v1 =	vld [tilespmem:s26+$0xFFFFFF10]  }
0x1c9: {  	v4 =	vld.idx.msk [tilespmem:v2+s20+$0x0], $0xffff  }
0x1ca: {  	v5 =	vld [tilespmem:s26+$0xFFFFFF00];
	_ =	sdelay $0x3  }
0x1cb: {  	v6 =	vor.u32 $0x2, v2  }
0x1cc: {  	v1 =	vmul.f32 v1, v4;
	v5 =	vmul.f32 v5, v4;
	_ =	sdelay $0x1  }
0x1cd: {  	[tilespmem:s26+$0xFFFFFF00] =	vst v5  }
0x1ce: {  	[tilespmem:s26+$0xFFFFFF10] =	vst v1;
	v1 =	vld [tilespmem:s26+$0xFFFFFF30]  }
0x1cf: {  	v3 =	vld.idx.msk [tilespmem:v3+s20+$0x0], $0xffff  }
0x1d0: {  	v4 =	vld [tilespmem:s26+$0xFFFFFF20];
	_ =	sdelay $0x2  }
0x1d1: {  	v2 =	vor.u32 $0x3, v2;
	_ =	sdelay $0x1  }
0x1d2: {  	v1 =	vmul.f32 v1, v3;
	v4 =	vmul.f32 v4, v3;
	_ =	sdelay $0x1  }
0x1d3: {  	[tilespmem:s26+$0xFFFFFF20] =	vst v4  }
0x1d4: {  	[tilespmem:s26+$0xFFFFFF30] =	vst v1;
	v1 =	vld [tilespmem:s26+$0xFFFFFF50]  }
0x1d5: {  	v3 =	vld.idx.msk [tilespmem:v6+s20+$0x0], $0xffff  }
0x1d6: {  	v4 =	vld [tilespmem:s26+$0xFFFFFF40];
	_ =	sdelay $0x1  }
0x1d7: {  	v5 =	vmov s12;
	_ =	sdelay $0x2  }
0x1d8: {  	v1 =	vmul.f32 v1, v3;
	v4 =	vmul.f32 v4, v3;
	_ =	sdelay $0x1  }
0x1d9: {  	[tilespmem:s26+$0xFFFFFF40] =	vst v4  }
0x1da: {  	[tilespmem:s26+$0xFFFFFF50] =	vst v1;
	v1 =	vld [tilespmem:s26+$0xFFFFFF70]  }
0x1db: {  	v2 =	vld.idx.msk [tilespmem:v2+s20+$0x0], $0xffff  }
0x1dc: {  	v3 =	vld [tilespmem:s26+$0xFFFFFF60]  }
0x1dd: {  	v4 =	vor.u32 $0x1, v5;
	_ =	sdelay $0x3  }
0x1de: {  	v1 =	vmul.f32 v1, v2;
	v3 =	vmul.f32 v3, v2;
	_ =	sdelay $0x1  }
0x1df: {  	[tilespmem:s26+$0xFFFFFF60] =	vst v3  }
0x1e0: {  	[tilespmem:s26+$0xFFFFFF70] =	vst v1;
	v1 =	vld [tilespmem:s26+$0xFFFFFF90]  }
0x1e1: {  	v2 =	vld.idx.msk [tilespmem:v5+s20+$0x0], $0xffff  }
0x1e2: {  	v6 =	vor.u32 $0x2, v5;
	v3 =	vld [tilespmem:s26+$0xFFFFFF80];
	_ =	sdelay $0x4  }
0x1e3: {  	v1 =	vmul.f32 v1, v2;
	v3 =	vmul.f32 v3, v2;
	_ =	sdelay $0x1  }
0x1e4: {  	[tilespmem:s26+$0xFFFFFF80] =	vst v3  }
0x1e5: {  	[tilespmem:s26+$0xFFFFFF90] =	vst v1;
	v1 =	vld [tilespmem:s26+$0xFFFFFFB0]  }
0x1e6: {  	v3 =	vor.u32 $0x3, v5;
	v2 =	vld.idx.msk [tilespmem:v4+s20+$0x0], $0xffff  }
0x1e7: {  	v4 =	vld [tilespmem:s26+$0xFFFFFFA0];
	_ =	sdelay $0x4  }
0x1e8: {  	v1 =	vmul.f32 v1, v2;
	v4 =	vmul.f32 v4, v2;
	v2 =	vld [tilespmem:s26+$0xFFFFFFF0];
	_ =	sdelay $0x1  }
0x1e9: {  	[tilespmem:s26+$0xFFFFFFA0] =	vst v4  }
0x1ea: {  	v4 =	vmov s4;
	[tilespmem:s26+$0xFFFFFFB0] =	vst v1;
	v1 =	vld [tilespmem:s26+$0xFFFFFFD0]  }
0x1eb: {  	v5 =	vld.idx.msk [tilespmem:v6+s20+$0x0], $0xffff  }
0x1ec: {  	v6 =	vld [tilespmem:s26+$0xFFFFFFC0];
	_ =	sdelay $0x4  }
0x1ed: {  	v1 =	vmul.f32 v1, v5;
	v6 =	vmul.f32 v6, v5;
	_ =	sdelay $0x1  }
0x1ee: {  	v5 =	vor.u32 $0x1, v4;
	[tilespmem:s26+$0xFFFFFFC0] =	vst v6  }
0x1ef: {  	[tilespmem:s26+$0xFFFFFFD0] =	vst v1  }
0x1f0: {  	v1 =	vld.idx.msk [tilespmem:v3+s20+$0x0], $0xffff  }
0x1f1: {  	v3 =	vld [tilespmem:s26+$0xFFFFFFE0];
	_ =	sdelay $0x4  }
0x1f2: {  	v3 =	vmul.f32 v3, v1;
	v1 =	vmul.f32 v2, v1  }
0x1f3: {  	v2 =	vor.u32 $0x2, v4  }
0x1f4: {  	[tilespmem:s26+$0xFFFFFFE0] =	vst v3  }
0x1f5: {  	[tilespmem:s26+$0xFFFFFFF0] =	vst v1;
	v1 =	vld [tilespmem:s26+$0x10]  }
0x1f6: {  	v3 =	vld.idx.msk [tilespmem:v4+s20+$0x0], $0xffff  }
0x1f7: {  	v6 =	vld [tilespmem:s26+$0x0];
	_ =	sdelay $0x4  }
0x1f8: {  	v1 =	vmul.f32 v1, v3;
	v6 =	vmul.f32 v6, v3;
	v3 =	vor.u32 $0x3, v4;
	_ =	sdelay $0x1  }
0x1f9: {  	[tilespmem:s26+$0x0] =	vst v6  }
0x1fa: {  	[tilespmem:s26+$0x10] =	vst v1;
	v1 =	vld [tilespmem:s26+$0x30]  }
0x1fb: {  	v4 =	vld.idx.msk [tilespmem:v5+s20+$0x0], $0xffff  }
0x1fc: {  	v5 =	vld [tilespmem:s26+$0x20];
	_ =	sdelay $0x3  }
0x1fd: {  	v6 =	vmov s0  }
0x1fe: {  	v1 =	vmul.f32 v1, v4;
	v5 =	vmul.f32 v5, v4;
	_ =	sdelay $0x1  }
0x1ff: {  	[tilespmem:s26+$0x20] =	vst v5  }
0x200: {  	[tilespmem:s26+$0x30] =	vst v1;
	v1 =	vld [tilespmem:s26+$0x50]  }
0x201: {  	v2 =	vld.idx.msk [tilespmem:v2+s20+$0x0], $0xffff  }
0x202: {  	v4 =	vld [tilespmem:s26+$0x40];
	_ =	sdelay $0x2  }
0x203: {  	v5 =	vor.u32 $0x1, v6;
	_ =	sdelay $0x1  }
0x204: {  	v1 =	vmul.f32 v1, v2;
	v4 =	vmul.f32 v4, v2;
	_ =	sdelay $0x1  }
0x205: {  	[tilespmem:s26+$0x40] =	vst v4  }
0x206: {  	[tilespmem:s26+$0x50] =	vst v1;
	v1 =	vld [tilespmem:s26+$0x70]  }
0x207: {  	v2 =	vld.idx.msk [tilespmem:v3+s20+$0x0], $0xffff  }
0x208: {  	v3 =	vld [tilespmem:s26+$0x60];
	_ =	sdelay $0x1  }
0x209: {  	v4 =	vor.u32 $0x2, v6;
	_ =	sdelay $0x2  }
0x20a: {  	v1 =	vmul.f32 v1, v2;
	v3 =	vmul.f32 v3, v2;
	_ =	sdelay $0x1  }
0x20b: {  	[tilespmem:s26+$0x60] =	vst v3  }
0x20c: {  	[tilespmem:s26+$0x70] =	vst v1;
	v1 =	vld [tilespmem:s26+$0x90]  }
0x20d: {  	v2 =	vld.idx.msk [tilespmem:v6+s20+$0x0], $0xffff  }
0x20e: {  	v3 =	vld [tilespmem:s26+$0x80]  }
0x20f: {  	v6 =	vor.u32 $0x3, v6;
	_ =	sdelay $0x3  }
0x210: {  	v1 =	vmul.f32 v1, v2;
	v3 =	vmul.f32 v3, v2;
	_ =	sdelay $0x1  }
0x211: {  	[tilespmem:s26+$0x80] =	vst v3  }
0x212: {  	[tilespmem:s26+$0x90] =	vst v1;
	v1 =	vld [tilespmem:s26+$0xB0]  }
0x213: {  	v2 =	vld.idx.msk [tilespmem:v5+s20+$0x0], $0xffff  }
0x214: {  	v5 =	vmov s31;
	v3 =	vld [tilespmem:s26+$0xA0];
	_ =	sdelay $0x4  }
0x215: {  	v1 =	vmul.f32 v1, v2;
	v3 =	vmul.f32 v3, v2;
	_ =	sdelay $0x1  }
0x216: {  	[tilespmem:s26+$0xA0] =	vst v3  }
0x217: {  	[tilespmem:s26+$0xB0] =	vst v1;
	v1 =	vld [tilespmem:s26+$0xD0]  }
0x218: {  	v3 =	vor.u32 $0x1, v5;
	v2 =	vld.idx.msk [tilespmem:v4+s20+$0x0], $0xffff  }
0x219: {  	v4 =	vld [tilespmem:s26+$0xC0];
	_ =	sdelay $0x4  }
0x21a: {  	v1 =	vmul.f32 v1, v2;
	v4 =	vmul.f32 v4, v2;
	_ =	sdelay $0x1  }
0x21b: {  	[tilespmem:s26+$0xC0] =	vst v4  }
0x21c: {  	v2 =	vor.u32 $0x2, v5;
	[tilespmem:s26+$0xD0] =	vst v1;
	v1 =	vld [tilespmem:s26+$0xF0]  }
0x21d: {  	v4 =	vld.idx.msk [tilespmem:v6+s20+$0x0], $0xffff  }
0x21e: {  	v6 =	vld [tilespmem:s26+$0xE0];
	_ =	sdelay $0x4  }
0x21f: {  	v1 =	vmul.f32 v1, v4;
	v6 =	vmul.f32 v6, v4;
	_ =	sdelay $0x1  }
0x220: {  	v4 =	vor.u32 $0x3, v5;
	[tilespmem:s26+$0xE0] =	vst v6  }
0x221: {  	[tilespmem:s26+$0xF0] =	vst v1;
	v1 =	vld [tilespmem:s26+$0x110]  }
0x222: {  	v5 =	vld.idx.msk [tilespmem:v5+s20+$0x0], $0xffff  }
0x223: {  	v6 =	vld [tilespmem:s26+$0x100];
	_ =	sdelay $0x4  }
0x224: {  	v1 =	vmul.f32 v1, v5;
	v6 =	vmul.f32 v6, v5  }
0x225: {  	v5 =	vmov s30  }
0x226: {  	[tilespmem:s26+$0x100] =	vst v6  }
0x227: {  	[tilespmem:s26+$0x110] =	vst v1;
	v1 =	vld [tilespmem:s26+$0x130]  }
0x228: {  	v3 =	vld.idx.msk [tilespmem:v3+s20+$0x0], $0xffff  }
0x229: {  	v6 =	vld [tilespmem:s26+$0x120];
	_ =	sdelay $0x4  }
0x22a: {  	v1 =	vmul.f32 v1, v3;
	v6 =	vmul.f32 v6, v3;
	v3 =	vor.u32 $0x1, v5;
	_ =	sdelay $0x1  }
0x22b: {  	[tilespmem:s26+$0x120] =	vst v6  }
0x22c: {  	[tilespmem:s26+$0x130] =	vst v1;
	v1 =	vld [tilespmem:s26+$0x150]  }
0x22d: {  	v6 =	vld.idx.msk [tilespmem:v2+s20+$0x0], $0xffff  }
0x22e: {  	v7 =	vld [tilespmem:s26+$0x140];
	_ =	sdelay $0x3  }
0x22f: {  	v2 =	vor.u32 $0x2, v5  }
0x230: {  	v1 =	vmul.f32 v1, v6;
	v7 =	vmul.f32 v7, v6;
	_ =	sdelay $0x1  }
0x231: {  	[tilespmem:s26+$0x140] =	vst v7  }
0x232: {  	[tilespmem:s26+$0x150] =	vst v1;
	v6 =	vld [tilespmem:s26+$0x170]  }
0x233: {  	v4 =	vld.idx.msk [tilespmem:v4+s20+$0x0], $0xffff  }
0x234: {  	v7 =	vld [tilespmem:s26+$0x160];
	_ =	sdelay $0x2  }
0x235: {  	v1 =	vor.u32 $0x3, v5;
	_ =	sdelay $0x1  }
0x236: {  	v7 =	vmul.f32 v7, v4;
	v4 =	vmul.f32 v6, v4;
	_ =	sdelay $0x1  }
0x237: {  	[tilespmem:s26+$0x160] =	vst v7  }
0x238: {  	[tilespmem:s26+$0x170] =	vst v4;
	v4 =	vld [tilespmem:s26+$0x180]  }
0x239: {  	v6 =	vld.idx.msk [tilespmem:v5+s20+$0x0], $0xffff  }
0x23a: {  	v7 =	vld [tilespmem:s26+$0x190]  }
.Ltmp1:
0x23b: {  	(pc) =	sbr.rel @p1 .LBB2_5-.Ltmp1, $2  }
0x23c: {  	_ =	sdelay $0x2  }
0x23d: {  	v5 =	vmul.f32 v4, v6;
	v4 =	vmul.f32 v7, v6  }
0x23e: {  	_ =	sdelay $0x1  }
0x23f: {  	[tilespmem:s28+$0x180] =	vst v5  }
0x240: {  	v61 =	vld [tilespmem:s28+$0x1A0];
	[tilespmem:s28+$0x190] =	vst v4  }
0x241: {  	v3 =	vld.idx.msk [tilespmem:v3+s20+$0x0], $0xffff  }
0x242: {  	v62 =	vld [tilespmem:s28+$0x1B0];
	_ =	sdelay $0x3  }
0x243: {  	v4 =	vmul.f32 v61, v3  }
0x244: {  	v3 =	vmul.f32 v62, v3  }
0x245: {  	[tilespmem:s28+$0x1A0] =	vst v4  }
0x246: {  	[tilespmem:s28+$0x1B0] =	vst v3;
	v3 =	vld [tilespmem:s28+$0x1C0]  }
0x247: {  	v2 =	vld.idx.msk [tilespmem:v2+s20+$0x0], $0xffff  }
0x248: {  	v63 =	vld [tilespmem:s28+$0x1D0];
	_ =	sdelay $0x3  }
0x249: {  	v3 =	vmul.f32 v3, v2  }
0x24a: {  	v2 =	vmul.f32 v63, v2  }
0x24b: {  	[tilespmem:s28+$0x1C0] =	vst v3  }
0x24c: {  	[tilespmem:s28+$0x1D0] =	vst v2;
	v2 =	vld [tilespmem:s28+$0x1E0]  }
0x24d: {  	v1 =	vld.idx.msk [tilespmem:v1+s20+$0x0], $0xffff  }
0x24e: {  	v3 =	vld [tilespmem:s28+$0x1F0];
	_ =	sdelay $0x3  }
0x24f: {  	v2 =	vmul.f32 v2, v1  }
0x250: {  	s25 =	sadd.s32 $0x1, s25;
	v1 =	vmul.f32 v3, v1  }
0x251: {  	p1 =	sne.s32 s25, $0x7D;
	[tilespmem:s28+$0x1E0] =	vst v2  }
.Ltmp2:
0x252: {  	[tilespmem:s28+$0x1F0] =	vst v1;
	(pc) =	sbr.rel @p1 .LBB2_2-.Ltmp2, $4  }
0x253: {  	[spmem:s5] =	stream.indirect.scatter.add.f32 [tilespmem:s17], [sflag:$0x4], $0x80, s16, s16, $0xb8;
	[tilespmem:$0x168A0] =	vst v63  }
0x254: {  	_ =	swait.ge [sflag:s15], $0x2800  }
0x255: {  	[sflag:s15] =	ssyncset.done $0x0  }
0x256: {  	[sflag:s15] =	ssyncadd.s32 $0xFFFFD800  }
0x257: {  	[bflag:$0x0] =	sbarrier.arrive $0xFFFF  }
0x258: {  	s4 =	rddreg [dreg:$0x7]  }
0x259: {  	s0 =	simm.s32 @!p0 $0x1C04;
	s12 =	rddreg [dreg:$0x9]  }
0x25a: {  	[hbm:s4], [sflag:s0] =	dma.local @!p0 [spmem:s12], $0x27100  }
0x25b: {  	s0 =	simm.s32 @!p0 $0x4  }
0x25c: {  	_ =	swait.ge @!p0 [sflag:s0], $0x27100  }
0x25d: {  	s24 =	sadd.s32 $0x1, s24;
	s31 =	rddreg [dreg:$0x8]  }
0x25e: {  	p1 =	sne.s32 s24, s31  }
.Ltmp3:
0x25f: {  	_ = 	snop;
	(pc) =	sbr.rel @p1 .LBB2_1-.Ltmp3, $3  }
0x260: {  	_ =	sdelay $0x1  }
0x261: {  	[sflag:s0] =	ssyncset.done @!p0 $0x0  }
0x262: {  	[sflag:s0] =	ssyncadd.s32 @!p0 $0xFFFD8F00  }
0x263: {  	_ =	sfence.sel $0x180000  }
0x264: {  	[bflag:$0x0] =	sbarrier.arrive $0xFFFF  }
0x265: {  	_ =	strace $0x9000004A  }
0x266: {  	[bflag:$0x2] =	sbarrier.arrive $0xFFFF  }
0x267: {  	s0 =	rddreg [dreg:$0x6]  }
0x268: {  	s0 =	sadd.s32 @!p0 $0x100000, s0  }
0x269: {  	[sflag:s0] =	ssyncadd.tile.s32 @!p0 $0x1;
	_ =	shalt  }
.Lfunc_end2:
_tile_overlayer_lowered:
.L_overlay_start_2:
0x26a: {  	(tag) =	ssettag $0x2  }
0x26b: {  	s0 =	rddreg [dreg:$0x0];
	s2 =	stileid.u32  }
0x26c: {  	s1 =	rddreg [dreg:$0x1];
	p0 =	sne.s32 s2, $0x0  }
0x26d: {  	s3 =	rddreg [dreg:$0x2];
	[bflag:$0x3] =	sbarrier.arrive $0xFFFF;
	s2 =	simm.s32 @!p0 $0x1C04  }
0x26e: {  	[timem:s3], [sflag:s2] =	dma.local @!p0 [hbm:s0], s1  }
0x26f: {  	s0 =	simm.s32 @!p0 $0x4  }
0x270: {  	_ =	swait.ge @!p0 [sflag:s0], s1  }
0x271: {  	s1 =	ssub.s32 @!p0 $0x0, s1;
	[sflag:s0] =	ssyncset.done @!p0 $0x0  }
0x272: {  	[sflag:s0] =	ssyncadd.s32 @!p0 s1  }
0x273: {  	[bflag:$0x3] =	sbarrier.arrive $0xFFFF  }
0x274: {  	_ =	shalt  }

// kernel: kernel.20.cloned.1.call-start
scs
__scs_entry_jumppad:
0x0: {  	(pc) =	sbr.rel $0x88, $3  }
0x1: {  	(tag) =	ssettag $0x0;
	lr =	simm.s32 $0x1  }
0x2: {  	[smem:$0x3F95] =	sst lr;
	_ =	strace $0xD0000000  }
0x3: {  	_ = 	snop  }
0x4: {  	_ = 	snop  }
0x5: {  	_ = 	snop  }
0x6: {  	_ = 	snop  }
0x7: {  	_ = 	snop  }
__scs_overlays_trampoline_lowered:
0x8: {  	[smem:$0x3FA4] =	sst s0  }
0x9: {  	[smem:$0x3FA5] =	sst s1  }
0xa: {  	[smem:$0x3FA6] =	sst s2  }
0xb: {  	[smem:$0x3FA7] =	sst s3  }
0xc: {  	[smem:$0x3FA8] =	sst s4  }
0xd: {  	[smem:$0x3FA9] =	sst s5  }
0xe: {  	[smem:$0x3FAA] =	sst s6  }
0xf: {  	[smem:$0x3FAB] =	sst s7  }
0x10: {  	[smem:$0x3FAC] =	sst s8  }
0x11: {  	[smem:$0x3FAD] =	sst s9;
	s0 =	simm.s32 @!p0 $0x0  }
0x12: {  	s1 =	sld [smem:$0x3F93];
	s0 =	simm.s32 @p0 $0x1  }
0x13: {  	[smem:$0x3FAE] =	sst s0;
	s0 =	simm.s32 @!p1 $0x0  }
0x14: {  	s2 =	sld [smem:$0x3F92];
	s0 =	simm.s32 @p1 $0x1  }
0x15: {  	[smem:$0x3FAF] =	sst s0;
	s0 =	simm.s32 @!p2 $0x0  }
0x16: {  	s3 =	sld [smem:$0x3FDB];
	s0 =	simm.s32 @p2 $0x1  }
0x17: {  	s4 =	simm.s32 $0x1BF5;
	[smem:$0x3FB1] =	sst s0  }
0x18: {  	s0 =	sld [smem:$0x3F94];
	_ =	swait.ge [sflag:s4], $0x0  }
0x19: {  	s7 =	sld [smem:$0x3F95]  }
0x1a: {  	s8 =	sadd.s32 $0xFFFFE003, lr  }
0x1b: {  	s9 =	sadd.s32 $0xFFFFFEF7, lr;
	s5 =	simm.s32 $0xFFFFFFFF;
	p2 =	slt.u32 s8, $0xFFFFF086  }
0x1c: {  	p1 =	slt.u32 s9, $0xF7A;
	s5 =	simm.s32 @!p2 $0x0  }
0x1d: {  	s5 =	simm.s32 @p1 $0x1;
	p0 =	seq.s32 s7, s2  }
0x1e: {  	s7 =	smul.u32 @!p0 $0xF7A, s2;
	p2 =	seq.s32 @!p0 s5, $0x0  }
0x1f: {  	s9 =	smul.u32 $0xF7A, s1;
	s8 =	simm.s32 @!p0 $0x1BF5;
	p2 =	por !p2, p0  }
0x20: {  	[sflag:s8] =	ssyncset.s32 @!p0 $0xFFFFF086;
	s6 =	sadd.s32 @!p0 s3, s7;
	s7 =	simm.s32 @!p0 $0x108  }
0x21: {  	s3 =	sadd.s32 s3, s9;
	s6 =	sadd.s32 @!p0 $0x88, s6;
	s7 =	simm.s32 @p2 $0x1082  }
0x22: {  	[simem:s7], [sflag:s8] =	dma.local @!p0 [hbm:s6], $0xF7A  }
0x23: {  	s9 =	sor.u32 $0xD0000000, s2;
	s6 =	simm.s32 $0x108;
	_ =	swait.ge @!p0 [sflag:s8], $0x0  }
0x24: {  	s3 =	sadd.s32 $0x88, s3;
	s6 =	simm.s32 @!p1 $0x1082;
	[sflag:s4] =	ssyncset.s32 $0xFFFFF086  }
0x25: {  	[simem:s6], [sflag:s4] =	dma.local [hbm:s3], $0xF7A  }
0x26: {  	[smem:$0x3F95] =	sst s1;
	(tag) =	ssettag s2;
	_ =	strace s9  }
0x27: {  	s1 =	sld [smem:$0x3FA5]  }
0x28: {  	s2 =	sld [smem:$0x3FA6]  }
0x29: {  	s4 =	sld [smem:$0x3FA8]  }
0x2a: {  	p0 =	seq.s32 s5, $0x0;
	s5 =	sld [smem:$0x3FA9]  }
0x2b: {  	s6 =	sld [smem:$0x3FAA]  }
0x2c: {  	s7 =	sld [smem:$0x3FAB]  }
0x2d: {  	s3 =	simm.s32 $0x108;
	s8 =	sld [smem:$0x3FAC]  }
0x2e: {  	s3 =	simm.s32 @!p0 $0x1082;
	s9 =	sld [smem:$0x3FAD]  }
0x2f: {  	lr =	sadd.s32 s0, s3;
	s0 =	sld [smem:$0x3FA4]  }
0x30: {  	s3 =	sld [smem:$0x3FA7]  }
0x31: {  	[smem:$0x3FB0] =	sst s10  }
0x32: {  	s10 =	sld [smem:$0x3FAE];
	_ =	sdelay $0x3  }
0x33: {  	p0 =	seq.s32 s10, $0x1;
	s10 =	sld [smem:$0x3FB0];
	_ =	sdelay $0x3  }
0x34: {  	[smem:$0x3FB0] =	sst s10  }
0x35: {  	s10 =	sld [smem:$0x3FAF];
	_ =	sdelay $0x3  }
0x36: {  	p1 =	seq.s32 s10, $0x1;
	s10 =	sld [smem:$0x3FB0];
	_ =	sdelay $0x3  }
0x37: {  	[smem:$0x3FB0] =	sst s10  }
0x38: {  	s10 =	sld [smem:$0x3FB1]  }
0x39: {  	_ = 	snop;
	(pc) =	sbr.ind lr, $3  }
0x3a: {  	_ = 	snop  }
0x3b: {  	_ = 	snop  }
0x3c: {  	p2 =	seq.s32 s10, $0x1;
	s10 =	sld [smem:$0x3FB0]  }
0x3d: {  	_ =	shalt  }
0x3e: {  	_ =	shalt  }
0x3f: {  	_ =	shalt  }
0x40: {  	_ =	shalt  }
0x41: {  	_ =	shalt  }
0x42: {  	_ =	shalt  }
0x43: {  	_ =	shalt  }
0x44: {  	_ =	shalt  }
0x45: {  	_ =	shalt  }
0x46: {  	_ =	shalt  }
0x47: {  	_ =	shalt  }
0x48: {  	_ =	shalt  }
0x49: {  	_ =	shalt  }
0x4a: {  	_ =	shalt  }
0x4b: {  	_ =	shalt  }
0x4c: {  	_ =	shalt  }
0x4d: {  	_ =	shalt  }
0x4e: {  	_ =	shalt  }
0x4f: {  	_ =	shalt  }
0x50: {  	_ =	shalt  }
0x51: {  	_ =	shalt  }
0x52: {  	_ =	shalt  }
0x53: {  	_ =	shalt  }
0x54: {  	_ =	shalt  }
0x55: {  	_ =	shalt  }
0x56: {  	_ =	shalt  }
0x57: {  	_ =	shalt  }
0x58: {  	_ =	shalt  }
0x59: {  	_ =	shalt  }
0x5a: {  	_ =	shalt  }
0x5b: {  	_ =	shalt  }
0x5c: {  	_ =	shalt  }
0x5d: {  	_ =	shalt  }
0x5e: {  	_ =	shalt  }
0x5f: {  	_ =	shalt  }
0x60: {  	_ =	shalt  }
0x61: {  	_ =	shalt  }
0x62: {  	_ =	shalt  }
0x63: {  	_ =	shalt  }
0x64: {  	_ =	shalt  }
0x65: {  	_ =	shalt  }
0x66: {  	_ =	shalt  }
0x67: {  	_ =	shalt  }
0x68: {  	_ =	shalt  }
0x69: {  	_ =	shalt  }
0x6a: {  	_ =	shalt  }
0x6b: {  	_ =	shalt  }
0x6c: {  	_ =	shalt  }
0x6d: {  	_ =	shalt  }
0x6e: {  	_ =	shalt  }
0x6f: {  	_ =	shalt  }
0x70: {  	_ =	shalt  }
0x71: {  	_ =	shalt  }
0x72: {  	_ =	shalt  }
0x73: {  	_ =	shalt  }
0x74: {  	_ =	shalt  }
0x75: {  	_ =	shalt  }
0x76: {  	_ =	shalt  }
0x77: {  	_ =	shalt  }
0x78: {  	_ =	shalt  }
0x79: {  	_ =	shalt  }
0x7a: {  	_ =	shalt  }
0x7b: {  	_ =	shalt  }
0x7c: {  	_ =	shalt  }
0x7d: {  	_ =	shalt  }
0x7e: {  	_ =	shalt  }
0x7f: {  	_ =	shalt  }
0x80: {  	_ =	shalt  }
0x81: {  	_ =	shalt  }
0x82: {  	_ =	shalt  }
0x83: {  	_ =	shalt  }
0x84: {  	_ =	shalt  }
0x85: {  	_ =	shalt  }
0x86: {  	_ =	shalt  }
0x87: {  	_ =	shalt  }
.Lfunc_end0:
.L_simem_size_0:
called_computation.2_lowered:
.L_overlay_start_0:
0x88: {  	s2 =	sld [smem:$0x3FD9]  }
0x89: {  	s3 =	sld [smem:$0x3FFE];
	_ =	sdelay $0x1  }
0x8a: {  	s1 =	srdreg.scid  }
0x8b: {  	s0 =	sand.u32 $0x1, s1  }
0x8c: {  	s14 =	sshll.u32 s0, $0xA;
	s2 =	sadd.s32 s3, s2  }
0x8d: {  	s2 =	sadd.s32 s2, s14  }
0x8e: {  	[smem:$0x3FBC] =	sst s2  }
0x8f: {  	_ = 	snop  }
0x90: {  	s2 =	sld [smem:$0x3FD0];
	_ =	sdelay $0x2  }
0x91: {  	s15 =	simm.s32 $0xA;
	s4 =	simm.s32 $0x10  }
0x92: {  	[smem:s4], [sflag:s15] =	dma.local [hbm:s2], $0x1  }
0x93: {  	_ =	swait.eq [sflag:s15], $0x1  }
0x94: {  	[sflag:s15] =	ssyncset.done $0x0  }
0x95: {  	s16 =	sld [smem:$0x10];
	[sflag:s15] =	ssyncadd.s32 $0xFFFFFFFF  }
0x96: {  	s17 =	sld [smem:$0x13];
	(tm) =	ssettm $0x1  }
0x97: {  	s18 =	sld [smem:$0x3FFB];
	_ =	sdelay $0x3  }
0x98: {  	_ =	strace s18  }
0x99: {  	s4 =	sld [smem:$0x3FFC];
	_ =	sdelay $0x3  }
0x9a: {  	_ =	strace s4  }
0x9b: {  	s4 =	sld [smem:$0x3FFD];
	_ =	sdelay $0x3  }
0x9c: {  	_ =	strace s4  }
0x9d: {  	_ =	strace $0x8FFFFFFF  }
0x9e: {  	s19 =	sld [smem:$0x3FDB];
	_ =	sdelay $0x1  }
0x9f: {  	s5 =	simm.s32 $_scs_section_size  }
0xa0: {  	s6 =	simm.s32 $_size__tile_overlayer_lowered;
	s7 =	simm.s32 $_tile_overlayer_lowered  }
0xa1: {  	s22 =	simm.s32 $0x1BFF;
	s21 =	sshll.u32 s7, $0x1;
	s4 =	sadd.s32 s5, s19  }
0xa2: {  	s8 =	simm.s32 $0x0;
	s20 =	sshll.u32 s6, $0x1;
	s6 =	sadd.s32 s21, s4  }
0xa3: {  	[timem:s8], [sflag:s22] =	dma.local [hbm:s6], s20  }
0xa4: {  	_ =	swait.ge [sflag:s22], s20  }
0xa5: {  	s5 =	ssub.s32 $0x0, s20;
	[sflag:s22] =	ssyncset.done $0x0  }
0xa6: {  	[sflag:s22] =	ssyncadd.s32 s5;
	_ =	sdelay $0x1  }
0xa7: {  	s23 =	simm.s32 $0x1B8B  }
0xa8: {  	_ =	swait.ge [sflag:s23], $0x1  }
0xa9: {  	[sflag:s23] =	ssyncset.done $0x0  }
0xaa: {  	s25 =	simm.s32 $0x1B8E;
	s24 =	sld [smem:$0x3FFE];
	[sflag:s23] =	ssyncadd.s32 $0xFFFFFFFF  }
0xab: {  	s26 =	simm.s32 $execute0_lowered;
	[smem:$0x3FD2] =	sst s25  }
0xac: {  	s6 =	sshll.u32 s26, $0x1;
	_ =	strace $0x8000004C;
	[dreg:$0x1] =	wrdreg $0xFFFFFFFF  }
0xad: {  	s28 =	simm.s32 $_size_execute0_lowered;
	s4 =	sadd.s32 s4, s6;
	[dreg:$0x0] =	wrdreg $0x0  }
0xae: {  	s6 =	sshll.u32 s28, $0x1;
	[dreg:$0x2] =	wrdreg s4  }
0xaf: {  	[dreg:$0x3] =	wrdreg s6  }
0xb0: {  	[dreg:$0x4] =	wrdreg $0xC0  }
0xb1: {  	_ =	task [dreg:s8], $0x5FFFF  }
0xb2: {  	[dreg:$0x1] =	wrdreg $0xFFFFFFFF  }
0xb3: {  	[dreg:$0x0] =	wrdreg $0x60  }
0xb4: {  	[dreg:$0x2] =	wrdreg s17  }
0xb5: {  	[dreg:$0x3] =	wrdreg s24  }
0xb6: {  	[dreg:$0x4] =	wrdreg s16  }
0xb7: {  	[dreg:$0x5] =	wrdreg $0x13BA00  }
0xb8: {  	[dreg:$0x6] =	wrdreg $0x9  }
0xb9: {  	_ =	task.clear_ibuf [dreg:s8], $0x7FFFF;
	_ =	strace $0x9000004C  }
0xba: {  	s29 =	simm.s32 $0x9;
	_ =	strace $0x8000004E  }
0xbb: {  	_ =	swait.ge [sflag:s29], $0x1  }
0xbc: {  	[sflag:s29] =	ssyncadd.s32 $0xFFFFFFFF  }
0xbd: {  	_ =	strace $0x9000004E  }
0xbe: {  	_ =	sfence  }
0xbf: {  	s30 =	sld [smem:$0x0];
	_ =	sdelay $0x2  }
0xc0: {  	s31 =	sshll.u32 s1, $0xD;
	s1 =	sshrl.u32 s1, $0x2  }
0xc1: {  	s3 =	sand.u32 $0x4000, s31;
	s1 =	sadd.s32 s1, s30  }
0xc2: {  	s0 =	sor.u32 s3, s0;
	s1 =	sshll.u32 s1, $0x11  }
0xc3: {  	s0 =	sor.u32 s1, s0  }
0xc4: {  	s0 =	sadd.s32 $0x8F2B, s0  }
0xc5: {  	[sflag:s0] =	ssyncadd.remote.s32 $0x1  }
0xc6: {  	_ =	sfence.sel $0xFFFF  }
0xc7: {  	[dreg:$0x0] =	wrdreg $0xFFFFFFFF;
	(pc) =	sbr.abs _section_cstart, $3  }
0xc8: {  	[dreg:$0x1] =	wrdreg $0xFFFFFFFF  }
0xc9: {  	_ =	task.clear_ibuf [dreg:s8], $0x2FFFF;
	_ =	strace $0x9FFFFFFF  }
0xca: {  	(tm) =	ssettm $0x7FFFFFFF  }
0xcb: {  	_ =	shalt  }
tec
execute0_lowered:
.L_overlay_start_1:
0x0: {  	(tag) =	ssettag $0x1  }
0x1: {  	s1 =	rddreg [dreg:$0x0]  }
0x2: {  	s8 =	rddreg [dreg:$0x1]  }
0x3: {  	s10 =	rddreg [dreg:$0x2]  }
0x4: {  	s2 =	rddreg [dreg:$0x3]  }
0x5: {  	s0 =	rddreg [dreg:$0x4];
	s3 =	simm.s32 $0x0;
	v0 =	vlaneseq.u32  }
0x6: {  	s9 =	srdreg.scid;
	s12 =	stileid.u32;
	s16 =	simm.s32 $0x50;
	v0 =	vmul.u32 $0x8, v0  }
0x7: {  	s17 =	simm.s32 $0x138D0;
	s18 =	simm.s32 $0x0;
	[smem:$0x7FF] =	sst s3  }
0x8: {  	v2 =	vimm.f32 $0.0e+00;
	s4 =	sadd.s32 $0x1BE00, s8;
	s5 =	sadd.s32 $0xF800, s8;
	s6 =	sadd.s32 $0x5A00, s8;
	v1 =	vor.u32 $0x4, v0;
	v3 =	vor.u32 $0x5, v0  }
0x9: {  	s7 =	sadd.s32 $0x19600, s8;
	s9 =	sand.u32 $0x1, s9;
	s13 =	sshll.u32 s12, $0x1;
	v4 =	vor.u32 $0x6, v0;
	v5 =	vor.u32 $0x7, v0;
	v6 =	vor.u32 $0x84, v0  }
0xa: {  	s8 =	sadd.s32 $0x1D200, s8;
	p0 =	sne.s32 s12, $0x0;
	s12 =	simm.s32 $0x1;
	v7 =	vor.u32 $0x85, v0;
	v8 =	vor.u32 $0x86, v0;
	v9 =	vor.u32 $0x87, v0  }
0xb: {  	_ =	strace $0x8000004D;
	s11 =	ssub.s32 $0x2, s9;
	s14 =	smul.u32 $0x2710, s9;
	v10 =	vor.u32 $0x104, v0;
	v11 =	vor.u32 $0x105, v0;
	v12 =	vor.u32 $0x106, v0  }
0xc: {  	s9 =	sor.u32 s9, s13;
	s13 =	simm.s32 $0x9C40;
	s15 =	sshrl.u32 s11, $0x1;
	v13 =	vor.u32 $0x107, v0;
	v14 =	vor.u32 $0x184, v0;
	v15 =	vor.u32 $0x185, v0  }
0xd: {  	s9 =	smul.u32 $0x2710, s9;
	v16 =	vor.u32 $0x186, v0;
	v17 =	vor.u32 $0x187, v0;
	v18 =	vor.u32 $0x204, v0;
	s11 =	ssub.s32 s11, s15;
	s10 =	sadd.s32 s10, s14  }
0xe: {  	v19 =	vor.u32 $0x205, v0;
	v20 =	vor.u32 $0x206, v0;
	v21 =	vor.u32 $0x207, v0;
	s14 =	sshrl.u32 @!p0 s2, $0x3;
	s15 =	simm.s32 $0x13920;
	s11 =	smax.u32 s11, $0x1  }
.LBB2_1:
0xf: {  	[tilespmem:s3], [sflag:$0x1] =	stream.linear.gather [hbm4b:s1+s3], $0x9C40, $0x38;
	[tilespmem:$0x14F28] =	vst v63  }
0x10: {  	_ =	swait.ge [sflag:s12], $0x9C40  }
0x11: {  	[sflag:s12] =	ssyncset.done $0x0  }
0x12: {  	[sflag:s12] =	ssyncadd.s32 $0xFFFF63C0  }
0x13: {  	[tilespmem:s13], [sflag:$0x1] =	stream.linear.gather [hbm4b:s4+s3], $0x9C40, $0x38;
	[tilespmem:$0x14F28] =	vst v63  }
0x14: {  	_ =	swait.ge [sflag:s12], $0x9C40  }
0x15: {  	[sflag:s12] =	ssyncset.done $0x0  }
0x16: {  	s19 =	simm.s32 @!p0 $0x1C01;
	[sflag:s12] =	ssyncadd.s32 $0xFFFF63C0  }
0x17: {  	[spmem:s14], [sflag:s19] =	dma.local @!p0 [hbm:s7], $0x2710  }
0x18: {  	s19 =	simm.s32 @!p0 $0x1  }
0x19: {  	_ =	swait.ge @!p0 [sflag:s19], $0x2710  }
0x1a: {  	[sflag:s19] =	ssyncset.done @!p0 $0x0  }
0x1b: {  	[sflag:s19] =	ssyncadd.s32 @!p0 $0xFFFFD8F0  }
0x1c: {  	[tilespmem:v1+s15+$0x0] =	vst.idx.msk $0xffff, v2  }
0x1d: {  	[tilespmem:v3+s15+$0x0] =	vst.idx.msk $0xffff, v2  }
0x1e: {  	[tilespmem:v4+s15+$0x0] =	vst.idx.msk $0xffff, v2  }
0x1f: {  	[tilespmem:v5+s15+$0x0] =	vst.idx.msk $0xffff, v2  }
0x20: {  	[tilespmem:v6+s15+$0x0] =	vst.idx.msk $0xffff, v2  }
0x21: {  	[tilespmem:v7+s15+$0x0] =	vst.idx.msk $0xffff, v2  }
0x22: {  	[tilespmem:v8+s15+$0x0] =	vst.idx.msk $0xffff, v2  }
0x23: {  	[tilespmem:v9+s15+$0x0] =	vst.idx.msk $0xffff, v2  }
0x24: {  	[tilespmem:v10+s15+$0x0] =	vst.idx.msk $0xffff, v2  }
0x25: {  	[tilespmem:v11+s15+$0x0] =	vst.idx.msk $0xffff, v2  }
0x26: {  	[tilespmem:v12+s15+$0x0] =	vst.idx.msk $0xffff, v2  }
0x27: {  	[tilespmem:v13+s15+$0x0] =	vst.idx.msk $0xffff, v2  }
0x28: {  	[tilespmem:v14+s15+$0x0] =	vst.idx.msk $0xffff, v2  }
0x29: {  	[tilespmem:v15+s15+$0x0] =	vst.idx.msk $0xffff, v2  }
0x2a: {  	[tilespmem:v16+s15+$0x0] =	vst.idx.msk $0xffff, v2  }
0x2b: {  	[tilespmem:v17+s15+$0x0] =	vst.idx.msk $0xffff, v2  }
0x2c: {  	[tilespmem:v18+s15+$0x0] =	vst.idx.msk $0xffff, v2  }
0x2d: {  	[tilespmem:v19+s15+$0x0] =	vst.idx.msk $0xffff, v2  }
0x2e: {  	[tilespmem:v20+s15+$0x0] =	vst.idx.msk $0xffff, v2  }
0x2f: {  	[tilespmem:v21+s15+$0x0] =	vst.idx.msk $0xffff, v2  }
0x30: {  	s19 =	simm.s32 $0x0;
	[bflag:$0x0] =	sbarrier.arrive $0xFFFF  }
.LBB2_2:
0x31: {  	s20 =	smul.u32 $0x50, s19;
	_ =	sdelay $0x1  }
0x32: {  	s20 =	sadd.s32 s9, s20  }
0x33: {  	s22 =	sshrl.u32 s20, $0x3  }
0x34: {  	s24 =	simm.s32 $0x0;
	s21 =	simm.s32 $0x13880;
	s23 =	sadd.s32 s5, s22  }
0x35: {  	[tilespmem:s21], [sflag:$0x1] =	stream.linear.gather [hbm4b:s23+s24], $0x50, $0x38;
	[tilespmem:$0x14F28] =	vst v63  }
0x36: {  	_ =	swait.ge [sflag:s12], $0x50  }
0x37: {  	[sflag:s12] =	ssyncset.done $0x0  }
0x38: {  	s31 =	sadd.s32 s6, s22;
	s22 =	simm.s32 $0x138D0;
	[sflag:s12] =	ssyncadd.s32 $0xFFFFFFB0  }
0x39: {  	[tilespmem:s22], [sflag:$0x1] =	stream.linear.gather [hbm4b:s31+s24], $0x50, $0x38;
	[tilespmem:$0x14F28] =	vst v63  }
0x3a: {  	_ =	swait.ge [sflag:s12], $0x50  }
0x3b: {  	[sflag:s12] =	ssyncset.done $0x0  }
0x3c: {  	[sflag:s12] =	ssyncadd.s32 $0xFFFFFFB0  }
0x3d: {  	v22 =	vld [tilespmem:s21+$0x0]  }
0x3e: {  	v23 =	vld [tilespmem:s22+$0x0];
	_ =	sdelay $0x3  }
0x3f: {  	v22 =	vshll.u32 v22, $0x2  }
0x40: {  	v23 =	vshll.u32 v23, $0x2;
	_ =	sdelay $0x3  }
0x41: {  	v24 =	vld.idx.msk [tilespmem:v22+s3+$0x0], $0xffff  }
0x42: {  	v25 =	vld.idx.msk [tilespmem:v23+s13+$0x0], $0xffff;
	_ =	sdelay $0x4  }
0x43: {  	v24 =	vadd.f32 v25, v24;
	_ =	sdelay $0x1  }
0x44: {  	v25 =	vmul.f32 $2.000000030e-01, v24;
	_ =	sdelay $0x1  }
0x45: {  	v24 =	vmax.f32 v24, v25  }
0x46: {  	v24 =	vmul.f32 $1.442695020e+00, v24;
	_ =	sdelay $0x1  }
0x47: {  	(erf) = vpow2.f32 v24;
	_ =	sdelay $0x2  }
0x48: {  	v56 =	vmov s24  }
0x49: {  	v24 =	vshll.u32 v56, $0x3  }
0x4a: {  	v24 =	vor.u32 v0, v24  }
0x4b: {  	v57 =	vor.u32 $0x1, v22  }
0x4c: {  	v26 =	vor.u32 $0x1, v23;
	_ =	sdelay $0x1  }
0x4d: {  	v27 =	vpop (erf)  }
0x4e: {  	[tilespmem:v24+s15+$0x0] =	vst.idx.msk $0xffff, v27  }
0x4f: {  	v25 =	vld.idx.msk [tilespmem:v57+s3+$0x0], $0xffff  }
0x50: {  	v26 =	vld.idx.msk [tilespmem:v26+s13+$0x0], $0xffff;
	_ =	sdelay $0x4  }
0x51: {  	v25 =	vadd.f32 v26, v25;
	_ =	sdelay $0x1  }
0x52: {  	v26 =	vmul.f32 $2.000000030e-01, v25;
	_ =	sdelay $0x1  }
0x53: {  	v25 =	vmax.f32 v25, v26  }
0x54: {  	v25 =	vmul.f32 $1.442695020e+00, v25;
	_ =	sdelay $0x1  }
0x55: {  	(erf) = vpow2.f32 v25;
	_ =	sdelay $0x4  }
0x56: {  	v58 =	vor.u32 $0x1, v24  }
0x57: {  	v59 =	vor.u32 $0x2, v22  }
0x58: {  	v60 =	vor.u32 $0x2, v23;
	_ =	sdelay $0x1  }
0x59: {  	v28 =	vpop (erf)  }
0x5a: {  	[tilespmem:v58+s15+$0x0] =	vst.idx.msk $0xffff, v28  }
0x5b: {  	v25 =	vld.idx.msk [tilespmem:v59+s3+$0x0], $0xffff  }
0x5c: {  	v61 =	vld.idx.msk [tilespmem:v60+s13+$0x0], $0xffff;
	_ =	sdelay $0x4  }
0x5d: {  	v25 =	vadd.f32 v61, v25;
	_ =	sdelay $0x1  }
0x5e: {  	v26 =	vmul.f32 $2.000000030e-01, v25;
	_ =	sdelay $0x1  }
0x5f: {  	v25 =	vmax.f32 v25, v26  }
0x60: {  	v25 =	vmul.f32 $1.442695020e+00, v25;
	_ =	sdelay $0x1  }
0x61: {  	(erf) = vpow2.f32 v25;
	_ =	sdelay $0x4  }
0x62: {  	v62 =	vor.u32 $0x2, v24  }
0x63: {  	v22 =	vor.u32 $0x3, v22  }
0x64: {  	v23 =	vor.u32 $0x3, v23;
	_ =	sdelay $0x1  }
0x65: {  	v63 =	vpop (erf)  }
0x66: {  	[tilespmem:v62+s15+$0x0] =	vst.idx.msk $0xffff, v63  }
0x67: {  	v22 =	vld.idx.msk [tilespmem:v22+s3+$0x0], $0xffff  }
0x68: {  	v23 =	vld.idx.msk [tilespmem:v23+s13+$0x0], $0xffff;
	_ =	sdelay $0x4  }
0x69: {  	v22 =	vadd.f32 v23, v22;
	_ =	sdelay $0x1  }
0x6a: {  	v23 =	vmul.f32 $2.000000030e-01, v22;
	_ =	sdelay $0x1  }
0x6b: {  	v22 =	vmax.f32 v22, v23  }
0x6c: {  	v22 =	vmul.f32 $1.442695020e+00, v22;
	_ =	sdelay $0x1  }
0x6d: {  	(erf) = vpow2.f32 v22;
	_ =	sdelay $0x1  }
0x6e: {  	s23 =	simm.s32 $0x10;
	v22 =	vor.u32 $0x3, v24  }
.LBB2_3:
0x6f: {  	_ =	sdelay $0x3  }
0x70: {  	p1 =	sne.s32 s23, $0x40;
	s21 =	sadd.s32 $0x10, s21;
	s22 =	sadd.s32 $0x10, s22  }
0x71: {  	s24 =	smov.u32 s23;
	s23 =	sadd.s32 $0x10, s23  }
0x72: {  	v23 =	vpop (erf)  }
0x73: {  	[tilespmem:v22+s15+$0x0] =	vst.idx.msk $0xffff, v23  }
0x74: {  	v22 =	vld [tilespmem:s21+$0x0]  }
0x75: {  	v23 =	vld [tilespmem:s22+$0x0];
	_ =	sdelay $0x3  }
0x76: {  	v22 =	vshll.u32 v22, $0x2  }
0x77: {  	v23 =	vshll.u32 v23, $0x2;
	_ =	sdelay $0x3  }
0x78: {  	v24 =	vld.idx.msk [tilespmem:v22+s3+$0x0], $0xffff  }
0x79: {  	v25 =	vld.idx.msk [tilespmem:v23+s13+$0x0], $0xffff;
	_ =	sdelay $0x5  }
0x7a: {  	v24 =	vadd.f32 v25, v24;
	_ =	sdelay $0x1  }
0x7b: {  	v25 =	vmul.f32 $2.000000030e-01, v24;
	_ =	sdelay $0x1  }
0x7c: {  	v24 =	vmax.f32 v24, v25  }
0x7d: {  	v24 =	vmul.f32 $1.442695020e+00, v24;
	_ =	sdelay $0x1  }
0x7e: {  	(erf) = vpow2.f32 v24;
	_ =	sdelay $0x2  }
0x7f: {  	v24 =	vmov s24  }
0x80: {  	v24 =	vshll.u32 v24, $0x3  }
0x81: {  	v24 =	vor.u32 v0, v24  }
0x82: {  	v26 =	vor.u32 $0x1, v23;
	v25 =	vor.u32 $0x1, v22;
	_ =	sdelay $0x2  }
0x83: {  	v27 =	vpop (erf)  }
0x84: {  	[tilespmem:v24+s15+$0x0] =	vst.idx.msk $0xffff, v27  }
0x85: {  	v25 =	vld.idx.msk [tilespmem:v25+s3+$0x0], $0xffff  }
0x86: {  	v26 =	vld.idx.msk [tilespmem:v26+s13+$0x0], $0xffff;
	_ =	sdelay $0x5  }
0x87: {  	v25 =	vadd.f32 v26, v25;
	_ =	sdelay $0x1  }
0x88: {  	v26 =	vmul.f32 $2.000000030e-01, v25;
	_ =	sdelay $0x1  }
0x89: {  	v25 =	vmax.f32 v25, v26  }
0x8a: {  	v25 =	vmul.f32 $1.442695020e+00, v25;
	_ =	sdelay $0x1  }
0x8b: {  	(erf) = vpow2.f32 v25;
	_ =	sdelay $0x3  }
0x8c: {  	v25 =	vor.u32 $0x1, v24;
	_ =	sdelay $0x1  }
0x8d: {  	v27 =	vor.u32 $0x2, v23;
	v26 =	vor.u32 $0x2, v22;
	_ =	sdelay $0x2  }
0x8e: {  	v28 =	vpop (erf)  }
0x8f: {  	[tilespmem:v25+s15+$0x0] =	vst.idx.msk $0xffff, v28  }
0x90: {  	v25 =	vld.idx.msk [tilespmem:v26+s3+$0x0], $0xffff  }
0x91: {  	v26 =	vld.idx.msk [tilespmem:v27+s13+$0x0], $0xffff;
	_ =	sdelay $0x5  }
0x92: {  	v25 =	vadd.f32 v26, v25;
	_ =	sdelay $0x1  }
0x93: {  	v26 =	vmul.f32 $2.000000030e-01, v25;
	_ =	sdelay $0x1  }
0x94: {  	v25 =	vmax.f32 v25, v26  }
0x95: {  	v25 =	vmul.f32 $1.442695020e+00, v25;
	_ =	sdelay $0x1  }
0x96: {  	(erf) = vpow2.f32 v25;
	_ =	sdelay $0x2  }
0x97: {  	v25 =	vor.u32 $0x2, v24;
	_ =	sdelay $0x2  }
0x98: {  	v23 =	vor.u32 $0x3, v23;
	v22 =	vor.u32 $0x3, v22;
	_ =	sdelay $0x2  }
0x99: {  	v26 =	vpop (erf)  }
0x9a: {  	[tilespmem:v25+s15+$0x0] =	vst.idx.msk $0xffff, v26  }
0x9b: {  	v22 =	vld.idx.msk [tilespmem:v22+s3+$0x0], $0xffff  }
0x9c: {  	v23 =	vld.idx.msk [tilespmem:v23+s13+$0x0], $0xffff;
	_ =	sdelay $0x5  }
0x9d: {  	v22 =	vadd.f32 v23, v22;
	_ =	sdelay $0x1  }
0x9e: {  	v23 =	vmul.f32 $2.000000030e-01, v22;
	_ =	sdelay $0x1  }
0x9f: {  	v22 =	vmax.f32 v22, v23  }
.Ltmp0:
0xa0: {  	v22 =	vmul.f32 $1.442695020e+00, v22;
	(pc) =	sbr.rel @p1 .LBB2_3-.Ltmp0, $3  }
0xa1: {  	_ = 	snop  }
0xa2: {  	(erf) = vpow2.f32 v22;
	_ =	sdelay $0x1  }
0xa3: {  	v22 =	vor.u32 $0x3, v24  }
0xa4: {  	_ =	sdelay $0x5  }
0xa5: {  	v23 =	vpop (erf)  }
0xa6: {  	[tilespmem:v22+s15+$0x0] =	vst.idx.msk $0xffff, v23  }
0xa7: {  	[spmem:s2] =	stream.indirect.scatter.add.f32 [tilespmem:s15], [sflag:$0x1], $0x8, s17, s16, $0xb8;
	[tilespmem:$0x14F28] =	vst v63  }
0xa8: {  	s19 =	sadd.s32 $0x1, s19;
	_ =	swait.ge [sflag:s12], $0x280  }
0xa9: {  	p1 =	sne.s32 s19, $0x7D;
	[sflag:s12] =	ssyncset.done $0x0  }
.Ltmp1:
0xaa: {  	s20 =	sadd.s32 s8, s20;
	[sflag:s12] =	ssyncadd.s32 $0xFFFFFD80;
	(pc) =	sbr.rel @p1 .LBB2_2-.Ltmp1, $4  }
0xab: {  	[hbm4b:s20+s3] =	stream.linear.scatter [tilespmem:s15], [sflag:$0x1], $0x280, $0x38;
	[tilespmem:$0x14F28] =	vst v63  }
0xac: {  	_ =	swait.ge [sflag:s12], $0x280  }
0xad: {  	[sflag:s12] =	ssyncset.done $0x0  }
0xae: {  	[sflag:s12] =	ssyncadd.s32 $0xFFFFFD80  }
0xaf: {  	[bflag:$0x0] =	sbarrier.arrive $0xFFFF;
	s19 =	simm.s32 @!p0 $0x1C01;
	s18 =	sadd.s32 $0x1, s18  }
0xb0: {  	[hbm:s10], [sflag:s19] =	dma.local @!p0 [spmem:s14], $0x2710  }
0xb1: {  	p1 =	sne.s32 s18, s11  }
.Ltmp2:
0xb2: {  	_ = 	snop;
	(pc) =	sbr.rel @p1 .LBB2_1-.Ltmp2, $4  }
0xb3: {  	s19 =	simm.s32 @!p0 $0x1  }
0xb4: {  	_ =	swait.ge @!p0 [sflag:s19], $0x2710  }
0xb5: {  	[sflag:s19] =	ssyncset.done @!p0 $0x0  }
0xb6: {  	[sflag:s19] =	ssyncadd.s32 @!p0 $0xFFFFD8F0  }
0xb7: {  	_ =	sfence.sel $0x180000  }
0xb8: {  	[bflag:$0x0] =	sbarrier.arrive $0xFFFF  }
0xb9: {  	_ =	strace $0x9000004D  }
0xba: {  	s0 =	sadd.s32 @!p0 $0x100000, s0;
	[bflag:$0x2] =	sbarrier.arrive $0xFFFF  }
0xbb: {  	[sflag:s0] =	ssyncadd.tile.s32 @!p0 $0x1;
	_ =	shalt  }
.Lfunc_end2:
_tile_overlayer_lowered:
.L_overlay_start_2:
0xbc: {  	(tag) =	ssettag $0x2  }
0xbd: {  	s0 =	rddreg [dreg:$0x0];
	s2 =	stileid.u32  }
0xbe: {  	s1 =	rddreg [dreg:$0x1];
	p0 =	sne.s32 s2, $0x0  }
0xbf: {  	s3 =	rddreg [dreg:$0x2];
	[bflag:$0x3] =	sbarrier.arrive $0xFFFF;
	s2 =	simm.s32 @!p0 $0x1C01  }
0xc0: {  	[timem:s3], [sflag:s2] =	dma.local @!p0 [hbm:s0], s1  }
0xc1: {  	s0 =	simm.s32 @!p0 $0x1  }
0xc2: {  	_ =	swait.ge @!p0 [sflag:s0], s1  }
0xc3: {  	s1 =	ssub.s32 @!p0 $0x0, s1;
	[sflag:s0] =	ssyncset.done @!p0 $0x0  }
0xc4: {  	[sflag:s0] =	ssyncadd.s32 @!p0 s1  }
0xc5: {  	[bflag:$0x3] =	sbarrier.arrive $0xFFFF  }
0xc6: {  	_ =	shalt  }

// kernel: kernel.23.cloned.1.call-start
scs
__scs_entry_jumppad:
0x0: {  	(pc) =	sbr.rel $0x88, $3  }
0x1: {  	(tag) =	ssettag $0x0;
	lr =	simm.s32 $0x1  }
0x2: {  	[smem:$0x3F95] =	sst lr;
	_ =	strace $0xD0000000  }
0x3: {  	_ = 	snop  }
0x4: {  	_ = 	snop  }
0x5: {  	_ = 	snop  }
0x6: {  	_ = 	snop  }
0x7: {  	_ = 	snop  }
__scs_overlays_trampoline_lowered:
0x8: {  	[smem:$0x3FA4] =	sst s0  }
0x9: {  	[smem:$0x3FA5] =	sst s1  }
0xa: {  	[smem:$0x3FA6] =	sst s2  }
0xb: {  	[smem:$0x3FA7] =	sst s3  }
0xc: {  	[smem:$0x3FA8] =	sst s4  }
0xd: {  	[smem:$0x3FA9] =	sst s5  }
0xe: {  	[smem:$0x3FAA] =	sst s6  }
0xf: {  	[smem:$0x3FAB] =	sst s7  }
0x10: {  	[smem:$0x3FAC] =	sst s8  }
0x11: {  	[smem:$0x3FAD] =	sst s9;
	s0 =	simm.s32 @!p0 $0x0  }
0x12: {  	s1 =	sld [smem:$0x3F93];
	s0 =	simm.s32 @p0 $0x1  }
0x13: {  	[smem:$0x3FAE] =	sst s0;
	s0 =	simm.s32 @!p1 $0x0  }
0x14: {  	s2 =	sld [smem:$0x3F92];
	s0 =	simm.s32 @p1 $0x1  }
0x15: {  	[smem:$0x3FAF] =	sst s0;
	s0 =	simm.s32 @!p2 $0x0  }
0x16: {  	s3 =	sld [smem:$0x3FDB];
	s0 =	simm.s32 @p2 $0x1  }
0x17: {  	s4 =	simm.s32 $0x1BF5;
	[smem:$0x3FB1] =	sst s0  }
0x18: {  	s0 =	sld [smem:$0x3F94];
	_ =	swait.ge [sflag:s4], $0x0  }
0x19: {  	s7 =	sld [smem:$0x3F95]  }
0x1a: {  	s8 =	sadd.s32 $0xFFFFE003, lr  }
0x1b: {  	s9 =	sadd.s32 $0xFFFFFEF7, lr;
	s5 =	simm.s32 $0xFFFFFFFF;
	p2 =	slt.u32 s8, $0xFFFFF086  }
0x1c: {  	p1 =	slt.u32 s9, $0xF7A;
	s5 =	simm.s32 @!p2 $0x0  }
0x1d: {  	s5 =	simm.s32 @p1 $0x1;
	p0 =	seq.s32 s7, s2  }
0x1e: {  	s7 =	smul.u32 @!p0 $0xF7A, s2;
	p2 =	seq.s32 @!p0 s5, $0x0  }
0x1f: {  	s9 =	smul.u32 $0xF7A, s1;
	s8 =	simm.s32 @!p0 $0x1BF5;
	p2 =	por !p2, p0  }
0x20: {  	[sflag:s8] =	ssyncset.s32 @!p0 $0xFFFFF086;
	s6 =	sadd.s32 @!p0 s3, s7;
	s7 =	simm.s32 @!p0 $0x108  }
0x21: {  	s3 =	sadd.s32 s3, s9;
	s6 =	sadd.s32 @!p0 $0x88, s6;
	s7 =	simm.s32 @p2 $0x1082  }
0x22: {  	[simem:s7], [sflag:s8] =	dma.local @!p0 [hbm:s6], $0xF7A  }
0x23: {  	s9 =	sor.u32 $0xD0000000, s2;
	s6 =	simm.s32 $0x108;
	_ =	swait.ge @!p0 [sflag:s8], $0x0  }
0x24: {  	s3 =	sadd.s32 $0x88, s3;
	s6 =	simm.s32 @!p1 $0x1082;
	[sflag:s4] =	ssyncset.s32 $0xFFFFF086  }
0x25: {  	[simem:s6], [sflag:s4] =	dma.local [hbm:s3], $0xF7A  }
0x26: {  	[smem:$0x3F95] =	sst s1;
	(tag) =	ssettag s2;
	_ =	strace s9  }
0x27: {  	s1 =	sld [smem:$0x3FA5]  }
0x28: {  	s2 =	sld [smem:$0x3FA6]  }
0x29: {  	s4 =	sld [smem:$0x3FA8]  }
0x2a: {  	p0 =	seq.s32 s5, $0x0;
	s5 =	sld [smem:$0x3FA9]  }
0x2b: {  	s6 =	sld [smem:$0x3FAA]  }
0x2c: {  	s7 =	sld [smem:$0x3FAB]  }
0x2d: {  	s3 =	simm.s32 $0x108;
	s8 =	sld [smem:$0x3FAC]  }
0x2e: {  	s3 =	simm.s32 @!p0 $0x1082;
	s9 =	sld [smem:$0x3FAD]  }
0x2f: {  	lr =	sadd.s32 s0, s3;
	s0 =	sld [smem:$0x3FA4]  }
0x30: {  	s3 =	sld [smem:$0x3FA7]  }
0x31: {  	[smem:$0x3FB0] =	sst s10  }
0x32: {  	s10 =	sld [smem:$0x3FAE];
	_ =	sdelay $0x3  }
0x33: {  	p0 =	seq.s32 s10, $0x1;
	s10 =	sld [smem:$0x3FB0];
	_ =	sdelay $0x3  }
0x34: {  	[smem:$0x3FB0] =	sst s10  }
0x35: {  	s10 =	sld [smem:$0x3FAF];
	_ =	sdelay $0x3  }
0x36: {  	p1 =	seq.s32 s10, $0x1;
	s10 =	sld [smem:$0x3FB0];
	_ =	sdelay $0x3  }
0x37: {  	[smem:$0x3FB0] =	sst s10  }
0x38: {  	s10 =	sld [smem:$0x3FB1]  }
0x39: {  	_ = 	snop;
	(pc) =	sbr.ind lr, $3  }
0x3a: {  	_ = 	snop  }
0x3b: {  	_ = 	snop  }
0x3c: {  	p2 =	seq.s32 s10, $0x1;
	s10 =	sld [smem:$0x3FB0]  }
0x3d: {  	_ =	shalt  }
0x3e: {  	_ =	shalt  }
0x3f: {  	_ =	shalt  }
0x40: {  	_ =	shalt  }
0x41: {  	_ =	shalt  }
0x42: {  	_ =	shalt  }
0x43: {  	_ =	shalt  }
0x44: {  	_ =	shalt  }
0x45: {  	_ =	shalt  }
0x46: {  	_ =	shalt  }
0x47: {  	_ =	shalt  }
0x48: {  	_ =	shalt  }
0x49: {  	_ =	shalt  }
0x4a: {  	_ =	shalt  }
0x4b: {  	_ =	shalt  }
0x4c: {  	_ =	shalt  }
0x4d: {  	_ =	shalt  }
0x4e: {  	_ =	shalt  }
0x4f: {  	_ =	shalt  }
0x50: {  	_ =	shalt  }
0x51: {  	_ =	shalt  }
0x52: {  	_ =	shalt  }
0x53: {  	_ =	shalt  }
0x54: {  	_ =	shalt  }
0x55: {  	_ =	shalt  }
0x56: {  	_ =	shalt  }
0x57: {  	_ =	shalt  }
0x58: {  	_ =	shalt  }
0x59: {  	_ =	shalt  }
0x5a: {  	_ =	shalt  }
0x5b: {  	_ =	shalt  }
0x5c: {  	_ =	shalt  }
0x5d: {  	_ =	shalt  }
0x5e: {  	_ =	shalt  }
0x5f: {  	_ =	shalt  }
0x60: {  	_ =	shalt  }
0x61: {  	_ =	shalt  }
0x62: {  	_ =	shalt  }
0x63: {  	_ =	shalt  }
0x64: {  	_ =	shalt  }
0x65: {  	_ =	shalt  }
0x66: {  	_ =	shalt  }
0x67: {  	_ =	shalt  }
0x68: {  	_ =	shalt  }
0x69: {  	_ =	shalt  }
0x6a: {  	_ =	shalt  }
0x6b: {  	_ =	shalt  }
0x6c: {  	_ =	shalt  }
0x6d: {  	_ =	shalt  }
0x6e: {  	_ =	shalt  }
0x6f: {  	_ =	shalt  }
0x70: {  	_ =	shalt  }
0x71: {  	_ =	shalt  }
0x72: {  	_ =	shalt  }
0x73: {  	_ =	shalt  }
0x74: {  	_ =	shalt  }
0x75: {  	_ =	shalt  }
0x76: {  	_ =	shalt  }
0x77: {  	_ =	shalt  }
0x78: {  	_ =	shalt  }
0x79: {  	_ =	shalt  }
0x7a: {  	_ =	shalt  }
0x7b: {  	_ =	shalt  }
0x7c: {  	_ =	shalt  }
0x7d: {  	_ =	shalt  }
0x7e: {  	_ =	shalt  }
0x7f: {  	_ =	shalt  }
0x80: {  	_ =	shalt  }
0x81: {  	_ =	shalt  }
0x82: {  	_ =	shalt  }
0x83: {  	_ =	shalt  }
0x84: {  	_ =	shalt  }
0x85: {  	_ =	shalt  }
0x86: {  	_ =	shalt  }
0x87: {  	_ =	shalt  }
.Lfunc_end0:
.L_simem_size_0:
called_computation.3_lowered:
.L_overlay_start_0:
0x88: {  	s2 =	sld [smem:$0x3FD9]  }
0x89: {  	s3 =	sld [smem:$0x3FFE];
	_ =	sdelay $0x1  }
0x8a: {  	s1 =	srdreg.scid  }
0x8b: {  	s0 =	sand.u32 $0x1, s1  }
0x8c: {  	s14 =	sshll.u32 s0, $0xA;
	s2 =	sadd.s32 s3, s2  }
0x8d: {  	s2 =	sadd.s32 s2, s14  }
0x8e: {  	[smem:$0x3FBC] =	sst s2  }
0x8f: {  	_ = 	snop  }
0x90: {  	s2 =	sld [smem:$0x3FD0];
	_ =	sdelay $0x2  }
0x91: {  	s15 =	simm.s32 $0xA;
	s4 =	simm.s32 $0x10  }
0x92: {  	[smem:s4], [sflag:s15] =	dma.local [hbm:s2], $0x1  }
0x93: {  	_ =	swait.eq [sflag:s15], $0x1  }
0x94: {  	s16 =	sld [smem:$0x10]  }
0x95: {  	s17 =	sld [smem:$0x11];
	[sflag:s15] =	ssyncset.done $0x0  }
0x96: {  	s5 =	sld [smem:$0x12];
	[sflag:s15] =	ssyncadd.s32 $0xFFFFFFFF  }
0x97: {  	s18 =	sld [smem:$0x13];
	(tm) =	ssettm $0x1  }
0x98: {  	s6 =	sld [smem:$0x3FFB];
	_ =	sdelay $0x3  }
0x99: {  	_ =	strace s6  }
0x9a: {  	s6 =	sld [smem:$0x3FFC];
	_ =	sdelay $0x3  }
0x9b: {  	_ =	strace s6  }
0x9c: {  	s6 =	sld [smem:$0x3FFD];
	_ =	sdelay $0x3  }
0x9d: {  	_ =	strace s6  }
0x9e: {  	_ =	strace $0x8FFFFFFF  }
0x9f: {  	s19 =	sld [smem:$0x3FDB];
	_ =	sdelay $0x1  }
0xa0: {  	s7 =	simm.s32 $_scs_section_size  }
0xa1: {  	s8 =	simm.s32 $_size__tile_overlayer_lowered;
	s9 =	simm.s32 $_tile_overlayer_lowered  }
0xa2: {  	s22 =	simm.s32 $0x1BFF;
	s21 =	sshll.u32 s9, $0x1;
	s6 =	sadd.s32 s7, s19  }
0xa3: {  	s10 =	simm.s32 $0x0;
	s20 =	sshll.u32 s8, $0x1;
	s8 =	sadd.s32 s21, s6  }
0xa4: {  	[timem:s10], [sflag:s22] =	dma.local [hbm:s8], s20  }
0xa5: {  	_ =	swait.ge [sflag:s22], s20  }
0xa6: {  	s7 =	ssub.s32 $0x0, s20;
	[sflag:s22] =	ssyncset.done $0x0  }
0xa7: {  	[sflag:s22] =	ssyncadd.s32 s7;
	_ =	sdelay $0x1  }
0xa8: {  	s23 =	simm.s32 $0x1B8B  }
0xa9: {  	_ =	swait.ge [sflag:s23], $0x1  }
0xaa: {  	[sflag:s23] =	ssyncset.done $0x0  }
0xab: {  	s25 =	simm.s32 $0x1B8E;
	s24 =	sld [smem:$0x3FFE];
	[sflag:s23] =	ssyncadd.s32 $0xFFFFFFFF  }
0xac: {  	s26 =	simm.s32 $execute0_lowered;
	[smem:$0x3FD2] =	sst s25  }
0xad: {  	s8 =	sshll.u32 s26, $0x1;
	_ =	strace $0x8000004F;
	[dreg:$0x1] =	wrdreg $0xFFFFFFFF  }
0xae: {  	s28 =	simm.s32 $_size_execute0_lowered;
	s6 =	sadd.s32 s6, s8;
	[dreg:$0x0] =	wrdreg $0x0  }
0xaf: {  	s8 =	sshll.u32 s28, $0x1;
	[dreg:$0x2] =	wrdreg s6  }
0xb0: {  	[dreg:$0x3] =	wrdreg s8  }
0xb1: {  	[dreg:$0x4] =	wrdreg $0xC0  }
0xb2: {  	_ =	task [dreg:s10], $0x5FFFF  }
0xb3: {  	[dreg:$0x1] =	wrdreg $0xFFFFFFFF  }
0xb4: {  	[dreg:$0x0] =	wrdreg $0x60  }
0xb5: {  	[dreg:$0x2] =	wrdreg s24  }
0xb6: {  	[dreg:$0x3] =	wrdreg s16  }
0xb7: {  	[dreg:$0x4] =	wrdreg s18  }
0xb8: {  	[dreg:$0x5] =	wrdreg s5  }
0xb9: {  	[dreg:$0x6] =	wrdreg s17  }
0xba: {  	[dreg:$0x7] =	wrdreg $0x30200  }
0xbb: {  	[dreg:$0x8] =	wrdreg $0x9  }
0xbc: {  	_ =	task.clear_ibuf [dreg:s10], $0x9FFFF;
	_ =	strace $0x9000004F  }
0xbd: {  	s29 =	simm.s32 $0x9;
	_ =	strace $0x80000051  }
0xbe: {  	_ =	swait.ge [sflag:s29], $0x1  }
0xbf: {  	[sflag:s29] =	ssyncadd.s32 $0xFFFFFFFF  }
0xc0: {  	_ =	strace $0x90000051  }
0xc1: {  	_ =	sfence  }
0xc2: {  	s30 =	sld [smem:$0x0];
	_ =	sdelay $0x2  }
0xc3: {  	s31 =	sshll.u32 s1, $0xD;
	s1 =	sshrl.u32 s1, $0x2  }
0xc4: {  	s3 =	sand.u32 $0x4000, s31;
	s1 =	sadd.s32 s1, s30  }
0xc5: {  	s0 =	sor.u32 s3, s0;
	s1 =	sshll.u32 s1, $0x11  }
0xc6: {  	s0 =	sor.u32 s1, s0  }
0xc7: {  	s0 =	sadd.s32 $0x8F2B, s0  }
0xc8: {  	[sflag:s0] =	ssyncadd.remote.s32 $0x1  }
0xc9: {  	_ =	sfence.sel $0xFFFF  }
0xca: {  	[dreg:$0x0] =	wrdreg $0xFFFFFFFF;
	(pc) =	sbr.abs _section_cstart, $3  }
0xcb: {  	[dreg:$0x1] =	wrdreg $0xFFFFFFFF  }
0xcc: {  	_ =	task.clear_ibuf [dreg:s10], $0x2FFFF;
	_ =	strace $0x9FFFFFFF  }
0xcd: {  	(tm) =	ssettm $0x7FFFFFFF  }
tec
execute0_lowered:
.L_overlay_start_1:
0x0: {  	(tag) =	ssettag $0x1  }
0x1: {  	s0 =	rddreg [dreg:$0x0]  }
0x2: {  	s1 =	rddreg [dreg:$0x1]  }
0x3: {  	s2 =	rddreg [dreg:$0x2]  }
0x4: {  	s3 =	rddreg [dreg:$0x3]  }
0x5: {  	s5 =	rddreg [dreg:$0x5];
	s6 =	simm.s32 $0x0;
	s4 =	srdreg.scid  }
0x6: {  	s12 =	stileid.u32;
	s16 =	simm.s32 $0x50;
	s17 =	simm.s32 $0x820  }
0x7: {  	s18 =	simm.s32 $0x320;
	s19 =	simm.s32 $0x5A0;
	s20 =	simm.s32 $0xA0  }
0x8: {  	s21 =	simm.s32 $0x1;
	s22 =	simm.s32 $0x2;
	s23 =	simm.s32 $0x3  }
0x9: {  	s24 =	simm.s32 $0x0;
	[smem:$0x7FF] =	sst s6;
	s7 =	sadd.s32 $0x1D200, s0  }
0xa: {  	s8 =	sadd.s32 $0xF800, s0;
	s9 =	sadd.s32 $0x5A00, s0;
	s4 =	sand.u32 $0x1, s4  }
0xb: {  	s10 =	sadd.s32 $0x154600, s0;
	s15 =	sshll.u32 s12, $0x1;
	s11 =	smul.u32 $0x27100, s4  }
0xc: {  	p0 =	sne.s32 s12, $0x0;
	_ =	strace $0x80000050;
	s13 =	ssub.s32 $0x2, s4  }
0xd: {  	s12 =	sshrl.u32 @!p0 s5, $0x3;
	s14 =	sshrl.u32 s13, $0x1;
	s0 =	sadd.s32 s11, s0  }
0xe: {  	v0 =	vlaneseq.u32;
	[dreg:$0x9] =	wrdreg s12;
	s13 =	ssub.s32 s13, s14;
	s0 =	sadd.s32 $0x106400, s0  }
0xf: {  	v0 =	vmul.u32 $0x8, v0;
	s4 =	sor.u32 s4, s15;
	s31 =	smax.u32 s13, $0x1;
	[dreg:$0x7] =	wrdreg s0  }
0x10: {  	s15 =	simm.s32 $0x4;
	s11 =	smul.u32 $0x2710, s4;
	[dreg:$0x8] =	wrdreg s31  }
.LBB2_1:
0x11: {  	s0 =	simm.s32 @!p0 $0x1C04;
	s4 =	rddreg [dreg:$0x4]  }
0x12: {  	[spmem:s12], [sflag:s0] =	dma.local @!p0 [hbm:s4], $0x27100  }
0x13: {  	s0 =	simm.s32 @!p0 $0x4  }
0x14: {  	_ =	swait.ge @!p0 [sflag:s0], $0x27100  }
0x15: {  	[sflag:s0] =	ssyncset.done @!p0 $0x0  }
0x16: {  	[sflag:s0] =	ssyncadd.s32 @!p0 $0xFFFD8F00  }
0x17: {  	s25 =	simm.s32 $0x0;
	[bflag:$0x0] =	sbarrier.arrive $0xFFFF  }
.LBB2_2:
0x18: {  	s0 =	smul.u32 $0x50, s25;
	_ =	sdelay $0x1  }
0x19: {  	s0 =	sadd.s32 s11, s0  }
0x1a: {  	s4 =	sshrl.u32 s0, $0x3  }
0x1b: {  	s13 =	simm.s32 $0x0;
	s12 =	sadd.s32 s8, s4  }
0x1c: {  	[tilespmem:s13], [sflag:$0x4] =	stream.linear.gather [hbm4b:s12+s13], $0x50, $0x38;
	[tilespmem:$0x168A0] =	vst v63  }
0x1d: {  	_ =	swait.ge [sflag:s15], $0x50  }
0x1e: {  	[sflag:s15] =	ssyncset.done $0x0  }
0x1f: {  	s4 =	sadd.s32 s9, s4;
	[sflag:s15] =	ssyncadd.s32 $0xFFFFFFB0  }
0x20: {  	[tilespmem:s16], [sflag:$0x4] =	stream.linear.gather [hbm4b:s4+s13], $0x50, $0x38;
	[tilespmem:$0x168A0] =	vst v63  }
0x21: {  	_ =	swait.ge [sflag:s15], $0x50  }
0x22: {  	[sflag:s15] =	ssyncset.done $0x0  }
0x23: {  	[sflag:s15] =	ssyncadd.s32 $0xFFFFFFB0  }
0x24: {  	[tilespmem:s17], [sflag:$0x3] =	stream.indirect.gather [hbm4b:s3+s16], $0x80, s13, s16, $0xb8;
	[tilespmem:$0x168A0] =	vst v63  }
0x25: {  	_ = 	snop  }
0x26: {  	[tilespmem:s18], [sflag:$0x1] =	stream.indirect.gather [hbm4b:s1+s16], $0x8, s16, s16, $0xb8;
	[tilespmem:$0x168A0] =	vst v63  }
0x27: {  	_ = 	snop  }
0x28: {  	[tilespmem:s19], [sflag:$0x2] =	stream.indirect.gather [hbm4b:s2+s16], $0x8, s16, s16, $0xb8;
	[tilespmem:$0x168A0] =	vst v63  }
0x29: {  	s30 =	sadd.s32 s7, s0  }
0x2a: {  	[tilespmem:s20], [sflag:$0x4] =	stream.linear.gather [hbm4b:s30+s13], $0x280, $0x38;
	[tilespmem:$0x168A0] =	vst v63  }
0x2b: {  	_ =	swait.ge [sflag:s15], $0x280  }
0x2c: {  	[sflag:s15] =	ssyncset.done $0x0  }
0x2d: {  	v1 =	vmov s13;
	[sflag:s15] =	ssyncadd.s32 $0xFFFFFD80  }
0x2e: {  	v1 =	vshll.u32 v1, $0x3;
	_ =	swait.ge [sflag:s21], $0x280  }
0x2f: {  	v1 =	vor.u32 v0, v1;
	[sflag:s21] =	ssyncset.done $0x0  }
0x30: {  	[sflag:s21] =	ssyncadd.s32 $0xFFFFFD80  }
0x31: {  	_ =	swait.ge [sflag:s22], $0x280  }
0x32: {  	[sflag:s22] =	ssyncset.done $0x0  }
0x33: {  	[sflag:s22] =	ssyncadd.s32 $0xFFFFFD80  }
0x34: {  	v2 =	vld.idx.msk [tilespmem:v1+s18+$0x0], $0xffff  }
0x35: {  	v3 =	vld.idx.msk [tilespmem:v1+s19+$0x0], $0xffff;
	_ =	sdelay $0x4  }
0x36: {  	v2 =	vadd.f32 v3, v2;
	_ =	sdelay $0x1  }
0x37: {  	v2 =	vadd.f32 $9.999999710e-10, v2;
	_ =	sdelay $0x1  }
0x38: {  	(erf) = vrcp.f32 v2;
	_ =	sdelay $0x4  }
0x39: {  	v2 =	vld.idx.msk [tilespmem:v1+s20+$0x0], $0xffff;
	_ =	sdelay $0x2  }
0x3a: {  	v3 =	vor.u32 $0x1, v1  }
0x3b: {  	v4 =	vpop (erf)  }
0x3c: {  	v2 =	vmul.f32 v4, v2;
	_ =	sdelay $0x1  }
0x3d: {  	[tilespmem:v1+s20+$0x0] =	vst.idx.msk $0xffff, v2  }
0x3e: {  	v2 =	vld.idx.msk [tilespmem:v3+s18+$0x0], $0xffff  }
0x3f: {  	v4 =	vld.idx.msk [tilespmem:v3+s19+$0x0], $0xffff;
	_ =	sdelay $0x4  }
0x40: {  	v2 =	vadd.f32 v4, v2;
	_ =	sdelay $0x1  }
0x41: {  	v2 =	vadd.f32 $9.999999710e-10, v2;
	_ =	sdelay $0x1  }
0x42: {  	(erf) = vrcp.f32 v2;
	_ =	sdelay $0x4  }
0x43: {  	v2 =	vld.idx.msk [tilespmem:v3+s20+$0x0], $0xffff;
	_ =	sdelay $0x2  }
0x44: {  	v4 =	vor.u32 $0x2, v1  }
0x45: {  	v5 =	vpop (erf)  }
0x46: {  	v2 =	vmul.f32 v5, v2;
	_ =	sdelay $0x1  }
0x47: {  	[tilespmem:v3+s20+$0x0] =	vst.idx.msk $0xffff, v2  }
0x48: {  	v2 =	vld.idx.msk [tilespmem:v4+s18+$0x0], $0xffff  }
0x49: {  	v3 =	vld.idx.msk [tilespmem:v4+s19+$0x0], $0xffff;
	_ =	sdelay $0x4  }
0x4a: {  	v2 =	vadd.f32 v3, v2;
	_ =	sdelay $0x1  }
0x4b: {  	v2 =	vadd.f32 $9.999999710e-10, v2;
	_ =	sdelay $0x1  }
0x4c: {  	(erf) = vrcp.f32 v2;
	_ =	sdelay $0x4  }
0x4d: {  	v2 =	vld.idx.msk [tilespmem:v4+s20+$0x0], $0xffff;
	_ =	sdelay $0x2  }
0x4e: {  	v1 =	vor.u32 $0x3, v1  }
0x4f: {  	v3 =	vpop (erf)  }
0x50: {  	v2 =	vmul.f32 v3, v2;
	_ =	sdelay $0x1  }
0x51: {  	[tilespmem:v4+s20+$0x0] =	vst.idx.msk $0xffff, v2  }
0x52: {  	v2 =	vld.idx.msk [tilespmem:v1+s18+$0x0], $0xffff  }
0x53: {  	v3 =	vld.idx.msk [tilespmem:v1+s19+$0x0], $0xffff;
	_ =	sdelay $0x4  }
0x54: {  	v2 =	vadd.f32 v3, v2;
	_ =	sdelay $0x1  }
0x55: {  	v3 =	vadd.f32 $9.999999710e-10, v2;
	_ =	sdelay $0x1  }
0x56: {  	(erf) = vrcp.f32 v3;
	_ =	sdelay $0x4  }
0x57: {  	s31 =	simm.s32 $0x10;
	v2 =	vld.idx.msk [tilespmem:v1+s20+$0x0], $0xffff  }
0x58: {  	v4 =	vmov s31  }
0x59: {  	s4 =	simm.s32 $0x20;
	v3 =	vshll.u32 v4, $0x3  }
.LBB2_3:
0x5a: {  	p1 =	sne.s32 s4, $0x40;
	v3 =	vor.u32 v0, v3;
	s12 =	smov.u32 s4;
	s4 =	sadd.s32 $0x10, s4  }
0x5b: {  	v4 =	vpop (erf)  }
0x5c: {  	v2 =	vmul.f32 v4, v2;
	_ =	sdelay $0x1  }
0x5d: {  	[tilespmem:v1+s20+$0x0] =	vst.idx.msk $0xffff, v2  }
0x5e: {  	v1 =	vld.idx.msk [tilespmem:v3+s18+$0x0], $0xffff  }
0x5f: {  	v2 =	vld.idx.msk [tilespmem:v3+s19+$0x0], $0xffff;
	_ =	sdelay $0x5  }
0x60: {  	v1 =	vadd.f32 v2, v1;
	_ =	sdelay $0x1  }
0x61: {  	v1 =	vadd.f32 $9.999999710e-10, v1;
	_ =	sdelay $0x1  }
0x62: {  	(erf) = vrcp.f32 v1;
	_ =	sdelay $0x2  }
0x63: {  	v1 =	vld.idx.msk [tilespmem:v3+s20+$0x0], $0xffff;
	_ =	sdelay $0x4  }
0x64: {  	v2 =	vor.u32 $0x1, v3  }
0x65: {  	v4 =	vpop (erf)  }
0x66: {  	v1 =	vmul.f32 v4, v1;
	_ =	sdelay $0x1  }
0x67: {  	[tilespmem:v3+s20+$0x0] =	vst.idx.msk $0xffff, v1  }
0x68: {  	v1 =	vld.idx.msk [tilespmem:v2+s18+$0x0], $0xffff  }
0x69: {  	v4 =	vld.idx.msk [tilespmem:v2+s19+$0x0], $0xffff;
	_ =	sdelay $0x5  }
0x6a: {  	v1 =	vadd.f32 v4, v1;
	_ =	sdelay $0x1  }
0x6b: {  	v1 =	vadd.f32 $9.999999710e-10, v1;
	_ =	sdelay $0x1  }
0x6c: {  	(erf) = vrcp.f32 v1;
	_ =	sdelay $0x1  }
0x6d: {  	v1 =	vld.idx.msk [tilespmem:v2+s20+$0x0], $0xffff;
	_ =	sdelay $0x5  }
0x6e: {  	v4 =	vor.u32 $0x2, v3  }
0x6f: {  	v5 =	vpop (erf)  }
0x70: {  	v1 =	vmul.f32 v5, v1;
	_ =	sdelay $0x1  }
0x71: {  	[tilespmem:v2+s20+$0x0] =	vst.idx.msk $0xffff, v1  }
0x72: {  	v1 =	vld.idx.msk [tilespmem:v4+s18+$0x0], $0xffff  }
0x73: {  	v2 =	vld.idx.msk [tilespmem:v4+s19+$0x0], $0xffff;
	_ =	sdelay $0x5  }
0x74: {  	v1 =	vadd.f32 v2, v1;
	_ =	sdelay $0x1  }
0x75: {  	v1 =	vadd.f32 $9.999999710e-10, v1;
	_ =	sdelay $0x1  }
0x76: {  	(erf) = vrcp.f32 v1  }
0x77: {  	v2 =	vld.idx.msk [tilespmem:v4+s20+$0x0], $0xffff;
	_ =	sdelay $0x6  }
0x78: {  	v1 =	vor.u32 $0x3, v3  }
0x79: {  	v3 =	vpop (erf)  }
0x7a: {  	v2 =	vmul.f32 v3, v2;
	_ =	sdelay $0x1  }
0x7b: {  	[tilespmem:v4+s20+$0x0] =	vst.idx.msk $0xffff, v2  }
0x7c: {  	v3 =	vld.idx.msk [tilespmem:v1+s18+$0x0], $0xffff  }
0x7d: {  	v4 =	vld.idx.msk [tilespmem:v1+s19+$0x0], $0xffff  }
0x7e: {  	v2 =	vld.idx.msk [tilespmem:v1+s20+$0x0], $0xffff;
	_ =	sdelay $0x4  }
0x7f: {  	v3 =	vadd.f32 v4, v3;
	_ =	sdelay $0x1  }
0x80: {  	v3 =	vadd.f32 $9.999999710e-10, v3;
	_ =	sdelay $0x1  }
0x81: {  	(erf) = vrcp.f32 v3;
	_ =	sdelay $0x2  }
.Ltmp0:
0x82: {  	(pc) =	sbr.rel @p1 .LBB2_3-.Ltmp0, $3  }
0x83: {  	_ =	sdelay $0x1  }
0x84: {  	v3 =	vmov s12  }
0x85: {  	v3 =	vshll.u32 v3, $0x3  }
0x86: {  	v3 =	vor.u32 v0, v3  }
0x87: {  	v4 =	vpop (erf)  }
0x88: {  	v2 =	vmul.f32 v4, v2;
	_ =	sdelay $0x1  }
0x89: {  	[tilespmem:v1+s20+$0x0] =	vst.idx.msk $0xffff, v2  }
0x8a: {  	v1 =	vld.idx.msk [tilespmem:v3+s18+$0x0], $0xffff  }
0x8b: {  	v2 =	vld.idx.msk [tilespmem:v3+s19+$0x0], $0xffff;
	_ =	sdelay $0x4  }
0x8c: {  	v1 =	vadd.f32 v2, v1;
	_ =	sdelay $0x1  }
0x8d: {  	v1 =	vadd.f32 $9.999999710e-10, v1;
	_ =	sdelay $0x1  }
0x8e: {  	(erf) = vrcp.f32 v1;
	_ =	sdelay $0x4  }
0x8f: {  	v1 =	vld.idx.msk [tilespmem:v3+s20+$0x0], $0xffff;
	_ =	sdelay $0x2  }
0x90: {  	v2 =	vor.u32 $0x1, v3  }
0x91: {  	v4 =	vpop (erf)  }
0x92: {  	v1 =	vmul.f32 v4, v1;
	_ =	sdelay $0x1  }
0x93: {  	[tilespmem:v3+s20+$0x0] =	vst.idx.msk $0xffff, v1  }
0x94: {  	v1 =	vld.idx.msk [tilespmem:v2+s18+$0x0], $0xffff  }
0x95: {  	v4 =	vld.idx.msk [tilespmem:v2+s19+$0x0], $0xffff;
	_ =	sdelay $0x4  }
0x96: {  	v1 =	vadd.f32 v4, v1;
	_ =	sdelay $0x1  }
0x97: {  	v1 =	vadd.f32 $9.999999710e-10, v1;
	_ =	sdelay $0x1  }
0x98: {  	(erf) = vrcp.f32 v1;
	_ =	sdelay $0x4  }
0x99: {  	v1 =	vld.idx.msk [tilespmem:v2+s20+$0x0], $0xffff;
	_ =	sdelay $0x2  }
0x9a: {  	v4 =	vor.u32 $0x2, v3  }
0x9b: {  	v5 =	vpop (erf)  }
0x9c: {  	v1 =	vmul.f32 v5, v1;
	_ =	sdelay $0x1  }
0x9d: {  	[tilespmem:v2+s20+$0x0] =	vst.idx.msk $0xffff, v1  }
0x9e: {  	v1 =	vld.idx.msk [tilespmem:v4+s18+$0x0], $0xffff  }
0x9f: {  	v2 =	vld.idx.msk [tilespmem:v4+s19+$0x0], $0xffff;
	_ =	sdelay $0x4  }
0xa0: {  	v1 =	vadd.f32 v2, v1;
	_ =	sdelay $0x1  }
0xa1: {  	v1 =	vadd.f32 $9.999999710e-10, v1;
	_ =	sdelay $0x1  }
0xa2: {  	(erf) = vrcp.f32 v1;
	_ =	sdelay $0x4  }
0xa3: {  	v1 =	vld.idx.msk [tilespmem:v4+s20+$0x0], $0xffff;
	_ =	sdelay $0x2  }
0xa4: {  	v2 =	vor.u32 $0x3, v3  }
0xa5: {  	v3 =	vpop (erf)  }
0xa6: {  	v1 =	vmul.f32 v3, v1;
	_ =	sdelay $0x1  }
0xa7: {  	[tilespmem:v4+s20+$0x0] =	vst.idx.msk $0xffff, v1  }
0xa8: {  	v1 =	vld.idx.msk [tilespmem:v2+s18+$0x0], $0xffff  }
0xa9: {  	v3 =	vld.idx.msk [tilespmem:v2+s19+$0x0], $0xffff;
	_ =	sdelay $0x4  }
0xaa: {  	v1 =	vadd.f32 v3, v1;
	_ =	sdelay $0x1  }
0xab: {  	v1 =	vadd.f32 $9.999999710e-10, v1;
	_ =	sdelay $0x1  }
0xac: {  	(erf) = vrcp.f32 v1;
	_ =	sdelay $0x4  }
0xad: {  	v1 =	vld.idx.msk [tilespmem:v2+s20+$0x0], $0xffff;
	_ =	sdelay $0x3  }
0xae: {  	v3 =	vpop (erf)  }
0xaf: {  	v1 =	vmul.f32 v3, v1;
	_ =	sdelay $0x1  }
0xb0: {  	s0 =	sadd.s32 s10, s0;
	[tilespmem:v2+s20+$0x0] =	vst.idx.msk $0xffff, v1  }
0xb1: {  	[hbm4b:s0+s6] =	stream.linear.scatter [tilespmem:s20], [sflag:$0x4], $0x280, $0x38;
	[tilespmem:$0x168A0] =	vst v63  }
0xb2: {  	s30 =	simm.s32 $0x0;
	_ =	swait.ge [sflag:s15], $0x280  }
0xb3: {  	v1 =	vmov s30;
	[sflag:s15] =	ssyncset.done $0x0  }
0xb4: {  	[sflag:s15] =	ssyncadd.s32 $0xFFFFFD80  }
0xb5: {  	_ =	swait.ge [sflag:s23], $0x2800  }
0xb6: {  	[sflag:s23] =	ssyncset.done $0x0  }
0xb7: {  	[sflag:s23] =	ssyncadd.s32 $0xFFFFD800  }
0xb8: {  	s26 =	simm.s32 $0xA20;
	v2 =	vld.idx.msk [tilespmem:v1+s20+$0x0], $0xffff  }
0xb9: {  	v3 =	vld [tilespmem:s26+$0xFFFFFE00]  }
0xba: {  	v4 =	vld [tilespmem:s26+$0xFFFFFE10];
	_ =	sdelay $0x2  }
0xbb: {  	v5 =	vor.u32 $0x1, v1  }
0xbc: {  	v3 =	vmul.f32 v3, v2  }
0xbd: {  	v2 =	vmul.f32 v4, v2  }
0xbe: {  	[tilespmem:s26+$0xFFFFFE00] =	vst v3  }
0xbf: {  	[tilespmem:s26+$0xFFFFFE10] =	vst v2;
	v3 =	vld [tilespmem:s26+$0xFFFFFE20]  }
0xc0: {  	v2 =	vld.idx.msk [tilespmem:v5+s20+$0x0], $0xffff  }
0xc1: {  	v4 =	vld [tilespmem:s26+$0xFFFFFE30];
	_ =	sdelay $0x2  }
0xc2: {  	v5 =	vor.u32 $0x2, v1  }
0xc3: {  	v3 =	vmul.f32 v3, v2  }
0xc4: {  	v2 =	vmul.f32 v4, v2  }
0xc5: {  	[tilespmem:s26+$0xFFFFFE20] =	vst v3  }
0xc6: {  	[tilespmem:s26+$0xFFFFFE30] =	vst v2;
	v3 =	vld [tilespmem:s26+$0xFFFFFE40]  }
0xc7: {  	v2 =	vld.idx.msk [tilespmem:v5+s20+$0x0], $0xffff  }
0xc8: {  	v4 =	vld [tilespmem:s26+$0xFFFFFE50];
	_ =	sdelay $0x2  }
0xc9: {  	v1 =	vor.u32 $0x3, v1  }
0xca: {  	v3 =	vmul.f32 v3, v2  }
0xcb: {  	v2 =	vmul.f32 v4, v2  }
0xcc: {  	[tilespmem:s26+$0xFFFFFE40] =	vst v3  }
0xcd: {  	[tilespmem:s26+$0xFFFFFE50] =	vst v2;
	v2 =	vld [tilespmem:s26+$0xFFFFFE60]  }
0xce: {  	v1 =	vld.idx.msk [tilespmem:v1+s20+$0x0], $0xffff  }
0xcf: {  	v3 =	vld [tilespmem:s26+$0xFFFFFE70];
	_ =	sdelay $0x1  }
0xd0: {  	s31 =	simm.s32 $0x8  }
0xd1: {  	v4 =	vmov s31  }
0xd2: {  	v2 =	vmul.f32 v2, v1  }
0xd3: {  	v1 =	vmul.f32 v3, v1  }
0xd4: {  	[tilespmem:s26+$0xFFFFFE60] =	vst v2  }
0xd5: {  	[tilespmem:s26+$0xFFFFFE70] =	vst v1;
	v2 =	vld [tilespmem:s26+$0xFFFFFE80]  }
0xd6: {  	v1 =	vld.idx.msk [tilespmem:v4+s20+$0x0], $0xffff  }
0xd7: {  	v3 =	vld [tilespmem:s26+$0xFFFFFE90];
	_ =	sdelay $0x2  }
0xd8: {  	v5 =	vor.u32 $0x1, v4  }
0xd9: {  	v2 =	vmul.f32 v2, v1  }
0xda: {  	v1 =	vmul.f32 v3, v1  }
0xdb: {  	[tilespmem:s26+$0xFFFFFE80] =	vst v2  }
0xdc: {  	[tilespmem:s26+$0xFFFFFE90] =	vst v1;
	v2 =	vld [tilespmem:s26+$0xFFFFFEA0]  }
0xdd: {  	v1 =	vld.idx.msk [tilespmem:v5+s20+$0x0], $0xffff  }
0xde: {  	v3 =	vld [tilespmem:s26+$0xFFFFFEB0];
	_ =	sdelay $0x2  }
0xdf: {  	v5 =	vor.u32 $0x2, v4  }
0xe0: {  	v2 =	vmul.f32 v2, v1  }
0xe1: {  	v1 =	vmul.f32 v3, v1  }
0xe2: {  	[tilespmem:s26+$0xFFFFFEA0] =	vst v2  }
0xe3: {  	[tilespmem:s26+$0xFFFFFEB0] =	vst v1;
	v2 =	vld [tilespmem:s26+$0xFFFFFEC0]  }
0xe4: {  	v1 =	vld.idx.msk [tilespmem:v5+s20+$0x0], $0xffff  }
0xe5: {  	v3 =	vld [tilespmem:s26+$0xFFFFFED0];
	_ =	sdelay $0x2  }
0xe6: {  	v4 =	vor.u32 $0x3, v4  }
0xe7: {  	v2 =	vmul.f32 v2, v1  }
0xe8: {  	v1 =	vmul.f32 v3, v1  }
0xe9: {  	[tilespmem:s26+$0xFFFFFEC0] =	vst v2  }
0xea: {  	[tilespmem:s26+$0xFFFFFED0] =	vst v1;
	v2 =	vld [tilespmem:s26+$0xFFFFFEE0]  }
0xeb: {  	v1 =	vld.idx.msk [tilespmem:v4+s20+$0x0], $0xffff  }
0xec: {  	v3 =	vld [tilespmem:s26+$0xFFFFFEF0];
	_ =	sdelay $0x1  }
0xed: {  	s4 =	simm.s32 $0x10  }
0xee: {  	v4 =	vmov s4  }
0xef: {  	v2 =	vmul.f32 v2, v1  }
0xf0: {  	v1 =	vmul.f32 v3, v1  }
0xf1: {  	[tilespmem:s26+$0xFFFFFEE0] =	vst v2  }
0xf2: {  	[tilespmem:s26+$0xFFFFFEF0] =	vst v1;
	v2 =	vld [tilespmem:s26+$0xFFFFFF00]  }
0xf3: {  	v1 =	vld.idx.msk [tilespmem:v4+s20+$0x0], $0xffff  }
0xf4: {  	v3 =	vld [tilespmem:s26+$0xFFFFFF10];
	_ =	sdelay $0x2  }
0xf5: {  	v5 =	vor.u32 $0x1, v4  }
0xf6: {  	v2 =	vmul.f32 v2, v1  }
0xf7: {  	v1 =	vmul.f32 v3, v1  }
0xf8: {  	[tilespmem:s26+$0xFFFFFF00] =	vst v2  }
0xf9: {  	[tilespmem:s26+$0xFFFFFF10] =	vst v1;
	v2 =	vld [tilespmem:s26+$0xFFFFFF20]  }
0xfa: {  	v1 =	vld.idx.msk [tilespmem:v5+s20+$0x0], $0xffff  }
0xfb: {  	v3 =	vld [tilespmem:s26+$0xFFFFFF30];
	_ =	sdelay $0x2  }
0xfc: {  	v5 =	vor.u32 $0x2, v4  }
0xfd: {  	v2 =	vmul.f32 v2, v1  }
0xfe: {  	v1 =	vmul.f32 v3, v1  }
0xff: {  	[tilespmem:s26+$0xFFFFFF20] =	vst v2  }
0x100: {  	[tilespmem:s26+$0xFFFFFF30] =	vst v1;
	v2 =	vld [tilespmem:s26+$0xFFFFFF40]  }
0x101: {  	v1 =	vld.idx.msk [tilespmem:v5+s20+$0x0], $0xffff  }
0x102: {  	v3 =	vld [tilespmem:s26+$0xFFFFFF50];
	_ =	sdelay $0x2  }
0x103: {  	v4 =	vor.u32 $0x3, v4  }
0x104: {  	v2 =	vmul.f32 v2, v1  }
0x105: {  	v1 =	vmul.f32 v3, v1  }
0x106: {  	[tilespmem:s26+$0xFFFFFF40] =	vst v2  }
0x107: {  	[tilespmem:s26+$0xFFFFFF50] =	vst v1;
	v2 =	vld [tilespmem:s26+$0xFFFFFF60]  }
0x108: {  	v1 =	vld.idx.msk [tilespmem:v4+s20+$0x0], $0xffff  }
0x109: {  	v3 =	vld [tilespmem:s26+$0xFFFFFF70];
	_ =	sdelay $0x1  }
0x10a: {  	s12 =	simm.s32 $0x18  }
0x10b: {  	v4 =	vmov s12  }
0x10c: {  	v2 =	vmul.f32 v2, v1  }
0x10d: {  	v1 =	vmul.f32 v3, v1  }
0x10e: {  	[tilespmem:s26+$0xFFFFFF60] =	vst v2  }
0x10f: {  	[tilespmem:s26+$0xFFFFFF70] =	vst v1;
	v2 =	vld [tilespmem:s26+$0xFFFFFF80]  }
0x110: {  	v1 =	vld.idx.msk [tilespmem:v4+s20+$0x0], $0xffff  }
0x111: {  	v3 =	vld [tilespmem:s26+$0xFFFFFF90];
	_ =	sdelay $0x2  }
0x112: {  	v5 =	vor.u32 $0x1, v4  }
0x113: {  	v2 =	vmul.f32 v2, v1  }
0x114: {  	v1 =	vmul.f32 v3, v1  }
0x115: {  	[tilespmem:s26+$0xFFFFFF80] =	vst v2  }
0x116: {  	[tilespmem:s26+$0xFFFFFF90] =	vst v1;
	v2 =	vld [tilespmem:s26+$0xFFFFFFA0]  }
0x117: {  	v1 =	vld.idx.msk [tilespmem:v5+s20+$0x0], $0xffff  }
0x118: {  	v3 =	vld [tilespmem:s26+$0xFFFFFFB0];
	_ =	sdelay $0x2  }
0x119: {  	v5 =	vor.u32 $0x2, v4  }
0x11a: {  	v2 =	vmul.f32 v2, v1  }
0x11b: {  	v1 =	vmul.f32 v3, v1  }
0x11c: {  	[tilespmem:s26+$0xFFFFFFA0] =	vst v2  }
0x11d: {  	[tilespmem:s26+$0xFFFFFFB0] =	vst v1;
	v2 =	vld [tilespmem:s26+$0xFFFFFFC0]  }
0x11e: {  	v1 =	vld.idx.msk [tilespmem:v5+s20+$0x0], $0xffff  }
0x11f: {  	v3 =	vld [tilespmem:s26+$0xFFFFFFD0];
	_ =	sdelay $0x2  }
0x120: {  	v4 =	vor.u32 $0x3, v4  }
0x121: {  	v2 =	vmul.f32 v2, v1  }
0x122: {  	v1 =	vmul.f32 v3, v1  }
0x123: {  	[tilespmem:s26+$0xFFFFFFC0] =	vst v2  }
0x124: {  	[tilespmem:s26+$0xFFFFFFD0] =	vst v1;
	v2 =	vld [tilespmem:s26+$0xFFFFFFE0]  }
0x125: {  	v1 =	vld.idx.msk [tilespmem:v4+s20+$0x0], $0xffff  }
0x126: {  	v5 =	vld [tilespmem:s26+$0xFFFFFFF0];
	_ =	sdelay $0x1  }
0x127: {  	s13 =	simm.s32 $0x20  }
0x128: {  	v3 =	vmov s13  }
0x129: {  	v2 =	vmul.f32 v2, v1  }
0x12a: {  	v1 =	vmul.f32 v5, v1  }
0x12b: {  	[tilespmem:s26+$0xFFFFFFE0] =	vst v2  }
0x12c: {  	[tilespmem:s26+$0xFFFFFFF0] =	vst v1;
	v2 =	vld [tilespmem:s26+$0x0]  }
0x12d: {  	v1 =	vld.idx.msk [tilespmem:v3+s20+$0x0], $0xffff  }
0x12e: {  	v4 =	vld [tilespmem:s26+$0x10];
	_ =	sdelay $0x2  }
0x12f: {  	v5 =	vor.u32 $0x1, v3  }
0x130: {  	v2 =	vmul.f32 v2, v1  }
0x131: {  	v1 =	vmul.f32 v4, v1  }
0x132: {  	[tilespmem:s26+$0x0] =	vst v2  }
0x133: {  	[tilespmem:s26+$0x10] =	vst v1;
	v2 =	vld [tilespmem:s26+$0x20]  }
0x134: {  	v1 =	vld.idx.msk [tilespmem:v5+s20+$0x0], $0xffff  }
0x135: {  	v4 =	vld [tilespmem:s26+$0x30];
	_ =	sdelay $0x2  }
0x136: {  	v5 =	vor.u32 $0x2, v3  }
0x137: {  	v2 =	vmul.f32 v2, v1  }
0x138: {  	v1 =	vmul.f32 v4, v1  }
0x139: {  	[tilespmem:s26+$0x20] =	vst v2  }
0x13a: {  	[tilespmem:s26+$0x30] =	vst v1;
	v2 =	vld [tilespmem:s26+$0x40]  }
0x13b: {  	v1 =	vld.idx.msk [tilespmem:v5+s20+$0x0], $0xffff  }
0x13c: {  	v4 =	vld [tilespmem:s26+$0x50];
	_ =	sdelay $0x2  }
0x13d: {  	v3 =	vor.u32 $0x3, v3  }
0x13e: {  	v2 =	vmul.f32 v2, v1  }
0x13f: {  	v1 =	vmul.f32 v4, v1  }
0x140: {  	[tilespmem:s26+$0x40] =	vst v2  }
0x141: {  	[tilespmem:s26+$0x50] =	vst v1;
	v2 =	vld [tilespmem:s26+$0x60]  }
0x142: {  	v1 =	vld.idx.msk [tilespmem:v3+s20+$0x0], $0xffff  }
0x143: {  	v3 =	vld [tilespmem:s26+$0x70];
	_ =	sdelay $0x1  }
0x144: {  	s14 =	simm.s32 $0x28  }
0x145: {  	v4 =	vmov s14  }
0x146: {  	v2 =	vmul.f32 v2, v1  }
0x147: {  	v1 =	vmul.f32 v3, v1  }
0x148: {  	[tilespmem:s26+$0x60] =	vst v2  }
0x149: {  	[tilespmem:s26+$0x70] =	vst v1;
	v2 =	vld [tilespmem:s26+$0x80]  }
0x14a: {  	v1 =	vld.idx.msk [tilespmem:v4+s20+$0x0], $0xffff  }
0x14b: {  	v3 =	vld [tilespmem:s26+$0x90];
	_ =	sdelay $0x2  }
0x14c: {  	v5 =	vor.u32 $0x1, v4  }
0x14d: {  	v2 =	vmul.f32 v2, v1  }
0x14e: {  	v1 =	vmul.f32 v3, v1  }
0x14f: {  	[tilespmem:s26+$0x80] =	vst v2  }
0x150: {  	[tilespmem:s26+$0x90] =	vst v1;
	v2 =	vld [tilespmem:s26+$0xA0]  }
0x151: {  	v1 =	vld.idx.msk [tilespmem:v5+s20+$0x0], $0xffff  }
0x152: {  	v3 =	vld [tilespmem:s26+$0xB0];
	_ =	sdelay $0x2  }
0x153: {  	v5 =	vor.u32 $0x2, v4  }
0x154: {  	v2 =	vmul.f32 v2, v1  }
0x155: {  	v1 =	vmul.f32 v3, v1  }
0x156: {  	[tilespmem:s26+$0xA0] =	vst v2  }
0x157: {  	[tilespmem:s26+$0xB0] =	vst v1;
	v2 =	vld [tilespmem:s26+$0xC0]  }
0x158: {  	v1 =	vld.idx.msk [tilespmem:v5+s20+$0x0], $0xffff  }
0x159: {  	v3 =	vld [tilespmem:s26+$0xD0];
	_ =	sdelay $0x2  }
0x15a: {  	v4 =	vor.u32 $0x3, v4  }
0x15b: {  	v2 =	vmul.f32 v2, v1  }
0x15c: {  	v1 =	vmul.f32 v3, v1  }
0x15d: {  	[tilespmem:s26+$0xC0] =	vst v2  }
0x15e: {  	[tilespmem:s26+$0xD0] =	vst v1;
	v2 =	vld [tilespmem:s26+$0xE0]  }
0x15f: {  	v1 =	vld.idx.msk [tilespmem:v4+s20+$0x0], $0xffff  }
0x160: {  	v3 =	vld [tilespmem:s26+$0xF0];
	_ =	sdelay $0x1  }
0x161: {  	s30 =	simm.s32 $0x30  }
0x162: {  	v4 =	vmov s30  }
0x163: {  	v2 =	vmul.f32 v2, v1  }
0x164: {  	v1 =	vmul.f32 v3, v1  }
0x165: {  	[tilespmem:s26+$0xE0] =	vst v2  }
0x166: {  	[tilespmem:s26+$0xF0] =	vst v1;
	v2 =	vld [tilespmem:s26+$0x100]  }
0x167: {  	v1 =	vld.idx.msk [tilespmem:v4+s20+$0x0], $0xffff  }
0x168: {  	v3 =	vld [tilespmem:s26+$0x110];
	_ =	sdelay $0x2  }
0x169: {  	v5 =	vor.u32 $0x1, v4  }
0x16a: {  	v2 =	vmul.f32 v2, v1  }
0x16b: {  	v1 =	vmul.f32 v3, v1  }
0x16c: {  	[tilespmem:s26+$0x100] =	vst v2  }
0x16d: {  	[tilespmem:s26+$0x110] =	vst v1;
	v2 =	vld [tilespmem:s26+$0x120]  }
0x16e: {  	v1 =	vld.idx.msk [tilespmem:v5+s20+$0x0], $0xffff  }
0x16f: {  	v3 =	vld [tilespmem:s26+$0x130];
	_ =	sdelay $0x2  }
0x170: {  	v5 =	vor.u32 $0x2, v4  }
0x171: {  	v2 =	vmul.f32 v2, v1  }
0x172: {  	v1 =	vmul.f32 v3, v1  }
0x173: {  	[tilespmem:s26+$0x120] =	vst v2  }
0x174: {  	[tilespmem:s26+$0x130] =	vst v1;
	v2 =	vld [tilespmem:s26+$0x140]  }
0x175: {  	v1 =	vld.idx.msk [tilespmem:v5+s20+$0x0], $0xffff  }
0x176: {  	v3 =	vld [tilespmem:s26+$0x150];
	_ =	sdelay $0x2  }
0x177: {  	v4 =	vor.u32 $0x3, v4  }
0x178: {  	v2 =	vmul.f32 v2, v1  }
0x179: {  	v1 =	vmul.f32 v3, v1  }
0x17a: {  	[tilespmem:s26+$0x140] =	vst v2  }
0x17b: {  	[tilespmem:s26+$0x150] =	vst v1;
	v2 =	vld [tilespmem:s26+$0x160]  }
0x17c: {  	v1 =	vld.idx.msk [tilespmem:v4+s20+$0x0], $0xffff  }
0x17d: {  	v3 =	vld [tilespmem:s26+$0x170];
	_ =	sdelay $0x1  }
0x17e: {  	s31 =	simm.s32 $0x38  }
0x17f: {  	v4 =	vmov s31  }
0x180: {  	v2 =	vmul.f32 v2, v1  }
0x181: {  	v1 =	vmul.f32 v3, v1  }
0x182: {  	v7 =	vld [tilespmem:s26+$0x190];
	[tilespmem:s26+$0x160] =	vst v2  }
0x183: {  	v5 =	vld [tilespmem:s26+$0x180];
	[tilespmem:s26+$0x170] =	vst v1  }
0x184: {  	v6 =	vld.idx.msk [tilespmem:v4+s20+$0x0], $0xffff;
	_ =	sdelay $0x3  }
0x185: {  	v3 =	vor.u32 $0x1, v4;
	v2 =	vor.u32 $0x2, v4  }
0x186: {  	s29 =	simm.s32 $0xF;
	s28 =	simm.s32 $0xA20;
	v1 =	vor.u32 $0x3, v4;
	v5 =	vmul.f32 v5, v6;
	v4 =	vmul.f32 v7, v6  }
.LBB2_5:
0x187: {  	p1 =	sne.s32 s29, $0x4F  }
0x188: {  	s26 =	sadd.s32 $0x400, s26;
	s0 =	smov.u32 s29;
	s29 =	sadd.s32 $0x8, s29  }
0x189: {  	[tilespmem:s28+$0x180] =	vst v5  }
0x18a: {  	[tilespmem:s28+$0x190] =	vst v4;
	v4 =	vld [tilespmem:s28+$0x1A0]  }
0x18b: {  	v3 =	vld.idx.msk [tilespmem:v3+s20+$0x0], $0xffff  }
0x18c: {  	v5 =	vld [tilespmem:s28+$0x1B0];
	_ =	sdelay $0x4  }
0x18d: {  	v4 =	vmul.f32 v4, v3;
	v3 =	vmul.f32 v5, v3;
	_ =	sdelay $0x1  }
0x18e: {  	[tilespmem:s28+$0x1A0] =	vst v4  }
0x18f: {  	[tilespmem:s28+$0x1B0] =	vst v3;
	v3 =	vld [tilespmem:s28+$0x1C0]  }
0x190: {  	v2 =	vld.idx.msk [tilespmem:v2+s20+$0x0], $0xffff  }
0x191: {  	v4 =	vld [tilespmem:s28+$0x1D0];
	_ =	sdelay $0x4  }
0x192: {  	v3 =	vmul.f32 v3, v2;
	v2 =	vmul.f32 v4, v2;
	_ =	sdelay $0x1  }
0x193: {  	[tilespmem:s28+$0x1C0] =	vst v3  }
0x194: {  	[tilespmem:s28+$0x1D0] =	vst v2;
	v2 =	vld [tilespmem:s28+$0x1E0]  }
0x195: {  	v1 =	vld.idx.msk [tilespmem:v1+s20+$0x0], $0xffff  }
0x196: {  	v3 =	vld [tilespmem:s28+$0x1F0];
	_ =	sdelay $0x1  }
0x197: {  	s30 =	sshll.u32 s0, $0x3  }
0x198: {  	s0 =	sadd.s32 $0xFFFFFFC8, s30;
	s14 =	sadd.s32 $0xFFFFFFD0, s30;
	s13 =	sadd.s32 $0xFFFFFFD8, s30  }
0x199: {  	s12 =	sadd.s32 $0xFFFFFFE0, s30;
	s4 =	sadd.s32 $0xFFFFFFE8, s30;
	v4 =	vmov s0;
	s0 =	sadd.s32 $0xFFFFFFF0, s30  }
0x19a: {  	s31 =	sadd.s32 $0xFFFFFFF8, s30;
	v2 =	vmul.f32 v2, v1;
	v1 =	vmul.f32 v3, v1;
	_ =	sdelay $0x1  }
0x19b: {  	[tilespmem:s28+$0x1E0] =	vst v2  }
0x19c: {  	v2 =	vld [tilespmem:s26+$0xFFFFFE10];
	[tilespmem:s28+$0x1F0] =	vst v1;
	s28 =	smov.u32 s26  }
0x19d: {  	v1 =	vld.idx.msk [tilespmem:v4+s20+$0x0], $0xffff  }
0x19e: {  	v3 =	vld [tilespmem:s26+$0xFFFFFE00];
	_ =	sdelay $0x2  }
0x19f: {  	v5 =	vor.u32 $0x1, v4;
	_ =	sdelay $0x1  }
0x1a0: {  	v3 =	vmul.f32 v3, v1;
	v1 =	vmul.f32 v2, v1;
	_ =	sdelay $0x1  }
0x1a1: {  	[tilespmem:s26+$0xFFFFFE00] =	vst v3  }
0x1a2: {  	[tilespmem:s26+$0xFFFFFE10] =	vst v1;
	v1 =	vld [tilespmem:s26+$0xFFFFFE30]  }
0x1a3: {  	v2 =	vld.idx.msk [tilespmem:v5+s20+$0x0], $0xffff  }
0x1a4: {  	v3 =	vld [tilespmem:s26+$0xFFFFFE20];
	_ =	sdelay $0x1  }
0x1a5: {  	v5 =	vor.u32 $0x2, v4;
	_ =	sdelay $0x2  }
0x1a6: {  	v1 =	vmul.f32 v1, v2;
	v3 =	vmul.f32 v3, v2;
	_ =	sdelay $0x1  }
0x1a7: {  	[tilespmem:s26+$0xFFFFFE20] =	vst v3  }
0x1a8: {  	[tilespmem:s26+$0xFFFFFE30] =	vst v1;
	v1 =	vld [tilespmem:s26+$0xFFFFFE50]  }
0x1a9: {  	v2 =	vld.idx.msk [tilespmem:v5+s20+$0x0], $0xffff  }
0x1aa: {  	v3 =	vld [tilespmem:s26+$0xFFFFFE40]  }
0x1ab: {  	v4 =	vor.u32 $0x3, v4;
	_ =	sdelay $0x3  }
0x1ac: {  	v1 =	vmul.f32 v1, v2;
	v3 =	vmul.f32 v3, v2;
	_ =	sdelay $0x1  }
0x1ad: {  	[tilespmem:s26+$0xFFFFFE40] =	vst v3  }
0x1ae: {  	[tilespmem:s26+$0xFFFFFE50] =	vst v1;
	v1 =	vld [tilespmem:s26+$0xFFFFFE70]  }
0x1af: {  	v2 =	vld.idx.msk [tilespmem:v4+s20+$0x0], $0xffff  }
0x1b0: {  	v4 =	vmov s14;
	v3 =	vld [tilespmem:s26+$0xFFFFFE60];
	_ =	sdelay $0x4  }
0x1b1: {  	v1 =	vmul.f32 v1, v2;
	v3 =	vmul.f32 v3, v2;
	_ =	sdelay $0x1  }
0x1b2: {  	[tilespmem:s26+$0xFFFFFE60] =	vst v3  }
0x1b3: {  	[tilespmem:s26+$0xFFFFFE70] =	vst v1;
	v1 =	vld [tilespmem:s26+$0xFFFFFE90]  }
0x1b4: {  	v3 =	vor.u32 $0x1, v4;
	v2 =	vld.idx.msk [tilespmem:v4+s20+$0x0], $0xffff  }
0x1b5: {  	v5 =	vld [tilespmem:s26+$0xFFFFFE80];
	_ =	sdelay $0x4  }
0x1b6: {  	v1 =	vmul.f32 v1, v2;
	v5 =	vmul.f32 v5, v2;
	_ =	sdelay $0x1  }
0x1b7: {  	[tilespmem:s26+$0xFFFFFE80] =	vst v5  }
0x1b8: {  	v2 =	vor.u32 $0x2, v4;
	[tilespmem:s26+$0xFFFFFE90] =	vst v1;
	v1 =	vld [tilespmem:s26+$0xFFFFFEB0]  }
0x1b9: {  	v3 =	vld.idx.msk [tilespmem:v3+s20+$0x0], $0xffff  }
0x1ba: {  	v5 =	vld [tilespmem:s26+$0xFFFFFEA0];
	_ =	sdelay $0x4  }
0x1bb: {  	v1 =	vmul.f32 v1, v3;
	v5 =	vmul.f32 v5, v3;
	_ =	sdelay $0x1  }
0x1bc: {  	v3 =	vor.u32 $0x3, v4;
	[tilespmem:s26+$0xFFFFFEA0] =	vst v5  }
0x1bd: {  	[tilespmem:s26+$0xFFFFFEB0] =	vst v1;
	v1 =	vld [tilespmem:s26+$0xFFFFFED0]  }
0x1be: {  	v2 =	vld.idx.msk [tilespmem:v2+s20+$0x0], $0xffff  }
0x1bf: {  	v4 =	vld [tilespmem:s26+$0xFFFFFEC0];
	_ =	sdelay $0x4  }
0x1c0: {  	v1 =	vmul.f32 v1, v2;
	v4 =	vmul.f32 v4, v2  }
0x1c1: {  	v2 =	vmov s13  }
0x1c2: {  	[tilespmem:s26+$0xFFFFFEC0] =	vst v4  }
0x1c3: {  	[tilespmem:s26+$0xFFFFFED0] =	vst v1;
	v1 =	vld [tilespmem:s26+$0xFFFFFEF0]  }
0x1c4: {  	v3 =	vld.idx.msk [tilespmem:v3+s20+$0x0], $0xffff  }
0x1c5: {  	v4 =	vld [tilespmem:s26+$0xFFFFFEE0];
	_ =	sdelay $0x4  }
0x1c6: {  	v1 =	vmul.f32 v1, v3;
	v4 =	vmul.f32 v4, v3;
	v3 =	vor.u32 $0x1, v2;
	_ =	sdelay $0x1  }
0x1c7: {  	[tilespmem:s26+$0xFFFFFEE0] =	vst v4  }
0x1c8: {  	[tilespmem:s26+$0xFFFFFEF0] =	vst v1;
	v1 =	vld [tilespmem:s26+$0xFFFFFF10]  }
0x1c9: {  	v4 =	vld.idx.msk [tilespmem:v2+s20+$0x0], $0xffff  }
0x1ca: {  	v5 =	vld [tilespmem:s26+$0xFFFFFF00];
	_ =	sdelay $0x3  }
0x1cb: {  	v6 =	vor.u32 $0x2, v2  }
0x1cc: {  	v1 =	vmul.f32 v1, v4;
	v5 =	vmul.f32 v5, v4;
	_ =	sdelay $0x1  }
0x1cd: {  	[tilespmem:s26+$0xFFFFFF00] =	vst v5  }
0x1ce: {  	[tilespmem:s26+$0xFFFFFF10] =	vst v1;
	v1 =	vld [tilespmem:s26+$0xFFFFFF30]  }
0x1cf: {  	v3 =	vld.idx.msk [tilespmem:v3+s20+$0x0], $0xffff  }
0x1d0: {  	v4 =	vld [tilespmem:s26+$0xFFFFFF20];
	_ =	sdelay $0x2  }
0x1d1: {  	v2 =	vor.u32 $0x3, v2;
	_ =	sdelay $0x1  }
0x1d2: {  	v1 =	vmul.f32 v1, v3;
	v4 =	vmul.f32 v4, v3;
	_ =	sdelay $0x1  }
0x1d3: {  	[tilespmem:s26+$0xFFFFFF20] =	vst v4  }
0x1d4: {  	[tilespmem:s26+$0xFFFFFF30] =	vst v1;
	v1 =	vld [tilespmem:s26+$0xFFFFFF50]  }
0x1d5: {  	v3 =	vld.idx.msk [tilespmem:v6+s20+$0x0], $0xffff  }
0x1d6: {  	v4 =	vld [tilespmem:s26+$0xFFFFFF40];
	_ =	sdelay $0x1  }
0x1d7: {  	v5 =	vmov s12;
	_ =	sdelay $0x2  }
0x1d8: {  	v1 =	vmul.f32 v1, v3;
	v4 =	vmul.f32 v4, v3;
	_ =	sdelay $0x1  }
0x1d9: {  	[tilespmem:s26+$0xFFFFFF40] =	vst v4  }
0x1da: {  	[tilespmem:s26+$0xFFFFFF50] =	vst v1;
	v1 =	vld [tilespmem:s26+$0xFFFFFF70]  }
0x1db: {  	v2 =	vld.idx.msk [tilespmem:v2+s20+$0x0], $0xffff  }
0x1dc: {  	v3 =	vld [tilespmem:s26+$0xFFFFFF60]  }
0x1dd: {  	v4 =	vor.u32 $0x1, v5;
	_ =	sdelay $0x3  }
0x1de: {  	v1 =	vmul.f32 v1, v2;
	v3 =	vmul.f32 v3, v2;
	_ =	sdelay $0x1  }
0x1df: {  	[tilespmem:s26+$0xFFFFFF60] =	vst v3  }
0x1e0: {  	[tilespmem:s26+$0xFFFFFF70] =	vst v1;
	v1 =	vld [tilespmem:s26+$0xFFFFFF90]  }
0x1e1: {  	v2 =	vld.idx.msk [tilespmem:v5+s20+$0x0], $0xffff  }
0x1e2: {  	v6 =	vor.u32 $0x2, v5;
	v3 =	vld [tilespmem:s26+$0xFFFFFF80];
	_ =	sdelay $0x4  }
0x1e3: {  	v1 =	vmul.f32 v1, v2;
	v3 =	vmul.f32 v3, v2;
	_ =	sdelay $0x1  }
0x1e4: {  	[tilespmem:s26+$0xFFFFFF80] =	vst v3  }
0x1e5: {  	[tilespmem:s26+$0xFFFFFF90] =	vst v1;
	v1 =	vld [tilespmem:s26+$0xFFFFFFB0]  }
0x1e6: {  	v3 =	vor.u32 $0x3, v5;
	v2 =	vld.idx.msk [tilespmem:v4+s20+$0x0], $0xffff  }
0x1e7: {  	v4 =	vld [tilespmem:s26+$0xFFFFFFA0];
	_ =	sdelay $0x4  }
0x1e8: {  	v1 =	vmul.f32 v1, v2;
	v4 =	vmul.f32 v4, v2;
	v2 =	vld [tilespmem:s26+$0xFFFFFFF0];
	_ =	sdelay $0x1  }
0x1e9: {  	[tilespmem:s26+$0xFFFFFFA0] =	vst v4  }
0x1ea: {  	v4 =	vmov s4;
	[tilespmem:s26+$0xFFFFFFB0] =	vst v1;
	v1 =	vld [tilespmem:s26+$0xFFFFFFD0]  }
0x1eb: {  	v5 =	vld.idx.msk [tilespmem:v6+s20+$0x0], $0xffff  }
0x1ec: {  	v6 =	vld [tilespmem:s26+$0xFFFFFFC0];
	_ =	sdelay $0x4  }
0x1ed: {  	v1 =	vmul.f32 v1, v5;
	v6 =	vmul.f32 v6, v5;
	_ =	sdelay $0x1  }
0x1ee: {  	v5 =	vor.u32 $0x1, v4;
	[tilespmem:s26+$0xFFFFFFC0] =	vst v6  }
0x1ef: {  	[tilespmem:s26+$0xFFFFFFD0] =	vst v1  }
0x1f0: {  	v1 =	vld.idx.msk [tilespmem:v3+s20+$0x0], $0xffff  }
0x1f1: {  	v3 =	vld [tilespmem:s26+$0xFFFFFFE0];
	_ =	sdelay $0x4  }
0x1f2: {  	v3 =	vmul.f32 v3, v1;
	v1 =	vmul.f32 v2, v1  }
0x1f3: {  	v2 =	vor.u32 $0x2, v4  }
0x1f4: {  	[tilespmem:s26+$0xFFFFFFE0] =	vst v3  }
0x1f5: {  	[tilespmem:s26+$0xFFFFFFF0] =	vst v1;
	v1 =	vld [tilespmem:s26+$0x10]  }
0x1f6: {  	v3 =	vld.idx.msk [tilespmem:v4+s20+$0x0], $0xffff  }
0x1f7: {  	v6 =	vld [tilespmem:s26+$0x0];
	_ =	sdelay $0x4  }
0x1f8: {  	v1 =	vmul.f32 v1, v3;
	v6 =	vmul.f32 v6, v3;
	v3 =	vor.u32 $0x3, v4;
	_ =	sdelay $0x1  }
0x1f9: {  	[tilespmem:s26+$0x0] =	vst v6  }
0x1fa: {  	[tilespmem:s26+$0x10] =	vst v1;
	v1 =	vld [tilespmem:s26+$0x30]  }
0x1fb: {  	v4 =	vld.idx.msk [tilespmem:v5+s20+$0x0], $0xffff  }
0x1fc: {  	v5 =	vld [tilespmem:s26+$0x20];
	_ =	sdelay $0x3  }
0x1fd: {  	v6 =	vmov s0  }
0x1fe: {  	v1 =	vmul.f32 v1, v4;
	v5 =	vmul.f32 v5, v4;
	_ =	sdelay $0x1  }
0x1ff: {  	[tilespmem:s26+$0x20] =	vst v5  }
0x200: {  	[tilespmem:s26+$0x30] =	vst v1;
	v1 =	vld [tilespmem:s26+$0x50]  }
0x201: {  	v2 =	vld.idx.msk [tilespmem:v2+s20+$0x0], $0xffff  }
0x202: {  	v4 =	vld [tilespmem:s26+$0x40];
	_ =	sdelay $0x2  }
0x203: {  	v5 =	vor.u32 $0x1, v6;
	_ =	sdelay $0x1  }
0x204: {  	v1 =	vmul.f32 v1, v2;
	v4 =	vmul.f32 v4, v2;
	_ =	sdelay $0x1  }
0x205: {  	[tilespmem:s26+$0x40] =	vst v4  }
0x206: {  	[tilespmem:s26+$0x50] =	vst v1;
	v1 =	vld [tilespmem:s26+$0x70]  }
0x207: {  	v2 =	vld.idx.msk [tilespmem:v3+s20+$0x0], $0xffff  }
0x208: {  	v3 =	vld [tilespmem:s26+$0x60];
	_ =	sdelay $0x1  }
0x209: {  	v4 =	vor.u32 $0x2, v6;
	_ =	sdelay $0x2  }
0x20a: {  	v1 =	vmul.f32 v1, v2;
	v3 =	vmul.f32 v3, v2;
	_ =	sdelay $0x1  }
0x20b: {  	[tilespmem:s26+$0x60] =	vst v3  }
0x20c: {  	[tilespmem:s26+$0x70] =	vst v1;
	v1 =	vld [tilespmem:s26+$0x90]  }
0x20d: {  	v2 =	vld.idx.msk [tilespmem:v6+s20+$0x0], $0xffff  }
0x20e: {  	v3 =	vld [tilespmem:s26+$0x80]  }
0x20f: {  	v6 =	vor.u32 $0x3, v6;
	_ =	sdelay $0x3  }
0x210: {  	v1 =	vmul.f32 v1, v2;
	v3 =	vmul.f32 v3, v2;
	_ =	sdelay $0x1  }
0x211: {  	[tilespmem:s26+$0x80] =	vst v3  }
0x212: {  	[tilespmem:s26+$0x90] =	vst v1;
	v1 =	vld [tilespmem:s26+$0xB0]  }
0x213: {  	v2 =	vld.idx.msk [tilespmem:v5+s20+$0x0], $0xffff  }
0x214: {  	v5 =	vmov s31;
	v3 =	vld [tilespmem:s26+$0xA0];
	_ =	sdelay $0x4  }
0x215: {  	v1 =	vmul.f32 v1, v2;
	v3 =	vmul.f32 v3, v2;
	_ =	sdelay $0x1  }
0x216: {  	[tilespmem:s26+$0xA0] =	vst v3  }
0x217: {  	[tilespmem:s26+$0xB0] =	vst v1;
	v1 =	vld [tilespmem:s26+$0xD0]  }
0x218: {  	v3 =	vor.u32 $0x1, v5;
	v2 =	vld.idx.msk [tilespmem:v4+s20+$0x0], $0xffff  }
0x219: {  	v4 =	vld [tilespmem:s26+$0xC0];
	_ =	sdelay $0x4  }
0x21a: {  	v1 =	vmul.f32 v1, v2;
	v4 =	vmul.f32 v4, v2;
	_ =	sdelay $0x1  }
0x21b: {  	[tilespmem:s26+$0xC0] =	vst v4  }
0x21c: {  	v2 =	vor.u32 $0x2, v5;
	[tilespmem:s26+$0xD0] =	vst v1;
	v1 =	vld [tilespmem:s26+$0xF0]  }
0x21d: {  	v4 =	vld.idx.msk [tilespmem:v6+s20+$0x0], $0xffff  }
0x21e: {  	v6 =	vld [tilespmem:s26+$0xE0];
	_ =	sdelay $0x4  }
0x21f: {  	v1 =	vmul.f32 v1, v4;
	v6 =	vmul.f32 v6, v4;
	_ =	sdelay $0x1  }
0x220: {  	v4 =	vor.u32 $0x3, v5;
	[tilespmem:s26+$0xE0] =	vst v6  }
0x221: {  	[tilespmem:s26+$0xF0] =	vst v1;
	v1 =	vld [tilespmem:s26+$0x110]  }
0x222: {  	v5 =	vld.idx.msk [tilespmem:v5+s20+$0x0], $0xffff  }
0x223: {  	v6 =	vld [tilespmem:s26+$0x100];
	_ =	sdelay $0x4  }
0x224: {  	v1 =	vmul.f32 v1, v5;
	v6 =	vmul.f32 v6, v5  }
0x225: {  	v5 =	vmov s30  }
0x226: {  	[tilespmem:s26+$0x100] =	vst v6  }
0x227: {  	[tilespmem:s26+$0x110] =	vst v1;
	v1 =	vld [tilespmem:s26+$0x130]  }
0x228: {  	v3 =	vld.idx.msk [tilespmem:v3+s20+$0x0], $0xffff  }
0x229: {  	v6 =	vld [tilespmem:s26+$0x120];
	_ =	sdelay $0x4  }
0x22a: {  	v1 =	vmul.f32 v1, v3;
	v6 =	vmul.f32 v6, v3;
	v3 =	vor.u32 $0x1, v5;
	_ =	sdelay $0x1  }
0x22b: {  	[tilespmem:s26+$0x120] =	vst v6  }
0x22c: {  	[tilespmem:s26+$0x130] =	vst v1;
	v1 =	vld [tilespmem:s26+$0x150]  }
0x22d: {  	v6 =	vld.idx.msk [tilespmem:v2+s20+$0x0], $0xffff  }
0x22e: {  	v7 =	vld [tilespmem:s26+$0x140];
	_ =	sdelay $0x3  }
0x22f: {  	v2 =	vor.u32 $0x2, v5  }
0x230: {  	v1 =	vmul.f32 v1, v6;
	v7 =	vmul.f32 v7, v6;
	_ =	sdelay $0x1  }
0x231: {  	[tilespmem:s26+$0x140] =	vst v7  }
0x232: {  	[tilespmem:s26+$0x150] =	vst v1;
	v6 =	vld [tilespmem:s26+$0x170]  }
0x233: {  	v4 =	vld.idx.msk [tilespmem:v4+s20+$0x0], $0xffff  }
0x234: {  	v7 =	vld [tilespmem:s26+$0x160];
	_ =	sdelay $0x2  }
0x235: {  	v1 =	vor.u32 $0x3, v5;
	_ =	sdelay $0x1  }
0x236: {  	v7 =	vmul.f32 v7, v4;
	v4 =	vmul.f32 v6, v4;
	_ =	sdelay $0x1  }
0x237: {  	[tilespmem:s26+$0x160] =	vst v7  }
0x238: {  	[tilespmem:s26+$0x170] =	vst v4;
	v4 =	vld [tilespmem:s26+$0x180]  }
0x239: {  	v6 =	vld.idx.msk [tilespmem:v5+s20+$0x0], $0xffff  }
0x23a: {  	v7 =	vld [tilespmem:s26+$0x190]  }
.Ltmp1:
0x23b: {  	(pc) =	sbr.rel @p1 .LBB2_5-.Ltmp1, $2  }
0x23c: {  	_ =	sdelay $0x2  }
0x23d: {  	v5 =	vmul.f32 v4, v6;
	v4 =	vmul.f32 v7, v6  }
0x23e: {  	_ =	sdelay $0x1  }
0x23f: {  	[tilespmem:s28+$0x180] =	vst v5  }
0x240: {  	v61 =	vld [tilespmem:s28+$0x1A0];
	[tilespmem:s28+$0x190] =	vst v4  }
0x241: {  	v3 =	vld.idx.msk [tilespmem:v3+s20+$0x0], $0xffff  }
0x242: {  	v62 =	vld [tilespmem:s28+$0x1B0];
	_ =	sdelay $0x3  }
0x243: {  	v4 =	vmul.f32 v61, v3  }
0x244: {  	v3 =	vmul.f32 v62, v3  }
0x245: {  	[tilespmem:s28+$0x1A0] =	vst v4  }
0x246: {  	[tilespmem:s28+$0x1B0] =	vst v3;
	v3 =	vld [tilespmem:s28+$0x1C0]  }
0x247: {  	v2 =	vld.idx.msk [tilespmem:v2+s20+$0x0], $0xffff  }
0x248: {  	v63 =	vld [tilespmem:s28+$0x1D0];
	_ =	sdelay $0x3  }
0x249: {  	v3 =	vmul.f32 v3, v2  }
0x24a: {  	v2 =	vmul.f32 v63, v2  }
0x24b: {  	[tilespmem:s28+$0x1C0] =	vst v3  }
0x24c: {  	[tilespmem:s28+$0x1D0] =	vst v2;
	v2 =	vld [tilespmem:s28+$0x1E0]  }
0x24d: {  	v1 =	vld.idx.msk [tilespmem:v1+s20+$0x0], $0xffff  }
0x24e: {  	v3 =	vld [tilespmem:s28+$0x1F0];
	_ =	sdelay $0x3  }
0x24f: {  	v2 =	vmul.f32 v2, v1  }
0x250: {  	s25 =	sadd.s32 $0x1, s25;
	v1 =	vmul.f32 v3, v1  }
0x251: {  	p1 =	sne.s32 s25, $0x7D;
	[tilespmem:s28+$0x1E0] =	vst v2  }
.Ltmp2:
0x252: {  	[tilespmem:s28+$0x1F0] =	vst v1;
	(pc) =	sbr.rel @p1 .LBB2_2-.Ltmp2, $4  }
0x253: {  	[spmem:s5] =	stream.indirect.scatter.add.f32 [tilespmem:s17], [sflag:$0x4], $0x80, s16, s16, $0xb8;
	[tilespmem:$0x168A0] =	vst v63  }
0x254: {  	_ =	swait.ge [sflag:s15], $0x2800  }
0x255: {  	[sflag:s15] =	ssyncset.done $0x0  }
0x256: {  	[sflag:s15] =	ssyncadd.s32 $0xFFFFD800  }
0x257: {  	[bflag:$0x0] =	sbarrier.arrive $0xFFFF  }
0x258: {  	s4 =	rddreg [dreg:$0x7]  }
0x259: {  	s0 =	simm.s32 @!p0 $0x1C04;
	s12 =	rddreg [dreg:$0x9]  }
0x25a: {  	[hbm:s4], [sflag:s0] =	dma.local @!p0 [spmem:s12], $0x27100  }
0x25b: {  	s0 =	simm.s32 @!p0 $0x4  }
0x25c: {  	_ =	swait.ge @!p0 [sflag:s0], $0x27100  }
0x25d: {  	s24 =	sadd.s32 $0x1, s24;
	s31 =	rddreg [dreg:$0x8]  }
0x25e: {  	p1 =	sne.s32 s24, s31  }
.Ltmp3:
0x25f: {  	_ = 	snop;
	(pc) =	sbr.rel @p1 .LBB2_1-.Ltmp3, $3  }
0x260: {  	_ =	sdelay $0x1  }
0x261: {  	[sflag:s0] =	ssyncset.done @!p0 $0x0  }
0x262: {  	[sflag:s0] =	ssyncadd.s32 @!p0 $0xFFFD8F00  }
0x263: {  	_ =	sfence.sel $0x180000  }
0x264: {  	[bflag:$0x0] =	sbarrier.arrive $0xFFFF  }
0x265: {  	_ =	strace $0x90000050  }
0x266: {  	[bflag:$0x2] =	sbarrier.arrive $0xFFFF  }
0x267: {  	s0 =	rddreg [dreg:$0x6]  }
0x268: {  	s0 =	sadd.s32 @!p0 $0x100000, s0  }
0x269: {  	[sflag:s0] =	ssyncadd.tile.s32 @!p0 $0x1;
	_ =	shalt  }
.Lfunc_end2:
_tile_overlayer_lowered:
.L_overlay_start_2:
0x26a: {  	(tag) =	ssettag $0x2  }
0x26b: {  	s0 =	rddreg [dreg:$0x0];
	s2 =	stileid.u32  }
0x26c: {  	s1 =	rddreg [dreg:$0x1];
	p0 =	sne.s32 s2, $0x0  }
0x26d: {  	s3 =	rddreg [dreg:$0x2];
	[bflag:$0x3] =	sbarrier.arrive $0xFFFF;
	s2 =	simm.s32 @!p0 $0x1C04  }
0x26e: {  	[timem:s3], [sflag:s2] =	dma.local @!p0 [hbm:s0], s1  }
0x26f: {  	s0 =	simm.s32 @!p0 $0x4  }
0x270: {  	_ =	swait.ge @!p0 [sflag:s0], s1  }
0x271: {  	s1 =	ssub.s32 @!p0 $0x0, s1;
	[sflag:s0] =	ssyncset.done @!p0 $0x0  }
0x272: {  	[sflag:s0] =	ssyncadd.s32 @!p0 s1  }
0x273: {  	[bflag:$0x3] =	sbarrier.arrive $0xFFFF  }
0x274: {  	_ =	shalt  }

// kernel: kernel.26.cloned.1.call-start
scs
__scs_entry_jumppad:
0x0: {  	(pc) =	sbr.rel $0x88, $3  }
0x1: {  	(tag) =	ssettag $0x0;
	lr =	simm.s32 $0x1  }
0x2: {  	[smem:$0x3F95] =	sst lr;
	_ =	strace $0xD0000000  }
0x3: {  	_ = 	snop  }
0x4: {  	_ = 	snop  }
0x5: {  	_ = 	snop  }
0x6: {  	_ = 	snop  }
0x7: {  	_ = 	snop  }
__scs_overlays_trampoline_lowered:
0x8: {  	[smem:$0x3FA4] =	sst s0  }
0x9: {  	[smem:$0x3FA5] =	sst s1  }
0xa: {  	[smem:$0x3FA6] =	sst s2  }
0xb: {  	[smem:$0x3FA7] =	sst s3  }
0xc: {  	[smem:$0x3FA8] =	sst s4  }
0xd: {  	[smem:$0x3FA9] =	sst s5  }
0xe: {  	[smem:$0x3FAA] =	sst s6  }
0xf: {  	[smem:$0x3FAB] =	sst s7  }
0x10: {  	[smem:$0x3FAC] =	sst s8  }
0x11: {  	[smem:$0x3FAD] =	sst s9;
	s0 =	simm.s32 @!p0 $0x0  }
0x12: {  	s1 =	sld [smem:$0x3F93];
	s0 =	simm.s32 @p0 $0x1  }
0x13: {  	[smem:$0x3FAE] =	sst s0;
	s0 =	simm.s32 @!p1 $0x0  }
0x14: {  	s2 =	sld [smem:$0x3F92];
	s0 =	simm.s32 @p1 $0x1  }
0x15: {  	[smem:$0x3FAF] =	sst s0;
	s0 =	simm.s32 @!p2 $0x0  }
0x16: {  	s3 =	sld [smem:$0x3FDB];
	s0 =	simm.s32 @p2 $0x1  }
0x17: {  	s4 =	simm.s32 $0x1BF5;
	[smem:$0x3FB1] =	sst s0  }
0x18: {  	s0 =	sld [smem:$0x3F94];
	_ =	swait.ge [sflag:s4], $0x0  }
0x19: {  	s7 =	sld [smem:$0x3F95]  }
0x1a: {  	s8 =	sadd.s32 $0xFFFFE003, lr  }
0x1b: {  	s9 =	sadd.s32 $0xFFFFFEF7, lr;
	s5 =	simm.s32 $0xFFFFFFFF;
	p2 =	slt.u32 s8, $0xFFFFF086  }
0x1c: {  	p1 =	slt.u32 s9, $0xF7A;
	s5 =	simm.s32 @!p2 $0x0  }
0x1d: {  	s5 =	simm.s32 @p1 $0x1;
	p0 =	seq.s32 s7, s2  }
0x1e: {  	s7 =	smul.u32 @!p0 $0xF7A, s2;
	p2 =	seq.s32 @!p0 s5, $0x0  }
0x1f: {  	s9 =	smul.u32 $0xF7A, s1;
	s8 =	simm.s32 @!p0 $0x1BF5;
	p2 =	por !p2, p0  }
0x20: {  	[sflag:s8] =	ssyncset.s32 @!p0 $0xFFFFF086;
	s6 =	sadd.s32 @!p0 s3, s7;
	s7 =	simm.s32 @!p0 $0x108  }
0x21: {  	s3 =	sadd.s32 s3, s9;
	s6 =	sadd.s32 @!p0 $0x88, s6;
	s7 =	simm.s32 @p2 $0x1082  }
0x22: {  	[simem:s7], [sflag:s8] =	dma.local @!p0 [hbm:s6], $0xF7A  }
0x23: {  	s9 =	sor.u32 $0xD0000000, s2;
	s6 =	simm.s32 $0x108;
	_ =	swait.ge @!p0 [sflag:s8], $0x0  }
0x24: {  	s3 =	sadd.s32 $0x88, s3;
	s6 =	simm.s32 @!p1 $0x1082;
	[sflag:s4] =	ssyncset.s32 $0xFFFFF086  }
0x25: {  	[simem:s6], [sflag:s4] =	dma.local [hbm:s3], $0xF7A  }
0x26: {  	[smem:$0x3F95] =	sst s1;
	(tag) =	ssettag s2;
	_ =	strace s9  }
0x27: {  	s1 =	sld [smem:$0x3FA5]  }
0x28: {  	s2 =	sld [smem:$0x3FA6]  }
0x29: {  	s4 =	sld [smem:$0x3FA8]  }
0x2a: {  	p0 =	seq.s32 s5, $0x0;
	s5 =	sld [smem:$0x3FA9]  }
0x2b: {  	s6 =	sld [smem:$0x3FAA]  }
0x2c: {  	s7 =	sld [smem:$0x3FAB]  }
0x2d: {  	s3 =	simm.s32 $0x108;
	s8 =	sld [smem:$0x3FAC]  }
0x2e: {  	s3 =	simm.s32 @!p0 $0x1082;
	s9 =	sld [smem:$0x3FAD]  }
0x2f: {  	lr =	sadd.s32 s0, s3;
	s0 =	sld [smem:$0x3FA4]  }
0x30: {  	s3 =	sld [smem:$0x3FA7]  }
0x31: {  	[smem:$0x3FB0] =	sst s10  }
0x32: {  	s10 =	sld [smem:$0x3FAE];
	_ =	sdelay $0x3  }
0x33: {  	p0 =	seq.s32 s10, $0x1;
	s10 =	sld [smem:$0x3FB0];
	_ =	sdelay $0x3  }
0x34: {  	[smem:$0x3FB0] =	sst s10  }
0x35: {  	s10 =	sld [smem:$0x3FAF];
	_ =	sdelay $0x3  }
0x36: {  	p1 =	seq.s32 s10, $0x1;
	s10 =	sld [smem:$0x3FB0];
	_ =	sdelay $0x3  }
0x37: {  	[smem:$0x3FB0] =	sst s10  }
0x38: {  	s10 =	sld [smem:$0x3FB1]  }
0x39: {  	_ = 	snop;
	(pc) =	sbr.ind lr, $3  }
0x3a: {  	_ = 	snop  }
0x3b: {  	_ = 	snop  }
0x3c: {  	p2 =	seq.s32 s10, $0x1;
	s10 =	sld [smem:$0x3FB0]  }
0x3d: {  	_ =	shalt  }
0x3e: {  	_ =	shalt  }
0x3f: {  	_ =	shalt  }
0x40: {  	_ =	shalt  }
0x41: {  	_ =	shalt  }
0x42: {  	_ =	shalt  }
0x43: {  	_ =	shalt  }
0x44: {  	_ =	shalt  }
0x45: {  	_ =	shalt  }
0x46: {  	_ =	shalt  }
0x47: {  	_ =	shalt  }
0x48: {  	_ =	shalt  }
0x49: {  	_ =	shalt  }
0x4a: {  	_ =	shalt  }
0x4b: {  	_ =	shalt  }
0x4c: {  	_ =	shalt  }
0x4d: {  	_ =	shalt  }
0x4e: {  	_ =	shalt  }
0x4f: {  	_ =	shalt  }
0x50: {  	_ =	shalt  }
0x51: {  	_ =	shalt  }
0x52: {  	_ =	shalt  }
0x53: {  	_ =	shalt  }
0x54: {  	_ =	shalt  }
0x55: {  	_ =	shalt  }
0x56: {  	_ =	shalt  }
0x57: {  	_ =	shalt  }
0x58: {  	_ =	shalt  }
0x59: {  	_ =	shalt  }
0x5a: {  	_ =	shalt  }
0x5b: {  	_ =	shalt  }
0x5c: {  	_ =	shalt  }
0x5d: {  	_ =	shalt  }
0x5e: {  	_ =	shalt  }
0x5f: {  	_ =	shalt  }
0x60: {  	_ =	shalt  }
0x61: {  	_ =	shalt  }
0x62: {  	_ =	shalt  }
0x63: {  	_ =	shalt  }
0x64: {  	_ =	shalt  }
0x65: {  	_ =	shalt  }
0x66: {  	_ =	shalt  }
0x67: {  	_ =	shalt  }
0x68: {  	_ =	shalt  }
0x69: {  	_ =	shalt  }
0x6a: {  	_ =	shalt  }
0x6b: {  	_ =	shalt  }
0x6c: {  	_ =	shalt  }
0x6d: {  	_ =	shalt  }
0x6e: {  	_ =	shalt  }
0x6f: {  	_ =	shalt  }
0x70: {  	_ =	shalt  }
0x71: {  	_ =	shalt  }
0x72: {  	_ =	shalt  }
0x73: {  	_ =	shalt  }
0x74: {  	_ =	shalt  }
0x75: {  	_ =	shalt  }
0x76: {  	_ =	shalt  }
0x77: {  	_ =	shalt  }
0x78: {  	_ =	shalt  }
0x79: {  	_ =	shalt  }
0x7a: {  	_ =	shalt  }
0x7b: {  	_ =	shalt  }
0x7c: {  	_ =	shalt  }
0x7d: {  	_ =	shalt  }
0x7e: {  	_ =	shalt  }
0x7f: {  	_ =	shalt  }
0x80: {  	_ =	shalt  }
0x81: {  	_ =	shalt  }
0x82: {  	_ =	shalt  }
0x83: {  	_ =	shalt  }
0x84: {  	_ =	shalt  }
0x85: {  	_ =	shalt  }
0x86: {  	_ =	shalt  }
0x87: {  	_ =	shalt  }
.Lfunc_end0:
.L_simem_size_0:
called_computation.4_lowered:
.L_overlay_start_0:
0x88: {  	s2 =	sld [smem:$0x3FD9]  }
0x89: {  	s3 =	sld [smem:$0x3FFE];
	_ =	sdelay $0x1  }
0x8a: {  	s1 =	srdreg.scid  }
0x8b: {  	s0 =	sand.u32 $0x1, s1  }
0x8c: {  	s14 =	sshll.u32 s0, $0xA;
	s2 =	sadd.s32 s3, s2  }
0x8d: {  	s2 =	sadd.s32 s2, s14  }
0x8e: {  	[smem:$0x3FBC] =	sst s2  }
0x8f: {  	_ = 	snop  }
0x90: {  	s2 =	sld [smem:$0x3FD0];
	_ =	sdelay $0x2  }
0x91: {  	s15 =	simm.s32 $0xA;
	s4 =	simm.s32 $0x10  }
0x92: {  	[smem:s4], [sflag:s15] =	dma.local [hbm:s2], $0x1  }
0x93: {  	_ =	swait.eq [sflag:s15], $0x1  }
0x94: {  	s16 =	sld [smem:$0x11];
	[sflag:s15] =	ssyncset.done $0x0  }
0x95: {  	s17 =	sld [smem:$0x12];
	[sflag:s15] =	ssyncadd.s32 $0xFFFFFFFF  }
0x96: {  	s18 =	sld [smem:$0x13];
	(tm) =	ssettm $0x1  }
0x97: {  	s5 =	sld [smem:$0x3FFB];
	_ =	sdelay $0x3  }
0x98: {  	_ =	strace s5  }
0x99: {  	s5 =	sld [smem:$0x3FFC];
	_ =	sdelay $0x3  }
0x9a: {  	_ =	strace s5  }
0x9b: {  	s5 =	sld [smem:$0x3FFD];
	_ =	sdelay $0x3  }
0x9c: {  	_ =	strace s5  }
0x9d: {  	_ =	strace $0x8FFFFFFF  }
0x9e: {  	s19 =	sld [smem:$0x3FDB];
	_ =	sdelay $0x1  }
0x9f: {  	s6 =	simm.s32 $_scs_section_size  }
0xa0: {  	s7 =	simm.s32 $_size__tile_overlayer_lowered;
	s8 =	simm.s32 $_tile_overlayer_lowered  }
0xa1: {  	s22 =	simm.s32 $0x1BFF;
	s21 =	sshll.u32 s8, $0x1;
	s5 =	sadd.s32 s6, s19  }
0xa2: {  	s9 =	simm.s32 $0x0;
	s20 =	sshll.u32 s7, $0x1;
	s7 =	sadd.s32 s21, s5  }
0xa3: {  	[timem:s9], [sflag:s22] =	dma.local [hbm:s7], s20  }
0xa4: {  	_ =	swait.ge [sflag:s22], s20  }
0xa5: {  	s6 =	ssub.s32 $0x0, s20;
	[sflag:s22] =	ssyncset.done $0x0  }
0xa6: {  	[sflag:s22] =	ssyncadd.s32 s6;
	_ =	sdelay $0x1  }
0xa7: {  	s23 =	simm.s32 $0x1B8B  }
0xa8: {  	_ =	swait.ge [sflag:s23], $0x1  }
0xa9: {  	[sflag:s23] =	ssyncset.done $0x0  }
0xaa: {  	s25 =	simm.s32 $0x1B8E;
	s24 =	sld [smem:$0x3FFE];
	[sflag:s23] =	ssyncadd.s32 $0xFFFFFFFF  }
0xab: {  	s26 =	simm.s32 $execute0_lowered;
	[smem:$0x3FD2] =	sst s25  }
0xac: {  	s7 =	sshll.u32 s26, $0x1;
	_ =	strace $0x80000052;
	[dreg:$0x1] =	wrdreg $0xFFFFFFFF  }
0xad: {  	s28 =	simm.s32 $_size_execute0_lowered;
	s5 =	sadd.s32 s5, s7;
	[dreg:$0x0] =	wrdreg $0x0  }
0xae: {  	s7 =	sshll.u32 s28, $0x1;
	[dreg:$0x2] =	wrdreg s5  }
0xaf: {  	[dreg:$0x3] =	wrdreg s7  }
0xb0: {  	[dreg:$0x4] =	wrdreg $0xC0  }
0xb1: {  	_ =	task [dreg:s9], $0x5FFFF  }
0xb2: {  	[dreg:$0x1] =	wrdreg $0xFFFFFFFF  }
0xb3: {  	[dreg:$0x0] =	wrdreg $0x60  }
0xb4: {  	[dreg:$0x2] =	wrdreg s16  }
0xb5: {  	[dreg:$0x3] =	wrdreg s17  }
0xb6: {  	[dreg:$0x4] =	wrdreg s24  }
0xb7: {  	[dreg:$0x5] =	wrdreg s18  }
0xb8: {  	[dreg:$0x6] =	wrdreg $0x51400  }
0xb9: {  	[dreg:$0x7] =	wrdreg $0x9  }
0xba: {  	_ =	task.clear_ibuf [dreg:s9], $0x8FFFF;
	_ =	strace $0x90000052  }
0xbb: {  	s29 =	simm.s32 $0x9;
	_ =	strace $0x80000054  }
0xbc: {  	_ =	swait.ge [sflag:s29], $0x1  }
0xbd: {  	[sflag:s29] =	ssyncadd.s32 $0xFFFFFFFF  }
0xbe: {  	_ =	strace $0x90000054  }
0xbf: {  	_ =	sfence  }
0xc0: {  	s30 =	sld [smem:$0x0];
	_ =	sdelay $0x2  }
0xc1: {  	s31 =	sshll.u32 s1, $0xD;
	s1 =	sshrl.u32 s1, $0x2  }
0xc2: {  	s3 =	sand.u32 $0x4000, s31;
	s1 =	sadd.s32 s1, s30  }
0xc3: {  	s0 =	sor.u32 s3, s0;
	s1 =	sshll.u32 s1, $0x11  }
0xc4: {  	s0 =	sor.u32 s1, s0  }
0xc5: {  	s0 =	sadd.s32 $0x8F2B, s0  }
0xc6: {  	[sflag:s0] =	ssyncadd.remote.s32 $0x1  }
0xc7: {  	_ =	sfence.sel $0xFFFF  }
0xc8: {  	[dreg:$0x0] =	wrdreg $0xFFFFFFFF;
	(pc) =	sbr.abs _section_cstart, $3  }
0xc9: {  	[dreg:$0x1] =	wrdreg $0xFFFFFFFF  }
0xca: {  	_ =	task.clear_ibuf [dreg:s9], $0x2FFFF;
	_ =	strace $0x9FFFFFFF  }
0xcb: {  	(tm) =	ssettm $0x7FFFFFFF  }
tec
execute0_lowered:
.L_overlay_start_1:
0x0: {  	(tag) =	ssettag $0x1  }
0x1: {  	s0 =	rddreg [dreg:$0x0]  }
0x2: {  	s1 =	rddreg [dreg:$0x1]  }
0x3: {  	s6 =	rddreg [dreg:$0x2];
	s2 =	srdreg.scid  }
0x4: {  	s7 =	rddreg [dreg:$0x3];
	s11 =	stileid.u32  }
0x5: {  	s3 =	rddreg [dreg:$0x4];
	s4 =	simm.s32 $0x0;
	s14 =	simm.s32 $0x4EC0  }
0x6: {  	s15 =	simm.s32 $0x4E20;
	s16 =	simm.s32 $0x4E70;
	s17 =	simm.s32 $0x50  }
0x7: {  	s5 =	sand.u32 $0x1, s2;
	s9 =	smul.u32 $0x4E20, s11;
	s2 =	rddreg [dreg:$0x5]  }
0x8: {  	s18 =	simm.s32 $0x0;
	[smem:$0x7FF] =	sst s4;
	s8 =	smul.u32 $0x2710, s5  }
0x9: {  	p0 =	sne.s32 s11, $0x0;
	s11 =	simm.s32 $0x1;
	s10 =	ssub.s32 $0x2, s5  }
0xa: {  	v0 =	vlaneseq.u32;
	_ =	strace $0x80000053;
	s12 =	sshrl.u32 s10, $0x1;
	s9 =	sadd.s32 s8, s9  }
0xb: {  	v0 =	vmul.u32 $0x8, v0;
	s5 =	sadd.s32 $0x19600, s6;
	s10 =	ssub.s32 s10, s12;
	s31 =	sshrl.u32 s9, $0x3  }
0xc: {  	s12 =	simm.s32 $0x2710;
	s9 =	sadd.s32 s9, s6;
	s13 =	sadd.s32 s31, s6  }
0xd: {  	v1 =	vimm.f32 $0.0e+00;
	v2 =	vor.u32 $0x80, v0;
	s6 =	sadd.s32 s7, s8;
	s7 =	smax.u32 s10, $0x1;
	s8 =	sadd.s32 $0x106400, s9  }
0xe: {  	v3 =	vor.u32 $0x100, v0;
	v4 =	vor.u32 $0x180, v0;
	v5 =	vor.u32 $0x200, v0;
	s9 =	sadd.s32 $0x5A00, s13;
	s10 =	sadd.s32 $0xF800, s13;
	s13 =	sshrl.u32 @!p0 s3, $0x3  }
.LBB2_1:
0xf: {  	[tilespmem:s4], [sflag:$0x1] =	stream.linear.gather [hbm4b:s0+s4], $0x2710, $0x38;
	[tilespmem:$0x64C8] =	vst v63  }
0x10: {  	_ =	swait.ge [sflag:s11], $0x2710  }
0x11: {  	[sflag:s11] =	ssyncset.done $0x0  }
0x12: {  	[sflag:s11] =	ssyncadd.s32 $0xFFFFD8F0  }
0x13: {  	[tilespmem:s12], [sflag:$0x1] =	stream.linear.gather [hbm4b:s1+s4], $0x2710, $0x38;
	[tilespmem:$0x64C8] =	vst v63  }
0x14: {  	v6 =	vmov s4;
	_ =	swait.ge [sflag:s11], $0x2710  }
0x15: {  	v6 =	vshll.u32 v6, $0x3;
	[sflag:s11] =	ssyncset.done $0x0  }
0x16: {  	s19 =	simm.s32 @!p0 $0x1C01;
	v7 =	vor.u32 v0, v6;
	[sflag:s11] =	ssyncadd.s32 $0xFFFFD8F0  }
0x17: {  	v6 =	vor.u32 $0x1, v7;
	[spmem:s13], [sflag:s19] =	dma.local @!p0 [hbm:s5], $0x2710  }
0x18: {  	v8 =	vor.u32 $0x2, v7;
	s19 =	simm.s32 @!p0 $0x1  }
0x19: {  	v9 =	vor.u32 $0x3, v7;
	_ =	swait.ge @!p0 [sflag:s19], $0x2710  }
0x1a: {  	v10 =	vor.u32 $0x4, v7;
	[sflag:s19] =	ssyncset.done @!p0 $0x0  }
0x1b: {  	s31 =	simm.s32 $0x10;
	[sflag:s19] =	ssyncadd.s32 @!p0 $0xFFFFD8F0  }
0x1c: {  	v11 =	vor.u32 $0x5, v7;
	[tilespmem:v6+s14+$0x0] =	vst.idx.msk $0xffff, v1;
	v6 =	vmov s31  }
0x1d: {  	v13 =	vor.u32 $0x6, v7;
	[tilespmem:v8+s14+$0x0] =	vst.idx.msk $0xffff, v1;
	v6 =	vshll.u32 v6, $0x3  }
0x1e: {  	[tilespmem:v9+s14+$0x0] =	vst.idx.msk $0xffff, v1;
	v6 =	vor.u32 v0, v6;
	v9 =	vor.u32 $0x7, v7  }
0x1f: {  	[tilespmem:v10+s14+$0x0] =	vst.idx.msk $0xffff, v1;
	v10 =	vor.u32 $0x1, v6  }
0x20: {  	v12 =	vor.u32 $0x2, v6  }
0x21: {  	v8 =	vor.u32 $0x3, v6;
	[tilespmem:v11+s14+$0x0] =	vst.idx.msk $0xffff, v1  }
0x22: {  	s19 =	simm.s32 $0x20;
	v7 =	vor.u32 $0x5, v6;
	v11 =	vor.u32 $0x4, v6;
	[tilespmem:v13+s14+$0x0] =	vst.idx.msk $0xffff, v1  }
.LBB2_2:
0x23: {  	v13 =	vmov s19;
	p1 =	sne.s32 s19, $0x40;
	s19 =	sadd.s32 $0x10, s19;
	[tilespmem:v9+s14+$0x0] =	vst.idx.msk $0xffff, v1  }
0x24: {  	v14 =	vor.u32 $0x6, v6;
	v13 =	vshll.u32 v13, $0x3;
	[tilespmem:v10+s14+$0x0] =	vst.idx.msk $0xffff, v1  }
.Ltmp0:
0x25: {  	v9 =	vor.u32 $0x7, v6;
	[tilespmem:v12+s14+$0x0] =	vst.idx.msk $0xffff, v1;
	v6 =	vor.u32 v0, v13;
	(pc) =	sbr.rel @p1 .LBB2_2-.Ltmp0, $4  }
0x26: {  	v10 =	vor.u32 $0x1, v6;
	v13 =	vor.u32 $0x5, v6;
	[tilespmem:v8+s14+$0x0] =	vst.idx.msk $0xffff, v1  }
0x27: {  	v12 =	vor.u32 $0x2, v6;
	[tilespmem:v11+s14+$0x0] =	vst.idx.msk $0xffff, v1  }
0x28: {  	v8 =	vor.u32 $0x3, v6;
	[tilespmem:v7+s14+$0x0] =	vst.idx.msk $0xffff, v1;
	v7 =	vmov v13  }
0x29: {  	v11 =	vor.u32 $0x4, v6;
	[tilespmem:v14+s14+$0x0] =	vst.idx.msk $0xffff, v1  }
0x2a: {  	_ =	sdelay $0x3  }
0x2b: {  	[tilespmem:v9+s14+$0x0] =	vst.idx.msk $0xffff, v1  }
0x2c: {  	v63 =	vor.u32 $0x6, v6;
	[tilespmem:v10+s14+$0x0] =	vst.idx.msk $0xffff, v1  }
0x2d: {  	v6 =	vor.u32 $0x7, v6;
	[tilespmem:v12+s14+$0x0] =	vst.idx.msk $0xffff, v1  }
0x2e: {  	[tilespmem:v8+s14+$0x0] =	vst.idx.msk $0xffff, v1  }
0x2f: {  	[tilespmem:v11+s14+$0x0] =	vst.idx.msk $0xffff, v1  }
0x30: {  	[tilespmem:v7+s14+$0x0] =	vst.idx.msk $0xffff, v1  }
0x31: {  	[tilespmem:v63+s14+$0x0] =	vst.idx.msk $0xffff, v1  }
0x32: {  	[tilespmem:v6+s14+$0x0] =	vst.idx.msk $0xffff, v1  }
0x33: {  	s19 =	simm.s32 $0x0;
	s20 =	smov.u32 s8;
	[bflag:$0x0] =	sbarrier.arrive $0xFFFF  }
.LBB2_4:
0x34: {  	s21 =	sadd.s32 s19, s10  }
0x35: {  	[tilespmem:s15], [sflag:$0x1] =	stream.linear.gather [hbm4b:s21+s4], $0x50, $0x38;
	[tilespmem:$0x64C8] =	vst v63  }
0x36: {  	_ =	swait.ge [sflag:s11], $0x50  }
0x37: {  	[sflag:s11] =	ssyncset.done $0x0  }
0x38: {  	s31 =	sadd.s32 s19, s9;
	[sflag:s11] =	ssyncadd.s32 $0xFFFFFFB0  }
0x39: {  	[tilespmem:s16], [sflag:$0x1] =	stream.linear.gather [hbm4b:s31+s4], $0x50, $0x38;
	[tilespmem:$0x64C8] =	vst v63  }
0x3a: {  	_ =	swait.ge [sflag:s11], $0x50  }
0x3b: {  	[sflag:s11] =	ssyncset.done $0x0  }
0x3c: {  	[sflag:s11] =	ssyncadd.s32 $0xFFFFFFB0  }
0x3d: {  	v6 =	vld [tilespmem:$0x4E20]  }
0x3e: {  	v7 =	vld [tilespmem:$0x4E70];
	_ =	sdelay $0x6  }
0x3f: {  	v6 =	vld.idx.msk [tilespmem:v6+s4+$0x0], $0xffff  }
0x40: {  	v7 =	vld.idx.msk [tilespmem:v7+s12+$0x0], $0xffff;
	_ =	sdelay $0x4  }
0x41: {  	v6 =	vadd.f32 v7, v6;
	_ =	sdelay $0x1  }
0x42: {  	v7 =	vmul.f32 $2.000000030e-01, v6;
	_ =	sdelay $0x1  }
0x43: {  	v6 =	vmax.f32 v6, v7  }
0x44: {  	v6 =	vmul.f32 $1.442695020e+00, v6;
	_ =	sdelay $0x1  }
0x45: {  	(erf) = vpow2.f32 v6;
	_ =	sdelay $0x8  }
0x46: {  	v6 =	vpop (erf)  }
0x47: {  	[tilespmem:v0+s14+$0x0] =	vst.idx.msk $0xffff, v6  }
0x48: {  	v6 =	vld [tilespmem:$0x4E30]  }
0x49: {  	v7 =	vld [tilespmem:$0x4E80];
	_ =	sdelay $0x6  }
0x4a: {  	v6 =	vld.idx.msk [tilespmem:v6+s4+$0x0], $0xffff  }
0x4b: {  	v7 =	vld.idx.msk [tilespmem:v7+s12+$0x0], $0xffff;
	_ =	sdelay $0x4  }
0x4c: {  	v6 =	vadd.f32 v7, v6;
	_ =	sdelay $0x1  }
0x4d: {  	v7 =	vmul.f32 $2.000000030e-01, v6;
	_ =	sdelay $0x1  }
0x4e: {  	v6 =	vmax.f32 v6, v7  }
0x4f: {  	v6 =	vmul.f32 $1.442695020e+00, v6;
	_ =	sdelay $0x1  }
0x50: {  	(erf) = vpow2.f32 v6;
	_ =	sdelay $0x8  }
0x51: {  	v6 =	vpop (erf)  }
0x52: {  	[tilespmem:v2+s14+$0x0] =	vst.idx.msk $0xffff, v6  }
0x53: {  	v6 =	vld [tilespmem:$0x4E40]  }
0x54: {  	v7 =	vld [tilespmem:$0x4E90];
	_ =	sdelay $0x6  }
0x55: {  	v6 =	vld.idx.msk [tilespmem:v6+s4+$0x0], $0xffff  }
0x56: {  	v7 =	vld.idx.msk [tilespmem:v7+s12+$0x0], $0xffff;
	_ =	sdelay $0x4  }
0x57: {  	v6 =	vadd.f32 v7, v6;
	_ =	sdelay $0x1  }
0x58: {  	v7 =	vmul.f32 $2.000000030e-01, v6;
	_ =	sdelay $0x1  }
0x59: {  	v6 =	vmax.f32 v6, v7  }
0x5a: {  	v6 =	vmul.f32 $1.442695020e+00, v6;
	_ =	sdelay $0x1  }
0x5b: {  	(erf) = vpow2.f32 v6;
	_ =	sdelay $0x8  }
0x5c: {  	v6 =	vpop (erf)  }
0x5d: {  	[tilespmem:v3+s14+$0x0] =	vst.idx.msk $0xffff, v6  }
0x5e: {  	v6 =	vld [tilespmem:$0x4E50]  }
0x5f: {  	v7 =	vld [tilespmem:$0x4EA0];
	_ =	sdelay $0x6  }
0x60: {  	v6 =	vld.idx.msk [tilespmem:v6+s4+$0x0], $0xffff  }
0x61: {  	v7 =	vld.idx.msk [tilespmem:v7+s12+$0x0], $0xffff;
	_ =	sdelay $0x4  }
0x62: {  	v6 =	vadd.f32 v7, v6;
	_ =	sdelay $0x1  }
0x63: {  	v7 =	vmul.f32 $2.000000030e-01, v6;
	_ =	sdelay $0x1  }
0x64: {  	v6 =	vmax.f32 v6, v7  }
0x65: {  	v6 =	vmul.f32 $1.442695020e+00, v6;
	_ =	sdelay $0x1  }
0x66: {  	(erf) = vpow2.f32 v6;
	_ =	sdelay $0x8  }
0x67: {  	v6 =	vpop (erf)  }
0x68: {  	[tilespmem:v4+s14+$0x0] =	vst.idx.msk $0xffff, v6  }
0x69: {  	v6 =	vld [tilespmem:$0x4E60]  }
0x6a: {  	v7 =	vld [tilespmem:$0x4EB0];
	_ =	sdelay $0x6  }
0x6b: {  	v6 =	vld.idx.msk [tilespmem:v6+s4+$0x0], $0xffff  }
0x6c: {  	v7 =	vld.idx.msk [tilespmem:v7+s12+$0x0], $0xffff;
	_ =	sdelay $0x4  }
0x6d: {  	v6 =	vadd.f32 v7, v6;
	_ =	sdelay $0x1  }
0x6e: {  	v7 =	vmul.f32 $2.000000030e-01, v6;
	_ =	sdelay $0x1  }
0x6f: {  	v6 =	vmax.f32 v6, v7  }
0x70: {  	v6 =	vmul.f32 $1.442695020e+00, v6;
	_ =	sdelay $0x1  }
0x71: {  	(erf) = vpow2.f32 v6;
	_ =	sdelay $0x8  }
0x72: {  	v6 =	vpop (erf)  }
0x73: {  	[tilespmem:v5+s14+$0x0] =	vst.idx.msk $0xffff, v6  }
0x74: {  	[spmem:s3] =	stream.indirect.scatter.add.f32 [tilespmem:s14], [sflag:$0x1], $0x8, s16, s17, $0xb8;
	[tilespmem:$0x64C8] =	vst v63  }
0x75: {  	_ =	swait.ge [sflag:s11], $0x280  }
0x76: {  	p1 =	sne.s32 s19, $0x4D8;
	[sflag:s11] =	ssyncset.done $0x0  }
.Ltmp1:
0x77: {  	[sflag:s11] =	ssyncadd.s32 $0xFFFFFD80;
	(pc) =	sbr.rel @p1 .LBB2_4-.Ltmp1, $4  }
0x78: {  	[hbm4b:s20+s4] =	stream.linear.scatter [tilespmem:s14], [sflag:$0x1], $0x280, $0x38;
	[tilespmem:$0x64C8] =	vst v63  }
0x79: {  	_ =	swait.ge [sflag:s11], $0x280  }
0x7a: {  	[sflag:s11] =	ssyncset.done $0x0  }
0x7b: {  	s19 =	sadd.s32 $0xA, s19;
	s20 =	sadd.s32 $0x50, s20;
	[sflag:s11] =	ssyncadd.s32 $0xFFFFFD80  }
0x7c: {  	[bflag:$0x0] =	sbarrier.arrive $0xFFFF;
	s19 =	simm.s32 @!p0 $0x1C01;
	s18 =	sadd.s32 $0x1, s18  }
0x7d: {  	[hbm:s6], [sflag:s19] =	dma.local @!p0 [spmem:s13], $0x2710  }
0x7e: {  	p1 =	sne.s32 s18, s7  }
.Ltmp2:
0x7f: {  	_ = 	snop;
	(pc) =	sbr.rel @p1 .LBB2_1-.Ltmp2, $4  }
0x80: {  	s19 =	simm.s32 @!p0 $0x1  }
0x81: {  	_ =	swait.ge @!p0 [sflag:s19], $0x2710  }
0x82: {  	[sflag:s19] =	ssyncset.done @!p0 $0x0  }
0x83: {  	[sflag:s19] =	ssyncadd.s32 @!p0 $0xFFFFD8F0  }
0x84: {  	_ =	sfence.sel $0x180000  }
0x85: {  	[bflag:$0x0] =	sbarrier.arrive $0xFFFF  }
0x86: {  	_ =	strace $0x90000053  }
0x87: {  	s0 =	sadd.s32 @!p0 $0x100000, s2;
	[bflag:$0x2] =	sbarrier.arrive $0xFFFF  }
0x88: {  	[sflag:s0] =	ssyncadd.tile.s32 @!p0 $0x1;
	_ =	shalt  }
.Lfunc_end2:
_tile_overlayer_lowered:
.L_overlay_start_2:
0x89: {  	(tag) =	ssettag $0x2  }
0x8a: {  	s0 =	rddreg [dreg:$0x0];
	s2 =	stileid.u32  }
0x8b: {  	s1 =	rddreg [dreg:$0x1];
	p0 =	sne.s32 s2, $0x0  }
0x8c: {  	s3 =	rddreg [dreg:$0x2];
	[bflag:$0x3] =	sbarrier.arrive $0xFFFF;
	s2 =	simm.s32 @!p0 $0x1C01  }
0x8d: {  	[timem:s3], [sflag:s2] =	dma.local @!p0 [hbm:s0], s1  }
0x8e: {  	s0 =	simm.s32 @!p0 $0x1  }
0x8f: {  	_ =	swait.ge @!p0 [sflag:s0], s1  }
0x90: {  	s1 =	ssub.s32 @!p0 $0x0, s1;
	[sflag:s0] =	ssyncset.done @!p0 $0x0  }
0x91: {  	[sflag:s0] =	ssyncadd.s32 @!p0 s1  }
0x92: {  	[bflag:$0x3] =	sbarrier.arrive $0xFFFF  }
0x93: {  	_ =	shalt  }

// kernel: kernel.29.cloned.1.call-start
scs
__scs_entry_jumppad:
0x0: {  	(pc) =	sbr.rel $0x88, $3  }
0x1: {  	(tag) =	ssettag $0x0;
	lr =	simm.s32 $0x1  }
0x2: {  	[smem:$0x3F95] =	sst lr;
	_ =	strace $0xD0000000  }
0x3: {  	_ = 	snop  }
0x4: {  	_ = 	snop  }
0x5: {  	_ = 	snop  }
0x6: {  	_ = 	snop  }
0x7: {  	_ = 	snop  }
__scs_overlays_trampoline_lowered:
0x8: {  	[smem:$0x3FA4] =	sst s0  }
0x9: {  	[smem:$0x3FA5] =	sst s1  }
0xa: {  	[smem:$0x3FA6] =	sst s2  }
0xb: {  	[smem:$0x3FA7] =	sst s3  }
0xc: {  	[smem:$0x3FA8] =	sst s4  }
0xd: {  	[smem:$0x3FA9] =	sst s5  }
0xe: {  	[smem:$0x3FAA] =	sst s6  }
0xf: {  	[smem:$0x3FAB] =	sst s7  }
0x10: {  	[smem:$0x3FAC] =	sst s8  }
0x11: {  	[smem:$0x3FAD] =	sst s9;
	s0 =	simm.s32 @!p0 $0x0  }
0x12: {  	s1 =	sld [smem:$0x3F93];
	s0 =	simm.s32 @p0 $0x1  }
0x13: {  	[smem:$0x3FAE] =	sst s0;
	s0 =	simm.s32 @!p1 $0x0  }
0x14: {  	s2 =	sld [smem:$0x3F92];
	s0 =	simm.s32 @p1 $0x1  }
0x15: {  	[smem:$0x3FAF] =	sst s0;
	s0 =	simm.s32 @!p2 $0x0  }
0x16: {  	s3 =	sld [smem:$0x3FDB];
	s0 =	simm.s32 @p2 $0x1  }
0x17: {  	s4 =	simm.s32 $0x1BF5;
	[smem:$0x3FB1] =	sst s0  }
0x18: {  	s0 =	sld [smem:$0x3F94];
	_ =	swait.ge [sflag:s4], $0x0  }
0x19: {  	s7 =	sld [smem:$0x3F95]  }
0x1a: {  	s8 =	sadd.s32 $0xFFFFE003, lr  }
0x1b: {  	s9 =	sadd.s32 $0xFFFFFEF7, lr;
	s5 =	simm.s32 $0xFFFFFFFF;
	p2 =	slt.u32 s8, $0xFFFFF086  }
0x1c: {  	p1 =	slt.u32 s9, $0xF7A;
	s5 =	simm.s32 @!p2 $0x0  }
0x1d: {  	s5 =	simm.s32 @p1 $0x1;
	p0 =	seq.s32 s7, s2  }
0x1e: {  	s7 =	smul.u32 @!p0 $0xF7A, s2;
	p2 =	seq.s32 @!p0 s5, $0x0  }
0x1f: {  	s9 =	smul.u32 $0xF7A, s1;
	s8 =	simm.s32 @!p0 $0x1BF5;
	p2 =	por !p2, p0  }
0x20: {  	[sflag:s8] =	ssyncset.s32 @!p0 $0xFFFFF086;
	s6 =	sadd.s32 @!p0 s3, s7;
	s7 =	simm.s32 @!p0 $0x108  }
0x21: {  	s3 =	sadd.s32 s3, s9;
	s6 =	sadd.s32 @!p0 $0x88, s6;
	s7 =	simm.s32 @p2 $0x1082  }
0x22: {  	[simem:s7], [sflag:s8] =	dma.local @!p0 [hbm:s6], $0xF7A  }
0x23: {  	s9 =	sor.u32 $0xD0000000, s2;
	s6 =	simm.s32 $0x108;
	_ =	swait.ge @!p0 [sflag:s8], $0x0  }
0x24: {  	s3 =	sadd.s32 $0x88, s3;
	s6 =	simm.s32 @!p1 $0x1082;
	[sflag:s4] =	ssyncset.s32 $0xFFFFF086  }
0x25: {  	[simem:s6], [sflag:s4] =	dma.local [hbm:s3], $0xF7A  }
0x26: {  	[smem:$0x3F95] =	sst s1;
	(tag) =	ssettag s2;
	_ =	strace s9  }
0x27: {  	s1 =	sld [smem:$0x3FA5]  }
0x28: {  	s2 =	sld [smem:$0x3FA6]  }
0x29: {  	s4 =	sld [smem:$0x3FA8]  }
0x2a: {  	p0 =	seq.s32 s5, $0x0;
	s5 =	sld [smem:$0x3FA9]  }
0x2b: {  	s6 =	sld [smem:$0x3FAA]  }
0x2c: {  	s7 =	sld [smem:$0x3FAB]  }
0x2d: {  	s3 =	simm.s32 $0x108;
	s8 =	sld [smem:$0x3FAC]  }
0x2e: {  	s3 =	simm.s32 @!p0 $0x1082;
	s9 =	sld [smem:$0x3FAD]  }
0x2f: {  	lr =	sadd.s32 s0, s3;
	s0 =	sld [smem:$0x3FA4]  }
0x30: {  	s3 =	sld [smem:$0x3FA7]  }
0x31: {  	[smem:$0x3FB0] =	sst s10  }
0x32: {  	s10 =	sld [smem:$0x3FAE];
	_ =	sdelay $0x3  }
0x33: {  	p0 =	seq.s32 s10, $0x1;
	s10 =	sld [smem:$0x3FB0];
	_ =	sdelay $0x3  }
0x34: {  	[smem:$0x3FB0] =	sst s10  }
0x35: {  	s10 =	sld [smem:$0x3FAF];
	_ =	sdelay $0x3  }
0x36: {  	p1 =	seq.s32 s10, $0x1;
	s10 =	sld [smem:$0x3FB0];
	_ =	sdelay $0x3  }
0x37: {  	[smem:$0x3FB0] =	sst s10  }
0x38: {  	s10 =	sld [smem:$0x3FB1]  }
0x39: {  	_ = 	snop;
	(pc) =	sbr.ind lr, $3  }
0x3a: {  	_ = 	snop  }
0x3b: {  	_ = 	snop  }
0x3c: {  	p2 =	seq.s32 s10, $0x1;
	s10 =	sld [smem:$0x3FB0]  }
0x3d: {  	_ =	shalt  }
0x3e: {  	_ =	shalt  }
0x3f: {  	_ =	shalt  }
0x40: {  	_ =	shalt  }
0x41: {  	_ =	shalt  }
0x42: {  	_ =	shalt  }
0x43: {  	_ =	shalt  }
0x44: {  	_ =	shalt  }
0x45: {  	_ =	shalt  }
0x46: {  	_ =	shalt  }
0x47: {  	_ =	shalt  }
0x48: {  	_ =	shalt  }
0x49: {  	_ =	shalt  }
0x4a: {  	_ =	shalt  }
0x4b: {  	_ =	shalt  }
0x4c: {  	_ =	shalt  }
0x4d: {  	_ =	shalt  }
0x4e: {  	_ =	shalt  }
0x4f: {  	_ =	shalt  }
0x50: {  	_ =	shalt  }
0x51: {  	_ =	shalt  }
0x52: {  	_ =	shalt  }
0x53: {  	_ =	shalt  }
0x54: {  	_ =	shalt  }
0x55: {  	_ =	shalt  }
0x56: {  	_ =	shalt  }
0x57: {  	_ =	shalt  }
0x58: {  	_ =	shalt  }
0x59: {  	_ =	shalt  }
0x5a: {  	_ =	shalt  }
0x5b: {  	_ =	shalt  }
0x5c: {  	_ =	shalt  }
0x5d: {  	_ =	shalt  }
0x5e: {  	_ =	shalt  }
0x5f: {  	_ =	shalt  }
0x60: {  	_ =	shalt  }
0x61: {  	_ =	shalt  }
0x62: {  	_ =	shalt  }
0x63: {  	_ =	shalt  }
0x64: {  	_ =	shalt  }
0x65: {  	_ =	shalt  }
0x66: {  	_ =	shalt  }
0x67: {  	_ =	shalt  }
0x68: {  	_ =	shalt  }
0x69: {  	_ =	shalt  }
0x6a: {  	_ =	shalt  }
0x6b: {  	_ =	shalt  }
0x6c: {  	_ =	shalt  }
0x6d: {  	_ =	shalt  }
0x6e: {  	_ =	shalt  }
0x6f: {  	_ =	shalt  }
0x70: {  	_ =	shalt  }
0x71: {  	_ =	shalt  }
0x72: {  	_ =	shalt  }
0x73: {  	_ =	shalt  }
0x74: {  	_ =	shalt  }
0x75: {  	_ =	shalt  }
0x76: {  	_ =	shalt  }
0x77: {  	_ =	shalt  }
0x78: {  	_ =	shalt  }
0x79: {  	_ =	shalt  }
0x7a: {  	_ =	shalt  }
0x7b: {  	_ =	shalt  }
0x7c: {  	_ =	shalt  }
0x7d: {  	_ =	shalt  }
0x7e: {  	_ =	shalt  }
0x7f: {  	_ =	shalt  }
0x80: {  	_ =	shalt  }
0x81: {  	_ =	shalt  }
0x82: {  	_ =	shalt  }
0x83: {  	_ =	shalt  }
0x84: {  	_ =	shalt  }
0x85: {  	_ =	shalt  }
0x86: {  	_ =	shalt  }
0x87: {  	_ =	shalt  }
.Lfunc_end0:
.L_simem_size_0:
called_computation.5_lowered:
.L_overlay_start_0:
0x88: {  	s2 =	sld [smem:$0x3FD9]  }
0x89: {  	s3 =	sld [smem:$0x3FFE];
	_ =	sdelay $0x1  }
0x8a: {  	s1 =	srdreg.scid  }
0x8b: {  	s0 =	sand.u32 $0x1, s1  }
0x8c: {  	s14 =	sshll.u32 s0, $0xA;
	s2 =	sadd.s32 s3, s2  }
0x8d: {  	s2 =	sadd.s32 s2, s14  }
0x8e: {  	[smem:$0x3FBC] =	sst s2  }
0x8f: {  	_ = 	snop  }
0x90: {  	s2 =	sld [smem:$0x3FD0];
	_ =	sdelay $0x2  }
0x91: {  	s15 =	simm.s32 $0xA;
	s4 =	simm.s32 $0x10  }
0x92: {  	[smem:s4], [sflag:s15] =	dma.local [hbm:s2], $0x1  }
0x93: {  	_ =	swait.eq [sflag:s15], $0x1  }
0x94: {  	[sflag:s15] =	ssyncset.done $0x0  }
0x95: {  	s16 =	sld [smem:$0x10];
	[sflag:s15] =	ssyncadd.s32 $0xFFFFFFFF  }
0x96: {  	s17 =	sld [smem:$0x13];
	(tm) =	ssettm $0x1  }
0x97: {  	s18 =	sld [smem:$0x3FFB];
	_ =	sdelay $0x3  }
0x98: {  	_ =	strace s18  }
0x99: {  	s4 =	sld [smem:$0x3FFC];
	_ =	sdelay $0x3  }
0x9a: {  	_ =	strace s4  }
0x9b: {  	s4 =	sld [smem:$0x3FFD];
	_ =	sdelay $0x3  }
0x9c: {  	_ =	strace s4  }
0x9d: {  	_ =	strace $0x8FFFFFFF  }
0x9e: {  	s19 =	sld [smem:$0x3FDB];
	_ =	sdelay $0x1  }
0x9f: {  	s5 =	simm.s32 $_scs_section_size  }
0xa0: {  	s6 =	simm.s32 $_size__tile_overlayer_lowered;
	s7 =	simm.s32 $_tile_overlayer_lowered  }
0xa1: {  	s22 =	simm.s32 $0x1BFF;
	s21 =	sshll.u32 s7, $0x1;
	s4 =	sadd.s32 s5, s19  }
0xa2: {  	s8 =	simm.s32 $0x0;
	s20 =	sshll.u32 s6, $0x1;
	s6 =	sadd.s32 s21, s4  }
0xa3: {  	[timem:s8], [sflag:s22] =	dma.local [hbm:s6], s20  }
0xa4: {  	_ =	swait.ge [sflag:s22], s20  }
0xa5: {  	s5 =	ssub.s32 $0x0, s20;
	[sflag:s22] =	ssyncset.done $0x0  }
0xa6: {  	[sflag:s22] =	ssyncadd.s32 s5;
	_ =	sdelay $0x1  }
0xa7: {  	s23 =	simm.s32 $0x1B8B  }
0xa8: {  	_ =	swait.ge [sflag:s23], $0x1  }
0xa9: {  	[sflag:s23] =	ssyncset.done $0x0  }
0xaa: {  	s25 =	simm.s32 $0x1B8E;
	s24 =	sld [smem:$0x3FFE];
	[sflag:s23] =	ssyncadd.s32 $0xFFFFFFFF  }
0xab: {  	s26 =	simm.s32 $execute0_lowered;
	[smem:$0x3FD2] =	sst s25  }
0xac: {  	s6 =	sshll.u32 s26, $0x1;
	_ =	strace $0x80000055;
	[dreg:$0x1] =	wrdreg $0xFFFFFFFF  }
0xad: {  	s28 =	simm.s32 $_size_execute0_lowered;
	s4 =	sadd.s32 s4, s6;
	[dreg:$0x0] =	wrdreg $0x0  }
0xae: {  	s6 =	sshll.u32 s28, $0x1;
	[dreg:$0x2] =	wrdreg s4  }
0xaf: {  	[dreg:$0x3] =	wrdreg s6  }
0xb0: {  	[dreg:$0x4] =	wrdreg $0xC0  }
0xb1: {  	_ =	task [dreg:s8], $0x5FFFF  }
0xb2: {  	[dreg:$0x1] =	wrdreg $0xFFFFFFFF  }
0xb3: {  	[dreg:$0x0] =	wrdreg $0x60  }
0xb4: {  	[dreg:$0x2] =	wrdreg s24  }
0xb5: {  	[dreg:$0x3] =	wrdreg s16  }
0xb6: {  	[dreg:$0x4] =	wrdreg s17  }
0xb7: {  	[dreg:$0x5] =	wrdreg $0xD200  }
0xb8: {  	[dreg:$0x6] =	wrdreg $0x9  }
0xb9: {  	_ =	task.clear_ibuf [dreg:s8], $0x7FFFF;
	_ =	strace $0x90000055  }
0xba: {  	s29 =	simm.s32 $0x9;
	_ =	strace $0x80000057  }
0xbb: {  	_ =	swait.ge [sflag:s29], $0x1  }
0xbc: {  	[sflag:s29] =	ssyncadd.s32 $0xFFFFFFFF  }
0xbd: {  	_ =	strace $0x90000057  }
0xbe: {  	_ =	sfence  }
0xbf: {  	s30 =	sld [smem:$0x0];
	_ =	sdelay $0x2  }
0xc0: {  	s31 =	sshll.u32 s1, $0xD;
	s1 =	sshrl.u32 s1, $0x2  }
0xc1: {  	s3 =	sand.u32 $0x4000, s31;
	s1 =	sadd.s32 s1, s30  }
0xc2: {  	s0 =	sor.u32 s3, s0;
	s1 =	sshll.u32 s1, $0x11  }
0xc3: {  	s0 =	sor.u32 s1, s0  }
0xc4: {  	s0 =	sadd.s32 $0x8F2B, s0  }
0xc5: {  	[sflag:s0] =	ssyncadd.remote.s32 $0x1  }
0xc6: {  	_ =	sfence.sel $0xFFFF  }
0xc7: {  	[dreg:$0x0] =	wrdreg $0xFFFFFFFF;
	(pc) =	sbr.abs _section_cstart, $3  }
0xc8: {  	[dreg:$0x1] =	wrdreg $0xFFFFFFFF  }
0xc9: {  	_ =	task.clear_ibuf [dreg:s8], $0x2FFFF;
	_ =	strace $0x9FFFFFFF  }
0xca: {  	(tm) =	ssettm $0x7FFFFFFF  }
0xcb: {  	_ =	shalt  }
tec
execute0_lowered:
.L_overlay_start_1:
0x0: {  	(tag) =	ssettag $0x1  }
0x1: {  	s11 =	rddreg [dreg:$0x0]  }
0x2: {  	s1 =	rddreg [dreg:$0x1]  }
0x3: {  	s2 =	rddreg [dreg:$0x2]  }
0x4: {  	s3 =	rddreg [dreg:$0x3]  }
0x5: {  	s0 =	rddreg [dreg:$0x4];
	s4 =	simm.s32 $0x0  }
0x6: {  	s10 =	srdreg.scid;
	s14 =	stileid.u32;
	s18 =	simm.s32 $0x320  }
0x7: {  	s19 =	simm.s32 $0x5A0;
	s20 =	simm.s32 $0xA0;
	s21 =	simm.s32 $0x1  }
0x8: {  	s22 =	simm.s32 $0x2;
	s23 =	simm.s32 $0x3;
	s24 =	simm.s32 $0x0  }
0x9: {  	[smem:$0x7FF] =	sst s4;
	s5 =	sadd.s32 $0x106400, s11;
	s6 =	sadd.s32 $0x43000, s11  }
0xa: {  	s7 =	sadd.s32 $0x19600, s11;
	s8 =	sadd.s32 $0xF800, s11;
	s9 =	sadd.s32 $0x5A00, s11  }
0xb: {  	s12 =	sand.u32 $0x1, s10;
	s10 =	sadd.s32 $0x4F600, s11;
	s17 =	sshll.u32 s14, $0x1  }
0xc: {  	v0 =	vlaneseq.u32;
	p0 =	sne.s32 s14, $0x0;
	_ =	strace $0x80000056;
	s13 =	smul.u32 $0x4E20, s12  }
0xd: {  	v0 =	vmul.u32 $0x8, v0;
	s15 =	ssub.s32 $0x2, s12;
	s31 =	sor.u32 s12, s17;
	s14 =	sshrl.u32 @!p0 s3, $0x3  }
0xe: {  	s17 =	simm.s32 $0x820;
	s16 =	sshrl.u32 s15, $0x1;
	s13 =	sadd.s32 s13, s11  }
0xf: {  	v1 =	vor.u32 $0x80, v0;
	s15 =	ssub.s32 s15, s16;
	s11 =	smul.u32 $0x2710, s31;
	s16 =	simm.s32 $0x50  }
0x10: {  	v2 =	vor.u32 $0x100, v0;
	v3 =	vor.u32 $0x180, v0;
	v4 =	vor.u32 $0x200, v0;
	s12 =	sadd.s32 $0x45800, s13;
	s13 =	smax.u32 s15, $0x1;
	s15 =	simm.s32 $0x4  }
.LBB2_1:
0x11: {  	s25 =	simm.s32 @!p0 $0x1C04  }
0x12: {  	[spmem:s14], [sflag:s25] =	dma.local @!p0 [hbm:s2], $0x4E20  }
0x13: {  	s25 =	simm.s32 @!p0 $0x4  }
0x14: {  	_ =	swait.ge @!p0 [sflag:s25], $0x4E20  }
0x15: {  	[sflag:s25] =	ssyncset.done @!p0 $0x0  }
0x16: {  	[sflag:s25] =	ssyncadd.s32 @!p0 $0xFFFFB1E0  }
0x17: {  	s25 =	simm.s32 $0x0;
	[bflag:$0x0] =	sbarrier.arrive $0xFFFF  }
.LBB2_2:
0x18: {  	s26 =	smul.u32 $0x50, s25;
	_ =	sdelay $0x1  }
0x19: {  	s26 =	sadd.s32 s11, s26  }
0x1a: {  	s28 =	sshrl.u32 s26, $0x3  }
0x1b: {  	s29 =	sadd.s32 s8, s28  }
0x1c: {  	[tilespmem:s4], [sflag:$0x4] =	stream.linear.gather [hbm4b:s29+s4], $0x50, $0x38;
	[tilespmem:$0x3430] =	vst v63  }
0x1d: {  	_ =	swait.ge [sflag:s15], $0x50  }
0x1e: {  	[sflag:s15] =	ssyncset.done $0x0  }
0x1f: {  	s28 =	sadd.s32 s9, s28;
	[sflag:s15] =	ssyncadd.s32 $0xFFFFFFB0  }
0x20: {  	[tilespmem:s16], [sflag:$0x4] =	stream.linear.gather [hbm4b:s28+s4], $0x50, $0x38;
	[tilespmem:$0x3430] =	vst v63  }
0x21: {  	_ =	swait.ge [sflag:s15], $0x50  }
0x22: {  	[sflag:s15] =	ssyncset.done $0x0  }
0x23: {  	[sflag:s15] =	ssyncadd.s32 $0xFFFFFFB0  }
0x24: {  	[tilespmem:s17], [sflag:$0x3] =	stream.indirect.gather [hbm4b:s1+s16], $0x10, s4, s16, $0xb8;
	[tilespmem:$0x3430] =	vst v63  }
0x25: {  	_ = 	snop  }
0x26: {  	[tilespmem:s18], [sflag:$0x1] =	stream.indirect.gather [hbm4b:s6+s16], $0x8, s16, s16, $0xb8;
	[tilespmem:$0x3430] =	vst v63  }
0x27: {  	_ = 	snop  }
0x28: {  	[tilespmem:s19], [sflag:$0x2] =	stream.indirect.gather [hbm4b:s7+s16], $0x8, s16, s16, $0xb8;
	[tilespmem:$0x3430] =	vst v63  }
0x29: {  	s28 =	sadd.s32 s5, s26  }
0x2a: {  	[tilespmem:s20], [sflag:$0x4] =	stream.linear.gather [hbm4b:s28+s4], $0x280, $0x38;
	[tilespmem:$0x3430] =	vst v63  }
0x2b: {  	_ =	swait.ge [sflag:s15], $0x280  }
0x2c: {  	[sflag:s15] =	ssyncset.done $0x0  }
0x2d: {  	[sflag:s15] =	ssyncadd.s32 $0xFFFFFD80  }
0x2e: {  	_ =	swait.ge [sflag:s21], $0x280  }
0x2f: {  	[sflag:s21] =	ssyncset.done $0x0  }
0x30: {  	[sflag:s21] =	ssyncadd.s32 $0xFFFFFD80  }
0x31: {  	_ =	swait.ge [sflag:s22], $0x280  }
0x32: {  	[sflag:s22] =	ssyncset.done $0x0  }
0x33: {  	[sflag:s22] =	ssyncadd.s32 $0xFFFFFD80  }
0x34: {  	v5 =	vld.idx.msk [tilespmem:v0+s18+$0x0], $0xffff  }
0x35: {  	v6 =	vld.idx.msk [tilespmem:v0+s19+$0x0], $0xffff;
	_ =	sdelay $0x4  }
0x36: {  	v5 =	vadd.f32 v6, v5;
	_ =	sdelay $0x1  }
0x37: {  	v5 =	vadd.f32 $9.999999710e-10, v5;
	_ =	sdelay $0x1  }
0x38: {  	(erf) = vrcp.f32 v5;
	_ =	sdelay $0x4  }
0x39: {  	v5 =	vld.idx.msk [tilespmem:v0+s20+$0x0], $0xffff;
	_ =	sdelay $0x3  }
0x3a: {  	v6 =	vpop (erf)  }
0x3b: {  	v5 =	vmul.f32 v6, v5;
	_ =	sdelay $0x1  }
0x3c: {  	[tilespmem:v0+s20+$0x0] =	vst.idx.msk $0xffff, v5  }
0x3d: {  	v5 =	vld.idx.msk [tilespmem:v1+s18+$0x0], $0xffff  }
0x3e: {  	v6 =	vld.idx.msk [tilespmem:v1+s19+$0x0], $0xffff;
	_ =	sdelay $0x4  }
0x3f: {  	v5 =	vadd.f32 v6, v5;
	_ =	sdelay $0x1  }
0x40: {  	v5 =	vadd.f32 $9.999999710e-10, v5;
	_ =	sdelay $0x1  }
0x41: {  	(erf) = vrcp.f32 v5;
	_ =	sdelay $0x4  }
0x42: {  	v5 =	vld.idx.msk [tilespmem:v1+s20+$0x0], $0xffff;
	_ =	sdelay $0x3  }
0x43: {  	v6 =	vpop (erf)  }
0x44: {  	v5 =	vmul.f32 v6, v5;
	_ =	sdelay $0x1  }
0x45: {  	[tilespmem:v1+s20+$0x0] =	vst.idx.msk $0xffff, v5  }
0x46: {  	v5 =	vld.idx.msk [tilespmem:v2+s18+$0x0], $0xffff  }
0x47: {  	v6 =	vld.idx.msk [tilespmem:v2+s19+$0x0], $0xffff;
	_ =	sdelay $0x4  }
0x48: {  	v5 =	vadd.f32 v6, v5;
	_ =	sdelay $0x1  }
0x49: {  	v5 =	vadd.f32 $9.999999710e-10, v5;
	_ =	sdelay $0x1  }
0x4a: {  	(erf) = vrcp.f32 v5;
	_ =	sdelay $0x4  }
0x4b: {  	v5 =	vld.idx.msk [tilespmem:v2+s20+$0x0], $0xffff;
	_ =	sdelay $0x3  }
0x4c: {  	v6 =	vpop (erf)  }
0x4d: {  	v5 =	vmul.f32 v6, v5;
	_ =	sdelay $0x1  }
0x4e: {  	[tilespmem:v2+s20+$0x0] =	vst.idx.msk $0xffff, v5  }
0x4f: {  	v5 =	vld.idx.msk [tilespmem:v3+s18+$0x0], $0xffff  }
0x50: {  	v6 =	vld.idx.msk [tilespmem:v3+s19+$0x0], $0xffff;
	_ =	sdelay $0x4  }
0x51: {  	v5 =	vadd.f32 v6, v5;
	_ =	sdelay $0x1  }
0x52: {  	v5 =	vadd.f32 $9.999999710e-10, v5;
	_ =	sdelay $0x1  }
0x53: {  	(erf) = vrcp.f32 v5;
	_ =	sdelay $0x4  }
0x54: {  	v5 =	vld.idx.msk [tilespmem:v3+s20+$0x0], $0xffff;
	_ =	sdelay $0x3  }
0x55: {  	v6 =	vpop (erf)  }
0x56: {  	v5 =	vmul.f32 v6, v5;
	_ =	sdelay $0x1  }
0x57: {  	[tilespmem:v3+s20+$0x0] =	vst.idx.msk $0xffff, v5  }
0x58: {  	v5 =	vld.idx.msk [tilespmem:v4+s18+$0x0], $0xffff  }
0x59: {  	v6 =	vld.idx.msk [tilespmem:v4+s19+$0x0], $0xffff;
	_ =	sdelay $0x4  }
0x5a: {  	v5 =	vadd.f32 v6, v5;
	_ =	sdelay $0x1  }
0x5b: {  	v5 =	vadd.f32 $9.999999710e-10, v5;
	_ =	sdelay $0x1  }
0x5c: {  	(erf) = vrcp.f32 v5;
	_ =	sdelay $0x4  }
0x5d: {  	v5 =	vld.idx.msk [tilespmem:v4+s20+$0x0], $0xffff;
	_ =	sdelay $0x3  }
0x5e: {  	v6 =	vpop (erf)  }
0x5f: {  	v5 =	vmul.f32 v6, v5;
	_ =	sdelay $0x1  }
0x60: {  	s26 =	sadd.s32 s10, s26;
	[tilespmem:v4+s20+$0x0] =	vst.idx.msk $0xffff, v5  }
0x61: {  	[hbm4b:s26+s4] =	stream.linear.scatter [tilespmem:s20], [sflag:$0x4], $0x280, $0x38;
	[tilespmem:$0x3430] =	vst v63  }
0x62: {  	s31 =	simm.s32 $0x0;
	_ =	swait.ge [sflag:s15], $0x280  }
0x63: {  	v5 =	vmov s31;
	[sflag:s15] =	ssyncset.done $0x0  }
0x64: {  	[sflag:s15] =	ssyncadd.s32 $0xFFFFFD80  }
0x65: {  	_ =	swait.ge [sflag:s23], $0x500  }
0x66: {  	[sflag:s23] =	ssyncset.done $0x0  }
0x67: {  	[sflag:s23] =	ssyncadd.s32 $0xFFFFFB00  }
0x68: {  	s26 =	simm.s32 $0x860;
	v5 =	vld.idx.msk [tilespmem:v5+s20+$0x0], $0xffff  }
0x69: {  	v6 =	vld [tilespmem:s26+$0xFFFFFFC0];
	_ =	sdelay $0x1  }
0x6a: {  	s28 =	simm.s32 $0x8  }
0x6b: {  	v7 =	vmov s28;
	_ =	sdelay $0x1  }
0x6c: {  	v5 =	vmul.f32 v6, v5;
	_ =	sdelay $0x1  }
0x6d: {  	v6 =	vld [tilespmem:s26+$0xFFFFFFD0];
	[tilespmem:s26+$0xFFFFFFC0] =	vst v5  }
0x6e: {  	v5 =	vld.idx.msk [tilespmem:v7+s20+$0x0], $0xffff;
	_ =	sdelay $0x1  }
0x6f: {  	s28 =	simm.s32 $0x10  }
0x70: {  	v7 =	vmov s28;
	_ =	sdelay $0x1  }
0x71: {  	v5 =	vmul.f32 v6, v5;
	_ =	sdelay $0x1  }
0x72: {  	v6 =	vld [tilespmem:s26+$0xFFFFFFE0];
	[tilespmem:s26+$0xFFFFFFD0] =	vst v5  }
0x73: {  	v5 =	vld.idx.msk [tilespmem:v7+s20+$0x0], $0xffff;
	_ =	sdelay $0x1  }
0x74: {  	s28 =	simm.s32 $0x18  }
0x75: {  	v7 =	vmov s28;
	_ =	sdelay $0x1  }
0x76: {  	v5 =	vmul.f32 v6, v5;
	_ =	sdelay $0x1  }
0x77: {  	v6 =	vld [tilespmem:s26+$0xFFFFFFF0];
	[tilespmem:s26+$0xFFFFFFE0] =	vst v5  }
0x78: {  	v5 =	vld.idx.msk [tilespmem:v7+s20+$0x0], $0xffff;
	_ =	sdelay $0x1  }
0x79: {  	s28 =	simm.s32 $0x20  }
0x7a: {  	v7 =	vmov s28;
	_ =	sdelay $0x1  }
0x7b: {  	v5 =	vmul.f32 v6, v5;
	_ =	sdelay $0x1  }
0x7c: {  	v6 =	vld [tilespmem:s26+$0x0];
	[tilespmem:s26+$0xFFFFFFF0] =	vst v5  }
0x7d: {  	v5 =	vld.idx.msk [tilespmem:v7+s20+$0x0], $0xffff;
	_ =	sdelay $0x1  }
0x7e: {  	s28 =	simm.s32 $0x28  }
0x7f: {  	v7 =	vmov s28;
	_ =	sdelay $0x1  }
0x80: {  	v5 =	vmul.f32 v6, v5;
	_ =	sdelay $0x1  }
0x81: {  	v6 =	vld [tilespmem:s26+$0x10];
	[tilespmem:s26+$0x0] =	vst v5  }
0x82: {  	v5 =	vld.idx.msk [tilespmem:v7+s20+$0x0], $0xffff;
	_ =	sdelay $0x1  }
0x83: {  	s28 =	simm.s32 $0x30  }
0x84: {  	v7 =	vmov s28;
	_ =	sdelay $0x1  }
0x85: {  	v5 =	vmul.f32 v6, v5;
	_ =	sdelay $0x1  }
0x86: {  	v6 =	vld [tilespmem:s26+$0x20];
	[tilespmem:s26+$0x10] =	vst v5  }
0x87: {  	v5 =	vld.idx.msk [tilespmem:v7+s20+$0x0], $0xffff;
	_ =	sdelay $0x1  }
0x88: {  	s28 =	simm.s32 $0x38  }
0x89: {  	v7 =	vmov s28;
	_ =	sdelay $0x1  }
0x8a: {  	v5 =	vmul.f32 v6, v5;
	_ =	sdelay $0x1  }
0x8b: {  	v6 =	vld [tilespmem:s26+$0x30];
	[tilespmem:s26+$0x20] =	vst v5  }
0x8c: {  	v5 =	vld.idx.msk [tilespmem:v7+s20+$0x0], $0xffff  }
0x8d: {  	s29 =	simm.s32 $0x17;
	s28 =	simm.s32 $0x78  }
.LBB2_3:
0x8e: {  	p1 =	sne.s32 s29, $0x4F;
	s30 =	sadd.s32 $0xFFFFFFC8, s28  }
0x8f: {  	v7 =	vmov s30;
	_ =	sdelay $0x1  }
0x90: {  	v5 =	vmul.f32 v6, v5;
	_ =	sdelay $0x1  }
0x91: {  	[tilespmem:s26+$0x30] =	vst v5  }
0x92: {  	s26 =	sadd.s32 $0x80, s26;
	v5 =	vld.idx.msk [tilespmem:v7+s20+$0x0], $0xffff  }
0x93: {  	v6 =	vld [tilespmem:s26+$0xFFFFFFC0];
	_ =	sdelay $0x1  }
0x94: {  	s30 =	sadd.s32 $0xFFFFFFD0, s28  }
0x95: {  	v7 =	vmov s30;
	_ =	sdelay $0x1  }
0x96: {  	v5 =	vmul.f32 v6, v5;
	_ =	sdelay $0x1  }
0x97: {  	[tilespmem:s26+$0xFFFFFFC0] =	vst v5  }
0x98: {  	v5 =	vld.idx.msk [tilespmem:v7+s20+$0x0], $0xffff  }
0x99: {  	v6 =	vld [tilespmem:s26+$0xFFFFFFD0];
	_ =	sdelay $0x1  }
0x9a: {  	s30 =	sadd.s32 $0xFFFFFFD8, s28  }
0x9b: {  	v7 =	vmov s30;
	_ =	sdelay $0x1  }
0x9c: {  	v5 =	vmul.f32 v6, v5;
	_ =	sdelay $0x1  }
0x9d: {  	[tilespmem:s26+$0xFFFFFFD0] =	vst v5  }
0x9e: {  	v5 =	vld.idx.msk [tilespmem:v7+s20+$0x0], $0xffff  }
0x9f: {  	v6 =	vld [tilespmem:s26+$0xFFFFFFE0];
	_ =	sdelay $0x1  }
0xa0: {  	s30 =	sadd.s32 $0xFFFFFFE0, s28  }
0xa1: {  	v7 =	vmov s30;
	_ =	sdelay $0x1  }
0xa2: {  	v5 =	vmul.f32 v6, v5;
	_ =	sdelay $0x1  }
0xa3: {  	[tilespmem:s26+$0xFFFFFFE0] =	vst v5  }
0xa4: {  	v5 =	vld.idx.msk [tilespmem:v7+s20+$0x0], $0xffff  }
0xa5: {  	v6 =	vld [tilespmem:s26+$0xFFFFFFF0];
	_ =	sdelay $0x1  }
0xa6: {  	s30 =	sadd.s32 $0xFFFFFFE8, s28  }
0xa7: {  	v7 =	vmov s30;
	_ =	sdelay $0x1  }
0xa8: {  	v5 =	vmul.f32 v6, v5;
	_ =	sdelay $0x1  }
0xa9: {  	[tilespmem:s26+$0xFFFFFFF0] =	vst v5  }
0xaa: {  	v5 =	vld.idx.msk [tilespmem:v7+s20+$0x0], $0xffff  }
0xab: {  	v6 =	vld [tilespmem:s26+$0x0];
	_ =	sdelay $0x1  }
0xac: {  	s30 =	sadd.s32 $0xFFFFFFF0, s28  }
0xad: {  	v7 =	vmov s30;
	_ =	sdelay $0x1  }
0xae: {  	v5 =	vmul.f32 v6, v5;
	_ =	sdelay $0x1  }
0xaf: {  	[tilespmem:s26+$0x0] =	vst v5  }
0xb0: {  	v5 =	vld.idx.msk [tilespmem:v7+s20+$0x0], $0xffff  }
0xb1: {  	v6 =	vld [tilespmem:s26+$0x10];
	_ =	sdelay $0x1  }
0xb2: {  	s30 =	sadd.s32 $0xFFFFFFF8, s28  }
0xb3: {  	v7 =	vmov s30;
	_ =	sdelay $0x1  }
0xb4: {  	v5 =	vmul.f32 v6, v5;
	_ =	sdelay $0x1  }
0xb5: {  	[tilespmem:s26+$0x10] =	vst v5  }
0xb6: {  	v5 =	vld.idx.msk [tilespmem:v7+s20+$0x0], $0xffff  }
0xb7: {  	v6 =	vld [tilespmem:s26+$0x20];
	_ =	sdelay $0x2  }
0xb8: {  	v7 =	vmov s28;
	_ =	sdelay $0x1  }
0xb9: {  	v5 =	vmul.f32 v6, v5  }
.Ltmp0:
0xba: {  	(pc) =	sbr.rel @p1 .LBB2_3-.Ltmp0, $4  }
0xbb: {  	[tilespmem:s26+$0x20] =	vst v5  }
0xbc: {  	v5 =	vld.idx.msk [tilespmem:v7+s20+$0x0], $0xffff  }
0xbd: {  	v6 =	vld [tilespmem:s26+$0x30]  }
0xbe: {  	s28 =	sshll.u32 s29, $0x3;
	s29 =	sadd.s32 $0x8, s29  }
0xbf: {  	s29 =	sadd.s32 $0xFFFFFFC8, s28  }
0xc0: {  	v7 =	vmov s29;
	_ =	sdelay $0x1  }
0xc1: {  	v5 =	vmul.f32 v6, v5;
	_ =	sdelay $0x1  }
0xc2: {  	[tilespmem:s26+$0x30] =	vst v5  }
0xc3: {  	s26 =	sadd.s32 $0x80, s26;
	v5 =	vld.idx.msk [tilespmem:v7+s20+$0x0], $0xffff  }
0xc4: {  	v6 =	vld [tilespmem:s26+$0xFFFFFFC0];
	_ =	sdelay $0x1  }
0xc5: {  	s30 =	sadd.s32 $0xFFFFFFD0, s28  }
0xc6: {  	v7 =	vmov s30;
	_ =	sdelay $0x1  }
0xc7: {  	v5 =	vmul.f32 v6, v5;
	_ =	sdelay $0x1  }
0xc8: {  	v6 =	vld [tilespmem:s26+$0xFFFFFFD0];
	[tilespmem:s26+$0xFFFFFFC0] =	vst v5  }
0xc9: {  	v5 =	vld.idx.msk [tilespmem:v7+s20+$0x0], $0xffff;
	_ =	sdelay $0x1  }
0xca: {  	s31 =	sadd.s32 $0xFFFFFFD8, s28  }
0xcb: {  	v7 =	vmov s31;
	_ =	sdelay $0x1  }
0xcc: {  	v5 =	vmul.f32 v6, v5;
	_ =	sdelay $0x1  }
0xcd: {  	v6 =	vld [tilespmem:s26+$0xFFFFFFE0];
	[tilespmem:s26+$0xFFFFFFD0] =	vst v5  }
0xce: {  	v5 =	vld.idx.msk [tilespmem:v7+s20+$0x0], $0xffff;
	_ =	sdelay $0x1  }
0xcf: {  	s30 =	sadd.s32 $0xFFFFFFE0, s28  }
0xd0: {  	v7 =	vmov s30;
	_ =	sdelay $0x1  }
0xd1: {  	v5 =	vmul.f32 v6, v5;
	_ =	sdelay $0x1  }
0xd2: {  	v6 =	vld [tilespmem:s26+$0xFFFFFFF0];
	[tilespmem:s26+$0xFFFFFFE0] =	vst v5  }
0xd3: {  	v5 =	vld.idx.msk [tilespmem:v7+s20+$0x0], $0xffff;
	_ =	sdelay $0x1  }
0xd4: {  	s31 =	sadd.s32 $0xFFFFFFE8, s28  }
0xd5: {  	v7 =	vmov s31;
	_ =	sdelay $0x1  }
0xd6: {  	v5 =	vmul.f32 v6, v5;
	_ =	sdelay $0x1  }
0xd7: {  	v6 =	vld [tilespmem:s26+$0x0];
	[tilespmem:s26+$0xFFFFFFF0] =	vst v5  }
0xd8: {  	v5 =	vld.idx.msk [tilespmem:v7+s20+$0x0], $0xffff;
	_ =	sdelay $0x1  }
0xd9: {  	s30 =	sadd.s32 $0xFFFFFFF0, s28  }
0xda: {  	v7 =	vmov s30;
	_ =	sdelay $0x1  }
0xdb: {  	v5 =	vmul.f32 v6, v5;
	_ =	sdelay $0x1  }
0xdc: {  	v6 =	vld [tilespmem:s26+$0x10];
	[tilespmem:s26+$0x0] =	vst v5  }
0xdd: {  	v5 =	vld.idx.msk [tilespmem:v7+s20+$0x0], $0xffff;
	_ =	sdelay $0x1  }
0xde: {  	s31 =	sadd.s32 $0xFFFFFFF8, s28  }
0xdf: {  	v7 =	vmov s31;
	_ =	sdelay $0x1  }
0xe0: {  	v5 =	vmul.f32 v6, v5;
	_ =	sdelay $0x1  }
0xe1: {  	v6 =	vld [tilespmem:s26+$0x20];
	[tilespmem:s26+$0x10] =	vst v5  }
0xe2: {  	v5 =	vld.idx.msk [tilespmem:v7+s20+$0x0], $0xffff;
	_ =	sdelay $0x2  }
0xe3: {  	v7 =	vmov s28;
	_ =	sdelay $0x1  }
0xe4: {  	v5 =	vmul.f32 v6, v5;
	_ =	sdelay $0x1  }
0xe5: {  	v6 =	vld [tilespmem:s26+$0x30];
	[tilespmem:s26+$0x20] =	vst v5  }
0xe6: {  	v5 =	vld.idx.msk [tilespmem:v7+s20+$0x0], $0xffff;
	_ =	sdelay $0x4  }
0xe7: {  	s25 =	sadd.s32 $0x1, s25;
	v5 =	vmul.f32 v6, v5  }
0xe8: {  	p1 =	sne.s32 s25, $0x7D  }
.Ltmp1:
0xe9: {  	[tilespmem:s26+$0x30] =	vst v5;
	(pc) =	sbr.rel @p1 .LBB2_2-.Ltmp1, $4  }
0xea: {  	[spmem:s3] =	stream.indirect.scatter.add.f32 [tilespmem:s17], [sflag:$0x4], $0x10, s16, s16, $0xb8;
	[tilespmem:$0x3430] =	vst v63  }
0xeb: {  	_ =	swait.ge [sflag:s15], $0x500  }
0xec: {  	[sflag:s15] =	ssyncset.done $0x0  }
0xed: {  	[sflag:s15] =	ssyncadd.s32 $0xFFFFFB00  }
0xee: {  	[bflag:$0x0] =	sbarrier.arrive $0xFFFF;
	s25 =	simm.s32 @!p0 $0x1C04;
	s24 =	sadd.s32 $0x1, s24  }
0xef: {  	[hbm:s12], [sflag:s25] =	dma.local @!p0 [spmem:s14], $0x4E20  }
0xf0: {  	p1 =	sne.s32 s24, s13  }
.Ltmp2:
0xf1: {  	_ = 	snop;
	(pc) =	sbr.rel @p1 .LBB2_1-.Ltmp2, $4  }
0xf2: {  	s25 =	simm.s32 @!p0 $0x4  }
0xf3: {  	_ =	swait.ge @!p0 [sflag:s25], $0x4E20  }
0xf4: {  	[sflag:s25] =	ssyncset.done @!p0 $0x0  }
0xf5: {  	[sflag:s25] =	ssyncadd.s32 @!p0 $0xFFFFB1E0  }
0xf6: {  	_ =	sfence.sel $0x180000  }
0xf7: {  	[bflag:$0x0] =	sbarrier.arrive $0xFFFF  }
0xf8: {  	_ =	strace $0x90000056  }
0xf9: {  	s0 =	sadd.s32 @!p0 $0x100000, s0;
	[bflag:$0x2] =	sbarrier.arrive $0xFFFF  }
0xfa: {  	[sflag:s0] =	ssyncadd.tile.s32 @!p0 $0x1;
	_ =	shalt  }
.Lfunc_end2:
_tile_overlayer_lowered:
.L_overlay_start_2:
0xfb: {  	(tag) =	ssettag $0x2  }
0xfc: {  	s0 =	rddreg [dreg:$0x0];
	s2 =	stileid.u32  }
0xfd: {  	s1 =	rddreg [dreg:$0x1];
	p0 =	sne.s32 s2, $0x0  }
0xfe: {  	s3 =	rddreg [dreg:$0x2];
	[bflag:$0x3] =	sbarrier.arrive $0xFFFF;
	s2 =	simm.s32 @!p0 $0x1C04  }
0xff: {  	[timem:s3], [sflag:s2] =	dma.local @!p0 [hbm:s0], s1  }
0x100: {  	s0 =	simm.s32 @!p0 $0x4  }
0x101: {  	_ =	swait.ge @!p0 [sflag:s0], s1  }
0x102: {  	s1 =	ssub.s32 @!p0 $0x0, s1;
	[sflag:s0] =	ssyncset.done @!p0 $0x0  }
0x103: {  	[sflag:s0] =	ssyncadd.s32 @!p0 s1  }
0x104: {  	[bflag:$0x3] =	sbarrier.arrive $0xFFFF  }
0x105: {  	_ =	shalt  }

</sc_bundles>
